<compile_context>
chip_gen: v7x
topology: tpu7x:2x2x1
jax: 0.10.2.dev20260603
libtpu: 0.0.44.dev20260713+nightly
codegen_flags: <defaults>
</compile_context>

<pallas_src>
import functools

import jax
import jax.numpy as jnp
from jax import lax
from jax.experimental import pallas as pl
from jax.experimental.pallas import tpu as pltpu
from jax.experimental.pallas import tpu_sc as plsc

N = 100000
NP = 100096
E = 3200000
NSUB = 16
B = 800
RPT = NP // NSUB
RB = 4000
GRID = N // RB

_MESH = plsc.VectorSubcoreMesh(core_axis_name="c", subcore_axis_name="s")

_SCRATCH = [
    pltpu.VMEM((B,), jnp.int32),
    pltpu.VMEM((B,), jnp.int32),
    pltpu.VMEM((B,), jnp.float32),
    pltpu.VMEM((B, 16), jnp.float32),
    pltpu.VMEM((B,), jnp.int32),
    pltpu.VMEM((B,), jnp.int32),
    pltpu.VMEM((B,), jnp.float32),
    pltpu.VMEM((B, 16), jnp.float32),
    pltpu.VMEM_SHARED((NP, 16), jnp.float32),
    pltpu.SemaphoreType.DMA,
    pltpu.SemaphoreType.DMA,
    pltpu.SemaphoreType.DMA,
    pltpu.SemaphoreType.DMA,
    pltpu.SemaphoreType.DMA,
    pltpu.SemaphoreType.DMA,
]


def _zero_fill(rows_v):
    def zi(i, c):
        rows_v[i] = jnp.zeros((16,), jnp.float32)
        return c
    lax.fori_loop(0, B, zi, 0)


def _zero_agg(rows_v, agg_sh, sid):
    for k in range(RPT // B):
        off = pl.multiple_of(sid * RPT + k * B, 8)
        pltpu.sync_copy(rows_v, agg_sh.at[pl.ds(off, B)])
    rem = RPT % B
    if rem:
        off = pl.multiple_of(sid * RPT + (RPT // B) * B, 8)
        pltpu.sync_copy(rows_v.at[pl.ds(0, rem)], agg_sh.at[pl.ds(off, rem)])


def _scale(rows_v, ew_v):
    @plsc.parallel_loop(0, B, unroll=8)
    def _srow(i):
        ewi = plsc.load_gather(
            ew_v, [jnp.broadcast_to(i, (16,)).astype(jnp.int32)])
        rows_v[i] = rows_v[i] * ewi


def _edge_pass(tbl, src_hbm, dst_hbm, ew_hbm, agg_sh, bufs, base, nblk):
    def body(g, carry):
        offs = (base + (2 * g) * B, base + (2 * g) * B + B)
        eds = []
        for (sv, dv, ev, rv, se, sg, ss), off in zip(bufs, offs):
            d_s = pltpu.async_copy(src_hbm.at[pl.ds(off, B)], sv, se)
            d_d = pltpu.async_copy(dst_hbm.at[pl.ds(off, B)], dv, se)
            d_e = pltpu.async_copy(ew_hbm.at[pl.ds(off, B)], ev, se)
            eds.append((d_s, d_d, d_e))
        gds = []
        for (sv, dv, ev, rv, se, sg, ss), (d_s, d_d, d_e) in zip(bufs, eds):
            d_s.wait()
            gds.append(pltpu.async_copy(tbl.at[sv], rv, sg))
        sds = []
        for (sv, dv, ev, rv, se, sg, ss), (d_s, d_d, d_e), gd in zip(
                bufs, eds, gds):
            d_e.wait()
            gd.wait()
            _scale(rv, ev)
            d_d.wait()
            sds.append(pltpu.async_copy(rv, agg_sh.at[dv], ss, add=True))
        for sd in sds:
            sd.wait()
        return carry
    lax.fori_loop(0, nblk // 2, body, 0)
    if nblk % 2:
        off = base + (nblk - 1) * B
        (sv, dv, ev, rv, se, sg, ss) = bufs[0]
        pltpu.sync_copy(src_hbm.at[pl.ds(off, B)], sv)
        pltpu.sync_copy(dst_hbm.at[pl.ds(off, B)], dv)
        pltpu.sync_copy(ew_hbm.at[pl.ds(off, B)], ev)
        pltpu.async_copy(tbl.at[sv], rv, sg).wait()
        _scale(rv, ev)
        pltpu.sync_copy(rv, agg_sh.at[dv], add=True)


_SC_PARAMS = pltpu.CompilerParams(needs_layout_passes=False,
                                  use_tc_tiling_on_sc=False)


@functools.partial(
    pl.kernel, mesh=_MESH,
    out_type=jax.ShapeDtypeStruct((2 * NP, 16), jnp.float32),
    scratch_types=_SCRATCH, compiler_params=_SC_PARAMS)
def _agg_split(table, src, dst, ew, out,
               sv0, dv0, ev0, rv0, sv1, dv1, ev1, rv1, agg_sh,
               se0, sg0, ss0, se1, sg1, ss1):
    cid = lax.axis_index("c")
    sid = lax.axis_index("s")
    bufs = ((sv0, dv0, ev0, rv0, se0, sg0, ss0),
            (sv1, dv1, ev1, rv1, se1, sg1, ss1))
    _zero_fill(rv0)
    _zero_agg(rv0, agg_sh, sid)
    plsc.subcore_barrier()
    wid = cid * NSUB + sid
    _edge_pass(table, src, dst, ew, agg_sh, bufs,
               base=wid * (E // 32), nblk=(E // 32) // B)
    plsc.subcore_barrier()
    soff = pl.multiple_of(sid * RPT, 8)
    doff = pl.multiple_of(cid * NP + sid * RPT, 8)
    pltpu.sync_copy(agg_sh.at[pl.ds(soff, RPT)], out.at[pl.ds(doff, RPT)])


_SCRATCH_MID = [
    pltpu.VMEM((B,), jnp.int32),
    pltpu.VMEM((B,), jnp.int32),
    pltpu.VMEM((B,), jnp.float32),
    pltpu.VMEM((B, 32), jnp.bfloat16),
    pltpu.VMEM((B,), jnp.int32),
    pltpu.VMEM((B,), jnp.int32),
    pltpu.VMEM((B,), jnp.float32),
    pltpu.VMEM((B, 32), jnp.bfloat16),
    pltpu.VMEM_SHARED((NP, 32), jnp.bfloat16),
    pltpu.SemaphoreType.DMA,
    pltpu.SemaphoreType.DMA,
    pltpu.SemaphoreType.DMA,
    pltpu.SemaphoreType.DMA,
    pltpu.SemaphoreType.DMA,
    pltpu.SemaphoreType.DMA,
]


def _zero_fill32(rows_v):
    def zi(i, c):
        rows_v[i] = jnp.zeros((32,), jnp.bfloat16)
        return c
    lax.fori_loop(0, B, zi, 0)


def _scale32(rows_v, ew_v):
    @plsc.parallel_loop(0, B, unroll=8)
    def _srow(i):
        ewi = plsc.load_gather(
            ew_v, [jnp.broadcast_to(i, (16,)).astype(jnp.int32)])
        row = rows_v[i]
        a, b2 = plsc.unpack(row, format=plsc.PackFormat.INTERLEAVED)
        rows_v[i] = plsc.pack(a * ewi, b2 * ewi,
                              format=plsc.PackFormat.INTERLEAVED)


def _edge_pass32(tbl, src_hbm, dst_hbm, ew_hbm, agg_sh, bufs, base, nblk):
    def body(g, carry):
        offs = (base + (2 * g) * B, base + (2 * g) * B + B)
        eds = []
        for (sv, dv, ev, rv, se, sg, ss), off in zip(bufs, offs):
            d_s = pltpu.async_copy(src_hbm.at[pl.ds(off, B)], sv, se)
            d_d = pltpu.async_copy(dst_hbm.at[pl.ds(off, B)], dv, se)
            d_e = pltpu.async_copy(ew_hbm.at[pl.ds(off, B)], ev, se)
            eds.append((d_s, d_d, d_e))
        gds = []
        for (sv, dv, ev, rv, se, sg, ss), (d_s, d_d, d_e) in zip(bufs, eds):
            d_s.wait()
            gds.append(pltpu.async_copy(tbl.at[sv], rv, sg))
        sds = []
        for (sv, dv, ev, rv, se, sg, ss), (d_s, d_d, d_e), gd in zip(
                bufs, eds, gds):
            d_e.wait()
            gd.wait()
            _scale32(rv, ev)
            d_d.wait()
            sds.append(pltpu.async_copy(rv, agg_sh.at[dv], ss, add=True))
        for sd in sds:
            sd.wait()
        return carry
    lax.fori_loop(0, nblk // 2, body, 0)


@functools.partial(
    pl.kernel, mesh=_MESH,
    out_type=jax.ShapeDtypeStruct((2 * NP, 32), jnp.bfloat16),
    scratch_types=_SCRATCH_MID, compiler_params=_SC_PARAMS)
def _agg_mid(table, src, dst, ew, out,
             sv0, dv0, ev0, rv0, sv1, dv1, ev1, rv1, agg_sh,
             se0, sg0, ss0, se1, sg1, ss1):
    cid = lax.axis_index("c")
    sid = lax.axis_index("s")
    bufs = ((sv0, dv0, ev0, rv0, se0, sg0, ss0),
            (sv1, dv1, ev1, rv1, se1, sg1, ss1))
    toff = pl.multiple_of(cid * NP, 8)
    tbl = table.at[pl.ds(toff, NP)]
    _zero_fill32(rv0)
    for k in range(RPT // B):
        zoff = pl.multiple_of(sid * RPT + k * B, 8)
        pltpu.sync_copy(rv0, agg_sh.at[pl.ds(zoff, B)])
    rem = RPT % B
    if rem:
        zoff = pl.multiple_of(sid * RPT + (RPT // B) * B, 8)
        pltpu.sync_copy(rv0.at[pl.ds(0, rem)], agg_sh.at[pl.ds(zoff, rem)])
    plsc.subcore_barrier()
    _edge_pass32(tbl, src, dst, ew, agg_sh, bufs,
                 base=sid * (E // 16), nblk=(E // 16) // B)
    plsc.subcore_barrier()
    soff = pl.multiple_of(sid * RPT, 8)
    doff = pl.multiple_of(cid * NP + sid * RPT, 8)
    pltpu.sync_copy(agg_sh.at[pl.ds(soff, RPT)], out.at[pl.ds(doff, RPT)])


def _l0_body(agg_r, xp_r, wr_r, wt_r, b_r, out_r):
    agg = agg_r[0] + agg_r[1]
    acc = jnp.dot(agg, wr_r[...], preferred_element_type=jnp.float32)
    acc = acc + jnp.dot(xp_r[...], wt_r[...], preferred_element_type=jnp.float32)
    acc = acc + b_r[...]
    h = jnp.maximum(acc, 0.0).astype(jnp.bfloat16)
    for c in range(2):
        out_r[c] = h[:, 32 * c:32 * (c + 1)]


def _mid_body(agg_r, h_r, wr_r, wt_r, b_r, out_r):
    a64 = jnp.concatenate([agg_r[0], agg_r[1]], axis=1).astype(jnp.float32)
    h64 = jnp.concatenate([h_r[0], h_r[1]], axis=1).astype(jnp.float32)
    acc = jnp.dot(a64, wr_r[...], preferred_element_type=jnp.float32)
    acc = acc + jnp.dot(h64, wt_r[...], preferred_element_type=jnp.float32)
    acc = acc + b_r[...]
    h = jnp.maximum(acc, 0.0).astype(jnp.bfloat16)
    for c in range(2):
        out_r[c] = h[:, 32 * c:32 * (c + 1)]


def _l3_body(agg_r, h_r, wr_r, wt_r, b_r, wr4_r, wt4_r, yp_r, z_r):
    a64 = jnp.concatenate([agg_r[0], agg_r[1]], axis=1).astype(jnp.float32)
    h64 = jnp.concatenate([h_r[0], h_r[1]], axis=1).astype(jnp.float32)
    acc = jnp.dot(a64, wr_r[...], preferred_element_type=jnp.float32)
    acc = acc + jnp.dot(h64, wt_r[...], preferred_element_type=jnp.float32)
    acc = acc + b_r[...]
    h4 = jnp.maximum(acc, 0.0)
    y = jnp.dot(h4, wr4_r[...], preferred_element_type=jnp.float32)
    z = jnp.dot(h4, wt4_r[...], preferred_element_type=jnp.float32)
    yp_r[...] = jnp.concatenate([y, jnp.zeros((RB, 15), jnp.float32)], axis=1)
    z_r[...] = z


def _fin_body(aggy_r, z_r, b_r, out_r):
    s = aggy_r[0][:, 0:1] + aggy_r[1][:, 0:1] + z_r[...] + b_r[...]
    out_r[...] = jax.nn.sigmoid(s)


def _half_spec():
    return pl.BlockSpec((2, RB, 32), lambda i: (0, i, 0))


def _pair_spec():
    return pl.BlockSpec((2, RB, 16), lambda i: (0, i, 0))


def _full(shape):
    return pl.BlockSpec(shape, lambda i: tuple(0 for _ in shape))


def _l0_call(agg2, xp, wr, wt, b):
    return pl.pallas_call(
        _l0_body,
        grid=(GRID,),
        in_specs=[_pair_spec(),
                  pl.BlockSpec((RB, 16), lambda i: (i, 0)),
                  _full((16, 64)), _full((16, 64)), _full((1, 64))],
        out_specs=_half_spec(),
        out_shape=jax.ShapeDtypeStruct((2, NP, 32), jnp.bfloat16),
    )(agg2, xp, wr, wt, b)


def _mid_call(agg4, h4, wr, wt, b):
    return pl.pallas_call(
        _mid_body,
        grid=(GRID,),
        in_specs=[_half_spec(), _half_spec(),
                  _full((64, 64)), _full((64, 64)), _full((1, 64))],
        out_specs=_half_spec(),
        out_shape=jax.ShapeDtypeStruct((2, NP, 32), jnp.bfloat16),
    )(agg4, h4, wr, wt, b)


def _l3_call(agg4, h4, wr, wt, b, wr4, wt4):
    return pl.pallas_call(
        _l3_body,
        grid=(GRID,),
        in_specs=[_half_spec(), _half_spec(),
                  _full((64, 64)), _full((64, 64)), _full((1, 64)),
                  _full((64, 1)), _full((64, 1))],
        out_specs=[pl.BlockSpec((RB, 16), lambda i: (i, 0)),
                   pl.BlockSpec((RB, 1), lambda i: (i, 0))],
        out_shape=[jax.ShapeDtypeStruct((N, 16), jnp.float32),
                   jax.ShapeDtypeStruct((N, 1), jnp.float32)],
    )(agg4, h4, wr, wt, b, wr4, wt4)


def _fin_call(aggy2, z, b4):
    return pl.pallas_call(
        _fin_body,
        grid=(GRID,),
        in_specs=[_pair_spec(),
                  pl.BlockSpec((RB, 1), lambda i: (i, 0)),
                  _full((1, 1))],
        out_specs=pl.BlockSpec((RB, 1), lambda i: (i, 0)),
        out_shape=jax.ShapeDtypeStruct((N, 1), jnp.float32),
    )(aggy2, z, b4)


def kernel(x, edge_index, edge_weights, Wr0, br0, Wt0, Wr1, br1, Wt1,
           Wr2, br2, Wt2, Wr3, br3, Wt3, Wr4, br4, Wt4):
    src = edge_index[0]
    dst = edge_index[1]
    ew = edge_weights

    x_pad = jnp.pad(x, ((0, 0), (0, 3)))
    wr0p = jnp.pad(Wr0, ((0, 0), (0, 3))).T
    wt0p = jnp.pad(Wt0, ((0, 0), (0, 3))).T

    agg0 = _agg_split(x_pad, src, dst, ew)
    h = _l0_call(agg0.reshape(2, NP, 16), x_pad, wr0p, wt0p,
                 br0.reshape(1, 64))

    for Wr, br, Wt in ((Wr1, br1, Wt1), (Wr2, br2, Wt2)):
        agg = _agg_mid(h.reshape(2 * NP, 32), src, dst, ew)
        h = _mid_call(agg.reshape(2, NP, 32), h, Wr.T, Wt.T,
                      br.reshape(1, 64))

    agg3 = _agg_mid(h.reshape(2 * NP, 32), src, dst, ew)
    y_pad, z = _l3_call(agg3.reshape(2, NP, 32), h, Wr3.T, Wt3.T,
                        br3.reshape(1, 64), Wr4.T, Wt4.T)

    aggy = _agg_split(y_pad, src, dst, ew)
    out = _fin_call(aggy.reshape(2, NP, 16), z, br4.reshape(1, 1))
    return out

# --- scband reference (transcript-rebuilt; emitter-appended) ---
"""Pipeline reference for scband-model-8589935220 (READ-ONLY COPY).

The authoritative reference and input builder live on the scoring server;
editing this copy changes nothing except your own understanding.
"""

import jax, jax.numpy as jnp
import numpy as np

N = 100000
E = 3200000
DIMS = [13, 64, 64, 64, 64, 1]  # 5 GraphConv layers: 13->64, 64->64 x3, 64->1


def _graph_conv(x, src, dst, ew, W_rel, b_rel, W_root):
    # PyG GraphConv: out_i = W_root @ x_i + W_rel @ (sum_{j in N(i)} e_ji * x_j) + b
    msg = x[src] * ew[:, None]
    agg = jax.ops.segment_sum(msg, dst, num_segments=N)
    return agg @ W_rel.T + b_rel + x @ W_root.T


def setup_inputs(seed: int = 0) -> dict:
    key = jax.random.key(seed)
    ks = jax.random.split(key, 4 + 3 * 5)
    inp = {}
    inp["x"] = jax.random.normal(ks[0], (N, 13), dtype=jnp.float32)
    inp["edge_index"] = jax.random.randint(ks[1], (2, E), 0, N, dtype=jnp.int32)
    inp["edge_weights"] = jax.random.uniform(ks[2], (E,), dtype=jnp.float32)
    for i in range(5):
        din, dout = DIMS[i], DIMS[i + 1]
        scale = 1.0 / np.sqrt(din)
        inp[f"Wr{i}"] = jax.random.normal(ks[3 + 3 * i], (dout, din), dtype=jnp.float32) * scale
        inp[f"br{i}"] = jnp.zeros((dout,), dtype=jnp.float32)
        inp[f"Wt{i}"] = jax.random.normal(ks[4 + 3 * i], (dout, din), dtype=jnp.float32) * scale
    return inp


def reference(x, edge_index, edge_weights,
              Wr0, br0, Wt0, Wr1, br1, Wt1, Wr2, br2, Wt2,
              Wr3, br3, Wt3, Wr4, br4, Wt4):
    src = edge_index[0]
    dst = edge_index[1]
    params = [(Wr0, br0, Wt0), (Wr1, br1, Wt1), (Wr2, br2, Wt2),
              (Wr3, br3, Wt3), (Wr4, br4, Wt4)]
    h = x
    for i, (Wr, br, Wt) in enumerate(params):
        h = _graph_conv(h, src, dst, edge_weights, Wr, br, Wt)
        if i < len(params) - 1:
            h = jax.nn.relu(h)
    return jax.nn.sigmoid(h)

if __name__ == "__main__":
    import jax
    _d = setup_inputs()
    print(jax.jit(kernel)(*tuple(_d.values())))

</pallas_src>

<mosaic_0001>
#map = affine_map<(d0, d1) -> (0, 0)>
#map1 = affine_map<(d0, d1) -> (0)>
module attributes {stable_mosaic.version = 14 : i64} {
  func.func @_agg_mid(%arg0: i32, %arg1: i32, %arg2: memref<200192x32xbf16, #tpu.memory_space<hbm>>, %arg3: memref<3200000xi32, #tpu.memory_space<hbm>>, %arg4: memref<3200000xi32, #tpu.memory_space<hbm>>, %arg5: memref<3200000xf32, #tpu.memory_space<hbm>>, %arg6: memref<200192x32xbf16, #tpu.memory_space<hbm>>, %arg7: memref<800xi32, #tpu.memory_space<vmem>>, %arg8: memref<800xi32, #tpu.memory_space<vmem>>, %arg9: memref<800xf32, #tpu.memory_space<vmem>>, %arg10: memref<800x32xbf16, #tpu.memory_space<vmem>>, %arg11: memref<800xi32, #tpu.memory_space<vmem>>, %arg12: memref<800xi32, #tpu.memory_space<vmem>>, %arg13: memref<800xf32, #tpu.memory_space<vmem>>, %arg14: memref<800x32xbf16, #tpu.memory_space<vmem>>, %arg15: memref<100096x32xbf16, #tpu.memory_space<vmem_shared>>, %arg16: memref<!tpu.dma_semaphore, #tpu.memory_space<semaphore_mem>>, %arg17: memref<!tpu.dma_semaphore, #tpu.memory_space<semaphore_mem>>, %arg18: memref<!tpu.dma_semaphore, #tpu.memory_space<semaphore_mem>>, %arg19: memref<!tpu.dma_semaphore, #tpu.memory_space<semaphore_mem>>, %arg20: memref<!tpu.dma_semaphore, #tpu.memory_space<semaphore_mem>>, %arg21: memref<!tpu.dma_semaphore, #tpu.memory_space<semaphore_mem>>) attributes {dimension_semantics = [#tpu.dimension_semantics<core_parallel>, #tpu.dimension_semantics<subcore_parallel>], iteration_bounds = array<i64: 2, 16>, scalar_prefetch = 0 : i64, scratch_operands = 15 : i64, tpu.core_type = #tpu.core_type<sc_vector_subcore>, window_params = [{transform_indices = #map}, {transform_indices = #map1}, {transform_indices = #map1}, {transform_indices = #map1}, {transform_indices = #map}]} {
    %mul3A = arith.constant 100096 : i32
    %mul3A_0 = arith.muli %arg0, %mul3A : i32
    %multiple_of3A = tpu.assume_multiple %mul3A_0, 8 : i32
    %scan3A = arith.constant 0 : i32
    %scan3A_1 = arith.constant 0 : i32
    %scan3A_2 = arith.constant 800 : i32
    %scan3A_3 = arith.addi %scan3A_1, %scan3A_2 : i32
    %scan3A_4 = arith.constant 1 : i32
    scf.for %scan3A_63 = %scan3A_1 to %scan3A_3 step %scan3A_4  : i32 {
      %broadcast_in_dim3A = arith.constant 0.000000e+00 : bf16
      %broadcast_in_dim3A_64 = vector.broadcast %broadcast_in_dim3A : bf16 to vector<32xbf16>
      %swap3A = arith.index_cast %scan3A_63 : i32 to index
      %swap3A_65 = arith.constant 0 : index
      %swap3A_66 = tpu.vector_load %arg10[%swap3A, %swap3A_65] {strides = array<i32>} : memref<800x32xbf16, #tpu.memory_space<vmem>>, vector<32xbf16>,
      tpu.vector_store %arg10[%swap3A, %swap3A_65], %broadcast_in_dim3A_64 {strides = array<i32>} : memref<800x32xbf16, #tpu.memory_space<vmem>>, vector<32xbf16>,
    }
    %scan3A_5 = arith.constant 800 : i32
    %mul3A_6 = arith.constant 6256 : i32
    %mul3A_7 = arith.muli %arg1, %mul3A_6 : i32
    %add3A = arith.constant 0 : i32
    %add3A_8 = arith.addi %mul3A_7, %add3A : i32
    %multiple_of3A_9 = tpu.assume_multiple %add3A_8, 8 : i32
    "tpu.region"() ({
      %run_scoped3A = tpu.sem_alloc : memref<!tpu.dma_semaphore, #tpu.memory_space<semaphore_mem>>
      %dma_start3A = arith.constant 0 : i32
      %dma_start3A_63 = tpu.memref_slice %arg15[%multiple_of3A_9, %dma_start3A] : memref<100096x32xbf16, #tpu.memory_space<vmem_shared>> -> memref<800x32xbf16, #tpu.memory_space<vmem_shared>>
      %dma_start3A_64 = arith.constant 0 : i32
      %dma_start3A_65 = tpu.memref_slice %arg15[%multiple_of3A_9, %dma_start3A_64] : memref<100096x32xbf16, #tpu.memory_space<vmem_shared>> -> memref<800x32xbf16, #tpu.memory_space<vmem_shared>>
      tpu.enqueue_dma source(%arg10 : memref<800x32xbf16, #tpu.memory_space<vmem>>) target(%dma_start3A_65 : memref<800x32xbf16, #tpu.memory_space<vmem_shared>>) target_semaphore(%run_scoped3A : memref<!tpu.dma_semaphore, #tpu.memory_space<semaphore_mem>>)
      %dma_wait3A = arith.constant 0 : i32
      %dma_wait3A_66 = tpu.memref_slice %arg15[%multiple_of3A_9, %dma_wait3A] : memref<100096x32xbf16, #tpu.memory_space<vmem_shared>> -> memref<800x32xbf16, #tpu.memory_space<vmem_shared>>
      %dma_wait3A_67 = arith.constant 0 : i32
      %dma_wait3A_68 = tpu.memref_slice %arg15[%multiple_of3A_9, %dma_wait3A_67] : memref<100096x32xbf16, #tpu.memory_space<vmem_shared>> -> memref<800x32xbf16, #tpu.memory_space<vmem_shared>>
      tpu.wait_dma2 semaphore(%run_scoped3A : memref<!tpu.dma_semaphore, #tpu.memory_space<semaphore_mem>>) src(%arg10 : memref<800x32xbf16, #tpu.memory_space<vmem>>) dst(%dma_wait3A_68 : memref<800x32xbf16, #tpu.memory_space<vmem_shared>>)
      tpu.yield
    }) : () -> ()
    %mul3A_10 = arith.constant 6256 : i32
    %mul3A_11 = arith.muli %arg1, %mul3A_10 : i32
    %add3A_12 = arith.constant 800 : i32
    %add3A_13 = arith.addi %mul3A_11, %add3A_12 : i32
    %multiple_of3A_14 = tpu.assume_multiple %add3A_13, 8 : i32
    "tpu.region"() ({
      %run_scoped3A = tpu.sem_alloc : memref<!tpu.dma_semaphore, #tpu.memory_space<semaphore_mem>>
      %dma_start3A = arith.constant 0 : i32
      %dma_start3A_63 = tpu.memref_slice %arg15[%multiple_of3A_14, %dma_start3A] : memref<100096x32xbf16, #tpu.memory_space<vmem_shared>> -> memref<800x32xbf16, #tpu.memory_space<vmem_shared>>
      %dma_start3A_64 = arith.constant 0 : i32
      %dma_start3A_65 = tpu.memref_slice %arg15[%multiple_of3A_14, %dma_start3A_64] : memref<100096x32xbf16, #tpu.memory_space<vmem_shared>> -> memref<800x32xbf16, #tpu.memory_space<vmem_shared>>
      tpu.enqueue_dma source(%arg10 : memref<800x32xbf16, #tpu.memory_space<vmem>>) target(%dma_start3A_65 : memref<800x32xbf16, #tpu.memory_space<vmem_shared>>) target_semaphore(%run_scoped3A : memref<!tpu.dma_semaphore, #tpu.memory_space<semaphore_mem>>)
      %dma_wait3A = arith.constant 0 : i32
      %dma_wait3A_66 = tpu.memref_slice %arg15[%multiple_of3A_14, %dma_wait3A] : memref<100096x32xbf16, #tpu.memory_space<vmem_shared>> -> memref<800x32xbf16, #tpu.memory_space<vmem_shared>>
      %dma_wait3A_67 = arith.constant 0 : i32
      %dma_wait3A_68 = tpu.memref_slice %arg15[%multiple_of3A_14, %dma_wait3A_67] : memref<100096x32xbf16, #tpu.memory_space<vmem_shared>> -> memref<800x32xbf16, #tpu.memory_space<vmem_shared>>
      tpu.wait_dma2 semaphore(%run_scoped3A : memref<!tpu.dma_semaphore, #tpu.memory_space<semaphore_mem>>) src(%arg10 : memref<800x32xbf16, #tpu.memory_space<vmem>>) dst(%dma_wait3A_68 : memref<800x32xbf16, #tpu.memory_space<vmem_shared>>)
      tpu.yield
    }) : () -> ()
    %mul3A_15 = arith.constant 6256 : i32
    %mul3A_16 = arith.muli %arg1, %mul3A_15 : i32
    %add3A_17 = arith.constant 1600 : i32
    %add3A_18 = arith.addi %mul3A_16, %add3A_17 : i32
    %multiple_of3A_19 = tpu.assume_multiple %add3A_18, 8 : i32
    "tpu.region"() ({
      %run_scoped3A = tpu.sem_alloc : memref<!tpu.dma_semaphore, #tpu.memory_space<semaphore_mem>>
      %dma_start3A = arith.constant 0 : i32
      %dma_start3A_63 = tpu.memref_slice %arg15[%multiple_of3A_19, %dma_start3A] : memref<100096x32xbf16, #tpu.memory_space<vmem_shared>> -> memref<800x32xbf16, #tpu.memory_space<vmem_shared>>
      %dma_start3A_64 = arith.constant 0 : i32
      %dma_start3A_65 = tpu.memref_slice %arg15[%multiple_of3A_19, %dma_start3A_64] : memref<100096x32xbf16, #tpu.memory_space<vmem_shared>> -> memref<800x32xbf16, #tpu.memory_space<vmem_shared>>
      tpu.enqueue_dma source(%arg10 : memref<800x32xbf16, #tpu.memory_space<vmem>>) target(%dma_start3A_65 : memref<800x32xbf16, #tpu.memory_space<vmem_shared>>) target_semaphore(%run_scoped3A : memref<!tpu.dma_semaphore, #tpu.memory_space<semaphore_mem>>)
      %dma_wait3A = arith.constant 0 : i32
      %dma_wait3A_66 = tpu.memref_slice %arg15[%multiple_of3A_19, %dma_wait3A] : memref<100096x32xbf16, #tpu.memory_space<vmem_shared>> -> memref<800x32xbf16, #tpu.memory_space<vmem_shared>>
      %dma_wait3A_67 = arith.constant 0 : i32
      %dma_wait3A_68 = tpu.memref_slice %arg15[%multiple_of3A_19, %dma_wait3A_67] : memref<100096x32xbf16, #tpu.memory_space<vmem_shared>> -> memref<800x32xbf16, #tpu.memory_space<vmem_shared>>
      tpu.wait_dma2 semaphore(%run_scoped3A : memref<!tpu.dma_semaphore, #tpu.memory_space<semaphore_mem>>) src(%arg10 : memref<800x32xbf16, #tpu.memory_space<vmem>>) dst(%dma_wait3A_68 : memref<800x32xbf16, #tpu.memory_space<vmem_shared>>)
      tpu.yield
    }) : () -> ()
    %mul3A_20 = arith.constant 6256 : i32
    %mul3A_21 = arith.muli %arg1, %mul3A_20 : i32
    %add3A_22 = arith.constant 2400 : i32
    %add3A_23 = arith.addi %mul3A_21, %add3A_22 : i32
    %multiple_of3A_24 = tpu.assume_multiple %add3A_23, 8 : i32
    "tpu.region"() ({
      %run_scoped3A = tpu.sem_alloc : memref<!tpu.dma_semaphore, #tpu.memory_space<semaphore_mem>>
      %dma_start3A = arith.constant 0 : i32
      %dma_start3A_63 = tpu.memref_slice %arg15[%multiple_of3A_24, %dma_start3A] : memref<100096x32xbf16, #tpu.memory_space<vmem_shared>> -> memref<800x32xbf16, #tpu.memory_space<vmem_shared>>
      %dma_start3A_64 = arith.constant 0 : i32
      %dma_start3A_65 = tpu.memref_slice %arg15[%multiple_of3A_24, %dma_start3A_64] : memref<100096x32xbf16, #tpu.memory_space<vmem_shared>> -> memref<800x32xbf16, #tpu.memory_space<vmem_shared>>
      tpu.enqueue_dma source(%arg10 : memref<800x32xbf16, #tpu.memory_space<vmem>>) target(%dma_start3A_65 : memref<800x32xbf16, #tpu.memory_space<vmem_shared>>) target_semaphore(%run_scoped3A : memref<!tpu.dma_semaphore, #tpu.memory_space<semaphore_mem>>)
      %dma_wait3A = arith.constant 0 : i32
      %dma_wait3A_66 = tpu.memref_slice %arg15[%multiple_of3A_24, %dma_wait3A] : memref<100096x32xbf16, #tpu.memory_space<vmem_shared>> -> memref<800x32xbf16, #tpu.memory_space<vmem_shared>>
      %dma_wait3A_67 = arith.constant 0 : i32
      %dma_wait3A_68 = tpu.memref_slice %arg15[%multiple_of3A_24, %dma_wait3A_67] : memref<100096x32xbf16, #tpu.memory_space<vmem_shared>> -> memref<800x32xbf16, #tpu.memory_space<vmem_shared>>
      tpu.wait_dma2 semaphore(%run_scoped3A : memref<!tpu.dma_semaphore, #tpu.memory_space<semaphore_mem>>) src(%arg10 : memref<800x32xbf16, #tpu.memory_space<vmem>>) dst(%dma_wait3A_68 : memref<800x32xbf16, #tpu.memory_space<vmem_shared>>)
      tpu.yield
    }) : () -> ()
    %mul3A_25 = arith.constant 6256 : i32
    %mul3A_26 = arith.muli %arg1, %mul3A_25 : i32
    %add3A_27 = arith.constant 3200 : i32
    %add3A_28 = arith.addi %mul3A_26, %add3A_27 : i32
    %multiple_of3A_29 = tpu.assume_multiple %add3A_28, 8 : i32
    "tpu.region"() ({
      %run_scoped3A = tpu.sem_alloc : memref<!tpu.dma_semaphore, #tpu.memory_space<semaphore_mem>>
      %dma_start3A = arith.constant 0 : i32
      %dma_start3A_63 = tpu.memref_slice %arg15[%multiple_of3A_29, %dma_start3A] : memref<100096x32xbf16, #tpu.memory_space<vmem_shared>> -> memref<800x32xbf16, #tpu.memory_space<vmem_shared>>
      %dma_start3A_64 = arith.constant 0 : i32
      %dma_start3A_65 = tpu.memref_slice %arg15[%multiple_of3A_29, %dma_start3A_64] : memref<100096x32xbf16, #tpu.memory_space<vmem_shared>> -> memref<800x32xbf16, #tpu.memory_space<vmem_shared>>
      tpu.enqueue_dma source(%arg10 : memref<800x32xbf16, #tpu.memory_space<vmem>>) target(%dma_start3A_65 : memref<800x32xbf16, #tpu.memory_space<vmem_shared>>) target_semaphore(%run_scoped3A : memref<!tpu.dma_semaphore, #tpu.memory_space<semaphore_mem>>)
      %dma_wait3A = arith.constant 0 : i32
      %dma_wait3A_66 = tpu.memref_slice %arg15[%multiple_of3A_29, %dma_wait3A] : memref<100096x32xbf16, #tpu.memory_space<vmem_shared>> -> memref<800x32xbf16, #tpu.memory_space<vmem_shared>>
      %dma_wait3A_67 = arith.constant 0 : i32
      %dma_wait3A_68 = tpu.memref_slice %arg15[%multiple_of3A_29, %dma_wait3A_67] : memref<100096x32xbf16, #tpu.memory_space<vmem_shared>> -> memref<800x32xbf16, #tpu.memory_space<vmem_shared>>
      tpu.wait_dma2 semaphore(%run_scoped3A : memref<!tpu.dma_semaphore, #tpu.memory_space<semaphore_mem>>) src(%arg10 : memref<800x32xbf16, #tpu.memory_space<vmem>>) dst(%dma_wait3A_68 : memref<800x32xbf16, #tpu.memory_space<vmem_shared>>)
      tpu.yield
    }) : () -> ()
    %mul3A_30 = arith.constant 6256 : i32
    %mul3A_31 = arith.muli %arg1, %mul3A_30 : i32
    %add3A_32 = arith.constant 4000 : i32
    %add3A_33 = arith.addi %mul3A_31, %add3A_32 : i32
    %multiple_of3A_34 = tpu.assume_multiple %add3A_33, 8 : i32
    "tpu.region"() ({
      %run_scoped3A = tpu.sem_alloc : memref<!tpu.dma_semaphore, #tpu.memory_space<semaphore_mem>>
      %dma_start3A = arith.constant 0 : i32
      %dma_start3A_63 = tpu.memref_slice %arg15[%multiple_of3A_34, %dma_start3A] : memref<100096x32xbf16, #tpu.memory_space<vmem_shared>> -> memref<800x32xbf16, #tpu.memory_space<vmem_shared>>
      %dma_start3A_64 = arith.constant 0 : i32
      %dma_start3A_65 = tpu.memref_slice %arg15[%multiple_of3A_34, %dma_start3A_64] : memref<100096x32xbf16, #tpu.memory_space<vmem_shared>> -> memref<800x32xbf16, #tpu.memory_space<vmem_shared>>
      tpu.enqueue_dma source(%arg10 : memref<800x32xbf16, #tpu.memory_space<vmem>>) target(%dma_start3A_65 : memref<800x32xbf16, #tpu.memory_space<vmem_shared>>) target_semaphore(%run_scoped3A : memref<!tpu.dma_semaphore, #tpu.memory_space<semaphore_mem>>)
      %dma_wait3A = arith.constant 0 : i32
      %dma_wait3A_66 = tpu.memref_slice %arg15[%multiple_of3A_34, %dma_wait3A] : memref<100096x32xbf16, #tpu.memory_space<vmem_shared>> -> memref<800x32xbf16, #tpu.memory_space<vmem_shared>>
      %dma_wait3A_67 = arith.constant 0 : i32
      %dma_wait3A_68 = tpu.memref_slice %arg15[%multiple_of3A_34, %dma_wait3A_67] : memref<100096x32xbf16, #tpu.memory_space<vmem_shared>> -> memref<800x32xbf16, #tpu.memory_space<vmem_shared>>
      tpu.wait_dma2 semaphore(%run_scoped3A : memref<!tpu.dma_semaphore, #tpu.memory_space<semaphore_mem>>) src(%arg10 : memref<800x32xbf16, #tpu.memory_space<vmem>>) dst(%dma_wait3A_68 : memref<800x32xbf16, #tpu.memory_space<vmem_shared>>)
      tpu.yield
    }) : () -> ()
    %mul3A_35 = arith.constant 6256 : i32
    %mul3A_36 = arith.muli %arg1, %mul3A_35 : i32
    %add3A_37 = arith.constant 4800 : i32
    %add3A_38 = arith.addi %mul3A_36, %add3A_37 : i32
    %multiple_of3A_39 = tpu.assume_multiple %add3A_38, 8 : i32
    "tpu.region"() ({
      %run_scoped3A = tpu.sem_alloc : memref<!tpu.dma_semaphore, #tpu.memory_space<semaphore_mem>>
      %dma_start3A = arith.constant 0 : i32
      %dma_start3A_63 = tpu.memref_slice %arg15[%multiple_of3A_39, %dma_start3A] : memref<100096x32xbf16, #tpu.memory_space<vmem_shared>> -> memref<800x32xbf16, #tpu.memory_space<vmem_shared>>
      %dma_start3A_64 = arith.constant 0 : i32
      %dma_start3A_65 = tpu.memref_slice %arg15[%multiple_of3A_39, %dma_start3A_64] : memref<100096x32xbf16, #tpu.memory_space<vmem_shared>> -> memref<800x32xbf16, #tpu.memory_space<vmem_shared>>
      tpu.enqueue_dma source(%arg10 : memref<800x32xbf16, #tpu.memory_space<vmem>>) target(%dma_start3A_65 : memref<800x32xbf16, #tpu.memory_space<vmem_shared>>) target_semaphore(%run_scoped3A : memref<!tpu.dma_semaphore, #tpu.memory_space<semaphore_mem>>)
      %dma_wait3A = arith.constant 0 : i32
      %dma_wait3A_66 = tpu.memref_slice %arg15[%multiple_of3A_39, %dma_wait3A] : memref<100096x32xbf16, #tpu.memory_space<vmem_shared>> -> memref<800x32xbf16, #tpu.memory_space<vmem_shared>>
      %dma_wait3A_67 = arith.constant 0 : i32
      %dma_wait3A_68 = tpu.memref_slice %arg15[%multiple_of3A_39, %dma_wait3A_67] : memref<100096x32xbf16, #tpu.memory_space<vmem_shared>> -> memref<800x32xbf16, #tpu.memory_space<vmem_shared>>
      tpu.wait_dma2 semaphore(%run_scoped3A : memref<!tpu.dma_semaphore, #tpu.memory_space<semaphore_mem>>) src(%arg10 : memref<800x32xbf16, #tpu.memory_space<vmem>>) dst(%dma_wait3A_68 : memref<800x32xbf16, #tpu.memory_space<vmem_shared>>)
      tpu.yield
    }) : () -> ()
    %mul3A_40 = arith.constant 6256 : i32
    %mul3A_41 = arith.muli %arg1, %mul3A_40 : i32
    %add3A_42 = arith.constant 5600 : i32
    %add3A_43 = arith.addi %mul3A_41, %add3A_42 : i32
    %multiple_of3A_44 = tpu.assume_multiple %add3A_43, 8 : i32
    "tpu.region"() ({
      %run_scoped3A = tpu.sem_alloc : memref<!tpu.dma_semaphore, #tpu.memory_space<semaphore_mem>>
      %dma_start3A = arith.constant 0 : i32
      %dma_start3A_63 = arith.constant 0 : i32
      %dma_start3A_64 = tpu.memref_slice %arg10[%dma_start3A, %dma_start3A_63] : memref<800x32xbf16, #tpu.memory_space<vmem>> -> memref<656x32xbf16, #tpu.memory_space<vmem>>
      %dma_start3A_65 = arith.constant 0 : i32
      %dma_start3A_66 = tpu.memref_slice %arg15[%multiple_of3A_44, %dma_start3A_65] : memref<100096x32xbf16, #tpu.memory_space<vmem_shared>> -> memref<656x32xbf16, #tpu.memory_space<vmem_shared>>
      %dma_start3A_67 = arith.constant 0 : i32
      %dma_start3A_68 = tpu.memref_slice %arg15[%multiple_of3A_44, %dma_start3A_67] : memref<100096x32xbf16, #tpu.memory_space<vmem_shared>> -> memref<656x32xbf16, #tpu.memory_space<vmem_shared>>
      %dma_start3A_69 = arith.constant 0 : i32
      %dma_start3A_70 = arith.constant 0 : i32
      %dma_start3A_71 = tpu.memref_slice %arg10[%dma_start3A_69, %dma_start3A_70] : memref<800x32xbf16, #tpu.memory_space<vmem>> -> memref<656x32xbf16, #tpu.memory_space<vmem>>
      tpu.enqueue_dma source(%dma_start3A_71 : memref<656x32xbf16, #tpu.memory_space<vmem>>) target(%dma_start3A_68 : memref<656x32xbf16, #tpu.memory_space<vmem_shared>>) target_semaphore(%run_scoped3A : memref<!tpu.dma_semaphore, #tpu.memory_space<semaphore_mem>>)
      %dma_wait3A = arith.constant 0 : i32
      %dma_wait3A_72 = arith.constant 0 : i32
      %dma_wait3A_73 = tpu.memref_slice %arg10[%dma_wait3A, %dma_wait3A_72] : memref<800x32xbf16, #tpu.memory_space<vmem>> -> memref<656x32xbf16, #tpu.memory_space<vmem>>
      %dma_wait3A_74 = arith.constant 0 : i32
      %dma_wait3A_75 = tpu.memref_slice %arg15[%multiple_of3A_44, %dma_wait3A_74] : memref<100096x32xbf16, #tpu.memory_space<vmem_shared>> -> memref<656x32xbf16, #tpu.memory_space<vmem_shared>>
      %dma_wait3A_76 = arith.constant 0 : i32
      %dma_wait3A_77 = tpu.memref_slice %arg15[%multiple_of3A_44, %dma_wait3A_76] : memref<100096x32xbf16, #tpu.memory_space<vmem_shared>> -> memref<656x32xbf16, #tpu.memory_space<vmem_shared>>
      %dma_wait3A_78 = arith.constant 0 : i32
      %dma_wait3A_79 = arith.constant 0 : i32
      %dma_wait3A_80 = tpu.memref_slice %arg10[%dma_wait3A_78, %dma_wait3A_79] : memref<800x32xbf16, #tpu.memory_space<vmem>> -> memref<656x32xbf16, #tpu.memory_space<vmem>>
      tpu.wait_dma2 semaphore(%run_scoped3A : memref<!tpu.dma_semaphore, #tpu.memory_space<semaphore_mem>>) src(%dma_wait3A_80 : memref<656x32xbf16, #tpu.memory_space<vmem>>) dst(%dma_wait3A_77 : memref<656x32xbf16, #tpu.memory_space<vmem_shared>>)
      tpu.yield
    }) : () -> ()
    %barrier3A = arith.constant 0 : index
    tpu.barrier barrier_id(%barrier3A)
    %mul3A_45 = arith.constant 200000 : i32
    %mul3A_46 = arith.muli %arg1, %mul3A_45 : i32
    %scan3A_47 = arith.constant 0 : i32
    %scan3A_48 = arith.constant 0 : i32
    %scan3A_49 = arith.constant 125 : i32
    %scan3A_50 = arith.addi %scan3A_48, %scan3A_49 : i32
    %scan3A_51 = arith.constant 1 : i32
    scf.for %scan3A_63 = %scan3A_48 to %scan3A_50 step %scan3A_51  : i32 {
      %mul3A_64 = arith.constant 2 : i32
      %mul3A_65 = arith.muli %mul3A_64, %scan3A_63 : i32
      %mul3A_66 = arith.constant 800 : i32
      %mul3A_67 = arith.muli %mul3A_65, %mul3A_66 : i32
      %add3A_68 = arith.addi %mul3A_46, %mul3A_67 : i32
      %mul3A_69 = arith.constant 2 : i32
      %mul3A_70 = arith.muli %mul3A_69, %scan3A_63 : i32
      %mul3A_71 = arith.constant 800 : i32
      %mul3A_72 = arith.muli %mul3A_70, %mul3A_71 : i32
      %add3A_73 = arith.addi %mul3A_46, %mul3A_72 : i32
      %add3A_74 = arith.constant 800 : i32
      %add3A_75 = arith.addi %add3A_73, %add3A_74 : i32
      %dma_start3A = tpu.memref_slice %arg3[%add3A_68] : memref<3200000xi32, #tpu.memory_space<hbm>> -> memref<800xi32, #tpu.memory_space<hbm>>
      %dma_start3A_76 = tpu.memref_slice %arg3[%add3A_68] : memref<3200000xi32, #tpu.memory_space<hbm>> -> memref<800xi32, #tpu.memory_space<hbm>>
      tpu.enqueue_dma source(%dma_start3A_76 : memref<800xi32, #tpu.memory_space<hbm>>) target(%arg7 : memref<800xi32, #tpu.memory_space<vmem>>) target_semaphore(%arg16 : memref<!tpu.dma_semaphore, #tpu.memory_space<semaphore_mem>>)
      %dma_start3A_77 = tpu.memref_slice %arg4[%add3A_68] : memref<3200000xi32, #tpu.memory_space<hbm>> -> memref<800xi32, #tpu.memory_space<hbm>>
      %dma_start3A_78 = tpu.memref_slice %arg4[%add3A_68] : memref<3200000xi32, #tpu.memory_space<hbm>> -> memref<800xi32, #tpu.memory_space<hbm>>
      tpu.enqueue_dma source(%dma_start3A_78 : memref<800xi32, #tpu.memory_space<hbm>>) target(%arg8 : memref<800xi32, #tpu.memory_space<vmem>>) target_semaphore(%arg16 : memref<!tpu.dma_semaphore, #tpu.memory_space<semaphore_mem>>)
      %dma_start3A_79 = tpu.memref_slice %arg5[%add3A_68] : memref<3200000xf32, #tpu.memory_space<hbm>> -> memref<800xf32, #tpu.memory_space<hbm>>
      %dma_start3A_80 = tpu.memref_slice %arg5[%add3A_68] : memref<3200000xf32, #tpu.memory_space<hbm>> -> memref<800xf32, #tpu.memory_space<hbm>>
      tpu.enqueue_dma source(%dma_start3A_80 : memref<800xf32, #tpu.memory_space<hbm>>) target(%arg9 : memref<800xf32, #tpu.memory_space<vmem>>) target_semaphore(%arg16 : memref<!tpu.dma_semaphore, #tpu.memory_space<semaphore_mem>>)
      %dma_start3A_81 = tpu.memref_slice %arg3[%add3A_75] : memref<3200000xi32, #tpu.memory_space<hbm>> -> memref<800xi32, #tpu.memory_space<hbm>>
      %dma_start3A_82 = tpu.memref_slice %arg3[%add3A_75] : memref<3200000xi32, #tpu.memory_space<hbm>> -> memref<800xi32, #tpu.memory_space<hbm>>
      tpu.enqueue_dma source(%dma_start3A_82 : memref<800xi32, #tpu.memory_space<hbm>>) target(%arg11 : memref<800xi32, #tpu.memory_space<vmem>>) target_semaphore(%arg19 : memref<!tpu.dma_semaphore, #tpu.memory_space<semaphore_mem>>)
      %dma_start3A_83 = tpu.memref_slice %arg4[%add3A_75] : memref<3200000xi32, #tpu.memory_space<hbm>> -> memref<800xi32, #tpu.memory_space<hbm>>
      %dma_start3A_84 = tpu.memref_slice %arg4[%add3A_75] : memref<3200000xi32, #tpu.memory_space<hbm>> -> memref<800xi32, #tpu.memory_space<hbm>>
      tpu.enqueue_dma source(%dma_start3A_84 : memref<800xi32, #tpu.memory_space<hbm>>) target(%arg12 : memref<800xi32, #tpu.memory_space<vmem>>) target_semaphore(%arg19 : memref<!tpu.dma_semaphore, #tpu.memory_space<semaphore_mem>>)
      %dma_start3A_85 = tpu.memref_slice %arg5[%add3A_75] : memref<3200000xf32, #tpu.memory_space<hbm>> -> memref<800xf32, #tpu.memory_space<hbm>>
      %dma_start3A_86 = tpu.memref_slice %arg5[%add3A_75] : memref<3200000xf32, #tpu.memory_space<hbm>> -> memref<800xf32, #tpu.memory_space<hbm>>
      tpu.enqueue_dma source(%dma_start3A_86 : memref<800xf32, #tpu.memory_space<hbm>>) target(%arg13 : memref<800xf32, #tpu.memory_space<vmem>>) target_semaphore(%arg19 : memref<!tpu.dma_semaphore, #tpu.memory_space<semaphore_mem>>)
      %dma_wait3A = tpu.memref_slice %arg3[%add3A_68] : memref<3200000xi32, #tpu.memory_space<hbm>> -> memref<800xi32, #tpu.memory_space<hbm>>
      %dma_wait3A_87 = tpu.memref_slice %arg3[%add3A_68] : memref<3200000xi32, #tpu.memory_space<hbm>> -> memref<800xi32, #tpu.memory_space<hbm>>
      tpu.wait_dma2 semaphore(%arg16 : memref<!tpu.dma_semaphore, #tpu.memory_space<semaphore_mem>>) src(%dma_wait3A_87 : memref<800xi32, #tpu.memory_space<hbm>>) dst(%arg7 : memref<800xi32, #tpu.memory_space<vmem>>)
      %dma_start3A_88 = arith.constant 0 : i32
      %dma_start3A_89 = tpu.memref_slice %arg2[%multiple_of3A, %dma_start3A_88] : memref<200192x32xbf16, #tpu.memory_space<hbm>> -> memref<100096x32xbf16, #tpu.memory_space<hbm>>
      %dma_start3A_90 = arith.constant 0 : i32
      %dma_start3A_91 = arith.constant 0 : i32
      %dma_start3A_92 = tpu.memref_slice %dma_start3A_89[%dma_start3A_90, %dma_start3A_91] : memref<100096x32xbf16, #tpu.memory_space<hbm>> -> memref<100096x32xbf16, #tpu.memory_space<hbm>>
      tpu.enqueue_indirect_dma source(%dma_start3A_92 : memref<100096x32xbf16, #tpu.memory_space<hbm>>) target(%arg10 : memref<800x32xbf16, #tpu.memory_space<vmem>>) offsets(%arg7 : memref<800xi32, #tpu.memory_space<vmem>>) semaphore(%arg17 : memref<!tpu.dma_semaphore, #tpu.memory_space<semaphore_mem>>)
      %dma_wait3A_93 = tpu.memref_slice %arg3[%add3A_75] : memref<3200000xi32, #tpu.memory_space<hbm>> -> memref<800xi32, #tpu.memory_space<hbm>>
      %dma_wait3A_94 = tpu.memref_slice %arg3[%add3A_75] : memref<3200000xi32, #tpu.memory_space<hbm>> -> memref<800xi32, #tpu.memory_space<hbm>>
      tpu.wait_dma2 semaphore(%arg19 : memref<!tpu.dma_semaphore, #tpu.memory_space<semaphore_mem>>) src(%dma_wait3A_94 : memref<800xi32, #tpu.memory_space<hbm>>) dst(%arg11 : memref<800xi32, #tpu.memory_space<vmem>>)
      %dma_start3A_95 = arith.constant 0 : i32
      %dma_start3A_96 = tpu.memref_slice %arg2[%multiple_of3A, %dma_start3A_95] : memref<200192x32xbf16, #tpu.memory_space<hbm>> -> memref<100096x32xbf16, #tpu.memory_space<hbm>>
      %dma_start3A_97 = arith.constant 0 : i32
      %dma_start3A_98 = arith.constant 0 : i32
      %dma_start3A_99 = tpu.memref_slice %dma_start3A_96[%dma_start3A_97, %dma_start3A_98] : memref<100096x32xbf16, #tpu.memory_space<hbm>> -> memref<100096x32xbf16, #tpu.memory_space<hbm>>
      tpu.enqueue_indirect_dma source(%dma_start3A_99 : memref<100096x32xbf16, #tpu.memory_space<hbm>>) target(%arg14 : memref<800x32xbf16, #tpu.memory_space<vmem>>) offsets(%arg11 : memref<800xi32, #tpu.memory_space<vmem>>) semaphore(%arg20 : memref<!tpu.dma_semaphore, #tpu.memory_space<semaphore_mem>>)
      %dma_wait3A_100 = tpu.memref_slice %arg5[%add3A_68] : memref<3200000xf32, #tpu.memory_space<hbm>> -> memref<800xf32, #tpu.memory_space<hbm>>
      %dma_wait3A_101 = tpu.memref_slice %arg5[%add3A_68] : memref<3200000xf32, #tpu.memory_space<hbm>> -> memref<800xf32, #tpu.memory_space<hbm>>
      tpu.wait_dma2 semaphore(%arg16 : memref<!tpu.dma_semaphore, #tpu.memory_space<semaphore_mem>>) src(%dma_wait3A_101 : memref<800xf32, #tpu.memory_space<hbm>>) dst(%arg9 : memref<800xf32, #tpu.memory_space<vmem>>)
      %dma_wait3A_102 = arith.constant 0 : i32
      %dma_wait3A_103 = tpu.memref_slice %arg2[%multiple_of3A, %dma_wait3A_102] : memref<200192x32xbf16, #tpu.memory_space<hbm>> -> memref<100096x32xbf16, #tpu.memory_space<hbm>>
      %dma_wait3A_104 = arith.constant 0 : i32
      %dma_wait3A_105 = arith.constant 0 : i32
      %dma_wait3A_106 = tpu.memref_slice %dma_wait3A_103[%dma_wait3A_104, %dma_wait3A_105] : memref<100096x32xbf16, #tpu.memory_space<hbm>> -> memref<100096x32xbf16, #tpu.memory_space<hbm>>
      tpu.wait_indirect_dma semaphore(%arg17 : memref<!tpu.dma_semaphore, #tpu.memory_space<semaphore_mem>>) src(%dma_wait3A_106 : memref<100096x32xbf16, #tpu.memory_space<hbm>>) dst(%arg10 : memref<800x32xbf16, #tpu.memory_space<vmem>>)
      %parallel_loop3A = arith.constant 0 : i32
      %parallel_loop3A_107 = arith.constant 800 : i32
      %parallel_loop3A_108 = arith.constant 1 : i32
      scf.for %parallel_loop3A_135 = %parallel_loop3A to %parallel_loop3A_107 step %parallel_loop3A_108  : i32 {
        %parallel_loop3A_136 = vector.broadcast %parallel_loop3A_135 : i32 to vector<16xi32>
        %parallel_loop3A_137 = tpu.vector_load_idx %arg9[%parallel_loop3A_136] : memref<800xf32, #tpu.memory_space<vmem>>[vector<16xi32>], vector<16xf32>,
        %parallel_loop3A_138 = arith.index_cast %parallel_loop3A_135 : i32 to index
        %parallel_loop3A_139 = arith.constant 0 : index
        %parallel_loop3A_140 = tpu.vector_load %arg10[%parallel_loop3A_138, %parallel_loop3A_139] {strides = array<i32>} : memref<800x32xbf16, #tpu.memory_space<vmem>>, vector<32xbf16>,
        %parallel_loop3A_141 = tpu.unpack_subelements %parallel_loop3A_140, 0 {pack_format = #tpu.pack_format<interleaved>} : vector<32xbf16> -> vector<16xf32>
        %parallel_loop3A_142 = tpu.unpack_subelements %parallel_loop3A_140, 1 {pack_format = #tpu.pack_format<interleaved>} : vector<32xbf16> -> vector<16xf32>
        %parallel_loop3A_143 = arith.mulf %parallel_loop3A_141, %parallel_loop3A_137 : vector<16xf32>
        %parallel_loop3A_144 = arith.mulf %parallel_loop3A_142, %parallel_loop3A_137 : vector<16xf32>
        %parallel_loop3A_145 = tpu.pack_subelements %parallel_loop3A_143, %parallel_loop3A_144 {pack_format = #tpu.pack_format<interleaved>, positions = array<i32: 0, 1>} : vector<16xf32>, vector<16xf32> -> vector<32xbf16>
        %parallel_loop3A_146 = arith.index_cast %parallel_loop3A_135 : i32 to index
        %parallel_loop3A_147 = arith.constant 0 : index
        %parallel_loop3A_148 = tpu.vector_load %arg10[%parallel_loop3A_146, %parallel_loop3A_147] {strides = array<i32>} : memref<800x32xbf16, #tpu.memory_space<vmem>>, vector<32xbf16>,
        tpu.vector_store %arg10[%parallel_loop3A_146, %parallel_loop3A_147], %parallel_loop3A_145 {strides = array<i32>} : memref<800x32xbf16, #tpu.memory_space<vmem>>, vector<32xbf16>,
      } {sc.loop_unroll_factor = 8 : i64, sc.parallel_access}
      %dma_wait3A_109 = tpu.memref_slice %arg4[%add3A_68] : memref<3200000xi32, #tpu.memory_space<hbm>> -> memref<800xi32, #tpu.memory_space<hbm>>
      %dma_wait3A_110 = tpu.memref_slice %arg4[%add3A_68] : memref<3200000xi32, #tpu.memory_space<hbm>> -> memref<800xi32, #tpu.memory_space<hbm>>
      tpu.wait_dma2 semaphore(%arg16 : memref<!tpu.dma_semaphore, #tpu.memory_space<semaphore_mem>>) src(%dma_wait3A_110 : memref<800xi32, #tpu.memory_space<hbm>>) dst(%arg8 : memref<800xi32, #tpu.memory_space<vmem>>)
      %dma_start3A_111 = arith.constant 0 : i32
      %dma_start3A_112 = arith.constant 0 : i32
      %dma_start3A_113 = tpu.memref_slice %arg15[%dma_start3A_111, %dma_start3A_112] : memref<100096x32xbf16, #tpu.memory_space<vmem_shared>> -> memref<100096x32xbf16, #tpu.memory_space<vmem_shared>>
      tpu.enqueue_indirect_dma source(%arg10 : memref<800x32xbf16, #tpu.memory_space<vmem>>) target(%dma_start3A_113 : memref<100096x32xbf16, #tpu.memory_space<vmem_shared>>) offsets(%arg8 : memref<800xi32, #tpu.memory_space<vmem>>) semaphore(%arg18 : memref<!tpu.dma_semaphore, #tpu.memory_space<semaphore_mem>>) {add = true}
      %dma_wait3A_114 = tpu.memref_slice %arg5[%add3A_75] : memref<3200000xf32, #tpu.memory_space<hbm>> -> memref<800xf32, #tpu.memory_space<hbm>>
      %dma_wait3A_115 = tpu.memref_slice %arg5[%add3A_75] : memref<3200000xf32, #tpu.memory_space<hbm>> -> memref<800xf32, #tpu.memory_space<hbm>>
      tpu.wait_dma2 semaphore(%arg19 : memref<!tpu.dma_semaphore, #tpu.memory_space<semaphore_mem>>) src(%dma_wait3A_115 : memref<800xf32, #tpu.memory_space<hbm>>) dst(%arg13 : memref<800xf32, #tpu.memory_space<vmem>>)
      %dma_wait3A_116 = arith.constant 0 : i32
      %dma_wait3A_117 = tpu.memref_slice %arg2[%multiple_of3A, %dma_wait3A_116] : memref<200192x32xbf16, #tpu.memory_space<hbm>> -> memref<100096x32xbf16, #tpu.memory_space<hbm>>
      %dma_wait3A_118 = arith.constant 0 : i32
      %dma_wait3A_119 = arith.constant 0 : i32
      %dma_wait3A_120 = tpu.memref_slice %dma_wait3A_117[%dma_wait3A_118, %dma_wait3A_119] : memref<100096x32xbf16, #tpu.memory_space<hbm>> -> memref<100096x32xbf16, #tpu.memory_space<hbm>>
      tpu.wait_indirect_dma semaphore(%arg20 : memref<!tpu.dma_semaphore, #tpu.memory_space<semaphore_mem>>) src(%dma_wait3A_120 : memref<100096x32xbf16, #tpu.memory_space<hbm>>) dst(%arg14 : memref<800x32xbf16, #tpu.memory_space<vmem>>)
      %parallel_loop3A_121 = arith.constant 0 : i32
      %parallel_loop3A_122 = arith.constant 800 : i32
      %parallel_loop3A_123 = arith.constant 1 : i32
      scf.for %parallel_loop3A_135 = %parallel_loop3A_121 to %parallel_loop3A_122 step %parallel_loop3A_123  : i32 {
        %parallel_loop3A_136 = vector.broadcast %parallel_loop3A_135 : i32 to vector<16xi32>
        %parallel_loop3A_137 = tpu.vector_load_idx %arg13[%parallel_loop3A_136] : memref<800xf32, #tpu.memory_space<vmem>>[vector<16xi32>], vector<16xf32>,
        %parallel_loop3A_138 = arith.index_cast %parallel_loop3A_135 : i32 to index
        %parallel_loop3A_139 = arith.constant 0 : index
        %parallel_loop3A_140 = tpu.vector_load %arg14[%parallel_loop3A_138, %parallel_loop3A_139] {strides = array<i32>} : memref<800x32xbf16, #tpu.memory_space<vmem>>, vector<32xbf16>,
        %parallel_loop3A_141 = tpu.unpack_subelements %parallel_loop3A_140, 0 {pack_format = #tpu.pack_format<interleaved>} : vector<32xbf16> -> vector<16xf32>
        %parallel_loop3A_142 = tpu.unpack_subelements %parallel_loop3A_140, 1 {pack_format = #tpu.pack_format<interleaved>} : vector<32xbf16> -> vector<16xf32>
        %parallel_loop3A_143 = arith.mulf %parallel_loop3A_141, %parallel_loop3A_137 : vector<16xf32>
        %parallel_loop3A_144 = arith.mulf %parallel_loop3A_142, %parallel_loop3A_137 : vector<16xf32>
        %parallel_loop3A_145 = tpu.pack_subelements %parallel_loop3A_143, %parallel_loop3A_144 {pack_format = #tpu.pack_format<interleaved>, positions = array<i32: 0, 1>} : vector<16xf32>, vector<16xf32> -> vector<32xbf16>
        %parallel_loop3A_146 = arith.index_cast %parallel_loop3A_135 : i32 to index
        %parallel_loop3A_147 = arith.constant 0 : index
        %parallel_loop3A_148 = tpu.vector_load %arg14[%parallel_loop3A_146, %parallel_loop3A_147] {strides = array<i32>} : memref<800x32xbf16, #tpu.memory_space<vmem>>, vector<32xbf16>,
        tpu.vector_store %arg14[%parallel_loop3A_146, %parallel_loop3A_147], %parallel_loop3A_145 {strides = array<i32>} : memref<800x32xbf16, #tpu.memory_space<vmem>>, vector<32xbf16>,
      } {sc.loop_unroll_factor = 8 : i64, sc.parallel_access}
      %dma_wait3A_124 = tpu.memref_slice %arg4[%add3A_75] : memref<3200000xi32, #tpu.memory_space<hbm>> -> memref<800xi32, #tpu.memory_space<hbm>>
      %dma_wait3A_125 = tpu.memref_slice %arg4[%add3A_75] : memref<3200000xi32, #tpu.memory_space<hbm>> -> memref<800xi32, #tpu.memory_space<hbm>>
      tpu.wait_dma2 semaphore(%arg19 : memref<!tpu.dma_semaphore, #tpu.memory_space<semaphore_mem>>) src(%dma_wait3A_125 : memref<800xi32, #tpu.memory_space<hbm>>) dst(%arg12 : memref<800xi32, #tpu.memory_space<vmem>>)
      %dma_start3A_126 = arith.constant 0 : i32
      %dma_start3A_127 = arith.constant 0 : i32
      %dma_start3A_128 = tpu.memref_slice %arg15[%dma_start3A_126, %dma_start3A_127] : memref<100096x32xbf16, #tpu.memory_space<vmem_shared>> -> memref<100096x32xbf16, #tpu.memory_space<vmem_shared>>
      tpu.enqueue_indirect_dma source(%arg14 : memref<800x32xbf16, #tpu.memory_space<vmem>>) target(%dma_start3A_128 : memref<100096x32xbf16, #tpu.memory_space<vmem_shared>>) offsets(%arg12 : memref<800xi32, #tpu.memory_space<vmem>>) semaphore(%arg21 : memref<!tpu.dma_semaphore, #tpu.memory_space<semaphore_mem>>) {add = true}
      %dma_wait3A_129 = arith.constant 0 : i32
      %dma_wait3A_130 = arith.constant 0 : i32
      %dma_wait3A_131 = tpu.memref_slice %arg15[%dma_wait3A_129, %dma_wait3A_130] : memref<100096x32xbf16, #tpu.memory_space<vmem_shared>> -> memref<100096x32xbf16, #tpu.memory_space<vmem_shared>>
      tpu.wait_indirect_dma semaphore(%arg18 : memref<!tpu.dma_semaphore, #tpu.memory_space<semaphore_mem>>) src(%arg10 : memref<800x32xbf16, #tpu.memory_space<vmem>>) dst(%dma_wait3A_131 : memref<100096x32xbf16, #tpu.memory_space<vmem_shared>>)
      %dma_wait3A_132 = arith.constant 0 : i32
      %dma_wait3A_133 = arith.constant 0 : i32
      %dma_wait3A_134 = tpu.memref_slice %arg15[%dma_wait3A_132, %dma_wait3A_133] : memref<100096x32xbf16, #tpu.memory_space<vmem_shared>> -> memref<100096x32xbf16, #tpu.memory_space<vmem_shared>>
      tpu.wait_indirect_dma semaphore(%arg21 : memref<!tpu.dma_semaphore, #tpu.memory_space<semaphore_mem>>) src(%arg14 : memref<800x32xbf16, #tpu.memory_space<vmem>>) dst(%dma_wait3A_134 : memref<100096x32xbf16, #tpu.memory_space<vmem_shared>>)
    }
    %scan3A_52 = arith.constant 125 : i32
    %barrier3A_53 = arith.constant 0 : index
    tpu.barrier barrier_id(%barrier3A_53)
    %mul3A_54 = arith.constant 6256 : i32
    %mul3A_55 = arith.muli %arg1, %mul3A_54 : i32
    %multiple_of3A_56 = tpu.assume_multiple %mul3A_55, 8 : i32
    %mul3A_57 = arith.constant 100096 : i32
    %mul3A_58 = arith.muli %arg0, %mul3A_57 : i32
    %mul3A_59 = arith.constant 6256 : i32
    %mul3A_60 = arith.muli %arg1, %mul3A_59 : i32
    %add3A_61 = arith.addi %mul3A_58, %mul3A_60 : i32
    %multiple_of3A_62 = tpu.assume_multiple %add3A_61, 8 : i32
    "tpu.region"() ({
      %run_scoped3A = tpu.sem_alloc : memref<!tpu.dma_semaphore, #tpu.memory_space<semaphore_mem>>
      %dma_start3A = arith.constant 0 : i32
      %dma_start3A_63 = tpu.memref_slice %arg6[%multiple_of3A_62, %dma_start3A] : memref<200192x32xbf16, #tpu.memory_space<hbm>> -> memref<6256x32xbf16, #tpu.memory_space<hbm>>
      %dma_start3A_64 = arith.constant 0 : i32
      %dma_start3A_65 = tpu.memref_slice %arg15[%multiple_of3A_56, %dma_start3A_64] : memref<100096x32xbf16, #tpu.memory_space<vmem_shared>> -> memref<6256x32xbf16, #tpu.memory_space<vmem_shared>>
      tpu.enqueue_dma source(%dma_start3A_65 : memref<6256x32xbf16, #tpu.memory_space<vmem_shared>>) target(%dma_start3A_63 : memref<6256x32xbf16, #tpu.memory_space<hbm>>) target_semaphore(%run_scoped3A : memref<!tpu.dma_semaphore, #tpu.memory_space<semaphore_mem>>)
      %dma_wait3A = arith.constant 0 : i32
      %dma_wait3A_66 = tpu.memref_slice %arg6[%multiple_of3A_62, %dma_wait3A] : memref<200192x32xbf16, #tpu.memory_space<hbm>> -> memref<6256x32xbf16, #tpu.memory_space<hbm>>
      %dma_wait3A_67 = arith.constant 0 : i32
      %dma_wait3A_68 = tpu.memref_slice %arg15[%multiple_of3A_56, %dma_wait3A_67] : memref<100096x32xbf16, #tpu.memory_space<vmem_shared>> -> memref<6256x32xbf16, #tpu.memory_space<vmem_shared>>
      tpu.wait_dma2 semaphore(%run_scoped3A : memref<!tpu.dma_semaphore, #tpu.memory_space<semaphore_mem>>) src(%dma_wait3A_68 : memref<6256x32xbf16, #tpu.memory_space<vmem_shared>>) dst(%dma_wait3A_66 : memref<6256x32xbf16, #tpu.memory_space<hbm>>)
      tpu.yield
    }) : () -> ()
    return
  }
}

#map = affine_map<(d0, d1) -> (0, 0)>
#map1 = affine_map<(d0, d1) -> (0)>
module attributes {stable_mosaic.version = 14 : i64} {
  func.func @_agg_mid(%arg0: i32, %arg1: i32, %arg2: memref<200192x32xbf16, #tpu.memory_space<hbm>>, %arg3: memref<3200000xi32, #tpu.memory_space<hbm>>, %arg4: memref<3200000xi32, #tpu.memory_space<hbm>>, %arg5: memref<3200000xf32, #tpu.memory_space<hbm>>, %arg6: memref<200192x32xbf16, #tpu.memory_space<hbm>>, %arg7: memref<800xi32, #tpu.memory_space<vmem>>, %arg8: memref<800xi32, #tpu.memory_space<vmem>>, %arg9: memref<800xf32, #tpu.memory_space<vmem>>, %arg10: memref<800x32xbf16, #tpu.memory_space<vmem>>, %arg11: memref<800xi32, #tpu.memory_space<vmem>>, %arg12: memref<800xi32, #tpu.memory_space<vmem>>, %arg13: memref<800xf32, #tpu.memory_space<vmem>>, %arg14: memref<800x32xbf16, #tpu.memory_space<vmem>>, %arg15: memref<100096x32xbf16, #tpu.memory_space<vmem_shared>>, %arg16: memref<!tpu.dma_semaphore, #tpu.memory_space<semaphore_mem>>, %arg17: memref<!tpu.dma_semaphore, #tpu.memory_space<semaphore_mem>>, %arg18: memref<!tpu.dma_semaphore, #tpu.memory_space<semaphore_mem>>, %arg19: memref<!tpu.dma_semaphore, #tpu.memory_space<semaphore_mem>>, %arg20: memref<!tpu.dma_semaphore, #tpu.memory_space<semaphore_mem>>, %arg21: memref<!tpu.dma_semaphore, #tpu.memory_space<semaphore_mem>>) attributes {dimension_semantics = [#tpu.dimension_semantics<core_parallel>, #tpu.dimension_semantics<subcore_parallel>], iteration_bounds = array<i64: 2, 16>, scalar_prefetch = 0 : i64, scratch_operands = 15 : i64, tpu.core_type = #tpu.core_type<sc_vector_subcore>, window_params = [{transform_indices = #map}, {transform_indices = #map1}, {transform_indices = #map1}, {transform_indices = #map1}, {transform_indices = #map}]} {
    %mul3A = arith.constant 100096 : i32
    %mul3A_0 = arith.muli %arg0, %mul3A : i32
    %multiple_of3A = tpu.assume_multiple %mul3A_0, 8 : i32
    %scan3A = arith.constant 0 : i32
    %scan3A_1 = arith.constant 0 : i32
    %scan3A_2 = arith.constant 800 : i32
    %scan3A_3 = arith.addi %scan3A_1, %scan3A_2 : i32
    %scan3A_4 = arith.constant 1 : i32
    scf.for %scan3A_63 = %scan3A_1 to %scan3A_3 step %scan3A_4  : i32 {
      %broadcast_in_dim3A = arith.constant 0.000000e+00 : bf16
      %broadcast_in_dim3A_64 = vector.broadcast %broadcast_in_dim3A : bf16 to vector<32xbf16>
      %swap3A = arith.index_cast %scan3A_63 : i32 to index
      %swap3A_65 = arith.constant 0 : index
      %swap3A_66 = tpu.vector_load %arg10[%swap3A, %swap3A_65] {strides = array<i32>} : memref<800x32xbf16, #tpu.memory_space<vmem>>, vector<32xbf16>,
      tpu.vector_store %arg10[%swap3A, %swap3A_65], %broadcast_in_dim3A_64 {strides = array<i32>} : memref<800x32xbf16, #tpu.memory_space<vmem>>, vector<32xbf16>,
    }
    %scan3A_5 = arith.constant 800 : i32
    %mul3A_6 = arith.constant 6256 : i32
    %mul3A_7 = arith.muli %arg1, %mul3A_6 : i32
    %add3A = arith.constant 0 : i32
    %add3A_8 = arith.addi %mul3A_7, %add3A : i32
    %multiple_of3A_9 = tpu.assume_multiple %add3A_8, 8 : i32
    "tpu.region"() ({
      %run_scoped3A = tpu.sem_alloc : memref<!tpu.dma_semaphore, #tpu.memory_space<semaphore_mem>>
      %dma_start3A = arith.constant 0 : i32
      %dma_start3A_63 = tpu.memref_slice %arg15[%multiple_of3A_9, %dma_start3A] : memref<100096x32xbf16, #tpu.memory_space<vmem_shared>> -> memref<800x32xbf16, #tpu.memory_space<vmem_shared>>
      %dma_start3A_64 = arith.constant 0 : i32
      %dma_start3A_65 = tpu.memref_slice %arg15[%multiple_of3A_9, %dma_start3A_64] : memref<100096x32xbf16, #tpu.memory_space<vmem_shared>> -> memref<800x32xbf16, #tpu.memory_space<vmem_shared>>
      tpu.enqueue_dma source(%arg10 : memref<800x32xbf16, #tpu.memory_space<vmem>>) target(%dma_start3A_65 : memref<800x32xbf16, #tpu.memory_space<vmem_shared>>) target_semaphore(%run_scoped3A : memref<!tpu.dma_semaphore, #tpu.memory_space<semaphore_mem>>)
      %dma_wait3A = arith.constant 0 : i32
      %dma_wait3A_66 = tpu.memref_slice %arg15[%multiple_of3A_9, %dma_wait3A] : memref<100096x32xbf16, #tpu.memory_space<vmem_shared>> -> memref<800x32xbf16, #tpu.memory_space<vmem_shared>>
      %dma_wait3A_67 = arith.constant 0 : i32
      %dma_wait3A_68 = tpu.memref_slice %arg15[%multiple_of3A_9, %dma_wait3A_67] : memref<100096x32xbf16, #tpu.memory_space<vmem_shared>> -> memref<800x32xbf16, #tpu.memory_space<vmem_shared>>
      tpu.wait_dma2 semaphore(%run_scoped3A : memref<!tpu.dma_semaphore, #tpu.memory_space<semaphore_mem>>) src(%arg10 : memref<800x32xbf16, #tpu.memory_space<vmem>>) dst(%dma_wait3A_68 : memref<800x32xbf16, #tpu.memory_space<vmem_shared>>)
      tpu.yield
    }) : () -> ()
    %mul3A_10 = arith.constant 6256 : i32
    %mul3A_11 = arith.muli %arg1, %mul3A_10 : i32
    %add3A_12 = arith.constant 800 : i32
    %add3A_13 = arith.addi %mul3A_11, %add3A_12 : i32
    %multiple_of3A_14 = tpu.assume_multiple %add3A_13, 8 : i32
    "tpu.region"() ({
      %run_scoped3A = tpu.sem_alloc : memref<!tpu.dma_semaphore, #tpu.memory_space<semaphore_mem>>
      %dma_start3A = arith.constant 0 : i32
      %dma_start3A_63 = tpu.memref_slice %arg15[%multiple_of3A_14, %dma_start3A] : memref<100096x32xbf16, #tpu.memory_space<vmem_shared>> -> memref<800x32xbf16, #tpu.memory_space<vmem_shared>>
      %dma_start3A_64 = arith.constant 0 : i32
      %dma_start3A_65 = tpu.memref_slice %arg15[%multiple_of3A_14, %dma_start3A_64] : memref<100096x32xbf16, #tpu.memory_space<vmem_shared>> -> memref<800x32xbf16, #tpu.memory_space<vmem_shared>>
      tpu.enqueue_dma source(%arg10 : memref<800x32xbf16, #tpu.memory_space<vmem>>) target(%dma_start3A_65 : memref<800x32xbf16, #tpu.memory_space<vmem_shared>>) target_semaphore(%run_scoped3A : memref<!tpu.dma_semaphore, #tpu.memory_space<semaphore_mem>>)
      %dma_wait3A = arith.constant 0 : i32
      %dma_wait3A_66 = tpu.memref_slice %arg15[%multiple_of3A_14, %dma_wait3A] : memref<100096x32xbf16, #tpu.memory_space<vmem_shared>> -> memref<800x32xbf16, #tpu.memory_space<vmem_shared>>
      %dma_wait3A_67 = arith.constant 0 : i32
      %dma_wait3A_68 = tpu.memref_slice %arg15[%multiple_of3A_14, %dma_wait3A_67] : memref<100096x32xbf16, #tpu.memory_space<vmem_shared>> -> memref<800x32xbf16, #tpu.memory_space<vmem_shared>>
      tpu.wait_dma2 semaphore(%run_scoped3A : memref<!tpu.dma_semaphore, #tpu.memory_space<semaphore_mem>>) src(%arg10 : memref<800x32xbf16, #tpu.memory_space<vmem>>) dst(%dma_wait3A_68 : memref<800x32xbf16, #tpu.memory_space<vmem_shared>>)
      tpu.yield
    }) : () -> ()
    %mul3A_15 = arith.constant 6256 : i32
    %mul3A_16 = arith.muli %arg1, %mul3A_15 : i32
    %add3A_17 = arith.constant 1600 : i32
    %add3A_18 = arith.addi %mul3A_16, %add3A_17 : i32
    %multiple_of3A_19 = tpu.assume_multiple %add3A_18, 8 : i32
    "tpu.region"() ({
      %run_scoped3A = tpu.sem_alloc : memref<!tpu.dma_semaphore, #tpu.memory_space<semaphore_mem>>
      %dma_start3A = arith.constant 0 : i32
      %dma_start3A_63 = tpu.memref_slice %arg15[%multiple_of3A_19, %dma_start3A] : memref<100096x32xbf16, #tpu.memory_space<vmem_shared>> -> memref<800x32xbf16, #tpu.memory_space<vmem_shared>>
      %dma_start3A_64 = arith.constant 0 : i32
      %dma_start3A_65 = tpu.memref_slice %arg15[%multiple_of3A_19, %dma_start3A_64] : memref<100096x32xbf16, #tpu.memory_space<vmem_shared>> -> memref<800x32xbf16, #tpu.memory_space<vmem_shared>>
      tpu.enqueue_dma source(%arg10 : memref<800x32xbf16, #tpu.memory_space<vmem>>) target(%dma_start3A_65 : memref<800x32xbf16, #tpu.memory_space<vmem_shared>>) target_semaphore(%run_scoped3A : memref<!tpu.dma_semaphore, #tpu.memory_space<semaphore_mem>>)
      %dma_wait3A = arith.constant 0 : i32
      %dma_wait3A_66 = tpu.memref_slice %arg15[%multiple_of3A_19, %dma_wait3A] : memref<100096x32xbf16, #tpu.memory_space<vmem_shared>> -> memref<800x32xbf16, #tpu.memory_space<vmem_shared>>
      %dma_wait3A_67 = arith.constant 0 : i32
      %dma_wait3A_68 = tpu.memref_slice %arg15[%multiple_of3A_19, %dma_wait3A_67] : memref<100096x32xbf16, #tpu.memory_space<vmem_shared>> -> memref<800x32xbf16, #tpu.memory_space<vmem_shared>>
      tpu.wait_dma2 semaphore(%run_scoped3A : memref<!tpu.dma_semaphore, #tpu.memory_space<semaphore_mem>>) src(%arg10 : memref<800x32xbf16, #tpu.memory_space<vmem>>) dst(%dma_wait3A_68 : memref<800x32xbf16, #tpu.memory_space<vmem_shared>>)
      tpu.yield
    }) : () -> ()
    %mul3A_20 = arith.constant 6256 : i32
    %mul3A_21 = arith.muli %arg1, %mul3A_20 : i32
    %add3A_22 = arith.constant 2400 : i32
    %add3A_23 = arith.addi %mul3A_21, %add3A_22 : i32
    %multiple_of3A_24 = tpu.assume_multiple %add3A_23, 8 : i32
    "tpu.region"() ({
      %run_scoped3A = tpu.sem_alloc : memref<!tpu.dma_semaphore, #tpu.memory_space<semaphore_mem>>
      %dma_start3A = arith.constant 0 : i32
      %dma_start3A_63 = tpu.memref_slice %arg15[%multiple_of3A_24, %dma_start3A] : memref<100096x32xbf16, #tpu.memory_space<vmem_shared>> -> memref<800x32xbf16, #tpu.memory_space<vmem_shared>>
      %dma_start3A_64 = arith.constant 0 : i32
      %dma_start3A_65 = tpu.memref_slice %arg15[%multiple_of3A_24, %dma_start3A_64] : memref<100096x32xbf16, #tpu.memory_space<vmem_shared>> -> memref<800x32xbf16, #tpu.memory_space<vmem_shared>>
      tpu.enqueue_dma source(%arg10 : memref<800x32xbf16, #tpu.memory_space<vmem>>) target(%dma_start3A_65 : memref<800x32xbf16, #tpu.memory_space<vmem_shared>>) target_semaphore(%run_scoped3A : memref<!tpu.dma_semaphore, #tpu.memory_space<semaphore_mem>>)
      %dma_wait3A = arith.constant 0 : i32
      %dma_wait3A_66 = tpu.memref_slice %arg15[%multiple_of3A_24, %dma_wait3A] : memref<100096x32xbf16, #tpu.memory_space<vmem_shared>> -> memref<800x32xbf16, #tpu.memory_space<vmem_shared>>
      %dma_wait3A_67 = arith.constant 0 : i32
      %dma_wait3A_68 = tpu.memref_slice %arg15[%multiple_of3A_24, %dma_wait3A_67] : memref<100096x32xbf16, #tpu.memory_space<vmem_shared>> -> memref<800x32xbf16, #tpu.memory_space<vmem_shared>>
      tpu.wait_dma2 semaphore(%run_scoped3A : memref<!tpu.dma_semaphore, #tpu.memory_space<semaphore_mem>>) src(%arg10 : memref<800x32xbf16, #tpu.memory_space<vmem>>) dst(%dma_wait3A_68 : memref<800x32xbf16, #tpu.memory_space<vmem_shared>>)
      tpu.yield
    }) : () -> ()
    %mul3A_25 = arith.constant 6256 : i32
    %mul3A_26 = arith.muli %arg1, %mul3A_25 : i32
    %add3A_27 = arith.constant 3200 : i32
    %add3A_28 = arith.addi %mul3A_26, %add3A_27 : i32
    %multiple_of3A_29 = tpu.assume_multiple %add3A_28, 8 : i32
    "tpu.region"() ({
      %run_scoped3A = tpu.sem_alloc : memref<!tpu.dma_semaphore, #tpu.memory_space<semaphore_mem>>
      %dma_start3A = arith.constant 0 : i32
      %dma_start3A_63 = tpu.memref_slice %arg15[%multiple_of3A_29, %dma_start3A] : memref<100096x32xbf16, #tpu.memory_space<vmem_shared>> -> memref<800x32xbf16, #tpu.memory_space<vmem_shared>>
      %dma_start3A_64 = arith.constant 0 : i32
      %dma_start3A_65 = tpu.memref_slice %arg15[%multiple_of3A_29, %dma_start3A_64] : memref<100096x32xbf16, #tpu.memory_space<vmem_shared>> -> memref<800x32xbf16, #tpu.memory_space<vmem_shared>>
      tpu.enqueue_dma source(%arg10 : memref<800x32xbf16, #tpu.memory_space<vmem>>) target(%dma_start3A_65 : memref<800x32xbf16, #tpu.memory_space<vmem_shared>>) target_semaphore(%run_scoped3A : memref<!tpu.dma_semaphore, #tpu.memory_space<semaphore_mem>>)
      %dma_wait3A = arith.constant 0 : i32
      %dma_wait3A_66 = tpu.memref_slice %arg15[%multiple_of3A_29, %dma_wait3A] : memref<100096x32xbf16, #tpu.memory_space<vmem_shared>> -> memref<800x32xbf16, #tpu.memory_space<vmem_shared>>
      %dma_wait3A_67 = arith.constant 0 : i32
      %dma_wait3A_68 = tpu.memref_slice %arg15[%multiple_of3A_29, %dma_wait3A_67] : memref<100096x32xbf16, #tpu.memory_space<vmem_shared>> -> memref<800x32xbf16, #tpu.memory_space<vmem_shared>>
      tpu.wait_dma2 semaphore(%run_scoped3A : memref<!tpu.dma_semaphore, #tpu.memory_space<semaphore_mem>>) src(%arg10 : memref<800x32xbf16, #tpu.memory_space<vmem>>) dst(%dma_wait3A_68 : memref<800x32xbf16, #tpu.memory_space<vmem_shared>>)
      tpu.yield
    }) : () -> ()
    %mul3A_30 = arith.constant 6256 : i32
    %mul3A_31 = arith.muli %arg1, %mul3A_30 : i32
    %add3A_32 = arith.constant 4000 : i32
    %add3A_33 = arith.addi %mul3A_31, %add3A_32 : i32
    %multiple_of3A_34 = tpu.assume_multiple %add3A_33, 8 : i32
    "tpu.region"() ({
      %run_scoped3A = tpu.sem_alloc : memref<!tpu.dma_semaphore, #tpu.memory_space<semaphore_mem>>
      %dma_start3A = arith.constant 0 : i32
      %dma_start3A_63 = tpu.memref_slice %arg15[%multiple_of3A_34, %dma_start3A] : memref<100096x32xbf16, #tpu.memory_space<vmem_shared>> -> memref<800x32xbf16, #tpu.memory_space<vmem_shared>>
      %dma_start3A_64 = arith.constant 0 : i32
      %dma_start3A_65 = tpu.memref_slice %arg15[%multiple_of3A_34, %dma_start3A_64] : memref<100096x32xbf16, #tpu.memory_space<vmem_shared>> -> memref<800x32xbf16, #tpu.memory_space<vmem_shared>>
      tpu.enqueue_dma source(%arg10 : memref<800x32xbf16, #tpu.memory_space<vmem>>) target(%dma_start3A_65 : memref<800x32xbf16, #tpu.memory_space<vmem_shared>>) target_semaphore(%run_scoped3A : memref<!tpu.dma_semaphore, #tpu.memory_space<semaphore_mem>>)
      %dma_wait3A = arith.constant 0 : i32
      %dma_wait3A_66 = tpu.memref_slice %arg15[%multiple_of3A_34, %dma_wait3A] : memref<100096x32xbf16, #tpu.memory_space<vmem_shared>> -> memref<800x32xbf16, #tpu.memory_space<vmem_shared>>
      %dma_wait3A_67 = arith.constant 0 : i32
      %dma_wait3A_68 = tpu.memref_slice %arg15[%multiple_of3A_34, %dma_wait3A_67] : memref<100096x32xbf16, #tpu.memory_space<vmem_shared>> -> memref<800x32xbf16, #tpu.memory_space<vmem_shared>>
      tpu.wait_dma2 semaphore(%run_scoped3A : memref<!tpu.dma_semaphore, #tpu.memory_space<semaphore_mem>>) src(%arg10 : memref<800x32xbf16, #tpu.memory_space<vmem>>) dst(%dma_wait3A_68 : memref<800x32xbf16, #tpu.memory_space<vmem_shared>>)
      tpu.yield
    }) : () -> ()
    %mul3A_35 = arith.constant 6256 : i32
    %mul3A_36 = arith.muli %arg1, %mul3A_35 : i32
    %add3A_37 = arith.constant 4800 : i32
    %add3A_38 = arith.addi %mul3A_36, %add3A_37 : i32
    %multiple_of3A_39 = tpu.assume_multiple %add3A_38, 8 : i32
    "tpu.region"() ({
      %run_scoped3A = tpu.sem_alloc : memref<!tpu.dma_semaphore, #tpu.memory_space<semaphore_mem>>
      %dma_start3A = arith.constant 0 : i32
      %dma_start3A_63 = tpu.memref_slice %arg15[%multiple_of3A_39, %dma_start3A] : memref<100096x32xbf16, #tpu.memory_space<vmem_shared>> -> memref<800x32xbf16, #tpu.memory_space<vmem_shared>>
      %dma_start3A_64 = arith.constant 0 : i32
      %dma_start3A_65 = tpu.memref_slice %arg15[%multiple_of3A_39, %dma_start3A_64] : memref<100096x32xbf16, #tpu.memory_space<vmem_shared>> -> memref<800x32xbf16, #tpu.memory_space<vmem_shared>>
      tpu.enqueue_dma source(%arg10 : memref<800x32xbf16, #tpu.memory_space<vmem>>) target(%dma_start3A_65 : memref<800x32xbf16, #tpu.memory_space<vmem_shared>>) target_semaphore(%run_scoped3A : memref<!tpu.dma_semaphore, #tpu.memory_space<semaphore_mem>>)
      %dma_wait3A = arith.constant 0 : i32
      %dma_wait3A_66 = tpu.memref_slice %arg15[%multiple_of3A_39, %dma_wait3A] : memref<100096x32xbf16, #tpu.memory_space<vmem_shared>> -> memref<800x32xbf16, #tpu.memory_space<vmem_shared>>
      %dma_wait3A_67 = arith.constant 0 : i32
      %dma_wait3A_68 = tpu.memref_slice %arg15[%multiple_of3A_39, %dma_wait3A_67] : memref<100096x32xbf16, #tpu.memory_space<vmem_shared>> -> memref<800x32xbf16, #tpu.memory_space<vmem_shared>>
      tpu.wait_dma2 semaphore(%run_scoped3A : memref<!tpu.dma_semaphore, #tpu.memory_space<semaphore_mem>>) src(%arg10 : memref<800x32xbf16, #tpu.memory_space<vmem>>) dst(%dma_wait3A_68 : memref<800x32xbf16, #tpu.memory_space<vmem_shared>>)
      tpu.yield
    }) : () -> ()
    %mul3A_40 = arith.constant 6256 : i32
    %mul3A_41 = arith.muli %arg1, %mul3A_40 : i32
    %add3A_42 = arith.constant 5600 : i32
    %add3A_43 = arith.addi %mul3A_41, %add3A_42 : i32
    %multiple_of3A_44 = tpu.assume_multiple %add3A_43, 8 : i32
    "tpu.region"() ({
      %run_scoped3A = tpu.sem_alloc : memref<!tpu.dma_semaphore, #tpu.memory_space<semaphore_mem>>
      %dma_start3A = arith.constant 0 : i32
      %dma_start3A_63 = arith.constant 0 : i32
      %dma_start3A_64 = tpu.memref_slice %arg10[%dma_start3A, %dma_start3A_63] : memref<800x32xbf16, #tpu.memory_space<vmem>> -> memref<656x32xbf16, #tpu.memory_space<vmem>>
      %dma_start3A_65 = arith.constant 0 : i32
      %dma_start3A_66 = tpu.memref_slice %arg15[%multiple_of3A_44, %dma_start3A_65] : memref<100096x32xbf16, #tpu.memory_space<vmem_shared>> -> memref<656x32xbf16, #tpu.memory_space<vmem_shared>>
      %dma_start3A_67 = arith.constant 0 : i32
      %dma_start3A_68 = tpu.memref_slice %arg15[%multiple_of3A_44, %dma_start3A_67] : memref<100096x32xbf16, #tpu.memory_space<vmem_shared>> -> memref<656x32xbf16, #tpu.memory_space<vmem_shared>>
      %dma_start3A_69 = arith.constant 0 : i32
      %dma_start3A_70 = arith.constant 0 : i32
      %dma_start3A_71 = tpu.memref_slice %arg10[%dma_start3A_69, %dma_start3A_70] : memref<800x32xbf16, #tpu.memory_space<vmem>> -> memref<656x32xbf16, #tpu.memory_space<vmem>>
      tpu.enqueue_dma source(%dma_start3A_71 : memref<656x32xbf16, #tpu.memory_space<vmem>>) target(%dma_start3A_68 : memref<656x32xbf16, #tpu.memory_space<vmem_shared>>) target_semaphore(%run_scoped3A : memref<!tpu.dma_semaphore, #tpu.memory_space<semaphore_mem>>)
      %dma_wait3A = arith.constant 0 : i32
      %dma_wait3A_72 = arith.constant 0 : i32
      %dma_wait3A_73 = tpu.memref_slice %arg10[%dma_wait3A, %dma_wait3A_72] : memref<800x32xbf16, #tpu.memory_space<vmem>> -> memref<656x32xbf16, #tpu.memory_space<vmem>>
      %dma_wait3A_74 = arith.constant 0 : i32
      %dma_wait3A_75 = tpu.memref_slice %arg15[%multiple_of3A_44, %dma_wait3A_74] : memref<100096x32xbf16, #tpu.memory_space<vmem_shared>> -> memref<656x32xbf16, #tpu.memory_space<vmem_shared>>
      %dma_wait3A_76 = arith.constant 0 : i32
      %dma_wait3A_77 = tpu.memref_slice %arg15[%multiple_of3A_44, %dma_wait3A_76] : memref<100096x32xbf16, #tpu.memory_space<vmem_shared>> -> memref<656x32xbf16, #tpu.memory_space<vmem_shared>>
      %dma_wait3A_78 = arith.constant 0 : i32
      %dma_wait3A_79 = arith.constant 0 : i32
      %dma_wait3A_80 = tpu.memref_slice %arg10[%dma_wait3A_78, %dma_wait3A_79] : memref<800x32xbf16, #tpu.memory_space<vmem>> -> memref<656x32xbf16, #tpu.memory_space<vmem>>
      tpu.wait_dma2 semaphore(%run_scoped3A : memref<!tpu.dma_semaphore, #tpu.memory_space<semaphore_mem>>) src(%dma_wait3A_80 : memref<656x32xbf16, #tpu.memory_space<vmem>>) dst(%dma_wait3A_77 : memref<656x32xbf16, #tpu.memory_space<vmem_shared>>)
      tpu.yield
    }) : () -> ()
    %barrier3A = arith.constant 0 : index
    tpu.barrier barrier_id(%barrier3A)
    %mul3A_45 = arith.constant 200000 : i32
    %mul3A_46 = arith.muli %arg1, %mul3A_45 : i32
    %scan3A_47 = arith.constant 0 : i32
    %scan3A_48 = arith.constant 0 : i32
    %scan3A_49 = arith.constant 125 : i32
    %scan3A_50 = arith.addi %scan3A_48, %scan3A_49 : i32
    %scan3A_51 = arith.constant 1 : i32
    scf.for %scan3A_63 = %scan3A_48 to %scan3A_50 step %scan3A_51  : i32 {
      %mul3A_64 = arith.constant 2 : i32
      %mul3A_65 = arith.muli %mul3A_64, %scan3A_63 : i32
      %mul3A_66 = arith.constant 800 : i32
      %mul3A_67 = arith.muli %mul3A_65, %mul3A_66 : i32
      %add3A_68 = arith.addi %mul3A_46, %mul3A_67 : i32
      %mul3A_69 = arith.constant 2 : i32
      %mul3A_70 = arith.muli %mul3A_69, %scan3A_63 : i32
      %mul3A_71 = arith.constant 800 : i32
      %mul3A_72 = arith.muli %mul3A_70, %mul3A_71 : i32
      %add3A_73 = arith.addi %mul3A_46, %mul3A_72 : i32
      %add3A_74 = arith.constant 800 : i32
      %add3A_75 = arith.addi %add3A_73, %add3A_74 : i32
      %dma_start3A = tpu.memref_slice %arg3[%add3A_68] : memref<3200000xi32, #tpu.memory_space<hbm>> -> memref<800xi32, #tpu.memory_space<hbm>>
      %dma_start3A_76 = tpu.memref_slice %arg3[%add3A_68] : memref<3200000xi32, #tpu.memory_space<hbm>> -> memref<800xi32, #tpu.memory_space<hbm>>
      tpu.enqueue_dma source(%dma_start3A_76 : memref<800xi32, #tpu.memory_space<hbm>>) target(%arg7 : memref<800xi32, #tpu.memory_space<vmem>>) target_semaphore(%arg16 : memref<!tpu.dma_semaphore, #tpu.memory_space<semaphore_mem>>)
      %dma_start3A_77 = tpu.memref_slice %arg4[%add3A_68] : memref<3200000xi32, #tpu.memory_space<hbm>> -> memref<800xi32, #tpu.memory_space<hbm>>
      %dma_start3A_78 = tpu.memref_slice %arg4[%add3A_68] : memref<3200000xi32, #tpu.memory_space<hbm>> -> memref<800xi32, #tpu.memory_space<hbm>>
      tpu.enqueue_dma source(%dma_start3A_78 : memref<800xi32, #tpu.memory_space<hbm>>) target(%arg8 : memref<800xi32, #tpu.memory_space<vmem>>) target_semaphore(%arg16 : memref<!tpu.dma_semaphore, #tpu.memory_space<semaphore_mem>>)
      %dma_start3A_79 = tpu.memref_slice %arg5[%add3A_68] : memref<3200000xf32, #tpu.memory_space<hbm>> -> memref<800xf32, #tpu.memory_space<hbm>>
      %dma_start3A_80 = tpu.memref_slice %arg5[%add3A_68] : memref<3200000xf32, #tpu.memory_space<hbm>> -> memref<800xf32, #tpu.memory_space<hbm>>
      tpu.enqueue_dma source(%dma_start3A_80 : memref<800xf32, #tpu.memory_space<hbm>>) target(%arg9 : memref<800xf32, #tpu.memory_space<vmem>>) target_semaphore(%arg16 : memref<!tpu.dma_semaphore, #tpu.memory_space<semaphore_mem>>)
      %dma_start3A_81 = tpu.memref_slice %arg3[%add3A_75] : memref<3200000xi32, #tpu.memory_space<hbm>> -> memref<800xi32, #tpu.memory_space<hbm>>
      %dma_start3A_82 = tpu.memref_slice %arg3[%add3A_75] : memref<3200000xi32, #tpu.memory_space<hbm>> -> memref<800xi32, #tpu.memory_space<hbm>>
      tpu.enqueue_dma source(%dma_start3A_82 : memref<800xi32, #tpu.memory_space<hbm>>) target(%arg11 : memref<800xi32, #tpu.memory_space<vmem>>) target_semaphore(%arg19 : memref<!tpu.dma_semaphore, #tpu.memory_space<semaphore_mem>>)
      %dma_start3A_83 = tpu.memref_slice %arg4[%add3A_75] : memref<3200000xi32, #tpu.memory_space<hbm>> -> memref<800xi32, #tpu.memory_space<hbm>>
      %dma_start3A_84 = tpu.memref_slice %arg4[%add3A_75] : memref<3200000xi32, #tpu.memory_space<hbm>> -> memref<800xi32, #tpu.memory_space<hbm>>
      tpu.enqueue_dma source(%dma_start3A_84 : memref<800xi32, #tpu.memory_space<hbm>>) target(%arg12 : memref<800xi32, #tpu.memory_space<vmem>>) target_semaphore(%arg19 : memref<!tpu.dma_semaphore, #tpu.memory_space<semaphore_mem>>)
      %dma_start3A_85 = tpu.memref_slice %arg5[%add3A_75] : memref<3200000xf32, #tpu.memory_space<hbm>> -> memref<800xf32, #tpu.memory_space<hbm>>
      %dma_start3A_86 = tpu.memref_slice %arg5[%add3A_75] : memref<3200000xf32, #tpu.memory_space<hbm>> -> memref<800xf32, #tpu.memory_space<hbm>>
      tpu.enqueue_dma source(%dma_start3A_86 : memref<800xf32, #tpu.memory_space<hbm>>) target(%arg13 : memref<800xf32, #tpu.memory_space<vmem>>) target_semaphore(%arg19 : memref<!tpu.dma_semaphore, #tpu.memory_space<semaphore_mem>>)
      %dma_wait3A = tpu.memref_slice %arg3[%add3A_68] : memref<3200000xi32, #tpu.memory_space<hbm>> -> memref<800xi32, #tpu.memory_space<hbm>>
      %dma_wait3A_87 = tpu.memref_slice %arg3[%add3A_68] : memref<3200000xi32, #tpu.memory_space<hbm>> -> memref<800xi32, #tpu.memory_space<hbm>>
      tpu.wait_dma2 semaphore(%arg16 : memref<!tpu.dma_semaphore, #tpu.memory_space<semaphore_mem>>) src(%dma_wait3A_87 : memref<800xi32, #tpu.memory_space<hbm>>) dst(%arg7 : memref<800xi32, #tpu.memory_space<vmem>>)
      %dma_start3A_88 = arith.constant 0 : i32
      %dma_start3A_89 = tpu.memref_slice %arg2[%multiple_of3A, %dma_start3A_88] : memref<200192x32xbf16, #tpu.memory_space<hbm>> -> memref<100096x32xbf16, #tpu.memory_space<hbm>>
      %dma_start3A_90 = arith.constant 0 : i32
      %dma_start3A_91 = arith.constant 0 : i32
      %dma_start3A_92 = tpu.memref_slice %dma_start3A_89[%dma_start3A_90, %dma_start3A_91] : memref<100096x32xbf16, #tpu.memory_space<hbm>> -> memref<100096x32xbf16, #tpu.memory_space<hbm>>
      tpu.enqueue_indirect_dma source(%dma_start3A_92 : memref<100096x32xbf16, #tpu.memory_space<hbm>>) target(%arg10 : memref<800x32xbf16, #tpu.memory_space<vmem>>) offsets(%arg7 : memref<800xi32, #tpu.memory_space<vmem>>) semaphore(%arg17 : memref<!tpu.dma_semaphore, #tpu.memory_space<semaphore_mem>>)
      %dma_wait3A_93 = tpu.memref_slice %arg3[%add3A_75] : memref<3200000xi32, #tpu.memory_space<hbm>> -> memref<800xi32, #tpu.memory_space<hbm>>
      %dma_wait3A_94 = tpu.memref_slice %arg3[%add3A_75] : memref<3200000xi32, #tpu.memory_space<hbm>> -> memref<800xi32, #tpu.memory_space<hbm>>
      tpu.wait_dma2 semaphore(%arg19 : memref<!tpu.dma_semaphore, #tpu.memory_space<semaphore_mem>>) src(%dma_wait3A_94 : memref<800xi32, #tpu.memory_space<hbm>>) dst(%arg11 : memref<800xi32, #tpu.memory_space<vmem>>)
      %dma_start3A_95 = arith.constant 0 : i32
      %dma_start3A_96 = tpu.memref_slice %arg2[%multiple_of3A, %dma_start3A_95] : memref<200192x32xbf16, #tpu.memory_space<hbm>> -> memref<100096x32xbf16, #tpu.memory_space<hbm>>
      %dma_start3A_97 = arith.constant 0 : i32
      %dma_start3A_98 = arith.constant 0 : i32
      %dma_start3A_99 = tpu.memref_slice %dma_start3A_96[%dma_start3A_97, %dma_start3A_98] : memref<100096x32xbf16, #tpu.memory_space<hbm>> -> memref<100096x32xbf16, #tpu.memory_space<hbm>>
      tpu.enqueue_indirect_dma source(%dma_start3A_99 : memref<100096x32xbf16, #tpu.memory_space<hbm>>) target(%arg14 : memref<800x32xbf16, #tpu.memory_space<vmem>>) offsets(%arg11 : memref<800xi32, #tpu.memory_space<vmem>>) semaphore(%arg20 : memref<!tpu.dma_semaphore, #tpu.memory_space<semaphore_mem>>)
      %dma_wait3A_100 = tpu.memref_slice %arg5[%add3A_68] : memref<3200000xf32, #tpu.memory_space<hbm>> -> memref<800xf32, #tpu.memory_space<hbm>>
      %dma_wait3A_101 = tpu.memref_slice %arg5[%add3A_68] : memref<3200000xf32, #tpu.memory_space<hbm>> -> memref<800xf32, #tpu.memory_space<hbm>>
      tpu.wait_dma2 semaphore(%arg16 : memref<!tpu.dma_semaphore, #tpu.memory_space<semaphore_mem>>) src(%dma_wait3A_101 : memref<800xf32, #tpu.memory_space<hbm>>) dst(%arg9 : memref<800xf32, #tpu.memory_space<vmem>>)
      %dma_wait3A_102 = arith.constant 0 : i32
      %dma_wait3A_103 = tpu.memref_slice %arg2[%multiple_of3A, %dma_wait3A_102] : memref<200192x32xbf16, #tpu.memory_space<hbm>> -> memref<100096x32xbf16, #tpu.memory_space<hbm>>
      %dma_wait3A_104 = arith.constant 0 : i32
      %dma_wait3A_105 = arith.constant 0 : i32
      %dma_wait3A_106 = tpu.memref_slice %dma_wait3A_103[%dma_wait3A_104, %dma_wait3A_105] : memref<100096x32xbf16, #tpu.memory_space<hbm>> -> memref<100096x32xbf16, #tpu.memory_space<hbm>>
      tpu.wait_indirect_dma semaphore(%arg17 : memref<!tpu.dma_semaphore, #tpu.memory_space<semaphore_mem>>) src(%dma_wait3A_106 : memref<100096x32xbf16, #tpu.memory_space<hbm>>) dst(%arg10 : memref<800x32xbf16, #tpu.memory_space<vmem>>)
      %parallel_loop3A = arith.constant 0 : i32
      %parallel_loop3A_107 = arith.constant 800 : i32
      %parallel_loop3A_108 = arith.constant 1 : i32
      scf.for %parallel_loop3A_135 = %parallel_loop3A to %parallel_loop3A_107 step %parallel_loop3A_108  : i32 {
        %parallel_loop3A_136 = vector.broadcast %parallel_loop3A_135 : i32 to vector<16xi32>
        %parallel_loop3A_137 = tpu.vector_load_idx %arg9[%parallel_loop3A_136] : memref<800xf32, #tpu.memory_space<vmem>>[vector<16xi32>], vector<16xf32>,
        %parallel_loop3A_138 = arith.index_cast %parallel_loop3A_135 : i32 to index
        %parallel_loop3A_139 = arith.constant 0 : index
        %parallel_loop3A_140 = tpu.vector_load %arg10[%parallel_loop3A_138, %parallel_loop3A_139] {strides = array<i32>} : memref<800x32xbf16, #tpu.memory_space<vmem>>, vector<32xbf16>,
        %parallel_loop3A_141 = tpu.unpack_subelements %parallel_loop3A_140, 0 {pack_format = #tpu.pack_format<interleaved>} : vector<32xbf16> -> vector<16xf32>
        %parallel_loop3A_142 = tpu.unpack_subelements %parallel_loop3A_140, 1 {pack_format = #tpu.pack_format<interleaved>} : vector<32xbf16> -> vector<16xf32>
        %parallel_loop3A_143 = arith.mulf %parallel_loop3A_141, %parallel_loop3A_137 : vector<16xf32>
        %parallel_loop3A_144 = arith.mulf %parallel_loop3A_142, %parallel_loop3A_137 : vector<16xf32>
        %parallel_loop3A_145 = tpu.pack_subelements %parallel_loop3A_143, %parallel_loop3A_144 {pack_format = #tpu.pack_format<interleaved>, positions = array<i32: 0, 1>} : vector<16xf32>, vector<16xf32> -> vector<32xbf16>
        %parallel_loop3A_146 = arith.index_cast %parallel_loop3A_135 : i32 to index
        %parallel_loop3A_147 = arith.constant 0 : index
        %parallel_loop3A_148 = tpu.vector_load %arg10[%parallel_loop3A_146, %parallel_loop3A_147] {strides = array<i32>} : memref<800x32xbf16, #tpu.memory_space<vmem>>, vector<32xbf16>,
        tpu.vector_store %arg10[%parallel_loop3A_146, %parallel_loop3A_147], %parallel_loop3A_145 {strides = array<i32>} : memref<800x32xbf16, #tpu.memory_space<vmem>>, vector<32xbf16>,
      } {sc.loop_unroll_factor = 8 : i64, sc.parallel_access}
      %dma_wait3A_109 = tpu.memref_slice %arg4[%add3A_68] : memref<3200000xi32, #tpu.memory_space<hbm>> -> memref<800xi32, #tpu.memory_space<hbm>>
      %dma_wait3A_110 = tpu.memref_slice %arg4[%add3A_68] : memref<3200000xi32, #tpu.memory_space<hbm>> -> memref<800xi32, #tpu.memory_space<hbm>>
      tpu.wait_dma2 semaphore(%arg16 : memref<!tpu.dma_semaphore, #tpu.memory_space<semaphore_mem>>) src(%dma_wait3A_110 : memref<800xi32, #tpu.memory_space<hbm>>) dst(%arg8 : memref<800xi32, #tpu.memory_space<vmem>>)
      %dma_start3A_111 = arith.constant 0 : i32
      %dma_start3A_112 = arith.constant 0 : i32
      %dma_start3A_113 = tpu.memref_slice %arg15[%dma_start3A_111, %dma_start3A_112] : memref<100096x32xbf16, #tpu.memory_space<vmem_shared>> -> memref<100096x32xbf16, #tpu.memory_space<vmem_shared>>
      tpu.enqueue_indirect_dma source(%arg10 : memref<800x32xbf16, #tpu.memory_space<vmem>>) target(%dma_start3A_113 : memref<100096x32xbf16, #tpu.memory_space<vmem_shared>>) offsets(%arg8 : memref<800xi32, #tpu.memory_space<vmem>>) semaphore(%arg18 : memref<!tpu.dma_semaphore, #tpu.memory_space<semaphore_mem>>) {add = true}
      %dma_wait3A_114 = tpu.memref_slice %arg5[%add3A_75] : memref<3200000xf32, #tpu.memory_space<hbm>> -> memref<800xf32, #tpu.memory_space<hbm>>
      %dma_wait3A_115 = tpu.memref_slice %arg5[%add3A_75] : memref<3200000xf32, #tpu.memory_space<hbm>> -> memref<800xf32, #tpu.memory_space<hbm>>
      tpu.wait_dma2 semaphore(%arg19 : memref<!tpu.dma_semaphore, #tpu.memory_space<semaphore_mem>>) src(%dma_wait3A_115 : memref<800xf32, #tpu.memory_space<hbm>>) dst(%arg13 : memref<800xf32, #tpu.memory_space<vmem>>)
      %dma_wait3A_116 = arith.constant 0 : i32
      %dma_wait3A_117 = tpu.memref_slice %arg2[%multiple_of3A, %dma_wait3A_116] : memref<200192x32xbf16, #tpu.memory_space<hbm>> -> memref<100096x32xbf16, #tpu.memory_space<hbm>>
      %dma_wait3A_118 = arith.constant 0 : i32
      %dma_wait3A_119 = arith.constant 0 : i32
      %dma_wait3A_120 = tpu.memref_slice %dma_wait3A_117[%dma_wait3A_118, %dma_wait3A_119] : memref<100096x32xbf16, #tpu.memory_space<hbm>> -> memref<100096x32xbf16, #tpu.memory_space<hbm>>
      tpu.wait_indirect_dma semaphore(%arg20 : memref<!tpu.dma_semaphore, #tpu.memory_space<semaphore_mem>>) src(%dma_wait3A_120 : memref<100096x32xbf16, #tpu.memory_space<hbm>>) dst(%arg14 : memref<800x32xbf16, #tpu.memory_space<vmem>>)
      %parallel_loop3A_121 = arith.constant 0 : i32
      %parallel_loop3A_122 = arith.constant 800 : i32
      %parallel_loop3A_123 = arith.constant 1 : i32
      scf.for %parallel_loop3A_135 = %parallel_loop3A_121 to %parallel_loop3A_122 step %parallel_loop3A_123  : i32 {
        %parallel_loop3A_136 = vector.broadcast %parallel_loop3A_135 : i32 to vector<16xi32>
        %parallel_loop3A_137 = tpu.vector_load_idx %arg13[%parallel_loop3A_136] : memref<800xf32, #tpu.memory_space<vmem>>[vector<16xi32>], vector<16xf32>,
        %parallel_loop3A_138 = arith.index_cast %parallel_loop3A_135 : i32 to index
        %parallel_loop3A_139 = arith.constant 0 : index
        %parallel_loop3A_140 = tpu.vector_load %arg14[%parallel_loop3A_138, %parallel_loop3A_139] {strides = array<i32>} : memref<800x32xbf16, #tpu.memory_space<vmem>>, vector<32xbf16>,
        %parallel_loop3A_141 = tpu.unpack_subelements %parallel_loop3A_140, 0 {pack_format = #tpu.pack_format<interleaved>} : vector<32xbf16> -> vector<16xf32>
        %parallel_loop3A_142 = tpu.unpack_subelements %parallel_loop3A_140, 1 {pack_format = #tpu.pack_format<interleaved>} : vector<32xbf16> -> vector<16xf32>
        %parallel_loop3A_143 = arith.mulf %parallel_loop3A_141, %parallel_loop3A_137 : vector<16xf32>
        %parallel_loop3A_144 = arith.mulf %parallel_loop3A_142, %parallel_loop3A_137 : vector<16xf32>
        %parallel_loop3A_145 = tpu.pack_subelements %parallel_loop3A_143, %parallel_loop3A_144 {pack_format = #tpu.pack_format<interleaved>, positions = array<i32: 0, 1>} : vector<16xf32>, vector<16xf32> -> vector<32xbf16>
        %parallel_loop3A_146 = arith.index_cast %parallel_loop3A_135 : i32 to index
        %parallel_loop3A_147 = arith.constant 0 : index
        %parallel_loop3A_148 = tpu.vector_load %arg14[%parallel_loop3A_146, %parallel_loop3A_147] {strides = array<i32>} : memref<800x32xbf16, #tpu.memory_space<vmem>>, vector<32xbf16>,
        tpu.vector_store %arg14[%parallel_loop3A_146, %parallel_loop3A_147], %parallel_loop3A_145 {strides = array<i32>} : memref<800x32xbf16, #tpu.memory_space<vmem>>, vector<32xbf16>,
      } {sc.loop_unroll_factor = 8 : i64, sc.parallel_access}
      %dma_wait3A_124 = tpu.memref_slice %arg4[%add3A_75] : memref<3200000xi32, #tpu.memory_space<hbm>> -> memref<800xi32, #tpu.memory_space<hbm>>
      %dma_wait3A_125 = tpu.memref_slice %arg4[%add3A_75] : memref<3200000xi32, #tpu.memory_space<hbm>> -> memref<800xi32, #tpu.memory_space<hbm>>
      tpu.wait_dma2 semaphore(%arg19 : memref<!tpu.dma_semaphore, #tpu.memory_space<semaphore_mem>>) src(%dma_wait3A_125 : memref<800xi32, #tpu.memory_space<hbm>>) dst(%arg12 : memref<800xi32, #tpu.memory_space<vmem>>)
      %dma_start3A_126 = arith.constant 0 : i32
      %dma_start3A_127 = arith.constant 0 : i32
      %dma_start3A_128 = tpu.memref_slice %arg15[%dma_start3A_126, %dma_start3A_127] : memref<100096x32xbf16, #tpu.memory_space<vmem_shared>> -> memref<100096x32xbf16, #tpu.memory_space<vmem_shared>>
      tpu.enqueue_indirect_dma source(%arg14 : memref<800x32xbf16, #tpu.memory_space<vmem>>) target(%dma_start3A_128 : memref<100096x32xbf16, #tpu.memory_space<vmem_shared>>) offsets(%arg12 : memref<800xi32, #tpu.memory_space<vmem>>) semaphore(%arg21 : memref<!tpu.dma_semaphore, #tpu.memory_space<semaphore_mem>>) {add = true}
      %dma_wait3A_129 = arith.constant 0 : i32
      %dma_wait3A_130 = arith.constant 0 : i32
      %dma_wait3A_131 = tpu.memref_slice %arg15[%dma_wait3A_129, %dma_wait3A_130] : memref<100096x32xbf16, #tpu.memory_space<vmem_shared>> -> memref<100096x32xbf16, #tpu.memory_space<vmem_shared>>
      tpu.wait_indirect_dma semaphore(%arg18 : memref<!tpu.dma_semaphore, #tpu.memory_space<semaphore_mem>>) src(%arg10 : memref<800x32xbf16, #tpu.memory_space<vmem>>) dst(%dma_wait3A_131 : memref<100096x32xbf16, #tpu.memory_space<vmem_shared>>)
      %dma_wait3A_132 = arith.constant 0 : i32
      %dma_wait3A_133 = arith.constant 0 : i32
      %dma_wait3A_134 = tpu.memref_slice %arg15[%dma_wait3A_132, %dma_wait3A_133] : memref<100096x32xbf16, #tpu.memory_space<vmem_shared>> -> memref<100096x32xbf16, #tpu.memory_space<vmem_shared>>
      tpu.wait_indirect_dma semaphore(%arg21 : memref<!tpu.dma_semaphore, #tpu.memory_space<semaphore_mem>>) src(%arg14 : memref<800x32xbf16, #tpu.memory_space<vmem>>) dst(%dma_wait3A_134 : memref<100096x32xbf16, #tpu.memory_space<vmem_shared>>)
    }
    %scan3A_52 = arith.constant 125 : i32
    %barrier3A_53 = arith.constant 0 : index
    tpu.barrier barrier_id(%barrier3A_53)
    %mul3A_54 = arith.constant 6256 : i32
    %mul3A_55 = arith.muli %arg1, %mul3A_54 : i32
    %multiple_of3A_56 = tpu.assume_multiple %mul3A_55, 8 : i32
    %mul3A_57 = arith.constant 100096 : i32
    %mul3A_58 = arith.muli %arg0, %mul3A_57 : i32
    %mul3A_59 = arith.constant 6256 : i32
    %mul3A_60 = arith.muli %arg1, %mul3A_59 : i32
    %add3A_61 = arith.addi %mul3A_58, %mul3A_60 : i32
    %multiple_of3A_62 = tpu.assume_multiple %add3A_61, 8 : i32
    "tpu.region"() ({
      %run_scoped3A = tpu.sem_alloc : memref<!tpu.dma_semaphore, #tpu.memory_space<semaphore_mem>>
      %dma_start3A = arith.constant 0 : i32
      %dma_start3A_63 = tpu.memref_slice %arg6[%multiple_of3A_62, %dma_start3A] : memref<200192x32xbf16, #tpu.memory_space<hbm>> -> memref<6256x32xbf16, #tpu.memory_space<hbm>>
      %dma_start3A_64 = arith.constant 0 : i32
      %dma_start3A_65 = tpu.memref_slice %arg15[%multiple_of3A_56, %dma_start3A_64] : memref<100096x32xbf16, #tpu.memory_space<vmem_shared>> -> memref<6256x32xbf16, #tpu.memory_space<vmem_shared>>
      tpu.enqueue_dma source(%dma_start3A_65 : memref<6256x32xbf16, #tpu.memory_space<vmem_shared>>) target(%dma_start3A_63 : memref<6256x32xbf16, #tpu.memory_space<hbm>>) target_semaphore(%run_scoped3A : memref<!tpu.dma_semaphore, #tpu.memory_space<semaphore_mem>>)
      %dma_wait3A = arith.constant 0 : i32
      %dma_wait3A_66 = tpu.memref_slice %arg6[%multiple_of3A_62, %dma_wait3A] : memref<200192x32xbf16, #tpu.memory_space<hbm>> -> memref<6256x32xbf16, #tpu.memory_space<hbm>>
      %dma_wait3A_67 = arith.constant 0 : i32
      %dma_wait3A_68 = tpu.memref_slice %arg15[%multiple_of3A_56, %dma_wait3A_67] : memref<100096x32xbf16, #tpu.memory_space<vmem_shared>> -> memref<6256x32xbf16, #tpu.memory_space<vmem_shared>>
      tpu.wait_dma2 semaphore(%run_scoped3A : memref<!tpu.dma_semaphore, #tpu.memory_space<semaphore_mem>>) src(%dma_wait3A_68 : memref<6256x32xbf16, #tpu.memory_space<vmem_shared>>) dst(%dma_wait3A_66 : memref<6256x32xbf16, #tpu.memory_space<hbm>>)
      tpu.yield
    }) : () -> ()
    return
  }
}

#map = affine_map<(d0, d1) -> (0, 0)>
#map1 = affine_map<(d0, d1) -> (0)>
module attributes {stable_mosaic.version = 14 : i64} {
  func.func @_agg_mid(%arg0: i32, %arg1: i32, %arg2: memref<200192x32xbf16, #tpu.memory_space<hbm>>, %arg3: memref<3200000xi32, #tpu.memory_space<hbm>>, %arg4: memref<3200000xi32, #tpu.memory_space<hbm>>, %arg5: memref<3200000xf32, #tpu.memory_space<hbm>>, %arg6: memref<200192x32xbf16, #tpu.memory_space<hbm>>, %arg7: memref<800xi32, #tpu.memory_space<vmem>>, %arg8: memref<800xi32, #tpu.memory_space<vmem>>, %arg9: memref<800xf32, #tpu.memory_space<vmem>>, %arg10: memref<800x32xbf16, #tpu.memory_space<vmem>>, %arg11: memref<800xi32, #tpu.memory_space<vmem>>, %arg12: memref<800xi32, #tpu.memory_space<vmem>>, %arg13: memref<800xf32, #tpu.memory_space<vmem>>, %arg14: memref<800x32xbf16, #tpu.memory_space<vmem>>, %arg15: memref<100096x32xbf16, #tpu.memory_space<vmem_shared>>, %arg16: memref<!tpu.dma_semaphore, #tpu.memory_space<semaphore_mem>>, %arg17: memref<!tpu.dma_semaphore, #tpu.memory_space<semaphore_mem>>, %arg18: memref<!tpu.dma_semaphore, #tpu.memory_space<semaphore_mem>>, %arg19: memref<!tpu.dma_semaphore, #tpu.memory_space<semaphore_mem>>, %arg20: memref<!tpu.dma_semaphore, #tpu.memory_space<semaphore_mem>>, %arg21: memref<!tpu.dma_semaphore, #tpu.memory_space<semaphore_mem>>) attributes {dimension_semantics = [#tpu.dimension_semantics<core_parallel>, #tpu.dimension_semantics<subcore_parallel>], iteration_bounds = array<i64: 2, 16>, scalar_prefetch = 0 : i64, scratch_operands = 15 : i64, tpu.core_type = #tpu.core_type<sc_vector_subcore>, window_params = [{transform_indices = #map}, {transform_indices = #map1}, {transform_indices = #map1}, {transform_indices = #map1}, {transform_indices = #map}]} {
    %mul3A = arith.constant 100096 : i32
    %mul3A_0 = arith.muli %arg0, %mul3A : i32
    %multiple_of3A = tpu.assume_multiple %mul3A_0, 8 : i32
    %scan3A = arith.constant 0 : i32
    %scan3A_1 = arith.constant 0 : i32
    %scan3A_2 = arith.constant 800 : i32
    %scan3A_3 = arith.addi %scan3A_1, %scan3A_2 : i32
    %scan3A_4 = arith.constant 1 : i32
    scf.for %scan3A_63 = %scan3A_1 to %scan3A_3 step %scan3A_4  : i32 {
      %broadcast_in_dim3A = arith.constant 0.000000e+00 : bf16
      %broadcast_in_dim3A_64 = vector.broadcast %broadcast_in_dim3A : bf16 to vector<32xbf16>
      %swap3A = arith.index_cast %scan3A_63 : i32 to index
      %swap3A_65 = arith.constant 0 : index
      %swap3A_66 = tpu.vector_load %arg10[%swap3A, %swap3A_65] {strides = array<i32>} : memref<800x32xbf16, #tpu.memory_space<vmem>>, vector<32xbf16>,
      tpu.vector_store %arg10[%swap3A, %swap3A_65], %broadcast_in_dim3A_64 {strides = array<i32>} : memref<800x32xbf16, #tpu.memory_space<vmem>>, vector<32xbf16>,
    }
    %scan3A_5 = arith.constant 800 : i32
    %mul3A_6 = arith.constant 6256 : i32
    %mul3A_7 = arith.muli %arg1, %mul3A_6 : i32
    %add3A = arith.constant 0 : i32
    %add3A_8 = arith.addi %mul3A_7, %add3A : i32
    %multiple_of3A_9 = tpu.assume_multiple %add3A_8, 8 : i32
    "tpu.region"() ({
      %run_scoped3A = tpu.sem_alloc : memref<!tpu.dma_semaphore, #tpu.memory_space<semaphore_mem>>
      %dma_start3A = arith.constant 0 : i32
      %dma_start3A_63 = tpu.memref_slice %arg15[%multiple_of3A_9, %dma_start3A] : memref<100096x32xbf16, #tpu.memory_space<vmem_shared>> -> memref<800x32xbf16, #tpu.memory_space<vmem_shared>>
      %dma_start3A_64 = arith.constant 0 : i32
      %dma_start3A_65 = tpu.memref_slice %arg15[%multiple_of3A_9, %dma_start3A_64] : memref<100096x32xbf16, #tpu.memory_space<vmem_shared>> -> memref<800x32xbf16, #tpu.memory_space<vmem_shared>>
      tpu.enqueue_dma source(%arg10 : memref<800x32xbf16, #tpu.memory_space<vmem>>) target(%dma_start3A_65 : memref<800x32xbf16, #tpu.memory_space<vmem_shared>>) target_semaphore(%run_scoped3A : memref<!tpu.dma_semaphore, #tpu.memory_space<semaphore_mem>>)
      %dma_wait3A = arith.constant 0 : i32
      %dma_wait3A_66 = tpu.memref_slice %arg15[%multiple_of3A_9, %dma_wait3A] : memref<100096x32xbf16, #tpu.memory_space<vmem_shared>> -> memref<800x32xbf16, #tpu.memory_space<vmem_shared>>
      %dma_wait3A_67 = arith.constant 0 : i32
      %dma_wait3A_68 = tpu.memref_slice %arg15[%multiple_of3A_9, %dma_wait3A_67] : memref<100096x32xbf16, #tpu.memory_space<vmem_shared>> -> memref<800x32xbf16, #tpu.memory_space<vmem_shared>>
      tpu.wait_dma2 semaphore(%run_scoped3A : memref<!tpu.dma_semaphore, #tpu.memory_space<semaphore_mem>>) src(%arg10 : memref<800x32xbf16, #tpu.memory_space<vmem>>) dst(%dma_wait3A_68 : memref<800x32xbf16, #tpu.memory_space<vmem_shared>>)
      tpu.yield
    }) : () -> ()
    %mul3A_10 = arith.constant 6256 : i32
    %mul3A_11 = arith.muli %arg1, %mul3A_10 : i32
    %add3A_12 = arith.constant 800 : i32
    %add3A_13 = arith.addi %mul3A_11, %add3A_12 : i32
    %multiple_of3A_14 = tpu.assume_multiple %add3A_13, 8 : i32
    "tpu.region"() ({
      %run_scoped3A = tpu.sem_alloc : memref<!tpu.dma_semaphore, #tpu.memory_space<semaphore_mem>>
      %dma_start3A = arith.constant 0 : i32
      %dma_start3A_63 = tpu.memref_slice %arg15[%multiple_of3A_14, %dma_start3A] : memref<100096x32xbf16, #tpu.memory_space<vmem_shared>> -> memref<800x32xbf16, #tpu.memory_space<vmem_shared>>
      %dma_start3A_64 = arith.constant 0 : i32
      %dma_start3A_65 = tpu.memref_slice %arg15[%multiple_of3A_14, %dma_start3A_64] : memref<100096x32xbf16, #tpu.memory_space<vmem_shared>> -> memref<800x32xbf16, #tpu.memory_space<vmem_shared>>
      tpu.enqueue_dma source(%arg10 : memref<800x32xbf16, #tpu.memory_space<vmem>>) target(%dma_start3A_65 : memref<800x32xbf16, #tpu.memory_space<vmem_shared>>) target_semaphore(%run_scoped3A : memref<!tpu.dma_semaphore, #tpu.memory_space<semaphore_mem>>)
      %dma_wait3A = arith.constant 0 : i32
      %dma_wait3A_66 = tpu.memref_slice %arg15[%multiple_of3A_14, %dma_wait3A] : memref<100096x32xbf16, #tpu.memory_space<vmem_shared>> -> memref<800x32xbf16, #tpu.memory_space<vmem_shared>>
      %dma_wait3A_67 = arith.constant 0 : i32
      %dma_wait3A_68 = tpu.memref_slice %arg15[%multiple_of3A_14, %dma_wait3A_67] : memref<100096x32xbf16, #tpu.memory_space<vmem_shared>> -> memref<800x32xbf16, #tpu.memory_space<vmem_shared>>
      tpu.wait_dma2 semaphore(%run_scoped3A : memref<!tpu.dma_semaphore, #tpu.memory_space<semaphore_mem>>) src(%arg10 : memref<800x32xbf16, #tpu.memory_space<vmem>>) dst(%dma_wait3A_68 : memref<800x32xbf16, #tpu.memory_space<vmem_shared>>)
      tpu.yield
    }) : () -> ()
    %mul3A_15 = arith.constant 6256 : i32
    %mul3A_16 = arith.muli %arg1, %mul3A_15 : i32
    %add3A_17 = arith.constant 1600 : i32
    %add3A_18 = arith.addi %mul3A_16, %add3A_17 : i32
    %multiple_of3A_19 = tpu.assume_multiple %add3A_18, 8 : i32
    "tpu.region"() ({
      %run_scoped3A = tpu.sem_alloc : memref<!tpu.dma_semaphore, #tpu.memory_space<semaphore_mem>>
      %dma_start3A = arith.constant 0 : i32
      %dma_start3A_63 = tpu.memref_slice %arg15[%multiple_of3A_19, %dma_start3A] : memref<100096x32xbf16, #tpu.memory_space<vmem_shared>> -> memref<800x32xbf16, #tpu.memory_space<vmem_shared>>
      %dma_start3A_64 = arith.constant 0 : i32
      %dma_start3A_65 = tpu.memref_slice %arg15[%multiple_of3A_19, %dma_start3A_64] : memref<100096x32xbf16, #tpu.memory_space<vmem_shared>> -> memref<800x32xbf16, #tpu.memory_space<vmem_shared>>
      tpu.enqueue_dma source(%arg10 : memref<800x32xbf16, #tpu.memory_space<vmem>>) target(%dma_start3A_65 : memref<800x32xbf16, #tpu.memory_space<vmem_shared>>) target_semaphore(%run_scoped3A : memref<!tpu.dma_semaphore, #tpu.memory_space<semaphore_mem>>)
      %dma_wait3A = arith.constant 0 : i32
      %dma_wait3A_66 = tpu.memref_slice %arg15[%multiple_of3A_19, %dma_wait3A] : memref<100096x32xbf16, #tpu.memory_space<vmem_shared>> -> memref<800x32xbf16, #tpu.memory_space<vmem_shared>>
      %dma_wait3A_67 = arith.constant 0 : i32
      %dma_wait3A_68 = tpu.memref_slice %arg15[%multiple_of3A_19, %dma_wait3A_67] : memref<100096x32xbf16, #tpu.memory_space<vmem_shared>> -> memref<800x32xbf16, #tpu.memory_space<vmem_shared>>
      tpu.wait_dma2 semaphore(%run_scoped3A : memref<!tpu.dma_semaphore, #tpu.memory_space<semaphore_mem>>) src(%arg10 : memref<800x32xbf16, #tpu.memory_space<vmem>>) dst(%dma_wait3A_68 : memref<800x32xbf16, #tpu.memory_space<vmem_shared>>)
      tpu.yield
    }) : () -> ()
    %mul3A_20 = arith.constant 6256 : i32
    %mul3A_21 = arith.muli %arg1, %mul3A_20 : i32
    %add3A_22 = arith.constant 2400 : i32
    %add3A_23 = arith.addi %mul3A_21, %add3A_22 : i32
    %multiple_of3A_24 = tpu.assume_multiple %add3A_23, 8 : i32
    "tpu.region"() ({
      %run_scoped3A = tpu.sem_alloc : memref<!tpu.dma_semaphore, #tpu.memory_space<semaphore_mem>>
      %dma_start3A = arith.constant 0 : i32
      %dma_start3A_63 = tpu.memref_slice %arg15[%multiple_of3A_24, %dma_start3A] : memref<100096x32xbf16, #tpu.memory_space<vmem_shared>> -> memref<800x32xbf16, #tpu.memory_space<vmem_shared>>
      %dma_start3A_64 = arith.constant 0 : i32
      %dma_start3A_65 = tpu.memref_slice %arg15[%multiple_of3A_24, %dma_start3A_64] : memref<100096x32xbf16, #tpu.memory_space<vmem_shared>> -> memref<800x32xbf16, #tpu.memory_space<vmem_shared>>
      tpu.enqueue_dma source(%arg10 : memref<800x32xbf16, #tpu.memory_space<vmem>>) target(%dma_start3A_65 : memref<800x32xbf16, #tpu.memory_space<vmem_shared>>) target_semaphore(%run_scoped3A : memref<!tpu.dma_semaphore, #tpu.memory_space<semaphore_mem>>)
      %dma_wait3A = arith.constant 0 : i32
      %dma_wait3A_66 = tpu.memref_slice %arg15[%multiple_of3A_24, %dma_wait3A] : memref<100096x32xbf16, #tpu.memory_space<vmem_shared>> -> memref<800x32xbf16, #tpu.memory_space<vmem_shared>>
      %dma_wait3A_67 = arith.constant 0 : i32
      %dma_wait3A_68 = tpu.memref_slice %arg15[%multiple_of3A_24, %dma_wait3A_67] : memref<100096x32xbf16, #tpu.memory_space<vmem_shared>> -> memref<800x32xbf16, #tpu.memory_space<vmem_shared>>
      tpu.wait_dma2 semaphore(%run_scoped3A : memref<!tpu.dma_semaphore, #tpu.memory_space<semaphore_mem>>) src(%arg10 : memref<800x32xbf16, #tpu.memory_space<vmem>>) dst(%dma_wait3A_68 : memref<800x32xbf16, #tpu.memory_space<vmem_shared>>)
      tpu.yield
    }) : () -> ()
    %mul3A_25 = arith.constant 6256 : i32
    %mul3A_26 = arith.muli %arg1, %mul3A_25 : i32
    %add3A_27 = arith.constant 3200 : i32
    %add3A_28 = arith.addi %mul3A_26, %add3A_27 : i32
    %multiple_of3A_29 = tpu.assume_multiple %add3A_28, 8 : i32
    "tpu.region"() ({
      %run_scoped3A = tpu.sem_alloc : memref<!tpu.dma_semaphore, #tpu.memory_space<semaphore_mem>>
      %dma_start3A = arith.constant 0 : i32
      %dma_start3A_63 = tpu.memref_slice %arg15[%multiple_of3A_29, %dma_start3A] : memref<100096x32xbf16, #tpu.memory_space<vmem_shared>> -> memref<800x32xbf16, #tpu.memory_space<vmem_shared>>
      %dma_start3A_64 = arith.constant 0 : i32
      %dma_start3A_65 = tpu.memref_slice %arg15[%multiple_of3A_29, %dma_start3A_64] : memref<100096x32xbf16, #tpu.memory_space<vmem_shared>> -> memref<800x32xbf16, #tpu.memory_space<vmem_shared>>
      tpu.enqueue_dma source(%arg10 : memref<800x32xbf16, #tpu.memory_space<vmem>>) target(%dma_start3A_65 : memref<800x32xbf16, #tpu.memory_space<vmem_shared>>) target_semaphore(%run_scoped3A : memref<!tpu.dma_semaphore, #tpu.memory_space<semaphore_mem>>)
      %dma_wait3A = arith.constant 0 : i32
      %dma_wait3A_66 = tpu.memref_slice %arg15[%multiple_of3A_29, %dma_wait3A] : memref<100096x32xbf16, #tpu.memory_space<vmem_shared>> -> memref<800x32xbf16, #tpu.memory_space<vmem_shared>>
      %dma_wait3A_67 = arith.constant 0 : i32
      %dma_wait3A_68 = tpu.memref_slice %arg15[%multiple_of3A_29, %dma_wait3A_67] : memref<100096x32xbf16, #tpu.memory_space<vmem_shared>> -> memref<800x32xbf16, #tpu.memory_space<vmem_shared>>
      tpu.wait_dma2 semaphore(%run_scoped3A : memref<!tpu.dma_semaphore, #tpu.memory_space<semaphore_mem>>) src(%arg10 : memref<800x32xbf16, #tpu.memory_space<vmem>>) dst(%dma_wait3A_68 : memref<800x32xbf16, #tpu.memory_space<vmem_shared>>)
      tpu.yield
    }) : () -> ()
    %mul3A_30 = arith.constant 6256 : i32
    %mul3A_31 = arith.muli %arg1, %mul3A_30 : i32
    %add3A_32 = arith.constant 4000 : i32
    %add3A_33 = arith.addi %mul3A_31, %add3A_32 : i32
    %multiple_of3A_34 = tpu.assume_multiple %add3A_33, 8 : i32
    "tpu.region"() ({
      %run_scoped3A = tpu.sem_alloc : memref<!tpu.dma_semaphore, #tpu.memory_space<semaphore_mem>>
      %dma_start3A = arith.constant 0 : i32
      %dma_start3A_63 = tpu.memref_slice %arg15[%multiple_of3A_34, %dma_start3A] : memref<100096x32xbf16, #tpu.memory_space<vmem_shared>> -> memref<800x32xbf16, #tpu.memory_space<vmem_shared>>
      %dma_start3A_64 = arith.constant 0 : i32
      %dma_start3A_65 = tpu.memref_slice %arg15[%multiple_of3A_34, %dma_start3A_64] : memref<100096x32xbf16, #tpu.memory_space<vmem_shared>> -> memref<800x32xbf16, #tpu.memory_space<vmem_shared>>
      tpu.enqueue_dma source(%arg10 : memref<800x32xbf16, #tpu.memory_space<vmem>>) target(%dma_start3A_65 : memref<800x32xbf16, #tpu.memory_space<vmem_shared>>) target_semaphore(%run_scoped3A : memref<!tpu.dma_semaphore, #tpu.memory_space<semaphore_mem>>)
      %dma_wait3A = arith.constant 0 : i32
      %dma_wait3A_66 = tpu.memref_slice %arg15[%multiple_of3A_34, %dma_wait3A] : memref<100096x32xbf16, #tpu.memory_space<vmem_shared>> -> memref<800x32xbf16, #tpu.memory_space<vmem_shared>>
      %dma_wait3A_67 = arith.constant 0 : i32
      %dma_wait3A_68 = tpu.memref_slice %arg15[%multiple_of3A_34, %dma_wait3A_67] : memref<100096x32xbf16, #tpu.memory_space<vmem_shared>> -> memref<800x32xbf16, #tpu.memory_space<vmem_shared>>
      tpu.wait_dma2 semaphore(%run_scoped3A : memref<!tpu.dma_semaphore, #tpu.memory_space<semaphore_mem>>) src(%arg10 : memref<800x32xbf16, #tpu.memory_space<vmem>>) dst(%dma_wait3A_68 : memref<800x32xbf16, #tpu.memory_space<vmem_shared>>)
      tpu.yield
    }) : () -> ()
    %mul3A_35 = arith.constant 6256 : i32
    %mul3A_36 = arith.muli %arg1, %mul3A_35 : i32
    %add3A_37 = arith.constant 4800 : i32
    %add3A_38 = arith.addi %mul3A_36, %add3A_37 : i32
    %multiple_of3A_39 = tpu.assume_multiple %add3A_38, 8 : i32
    "tpu.region"() ({
      %run_scoped3A = tpu.sem_alloc : memref<!tpu.dma_semaphore, #tpu.memory_space<semaphore_mem>>
      %dma_start3A = arith.constant 0 : i32
      %dma_start3A_63 = tpu.memref_slice %arg15[%multiple_of3A_39, %dma_start3A] : memref<100096x32xbf16, #tpu.memory_space<vmem_shared>> -> memref<800x32xbf16, #tpu.memory_space<vmem_shared>>
      %dma_start3A_64 = arith.constant 0 : i32
      %dma_start3A_65 = tpu.memref_slice %arg15[%multiple_of3A_39, %dma_start3A_64] : memref<100096x32xbf16, #tpu.memory_space<vmem_shared>> -> memref<800x32xbf16, #tpu.memory_space<vmem_shared>>
      tpu.enqueue_dma source(%arg10 : memref<800x32xbf16, #tpu.memory_space<vmem>>) target(%dma_start3A_65 : memref<800x32xbf16, #tpu.memory_space<vmem_shared>>) target_semaphore(%run_scoped3A : memref<!tpu.dma_semaphore, #tpu.memory_space<semaphore_mem>>)
      %dma_wait3A = arith.constant 0 : i32
      %dma_wait3A_66 = tpu.memref_slice %arg15[%multiple_of3A_39, %dma_wait3A] : memref<100096x32xbf16, #tpu.memory_space<vmem_shared>> -> memref<800x32xbf16, #tpu.memory_space<vmem_shared>>
      %dma_wait3A_67 = arith.constant 0 : i32
      %dma_wait3A_68 = tpu.memref_slice %arg15[%multiple_of3A_39, %dma_wait3A_67] : memref<100096x32xbf16, #tpu.memory_space<vmem_shared>> -> memref<800x32xbf16, #tpu.memory_space<vmem_shared>>
      tpu.wait_dma2 semaphore(%run_scoped3A : memref<!tpu.dma_semaphore, #tpu.memory_space<semaphore_mem>>) src(%arg10 : memref<800x32xbf16, #tpu.memory_space<vmem>>) dst(%dma_wait3A_68 : memref<800x32xbf16, #tpu.memory_space<vmem_shared>>)
      tpu.yield
    }) : () -> ()
    %mul3A_40 = arith.constant 6256 : i32
    %mul3A_41 = arith.muli %arg1, %mul3A_40 : i32
    %add3A_42 = arith.constant 5600 : i32
    %add3A_43 = arith.addi %mul3A_41, %add3A_42 : i32
    %multiple_of3A_44 = tpu.assume_multiple %add3A_43, 8 : i32
    "tpu.region"() ({
      %run_scoped3A = tpu.sem_alloc : memref<!tpu.dma_semaphore, #tpu.memory_space<semaphore_mem>>
      %dma_start3A = arith.constant 0 : i32
      %dma_start3A_63 = arith.constant 0 : i32
      %dma_start3A_64 = tpu.memref_slice %arg10[%dma_start3A, %dma_start3A_63] : memref<800x32xbf16, #tpu.memory_space<vmem>> -> memref<656x32xbf16, #tpu.memory_space<vmem>>
      %dma_start3A_65 = arith.constant 0 : i32
      %dma_start3A_66 = tpu.memref_slice %arg15[%multiple_of3A_44, %dma_start3A_65] : memref<100096x32xbf16, #tpu.memory_space<vmem_shared>> -> memref<656x32xbf16, #tpu.memory_space<vmem_shared>>
      %dma_start3A_67 = arith.constant 0 : i32
      %dma_start3A_68 = tpu.memref_slice %arg15[%multiple_of3A_44, %dma_start3A_67] : memref<100096x32xbf16, #tpu.memory_space<vmem_shared>> -> memref<656x32xbf16, #tpu.memory_space<vmem_shared>>
      %dma_start3A_69 = arith.constant 0 : i32
      %dma_start3A_70 = arith.constant 0 : i32
      %dma_start3A_71 = tpu.memref_slice %arg10[%dma_start3A_69, %dma_start3A_70] : memref<800x32xbf16, #tpu.memory_space<vmem>> -> memref<656x32xbf16, #tpu.memory_space<vmem>>
      tpu.enqueue_dma source(%dma_start3A_71 : memref<656x32xbf16, #tpu.memory_space<vmem>>) target(%dma_start3A_68 : memref<656x32xbf16, #tpu.memory_space<vmem_shared>>) target_semaphore(%run_scoped3A : memref<!tpu.dma_semaphore, #tpu.memory_space<semaphore_mem>>)
      %dma_wait3A = arith.constant 0 : i32
      %dma_wait3A_72 = arith.constant 0 : i32
      %dma_wait3A_73 = tpu.memref_slice %arg10[%dma_wait3A, %dma_wait3A_72] : memref<800x32xbf16, #tpu.memory_space<vmem>> -> memref<656x32xbf16, #tpu.memory_space<vmem>>
      %dma_wait3A_74 = arith.constant 0 : i32
      %dma_wait3A_75 = tpu.memref_slice %arg15[%multiple_of3A_44, %dma_wait3A_74] : memref<100096x32xbf16, #tpu.memory_space<vmem_shared>> -> memref<656x32xbf16, #tpu.memory_space<vmem_shared>>
      %dma_wait3A_76 = arith.constant 0 : i32
      %dma_wait3A_77 = tpu.memref_slice %arg15[%multiple_of3A_44, %dma_wait3A_76] : memref<100096x32xbf16, #tpu.memory_space<vmem_shared>> -> memref<656x32xbf16, #tpu.memory_space<vmem_shared>>
      %dma_wait3A_78 = arith.constant 0 : i32
      %dma_wait3A_79 = arith.constant 0 : i32
      %dma_wait3A_80 = tpu.memref_slice %arg10[%dma_wait3A_78, %dma_wait3A_79] : memref<800x32xbf16, #tpu.memory_space<vmem>> -> memref<656x32xbf16, #tpu.memory_space<vmem>>
      tpu.wait_dma2 semaphore(%run_scoped3A : memref<!tpu.dma_semaphore, #tpu.memory_space<semaphore_mem>>) src(%dma_wait3A_80 : memref<656x32xbf16, #tpu.memory_space<vmem>>) dst(%dma_wait3A_77 : memref<656x32xbf16, #tpu.memory_space<vmem_shared>>)
      tpu.yield
    }) : () -> ()
    %barrier3A = arith.constant 0 : index
    tpu.barrier barrier_id(%barrier3A)
    %mul3A_45 = arith.constant 200000 : i32
    %mul3A_46 = arith.muli %arg1, %mul3A_45 : i32
    %scan3A_47 = arith.constant 0 : i32
    %scan3A_48 = arith.constant 0 : i32
    %scan3A_49 = arith.constant 125 : i32
    %scan3A_50 = arith.addi %scan3A_48, %scan3A_49 : i32
    %scan3A_51 = arith.constant 1 : i32
    scf.for %scan3A_63 = %scan3A_48 to %scan3A_50 step %scan3A_51  : i32 {
      %mul3A_64 = arith.constant 2 : i32
      %mul3A_65 = arith.muli %mul3A_64, %scan3A_63 : i32
      %mul3A_66 = arith.constant 800 : i32
      %mul3A_67 = arith.muli %mul3A_65, %mul3A_66 : i32
      %add3A_68 = arith.addi %mul3A_46, %mul3A_67 : i32
      %mul3A_69 = arith.constant 2 : i32
      %mul3A_70 = arith.muli %mul3A_69, %scan3A_63 : i32
      %mul3A_71 = arith.constant 800 : i32
      %mul3A_72 = arith.muli %mul3A_70, %mul3A_71 : i32
      %add3A_73 = arith.addi %mul3A_46, %mul3A_72 : i32
      %add3A_74 = arith.constant 800 : i32
      %add3A_75 = arith.addi %add3A_73, %add3A_74 : i32
      %dma_start3A = tpu.memref_slice %arg3[%add3A_68] : memref<3200000xi32, #tpu.memory_space<hbm>> -> memref<800xi32, #tpu.memory_space<hbm>>
      %dma_start3A_76 = tpu.memref_slice %arg3[%add3A_68] : memref<3200000xi32, #tpu.memory_space<hbm>> -> memref<800xi32, #tpu.memory_space<hbm>>
      tpu.enqueue_dma source(%dma_start3A_76 : memref<800xi32, #tpu.memory_space<hbm>>) target(%arg7 : memref<800xi32, #tpu.memory_space<vmem>>) target_semaphore(%arg16 : memref<!tpu.dma_semaphore, #tpu.memory_space<semaphore_mem>>)
      %dma_start3A_77 = tpu.memref_slice %arg4[%add3A_68] : memref<3200000xi32, #tpu.memory_space<hbm>> -> memref<800xi32, #tpu.memory_space<hbm>>
      %dma_start3A_78 = tpu.memref_slice %arg4[%add3A_68] : memref<3200000xi32, #tpu.memory_space<hbm>> -> memref<800xi32, #tpu.memory_space<hbm>>
      tpu.enqueue_dma source(%dma_start3A_78 : memref<800xi32, #tpu.memory_space<hbm>>) target(%arg8 : memref<800xi32, #tpu.memory_space<vmem>>) target_semaphore(%arg16 : memref<!tpu.dma_semaphore, #tpu.memory_space<semaphore_mem>>)
      %dma_start3A_79 = tpu.memref_slice %arg5[%add3A_68] : memref<3200000xf32, #tpu.memory_space<hbm>> -> memref<800xf32, #tpu.memory_space<hbm>>
      %dma_start3A_80 = tpu.memref_slice %arg5[%add3A_68] : memref<3200000xf32, #tpu.memory_space<hbm>> -> memref<800xf32, #tpu.memory_space<hbm>>
      tpu.enqueue_dma source(%dma_start3A_80 : memref<800xf32, #tpu.memory_space<hbm>>) target(%arg9 : memref<800xf32, #tpu.memory_space<vmem>>) target_semaphore(%arg16 : memref<!tpu.dma_semaphore, #tpu.memory_space<semaphore_mem>>)
      %dma_start3A_81 = tpu.memref_slice %arg3[%add3A_75] : memref<3200000xi32, #tpu.memory_space<hbm>> -> memref<800xi32, #tpu.memory_space<hbm>>
      %dma_start3A_82 = tpu.memref_slice %arg3[%add3A_75] : memref<3200000xi32, #tpu.memory_space<hbm>> -> memref<800xi32, #tpu.memory_space<hbm>>
      tpu.enqueue_dma source(%dma_start3A_82 : memref<800xi32, #tpu.memory_space<hbm>>) target(%arg11 : memref<800xi32, #tpu.memory_space<vmem>>) target_semaphore(%arg19 : memref<!tpu.dma_semaphore, #tpu.memory_space<semaphore_mem>>)
      %dma_start3A_83 = tpu.memref_slice %arg4[%add3A_75] : memref<3200000xi32, #tpu.memory_space<hbm>> -> memref<800xi32, #tpu.memory_space<hbm>>
      %dma_start3A_84 = tpu.memref_slice %arg4[%add3A_75] : memref<3200000xi32, #tpu.memory_space<hbm>> -> memref<800xi32, #tpu.memory_space<hbm>>
      tpu.enqueue_dma source(%dma_start3A_84 : memref<800xi32, #tpu.memory_space<hbm>>) target(%arg12 : memref<800xi32, #tpu.memory_space<vmem>>) target_semaphore(%arg19 : memref<!tpu.dma_semaphore, #tpu.memory_space<semaphore_mem>>)
      %dma_start3A_85 = tpu.memref_slice %arg5[%add3A_75] : memref<3200000xf32, #tpu.memory_space<hbm>> -> memref<800xf32, #tpu.memory_space<hbm>>
      %dma_start3A_86 = tpu.memref_slice %arg5[%add3A_75] : memref<3200000xf32, #tpu.memory_space<hbm>> -> memref<800xf32, #tpu.memory_space<hbm>>
      tpu.enqueue_dma source(%dma_start3A_86 : memref<800xf32, #tpu.memory_space<hbm>>) target(%arg13 : memref<800xf32, #tpu.memory_space<vmem>>) target_semaphore(%arg19 : memref<!tpu.dma_semaphore, #tpu.memory_space<semaphore_mem>>)
      %dma_wait3A = tpu.memref_slice %arg3[%add3A_68] : memref<3200000xi32, #tpu.memory_space<hbm>> -> memref<800xi32, #tpu.memory_space<hbm>>
      %dma_wait3A_87 = tpu.memref_slice %arg3[%add3A_68] : memref<3200000xi32, #tpu.memory_space<hbm>> -> memref<800xi32, #tpu.memory_space<hbm>>
      tpu.wait_dma2 semaphore(%arg16 : memref<!tpu.dma_semaphore, #tpu.memory_space<semaphore_mem>>) src(%dma_wait3A_87 : memref<800xi32, #tpu.memory_space<hbm>>) dst(%arg7 : memref<800xi32, #tpu.memory_space<vmem>>)
      %dma_start3A_88 = arith.constant 0 : i32
      %dma_start3A_89 = tpu.memref_slice %arg2[%multiple_of3A, %dma_start3A_88] : memref<200192x32xbf16, #tpu.memory_space<hbm>> -> memref<100096x32xbf16, #tpu.memory_space<hbm>>
      %dma_start3A_90 = arith.constant 0 : i32
      %dma_start3A_91 = arith.constant 0 : i32
      %dma_start3A_92 = tpu.memref_slice %dma_start3A_89[%dma_start3A_90, %dma_start3A_91] : memref<100096x32xbf16, #tpu.memory_space<hbm>> -> memref<100096x32xbf16, #tpu.memory_space<hbm>>
      tpu.enqueue_indirect_dma source(%dma_start3A_92 : memref<100096x32xbf16, #tpu.memory_space<hbm>>) target(%arg10 : memref<800x32xbf16, #tpu.memory_space<vmem>>) offsets(%arg7 : memref<800xi32, #tpu.memory_space<vmem>>) semaphore(%arg17 : memref<!tpu.dma_semaphore, #tpu.memory_space<semaphore_mem>>)
      %dma_wait3A_93 = tpu.memref_slice %arg3[%add3A_75] : memref<3200000xi32, #tpu.memory_space<hbm>> -> memref<800xi32, #tpu.memory_space<hbm>>
      %dma_wait3A_94 = tpu.memref_slice %arg3[%add3A_75] : memref<3200000xi32, #tpu.memory_space<hbm>> -> memref<800xi32, #tpu.memory_space<hbm>>
      tpu.wait_dma2 semaphore(%arg19 : memref<!tpu.dma_semaphore, #tpu.memory_space<semaphore_mem>>) src(%dma_wait3A_94 : memref<800xi32, #tpu.memory_space<hbm>>) dst(%arg11 : memref<800xi32, #tpu.memory_space<vmem>>)
      %dma_start3A_95 = arith.constant 0 : i32
      %dma_start3A_96 = tpu.memref_slice %arg2[%multiple_of3A, %dma_start3A_95] : memref<200192x32xbf16, #tpu.memory_space<hbm>> -> memref<100096x32xbf16, #tpu.memory_space<hbm>>
      %dma_start3A_97 = arith.constant 0 : i32
      %dma_start3A_98 = arith.constant 0 : i32
      %dma_start3A_99 = tpu.memref_slice %dma_start3A_96[%dma_start3A_97, %dma_start3A_98] : memref<100096x32xbf16, #tpu.memory_space<hbm>> -> memref<100096x32xbf16, #tpu.memory_space<hbm>>
      tpu.enqueue_indirect_dma source(%dma_start3A_99 : memref<100096x32xbf16, #tpu.memory_space<hbm>>) target(%arg14 : memref<800x32xbf16, #tpu.memory_space<vmem>>) offsets(%arg11 : memref<800xi32, #tpu.memory_space<vmem>>) semaphore(%arg20 : memref<!tpu.dma_semaphore, #tpu.memory_space<semaphore_mem>>)
      %dma_wait3A_100 = tpu.memref_slice %arg5[%add3A_68] : memref<3200000xf32, #tpu.memory_space<hbm>> -> memref<800xf32, #tpu.memory_space<hbm>>
      %dma_wait3A_101 = tpu.memref_slice %arg5[%add3A_68] : memref<3200000xf32, #tpu.memory_space<hbm>> -> memref<800xf32, #tpu.memory_space<hbm>>
      tpu.wait_dma2 semaphore(%arg16 : memref<!tpu.dma_semaphore, #tpu.memory_space<semaphore_mem>>) src(%dma_wait3A_101 : memref<800xf32, #tpu.memory_space<hbm>>) dst(%arg9 : memref<800xf32, #tpu.memory_space<vmem>>)
      %dma_wait3A_102 = arith.constant 0 : i32
      %dma_wait3A_103 = tpu.memref_slice %arg2[%multiple_of3A, %dma_wait3A_102] : memref<200192x32xbf16, #tpu.memory_space<hbm>> -> memref<100096x32xbf16, #tpu.memory_space<hbm>>
      %dma_wait3A_104 = arith.constant 0 : i32
      %dma_wait3A_105 = arith.constant 0 : i32
      %dma_wait3A_106 = tpu.memref_slice %dma_wait3A_103[%dma_wait3A_104, %dma_wait3A_105] : memref<100096x32xbf16, #tpu.memory_space<hbm>> -> memref<100096x32xbf16, #tpu.memory_space<hbm>>
      tpu.wait_indirect_dma semaphore(%arg17 : memref<!tpu.dma_semaphore, #tpu.memory_space<semaphore_mem>>) src(%dma_wait3A_106 : memref<100096x32xbf16, #tpu.memory_space<hbm>>) dst(%arg10 : memref<800x32xbf16, #tpu.memory_space<vmem>>)
      %parallel_loop3A = arith.constant 0 : i32
      %parallel_loop3A_107 = arith.constant 800 : i32
      %parallel_loop3A_108 = arith.constant 1 : i32
      scf.for %parallel_loop3A_135 = %parallel_loop3A to %parallel_loop3A_107 step %parallel_loop3A_108  : i32 {
        %parallel_loop3A_136 = vector.broadcast %parallel_loop3A_135 : i32 to vector<16xi32>
        %parallel_loop3A_137 = tpu.vector_load_idx %arg9[%parallel_loop3A_136] : memref<800xf32, #tpu.memory_space<vmem>>[vector<16xi32>], vector<16xf32>,
        %parallel_loop3A_138 = arith.index_cast %parallel_loop3A_135 : i32 to index
        %parallel_loop3A_139 = arith.constant 0 : index
        %parallel_loop3A_140 = tpu.vector_load %arg10[%parallel_loop3A_138, %parallel_loop3A_139] {strides = array<i32>} : memref<800x32xbf16, #tpu.memory_space<vmem>>, vector<32xbf16>,
        %parallel_loop3A_141 = tpu.unpack_subelements %parallel_loop3A_140, 0 {pack_format = #tpu.pack_format<interleaved>} : vector<32xbf16> -> vector<16xf32>
        %parallel_loop3A_142 = tpu.unpack_subelements %parallel_loop3A_140, 1 {pack_format = #tpu.pack_format<interleaved>} : vector<32xbf16> -> vector<16xf32>
        %parallel_loop3A_143 = arith.mulf %parallel_loop3A_141, %parallel_loop3A_137 : vector<16xf32>
        %parallel_loop3A_144 = arith.mulf %parallel_loop3A_142, %parallel_loop3A_137 : vector<16xf32>
        %parallel_loop3A_145 = tpu.pack_subelements %parallel_loop3A_143, %parallel_loop3A_144 {pack_format = #tpu.pack_format<interleaved>, positions = array<i32: 0, 1>} : vector<16xf32>, vector<16xf32> -> vector<32xbf16>
        %parallel_loop3A_146 = arith.index_cast %parallel_loop3A_135 : i32 to index
        %parallel_loop3A_147 = arith.constant 0 : index
        %parallel_loop3A_148 = tpu.vector_load %arg10[%parallel_loop3A_146, %parallel_loop3A_147] {strides = array<i32>} : memref<800x32xbf16, #tpu.memory_space<vmem>>, vector<32xbf16>,
        tpu.vector_store %arg10[%parallel_loop3A_146, %parallel_loop3A_147], %parallel_loop3A_145 {strides = array<i32>} : memref<800x32xbf16, #tpu.memory_space<vmem>>, vector<32xbf16>,
      } {sc.loop_unroll_factor = 8 : i64, sc.parallel_access}
      %dma_wait3A_109 = tpu.memref_slice %arg4[%add3A_68] : memref<3200000xi32, #tpu.memory_space<hbm>> -> memref<800xi32, #tpu.memory_space<hbm>>
      %dma_wait3A_110 = tpu.memref_slice %arg4[%add3A_68] : memref<3200000xi32, #tpu.memory_space<hbm>> -> memref<800xi32, #tpu.memory_space<hbm>>
      tpu.wait_dma2 semaphore(%arg16 : memref<!tpu.dma_semaphore, #tpu.memory_space<semaphore_mem>>) src(%dma_wait3A_110 : memref<800xi32, #tpu.memory_space<hbm>>) dst(%arg8 : memref<800xi32, #tpu.memory_space<vmem>>)
      %dma_start3A_111 = arith.constant 0 : i32
      %dma_start3A_112 = arith.constant 0 : i32
      %dma_start3A_113 = tpu.memref_slice %arg15[%dma_start3A_111, %dma_start3A_112] : memref<100096x32xbf16, #tpu.memory_space<vmem_shared>> -> memref<100096x32xbf16, #tpu.memory_space<vmem_shared>>
      tpu.enqueue_indirect_dma source(%arg10 : memref<800x32xbf16, #tpu.memory_space<vmem>>) target(%dma_start3A_113 : memref<100096x32xbf16, #tpu.memory_space<vmem_shared>>) offsets(%arg8 : memref<800xi32, #tpu.memory_space<vmem>>) semaphore(%arg18 : memref<!tpu.dma_semaphore, #tpu.memory_space<semaphore_mem>>) {add = true}
      %dma_wait3A_114 = tpu.memref_slice %arg5[%add3A_75] : memref<3200000xf32, #tpu.memory_space<hbm>> -> memref<800xf32, #tpu.memory_space<hbm>>
      %dma_wait3A_115 = tpu.memref_slice %arg5[%add3A_75] : memref<3200000xf32, #tpu.memory_space<hbm>> -> memref<800xf32, #tpu.memory_space<hbm>>
      tpu.wait_dma2 semaphore(%arg19 : memref<!tpu.dma_semaphore, #tpu.memory_space<semaphore_mem>>) src(%dma_wait3A_115 : memref<800xf32, #tpu.memory_space<hbm>>) dst(%arg13 : memref<800xf32, #tpu.memory_space<vmem>>)
      %dma_wait3A_116 = arith.constant 0 : i32
      %dma_wait3A_117 = tpu.memref_slice %arg2[%multiple_of3A, %dma_wait3A_116] : memref<200192x32xbf16, #tpu.memory_space<hbm>> -> memref<100096x32xbf16, #tpu.memory_space<hbm>>
      %dma_wait3A_118 = arith.constant 0 : i32
      %dma_wait3A_119 = arith.constant 0 : i32
      %dma_wait3A_120 = tpu.memref_slice %dma_wait3A_117[%dma_wait3A_118, %dma_wait3A_119] : memref<100096x32xbf16, #tpu.memory_space<hbm>> -> memref<100096x32xbf16, #tpu.memory_space<hbm>>
      tpu.wait_indirect_dma semaphore(%arg20 : memref<!tpu.dma_semaphore, #tpu.memory_space<semaphore_mem>>) src(%dma_wait3A_120 : memref<100096x32xbf16, #tpu.memory_space<hbm>>) dst(%arg14 : memref<800x32xbf16, #tpu.memory_space<vmem>>)
      %parallel_loop3A_121 = arith.constant 0 : i32
      %parallel_loop3A_122 = arith.constant 800 : i32
      %parallel_loop3A_123 = arith.constant 1 : i32
      scf.for %parallel_loop3A_135 = %parallel_loop3A_121 to %parallel_loop3A_122 step %parallel_loop3A_123  : i32 {
        %parallel_loop3A_136 = vector.broadcast %parallel_loop3A_135 : i32 to vector<16xi32>
        %parallel_loop3A_137 = tpu.vector_load_idx %arg13[%parallel_loop3A_136] : memref<800xf32, #tpu.memory_space<vmem>>[vector<16xi32>], vector<16xf32>,
        %parallel_loop3A_138 = arith.index_cast %parallel_loop3A_135 : i32 to index
        %parallel_loop3A_139 = arith.constant 0 : index
        %parallel_loop3A_140 = tpu.vector_load %arg14[%parallel_loop3A_138, %parallel_loop3A_139] {strides = array<i32>} : memref<800x32xbf16, #tpu.memory_space<vmem>>, vector<32xbf16>,
        %parallel_loop3A_141 = tpu.unpack_subelements %parallel_loop3A_140, 0 {pack_format = #tpu.pack_format<interleaved>} : vector<32xbf16> -> vector<16xf32>
        %parallel_loop3A_142 = tpu.unpack_subelements %parallel_loop3A_140, 1 {pack_format = #tpu.pack_format<interleaved>} : vector<32xbf16> -> vector<16xf32>
        %parallel_loop3A_143 = arith.mulf %parallel_loop3A_141, %parallel_loop3A_137 : vector<16xf32>
        %parallel_loop3A_144 = arith.mulf %parallel_loop3A_142, %parallel_loop3A_137 : vector<16xf32>
        %parallel_loop3A_145 = tpu.pack_subelements %parallel_loop3A_143, %parallel_loop3A_144 {pack_format = #tpu.pack_format<interleaved>, positions = array<i32: 0, 1>} : vector<16xf32>, vector<16xf32> -> vector<32xbf16>
        %parallel_loop3A_146 = arith.index_cast %parallel_loop3A_135 : i32 to index
        %parallel_loop3A_147 = arith.constant 0 : index
        %parallel_loop3A_148 = tpu.vector_load %arg14[%parallel_loop3A_146, %parallel_loop3A_147] {strides = array<i32>} : memref<800x32xbf16, #tpu.memory_space<vmem>>, vector<32xbf16>,
        tpu.vector_store %arg14[%parallel_loop3A_146, %parallel_loop3A_147], %parallel_loop3A_145 {strides = array<i32>} : memref<800x32xbf16, #tpu.memory_space<vmem>>, vector<32xbf16>,
      } {sc.loop_unroll_factor = 8 : i64, sc.parallel_access}
      %dma_wait3A_124 = tpu.memref_slice %arg4[%add3A_75] : memref<3200000xi32, #tpu.memory_space<hbm>> -> memref<800xi32, #tpu.memory_space<hbm>>
      %dma_wait3A_125 = tpu.memref_slice %arg4[%add3A_75] : memref<3200000xi32, #tpu.memory_space<hbm>> -> memref<800xi32, #tpu.memory_space<hbm>>
      tpu.wait_dma2 semaphore(%arg19 : memref<!tpu.dma_semaphore, #tpu.memory_space<semaphore_mem>>) src(%dma_wait3A_125 : memref<800xi32, #tpu.memory_space<hbm>>) dst(%arg12 : memref<800xi32, #tpu.memory_space<vmem>>)
      %dma_start3A_126 = arith.constant 0 : i32
      %dma_start3A_127 = arith.constant 0 : i32
      %dma_start3A_128 = tpu.memref_slice %arg15[%dma_start3A_126, %dma_start3A_127] : memref<100096x32xbf16, #tpu.memory_space<vmem_shared>> -> memref<100096x32xbf16, #tpu.memory_space<vmem_shared>>
      tpu.enqueue_indirect_dma source(%arg14 : memref<800x32xbf16, #tpu.memory_space<vmem>>) target(%dma_start3A_128 : memref<100096x32xbf16, #tpu.memory_space<vmem_shared>>) offsets(%arg12 : memref<800xi32, #tpu.memory_space<vmem>>) semaphore(%arg21 : memref<!tpu.dma_semaphore, #tpu.memory_space<semaphore_mem>>) {add = true}
      %dma_wait3A_129 = arith.constant 0 : i32
      %dma_wait3A_130 = arith.constant 0 : i32
      %dma_wait3A_131 = tpu.memref_slice %arg15[%dma_wait3A_129, %dma_wait3A_130] : memref<100096x32xbf16, #tpu.memory_space<vmem_shared>> -> memref<100096x32xbf16, #tpu.memory_space<vmem_shared>>
      tpu.wait_indirect_dma semaphore(%arg18 : memref<!tpu.dma_semaphore, #tpu.memory_space<semaphore_mem>>) src(%arg10 : memref<800x32xbf16, #tpu.memory_space<vmem>>) dst(%dma_wait3A_131 : memref<100096x32xbf16, #tpu.memory_space<vmem_shared>>)
      %dma_wait3A_132 = arith.constant 0 : i32
      %dma_wait3A_133 = arith.constant 0 : i32
      %dma_wait3A_134 = tpu.memref_slice %arg15[%dma_wait3A_132, %dma_wait3A_133] : memref<100096x32xbf16, #tpu.memory_space<vmem_shared>> -> memref<100096x32xbf16, #tpu.memory_space<vmem_shared>>
      tpu.wait_indirect_dma semaphore(%arg21 : memref<!tpu.dma_semaphore, #tpu.memory_space<semaphore_mem>>) src(%arg14 : memref<800x32xbf16, #tpu.memory_space<vmem>>) dst(%dma_wait3A_134 : memref<100096x32xbf16, #tpu.memory_space<vmem_shared>>)
    }
    %scan3A_52 = arith.constant 125 : i32
    %barrier3A_53 = arith.constant 0 : index
    tpu.barrier barrier_id(%barrier3A_53)
    %mul3A_54 = arith.constant 6256 : i32
    %mul3A_55 = arith.muli %arg1, %mul3A_54 : i32
    %multiple_of3A_56 = tpu.assume_multiple %mul3A_55, 8 : i32
    %mul3A_57 = arith.constant 100096 : i32
    %mul3A_58 = arith.muli %arg0, %mul3A_57 : i32
    %mul3A_59 = arith.constant 6256 : i32
    %mul3A_60 = arith.muli %arg1, %mul3A_59 : i32
    %add3A_61 = arith.addi %mul3A_58, %mul3A_60 : i32
    %multiple_of3A_62 = tpu.assume_multiple %add3A_61, 8 : i32
    "tpu.region"() ({
      %run_scoped3A = tpu.sem_alloc : memref<!tpu.dma_semaphore, #tpu.memory_space<semaphore_mem>>
      %dma_start3A = arith.constant 0 : i32
      %dma_start3A_63 = tpu.memref_slice %arg6[%multiple_of3A_62, %dma_start3A] : memref<200192x32xbf16, #tpu.memory_space<hbm>> -> memref<6256x32xbf16, #tpu.memory_space<hbm>>
      %dma_start3A_64 = arith.constant 0 : i32
      %dma_start3A_65 = tpu.memref_slice %arg15[%multiple_of3A_56, %dma_start3A_64] : memref<100096x32xbf16, #tpu.memory_space<vmem_shared>> -> memref<6256x32xbf16, #tpu.memory_space<vmem_shared>>
      tpu.enqueue_dma source(%dma_start3A_65 : memref<6256x32xbf16, #tpu.memory_space<vmem_shared>>) target(%dma_start3A_63 : memref<6256x32xbf16, #tpu.memory_space<hbm>>) target_semaphore(%run_scoped3A : memref<!tpu.dma_semaphore, #tpu.memory_space<semaphore_mem>>)
      %dma_wait3A = arith.constant 0 : i32
      %dma_wait3A_66 = tpu.memref_slice %arg6[%multiple_of3A_62, %dma_wait3A] : memref<200192x32xbf16, #tpu.memory_space<hbm>> -> memref<6256x32xbf16, #tpu.memory_space<hbm>>
      %dma_wait3A_67 = arith.constant 0 : i32
      %dma_wait3A_68 = tpu.memref_slice %arg15[%multiple_of3A_56, %dma_wait3A_67] : memref<100096x32xbf16, #tpu.memory_space<vmem_shared>> -> memref<6256x32xbf16, #tpu.memory_space<vmem_shared>>
      tpu.wait_dma2 semaphore(%run_scoped3A : memref<!tpu.dma_semaphore, #tpu.memory_space<semaphore_mem>>) src(%dma_wait3A_68 : memref<6256x32xbf16, #tpu.memory_space<vmem_shared>>) dst(%dma_wait3A_66 : memref<6256x32xbf16, #tpu.memory_space<hbm>>)
      tpu.yield
    }) : () -> ()
    return
  }
}

#map = affine_map<(d0, d1) -> (0, 0)>
#map1 = affine_map<(d0, d1) -> (0)>
module attributes {stable_mosaic.version = 14 : i64} {
  func.func @_agg_split(%arg0: i32, %arg1: i32, %arg2: memref<100000x16xf32, #tpu.memory_space<hbm>>, %arg3: memref<3200000xi32, #tpu.memory_space<hbm>>, %arg4: memref<3200000xi32, #tpu.memory_space<hbm>>, %arg5: memref<3200000xf32, #tpu.memory_space<hbm>>, %arg6: memref<200192x16xf32, #tpu.memory_space<hbm>>, %arg7: memref<800xi32, #tpu.memory_space<vmem>>, %arg8: memref<800xi32, #tpu.memory_space<vmem>>, %arg9: memref<800xf32, #tpu.memory_space<vmem>>, %arg10: memref<800x16xf32, #tpu.memory_space<vmem>>, %arg11: memref<800xi32, #tpu.memory_space<vmem>>, %arg12: memref<800xi32, #tpu.memory_space<vmem>>, %arg13: memref<800xf32, #tpu.memory_space<vmem>>, %arg14: memref<800x16xf32, #tpu.memory_space<vmem>>, %arg15: memref<100096x16xf32, #tpu.memory_space<vmem_shared>>, %arg16: memref<!tpu.dma_semaphore, #tpu.memory_space<semaphore_mem>>, %arg17: memref<!tpu.dma_semaphore, #tpu.memory_space<semaphore_mem>>, %arg18: memref<!tpu.dma_semaphore, #tpu.memory_space<semaphore_mem>>, %arg19: memref<!tpu.dma_semaphore, #tpu.memory_space<semaphore_mem>>, %arg20: memref<!tpu.dma_semaphore, #tpu.memory_space<semaphore_mem>>, %arg21: memref<!tpu.dma_semaphore, #tpu.memory_space<semaphore_mem>>) attributes {dimension_semantics = [#tpu.dimension_semantics<core_parallel>, #tpu.dimension_semantics<subcore_parallel>], iteration_bounds = array<i64: 2, 16>, scalar_prefetch = 0 : i64, scratch_operands = 15 : i64, tpu.core_type = #tpu.core_type<sc_vector_subcore>, window_params = [{transform_indices = #map}, {transform_indices = #map1}, {transform_indices = #map1}, {transform_indices = #map1}, {transform_indices = #map}]} {
    %scan3A = arith.constant 0 : i32
    %scan3A_0 = arith.constant 0 : i32
    %scan3A_1 = arith.constant 800 : i32
    %scan3A_2 = arith.addi %scan3A_0, %scan3A_1 : i32
    %scan3A_3 = arith.constant 1 : i32
    scf.for %scan3A_71 = %scan3A_0 to %scan3A_2 step %scan3A_3  : i32 {
      %broadcast_in_dim3A = arith.constant 0.000000e+00 : f32
      %broadcast_in_dim3A_72 = vector.broadcast %broadcast_in_dim3A : f32 to vector<16xf32>
      %swap3A = arith.index_cast %scan3A_71 : i32 to index
      %swap3A_73 = arith.constant 0 : index
      %swap3A_74 = tpu.vector_load %arg10[%swap3A, %swap3A_73] {strides = array<i32>} : memref<800x16xf32, #tpu.memory_space<vmem>>, vector<16xf32>,
      tpu.vector_store %arg10[%swap3A, %swap3A_73], %broadcast_in_dim3A_72 {strides = array<i32>} : memref<800x16xf32, #tpu.memory_space<vmem>>, vector<16xf32>,
    }
    %scan3A_4 = arith.constant 800 : i32
    %mul3A = arith.constant 6256 : i32
    %mul3A_5 = arith.muli %arg1, %mul3A : i32
    %add3A = arith.constant 0 : i32
    %add3A_6 = arith.addi %mul3A_5, %add3A : i32
    %multiple_of3A = tpu.assume_multiple %add3A_6, 8 : i32
    "tpu.region"() ({
      %run_scoped3A = tpu.sem_alloc : memref<!tpu.dma_semaphore, #tpu.memory_space<semaphore_mem>>
      %dma_start3A_71 = arith.constant 0 : i32
      %dma_start3A_72 = tpu.memref_slice %arg15[%multiple_of3A, %dma_start3A_71] : memref<100096x16xf32, #tpu.memory_space<vmem_shared>> -> memref<800x16xf32, #tpu.memory_space<vmem_shared>>
      %dma_start3A_73 = arith.constant 0 : i32
      %dma_start3A_74 = tpu.memref_slice %arg15[%multiple_of3A, %dma_start3A_73] : memref<100096x16xf32, #tpu.memory_space<vmem_shared>> -> memref<800x16xf32, #tpu.memory_space<vmem_shared>>
      tpu.enqueue_dma source(%arg10 : memref<800x16xf32, #tpu.memory_space<vmem>>) target(%dma_start3A_74 : memref<800x16xf32, #tpu.memory_space<vmem_shared>>) target_semaphore(%run_scoped3A : memref<!tpu.dma_semaphore, #tpu.memory_space<semaphore_mem>>)
      %dma_wait3A_75 = arith.constant 0 : i32
      %dma_wait3A_76 = tpu.memref_slice %arg15[%multiple_of3A, %dma_wait3A_75] : memref<100096x16xf32, #tpu.memory_space<vmem_shared>> -> memref<800x16xf32, #tpu.memory_space<vmem_shared>>
      %dma_wait3A_77 = arith.constant 0 : i32
      %dma_wait3A_78 = tpu.memref_slice %arg15[%multiple_of3A, %dma_wait3A_77] : memref<100096x16xf32, #tpu.memory_space<vmem_shared>> -> memref<800x16xf32, #tpu.memory_space<vmem_shared>>
      tpu.wait_dma2 semaphore(%run_scoped3A : memref<!tpu.dma_semaphore, #tpu.memory_space<semaphore_mem>>) src(%arg10 : memref<800x16xf32, #tpu.memory_space<vmem>>) dst(%dma_wait3A_78 : memref<800x16xf32, #tpu.memory_space<vmem_shared>>)
      tpu.yield
    }) : () -> ()
    %mul3A_7 = arith.constant 6256 : i32
    %mul3A_8 = arith.muli %arg1, %mul3A_7 : i32
    %add3A_9 = arith.constant 800 : i32
    %add3A_10 = arith.addi %mul3A_8, %add3A_9 : i32
    %multiple_of3A_11 = tpu.assume_multiple %add3A_10, 8 : i32
    "tpu.region"() ({
      %run_scoped3A = tpu.sem_alloc : memref<!tpu.dma_semaphore, #tpu.memory_space<semaphore_mem>>
      %dma_start3A_71 = arith.constant 0 : i32
      %dma_start3A_72 = tpu.memref_slice %arg15[%multiple_of3A_11, %dma_start3A_71] : memref<100096x16xf32, #tpu.memory_space<vmem_shared>> -> memref<800x16xf32, #tpu.memory_space<vmem_shared>>
      %dma_start3A_73 = arith.constant 0 : i32
      %dma_start3A_74 = tpu.memref_slice %arg15[%multiple_of3A_11, %dma_start3A_73] : memref<100096x16xf32, #tpu.memory_space<vmem_shared>> -> memref<800x16xf32, #tpu.memory_space<vmem_shared>>
      tpu.enqueue_dma source(%arg10 : memref<800x16xf32, #tpu.memory_space<vmem>>) target(%dma_start3A_74 : memref<800x16xf32, #tpu.memory_space<vmem_shared>>) target_semaphore(%run_scoped3A : memref<!tpu.dma_semaphore, #tpu.memory_space<semaphore_mem>>)
      %dma_wait3A_75 = arith.constant 0 : i32
      %dma_wait3A_76 = tpu.memref_slice %arg15[%multiple_of3A_11, %dma_wait3A_75] : memref<100096x16xf32, #tpu.memory_space<vmem_shared>> -> memref<800x16xf32, #tpu.memory_space<vmem_shared>>
      %dma_wait3A_77 = arith.constant 0 : i32
      %dma_wait3A_78 = tpu.memref_slice %arg15[%multiple_of3A_11, %dma_wait3A_77] : memref<100096x16xf32, #tpu.memory_space<vmem_shared>> -> memref<800x16xf32, #tpu.memory_space<vmem_shared>>
      tpu.wait_dma2 semaphore(%run_scoped3A : memref<!tpu.dma_semaphore, #tpu.memory_space<semaphore_mem>>) src(%arg10 : memref<800x16xf32, #tpu.memory_space<vmem>>) dst(%dma_wait3A_78 : memref<800x16xf32, #tpu.memory_space<vmem_shared>>)
      tpu.yield
    }) : () -> ()
    %mul3A_12 = arith.constant 6256 : i32
    %mul3A_13 = arith.muli %arg1, %mul3A_12 : i32
    %add3A_14 = arith.constant 1600 : i32
    %add3A_15 = arith.addi %mul3A_13, %add3A_14 : i32
    %multiple_of3A_16 = tpu.assume_multiple %add3A_15, 8 : i32
    "tpu.region"() ({
      %run_scoped3A = tpu.sem_alloc : memref<!tpu.dma_semaphore, #tpu.memory_space<semaphore_mem>>
      %dma_start3A_71 = arith.constant 0 : i32
      %dma_start3A_72 = tpu.memref_slice %arg15[%multiple_of3A_16, %dma_start3A_71] : memref<100096x16xf32, #tpu.memory_space<vmem_shared>> -> memref<800x16xf32, #tpu.memory_space<vmem_shared>>
      %dma_start3A_73 = arith.constant 0 : i32
      %dma_start3A_74 = tpu.memref_slice %arg15[%multiple_of3A_16, %dma_start3A_73] : memref<100096x16xf32, #tpu.memory_space<vmem_shared>> -> memref<800x16xf32, #tpu.memory_space<vmem_shared>>
      tpu.enqueue_dma source(%arg10 : memref<800x16xf32, #tpu.memory_space<vmem>>) target(%dma_start3A_74 : memref<800x16xf32, #tpu.memory_space<vmem_shared>>) target_semaphore(%run_scoped3A : memref<!tpu.dma_semaphore, #tpu.memory_space<semaphore_mem>>)
      %dma_wait3A_75 = arith.constant 0 : i32
      %dma_wait3A_76 = tpu.memref_slice %arg15[%multiple_of3A_16, %dma_wait3A_75] : memref<100096x16xf32, #tpu.memory_space<vmem_shared>> -> memref<800x16xf32, #tpu.memory_space<vmem_shared>>
      %dma_wait3A_77 = arith.constant 0 : i32
      %dma_wait3A_78 = tpu.memref_slice %arg15[%multiple_of3A_16, %dma_wait3A_77] : memref<100096x16xf32, #tpu.memory_space<vmem_shared>> -> memref<800x16xf32, #tpu.memory_space<vmem_shared>>
      tpu.wait_dma2 semaphore(%run_scoped3A : memref<!tpu.dma_semaphore, #tpu.memory_space<semaphore_mem>>) src(%arg10 : memref<800x16xf32, #tpu.memory_space<vmem>>) dst(%dma_wait3A_78 : memref<800x16xf32, #tpu.memory_space<vmem_shared>>)
      tpu.yield
    }) : () -> ()
    %mul3A_17 = arith.constant 6256 : i32
    %mul3A_18 = arith.muli %arg1, %mul3A_17 : i32
    %add3A_19 = arith.constant 2400 : i32
    %add3A_20 = arith.addi %mul3A_18, %add3A_19 : i32
    %multiple_of3A_21 = tpu.assume_multiple %add3A_20, 8 : i32
    "tpu.region"() ({
      %run_scoped3A = tpu.sem_alloc : memref<!tpu.dma_semaphore, #tpu.memory_space<semaphore_mem>>
      %dma_start3A_71 = arith.constant 0 : i32
      %dma_start3A_72 = tpu.memref_slice %arg15[%multiple_of3A_21, %dma_start3A_71] : memref<100096x16xf32, #tpu.memory_space<vmem_shared>> -> memref<800x16xf32, #tpu.memory_space<vmem_shared>>
      %dma_start3A_73 = arith.constant 0 : i32
      %dma_start3A_74 = tpu.memref_slice %arg15[%multiple_of3A_21, %dma_start3A_73] : memref<100096x16xf32, #tpu.memory_space<vmem_shared>> -> memref<800x16xf32, #tpu.memory_space<vmem_shared>>
      tpu.enqueue_dma source(%arg10 : memref<800x16xf32, #tpu.memory_space<vmem>>) target(%dma_start3A_74 : memref<800x16xf32, #tpu.memory_space<vmem_shared>>) target_semaphore(%run_scoped3A : memref<!tpu.dma_semaphore, #tpu.memory_space<semaphore_mem>>)
      %dma_wait3A_75 = arith.constant 0 : i32
      %dma_wait3A_76 = tpu.memref_slice %arg15[%multiple_of3A_21, %dma_wait3A_75] : memref<100096x16xf32, #tpu.memory_space<vmem_shared>> -> memref<800x16xf32, #tpu.memory_space<vmem_shared>>
      %dma_wait3A_77 = arith.constant 0 : i32
      %dma_wait3A_78 = tpu.memref_slice %arg15[%multiple_of3A_21, %dma_wait3A_77] : memref<100096x16xf32, #tpu.memory_space<vmem_shared>> -> memref<800x16xf32, #tpu.memory_space<vmem_shared>>
      tpu.wait_dma2 semaphore(%run_scoped3A : memref<!tpu.dma_semaphore, #tpu.memory_space<semaphore_mem>>) src(%arg10 : memref<800x16xf32, #tpu.memory_space<vmem>>) dst(%dma_wait3A_78 : memref<800x16xf32, #tpu.memory_space<vmem_shared>>)
      tpu.yield
    }) : () -> ()
    %mul3A_22 = arith.constant 6256 : i32
    %mul3A_23 = arith.muli %arg1, %mul3A_22 : i32
    %add3A_24 = arith.constant 3200 : i32
    %add3A_25 = arith.addi %mul3A_23, %add3A_24 : i32
    %multiple_of3A_26 = tpu.assume_multiple %add3A_25, 8 : i32
    "tpu.region"() ({
      %run_scoped3A = tpu.sem_alloc : memref<!tpu.dma_semaphore, #tpu.memory_space<semaphore_mem>>
      %dma_start3A_71 = arith.constant 0 : i32
      %dma_start3A_72 = tpu.memref_slice %arg15[%multiple_of3A_26, %dma_start3A_71] : memref<100096x16xf32, #tpu.memory_space<vmem_shared>> -> memref<800x16xf32, #tpu.memory_space<vmem_shared>>
      %dma_start3A_73 = arith.constant 0 : i32
      %dma_start3A_74 = tpu.memref_slice %arg15[%multiple_of3A_26, %dma_start3A_73] : memref<100096x16xf32, #tpu.memory_space<vmem_shared>> -> memref<800x16xf32, #tpu.memory_space<vmem_shared>>
      tpu.enqueue_dma source(%arg10 : memref<800x16xf32, #tpu.memory_space<vmem>>) target(%dma_start3A_74 : memref<800x16xf32, #tpu.memory_space<vmem_shared>>) target_semaphore(%run_scoped3A : memref<!tpu.dma_semaphore, #tpu.memory_space<semaphore_mem>>)
      %dma_wait3A_75 = arith.constant 0 : i32
      %dma_wait3A_76 = tpu.memref_slice %arg15[%multiple_of3A_26, %dma_wait3A_75] : memref<100096x16xf32, #tpu.memory_space<vmem_shared>> -> memref<800x16xf32, #tpu.memory_space<vmem_shared>>
      %dma_wait3A_77 = arith.constant 0 : i32
      %dma_wait3A_78 = tpu.memref_slice %arg15[%multiple_of3A_26, %dma_wait3A_77] : memref<100096x16xf32, #tpu.memory_space<vmem_shared>> -> memref<800x16xf32, #tpu.memory_space<vmem_shared>>
      tpu.wait_dma2 semaphore(%run_scoped3A : memref<!tpu.dma_semaphore, #tpu.memory_space<semaphore_mem>>) src(%arg10 : memref<800x16xf32, #tpu.memory_space<vmem>>) dst(%dma_wait3A_78 : memref<800x16xf32, #tpu.memory_space<vmem_shared>>)
      tpu.yield
    }) : () -> ()
    %mul3A_27 = arith.constant 6256 : i32
    %mul3A_28 = arith.muli %arg1, %mul3A_27 : i32
    %add3A_29 = arith.constant 4000 : i32
    %add3A_30 = arith.addi %mul3A_28, %add3A_29 : i32
    %multiple_of3A_31 = tpu.assume_multiple %add3A_30, 8 : i32
    "tpu.region"() ({
      %run_scoped3A = tpu.sem_alloc : memref<!tpu.dma_semaphore, #tpu.memory_space<semaphore_mem>>
      %dma_start3A_71 = arith.constant 0 : i32
      %dma_start3A_72 = tpu.memref_slice %arg15[%multiple_of3A_31, %dma_start3A_71] : memref<100096x16xf32, #tpu.memory_space<vmem_shared>> -> memref<800x16xf32, #tpu.memory_space<vmem_shared>>
      %dma_start3A_73 = arith.constant 0 : i32
      %dma_start3A_74 = tpu.memref_slice %arg15[%multiple_of3A_31, %dma_start3A_73] : memref<100096x16xf32, #tpu.memory_space<vmem_shared>> -> memref<800x16xf32, #tpu.memory_space<vmem_shared>>
      tpu.enqueue_dma source(%arg10 : memref<800x16xf32, #tpu.memory_space<vmem>>) target(%dma_start3A_74 : memref<800x16xf32, #tpu.memory_space<vmem_shared>>) target_semaphore(%run_scoped3A : memref<!tpu.dma_semaphore, #tpu.memory_space<semaphore_mem>>)
      %dma_wait3A_75 = arith.constant 0 : i32
      %dma_wait3A_76 = tpu.memref_slice %arg15[%multiple_of3A_31, %dma_wait3A_75] : memref<100096x16xf32, #tpu.memory_space<vmem_shared>> -> memref<800x16xf32, #tpu.memory_space<vmem_shared>>
      %dma_wait3A_77 = arith.constant 0 : i32
      %dma_wait3A_78 = tpu.memref_slice %arg15[%multiple_of3A_31, %dma_wait3A_77] : memref<100096x16xf32, #tpu.memory_space<vmem_shared>> -> memref<800x16xf32, #tpu.memory_space<vmem_shared>>
      tpu.wait_dma2 semaphore(%run_scoped3A : memref<!tpu.dma_semaphore, #tpu.memory_space<semaphore_mem>>) src(%arg10 : memref<800x16xf32, #tpu.memory_space<vmem>>) dst(%dma_wait3A_78 : memref<800x16xf32, #tpu.memory_space<vmem_shared>>)
      tpu.yield
    }) : () -> ()
    %mul3A_32 = arith.constant 6256 : i32
    %mul3A_33 = arith.muli %arg1, %mul3A_32 : i32
    %add3A_34 = arith.constant 4800 : i32
    %add3A_35 = arith.addi %mul3A_33, %add3A_34 : i32
    %multiple_of3A_36 = tpu.assume_multiple %add3A_35, 8 : i32
    "tpu.region"() ({
      %run_scoped3A = tpu.sem_alloc : memref<!tpu.dma_semaphore, #tpu.memory_space<semaphore_mem>>
      %dma_start3A_71 = arith.constant 0 : i32
      %dma_start3A_72 = tpu.memref_slice %arg15[%multiple_of3A_36, %dma_start3A_71] : memref<100096x16xf32, #tpu.memory_space<vmem_shared>> -> memref<800x16xf32, #tpu.memory_space<vmem_shared>>
      %dma_start3A_73 = arith.constant 0 : i32
      %dma_start3A_74 = tpu.memref_slice %arg15[%multiple_of3A_36, %dma_start3A_73] : memref<100096x16xf32, #tpu.memory_space<vmem_shared>> -> memref<800x16xf32, #tpu.memory_space<vmem_shared>>
      tpu.enqueue_dma source(%arg10 : memref<800x16xf32, #tpu.memory_space<vmem>>) target(%dma_start3A_74 : memref<800x16xf32, #tpu.memory_space<vmem_shared>>) target_semaphore(%run_scoped3A : memref<!tpu.dma_semaphore, #tpu.memory_space<semaphore_mem>>)
      %dma_wait3A_75 = arith.constant 0 : i32
      %dma_wait3A_76 = tpu.memref_slice %arg15[%multiple_of3A_36, %dma_wait3A_75] : memref<100096x16xf32, #tpu.memory_space<vmem_shared>> -> memref<800x16xf32, #tpu.memory_space<vmem_shared>>
      %dma_wait3A_77 = arith.constant 0 : i32
      %dma_wait3A_78 = tpu.memref_slice %arg15[%multiple_of3A_36, %dma_wait3A_77] : memref<100096x16xf32, #tpu.memory_space<vmem_shared>> -> memref<800x16xf32, #tpu.memory_space<vmem_shared>>
      tpu.wait_dma2 semaphore(%run_scoped3A : memref<!tpu.dma_semaphore, #tpu.memory_space<semaphore_mem>>) src(%arg10 : memref<800x16xf32, #tpu.memory_space<vmem>>) dst(%dma_wait3A_78 : memref<800x16xf32, #tpu.memory_space<vmem_shared>>)
      tpu.yield
    }) : () -> ()
    %mul3A_37 = arith.constant 6256 : i32
    %mul3A_38 = arith.muli %arg1, %mul3A_37 : i32
    %add3A_39 = arith.constant 5600 : i32
    %add3A_40 = arith.addi %mul3A_38, %add3A_39 : i32
    %multiple_of3A_41 = tpu.assume_multiple %add3A_40, 8 : i32
    "tpu.region"() ({
      %run_scoped3A = tpu.sem_alloc : memref<!tpu.dma_semaphore, #tpu.memory_space<semaphore_mem>>
      %dma_start3A_71 = arith.constant 0 : i32
      %dma_start3A_72 = arith.constant 0 : i32
      %dma_start3A_73 = tpu.memref_slice %arg10[%dma_start3A_71, %dma_start3A_72] : memref<800x16xf32, #tpu.memory_space<vmem>> -> memref<656x16xf32, #tpu.memory_space<vmem>>
      %dma_start3A_74 = arith.constant 0 : i32
      %dma_start3A_75 = tpu.memref_slice %arg15[%multiple_of3A_41, %dma_start3A_74] : memref<100096x16xf32, #tpu.memory_space<vmem_shared>> -> memref<656x16xf32, #tpu.memory_space<vmem_shared>>
      %dma_start3A_76 = arith.constant 0 : i32
      %dma_start3A_77 = tpu.memref_slice %arg15[%multiple_of3A_41, %dma_start3A_76] : memref<100096x16xf32, #tpu.memory_space<vmem_shared>> -> memref<656x16xf32, #tpu.memory_space<vmem_shared>>
      %dma_start3A_78 = arith.constant 0 : i32
      %dma_start3A_79 = arith.constant 0 : i32
      %dma_start3A_80 = tpu.memref_slice %arg10[%dma_start3A_78, %dma_start3A_79] : memref<800x16xf32, #tpu.memory_space<vmem>> -> memref<656x16xf32, #tpu.memory_space<vmem>>
      tpu.enqueue_dma source(%dma_start3A_80 : memref<656x16xf32, #tpu.memory_space<vmem>>) target(%dma_start3A_77 : memref<656x16xf32, #tpu.memory_space<vmem_shared>>) target_semaphore(%run_scoped3A : memref<!tpu.dma_semaphore, #tpu.memory_space<semaphore_mem>>)
      %dma_wait3A_81 = arith.constant 0 : i32
      %dma_wait3A_82 = arith.constant 0 : i32
      %dma_wait3A_83 = tpu.memref_slice %arg10[%dma_wait3A_81, %dma_wait3A_82] : memref<800x16xf32, #tpu.memory_space<vmem>> -> memref<656x16xf32, #tpu.memory_space<vmem>>
      %dma_wait3A_84 = arith.constant 0 : i32
      %dma_wait3A_85 = tpu.memref_slice %arg15[%multiple_of3A_41, %dma_wait3A_84] : memref<100096x16xf32, #tpu.memory_space<vmem_shared>> -> memref<656x16xf32, #tpu.memory_space<vmem_shared>>
      %dma_wait3A_86 = arith.constant 0 : i32
      %dma_wait3A_87 = tpu.memref_slice %arg15[%multiple_of3A_41, %dma_wait3A_86] : memref<100096x16xf32, #tpu.memory_space<vmem_shared>> -> memref<656x16xf32, #tpu.memory_space<vmem_shared>>
      %dma_wait3A_88 = arith.constant 0 : i32
      %dma_wait3A_89 = arith.constant 0 : i32
      %dma_wait3A_90 = tpu.memref_slice %arg10[%dma_wait3A_88, %dma_wait3A_89] : memref<800x16xf32, #tpu.memory_space<vmem>> -> memref<656x16xf32, #tpu.memory_space<vmem>>
      tpu.wait_dma2 semaphore(%run_scoped3A : memref<!tpu.dma_semaphore, #tpu.memory_space<semaphore_mem>>) src(%dma_wait3A_90 : memref<656x16xf32, #tpu.memory_space<vmem>>) dst(%dma_wait3A_87 : memref<656x16xf32, #tpu.memory_space<vmem_shared>>)
      tpu.yield
    }) : () -> ()
    %barrier3A = arith.constant 0 : index
    tpu.barrier barrier_id(%barrier3A)
    %mul3A_42 = arith.constant 16 : i32
    %mul3A_43 = arith.muli %arg0, %mul3A_42 : i32
    %add3A_44 = arith.addi %mul3A_43, %arg1 : i32
    %mul3A_45 = arith.constant 100000 : i32
    %mul3A_46 = arith.muli %add3A_44, %mul3A_45 : i32
    %scan3A_47 = arith.constant 0 : i32
    %scan3A_48 = arith.constant 0 : i32
    %scan3A_49 = arith.constant 62 : i32
    %scan3A_50 = arith.addi %scan3A_48, %scan3A_49 : i32
    %scan3A_51 = arith.constant 1 : i32
    scf.for %scan3A_71 = %scan3A_48 to %scan3A_50 step %scan3A_51  : i32 {
      %mul3A_72 = arith.constant 2 : i32
      %mul3A_73 = arith.muli %mul3A_72, %scan3A_71 : i32
      %mul3A_74 = arith.constant 800 : i32
      %mul3A_75 = arith.muli %mul3A_73, %mul3A_74 : i32
      %add3A_76 = arith.addi %mul3A_46, %mul3A_75 : i32
      %mul3A_77 = arith.constant 2 : i32
      %mul3A_78 = arith.muli %mul3A_77, %scan3A_71 : i32
      %mul3A_79 = arith.constant 800 : i32
      %mul3A_80 = arith.muli %mul3A_78, %mul3A_79 : i32
      %add3A_81 = arith.addi %mul3A_46, %mul3A_80 : i32
      %add3A_82 = arith.constant 800 : i32
      %add3A_83 = arith.addi %add3A_81, %add3A_82 : i32
      %dma_start3A_84 = tpu.memref_slice %arg3[%add3A_76] : memref<3200000xi32, #tpu.memory_space<hbm>> -> memref<800xi32, #tpu.memory_space<hbm>>
      %dma_start3A_85 = tpu.memref_slice %arg3[%add3A_76] : memref<3200000xi32, #tpu.memory_space<hbm>> -> memref<800xi32, #tpu.memory_space<hbm>>
      tpu.enqueue_dma source(%dma_start3A_85 : memref<800xi32, #tpu.memory_space<hbm>>) target(%arg7 : memref<800xi32, #tpu.memory_space<vmem>>) target_semaphore(%arg16 : memref<!tpu.dma_semaphore, #tpu.memory_space<semaphore_mem>>)
      %dma_start3A_86 = tpu.memref_slice %arg4[%add3A_76] : memref<3200000xi32, #tpu.memory_space<hbm>> -> memref<800xi32, #tpu.memory_space<hbm>>
      %dma_start3A_87 = tpu.memref_slice %arg4[%add3A_76] : memref<3200000xi32, #tpu.memory_space<hbm>> -> memref<800xi32, #tpu.memory_space<hbm>>
      tpu.enqueue_dma source(%dma_start3A_87 : memref<800xi32, #tpu.memory_space<hbm>>) target(%arg8 : memref<800xi32, #tpu.memory_space<vmem>>) target_semaphore(%arg16 : memref<!tpu.dma_semaphore, #tpu.memory_space<semaphore_mem>>)
      %dma_start3A_88 = tpu.memref_slice %arg5[%add3A_76] : memref<3200000xf32, #tpu.memory_space<hbm>> -> memref<800xf32, #tpu.memory_space<hbm>>
      %dma_start3A_89 = tpu.memref_slice %arg5[%add3A_76] : memref<3200000xf32, #tpu.memory_space<hbm>> -> memref<800xf32, #tpu.memory_space<hbm>>
      tpu.enqueue_dma source(%dma_start3A_89 : memref<800xf32, #tpu.memory_space<hbm>>) target(%arg9 : memref<800xf32, #tpu.memory_space<vmem>>) target_semaphore(%arg16 : memref<!tpu.dma_semaphore, #tpu.memory_space<semaphore_mem>>)
      %dma_start3A_90 = tpu.memref_slice %arg3[%add3A_83] : memref<3200000xi32, #tpu.memory_space<hbm>> -> memref<800xi32, #tpu.memory_space<hbm>>
      %dma_start3A_91 = tpu.memref_slice %arg3[%add3A_83] : memref<3200000xi32, #tpu.memory_space<hbm>> -> memref<800xi32, #tpu.memory_space<hbm>>
      tpu.enqueue_dma source(%dma_start3A_91 : memref<800xi32, #tpu.memory_space<hbm>>) target(%arg11 : memref<800xi32, #tpu.memory_space<vmem>>) target_semaphore(%arg19 : memref<!tpu.dma_semaphore, #tpu.memory_space<semaphore_mem>>)
      %dma_start3A_92 = tpu.memref_slice %arg4[%add3A_83] : memref<3200000xi32, #tpu.memory_space<hbm>> -> memref<800xi32, #tpu.memory_space<hbm>>
      %dma_start3A_93 = tpu.memref_slice %arg4[%add3A_83] : memref<3200000xi32, #tpu.memory_space<hbm>> -> memref<800xi32, #tpu.memory_space<hbm>>
      tpu.enqueue_dma source(%dma_start3A_93 : memref<800xi32, #tpu.memory_space<hbm>>) target(%arg12 : memref<800xi32, #tpu.memory_space<vmem>>) target_semaphore(%arg19 : memref<!tpu.dma_semaphore, #tpu.memory_space<semaphore_mem>>)
      %dma_start3A_94 = tpu.memref_slice %arg5[%add3A_83] : memref<3200000xf32, #tpu.memory_space<hbm>> -> memref<800xf32, #tpu.memory_space<hbm>>
      %dma_start3A_95 = tpu.memref_slice %arg5[%add3A_83] : memref<3200000xf32, #tpu.memory_space<hbm>> -> memref<800xf32, #tpu.memory_space<hbm>>
      tpu.enqueue_dma source(%dma_start3A_95 : memref<800xf32, #tpu.memory_space<hbm>>) target(%arg13 : memref<800xf32, #tpu.memory_space<vmem>>) target_semaphore(%arg19 : memref<!tpu.dma_semaphore, #tpu.memory_space<semaphore_mem>>)
      %dma_wait3A_96 = tpu.memref_slice %arg3[%add3A_76] : memref<3200000xi32, #tpu.memory_space<hbm>> -> memref<800xi32, #tpu.memory_space<hbm>>
      %dma_wait3A_97 = tpu.memref_slice %arg3[%add3A_76] : memref<3200000xi32, #tpu.memory_space<hbm>> -> memref<800xi32, #tpu.memory_space<hbm>>
      tpu.wait_dma2 semaphore(%arg16 : memref<!tpu.dma_semaphore, #tpu.memory_space<semaphore_mem>>) src(%dma_wait3A_97 : memref<800xi32, #tpu.memory_space<hbm>>) dst(%arg7 : memref<800xi32, #tpu.memory_space<vmem>>)
      %dma_start3A_98 = arith.constant 0 : i32
      %dma_start3A_99 = arith.constant 0 : i32
      %dma_start3A_100 = tpu.memref_slice %arg2[%dma_start3A_98, %dma_start3A_99] : memref<100000x16xf32, #tpu.memory_space<hbm>> -> memref<100000x16xf32, #tpu.memory_space<hbm>>
      tpu.enqueue_indirect_dma source(%dma_start3A_100 : memref<100000x16xf32, #tpu.memory_space<hbm>>) target(%arg10 : memref<800x16xf32, #tpu.memory_space<vmem>>) offsets(%arg7 : memref<800xi32, #tpu.memory_space<vmem>>) semaphore(%arg17 : memref<!tpu.dma_semaphore, #tpu.memory_space<semaphore_mem>>)
      %dma_wait3A_101 = tpu.memref_slice %arg3[%add3A_83] : memref<3200000xi32, #tpu.memory_space<hbm>> -> memref<800xi32, #tpu.memory_space<hbm>>
      %dma_wait3A_102 = tpu.memref_slice %arg3[%add3A_83] : memref<3200000xi32, #tpu.memory_space<hbm>> -> memref<800xi32, #tpu.memory_space<hbm>>
      tpu.wait_dma2 semaphore(%arg19 : memref<!tpu.dma_semaphore, #tpu.memory_space<semaphore_mem>>) src(%dma_wait3A_102 : memref<800xi32, #tpu.memory_space<hbm>>) dst(%arg11 : memref<800xi32, #tpu.memory_space<vmem>>)
      %dma_start3A_103 = arith.constant 0 : i32
      %dma_start3A_104 = arith.constant 0 : i32
      %dma_start3A_105 = tpu.memref_slice %arg2[%dma_start3A_103, %dma_start3A_104] : memref<100000x16xf32, #tpu.memory_space<hbm>> -> memref<100000x16xf32, #tpu.memory_space<hbm>>
      tpu.enqueue_indirect_dma source(%dma_start3A_105 : memref<100000x16xf32, #tpu.memory_space<hbm>>) target(%arg14 : memref<800x16xf32, #tpu.memory_space<vmem>>) offsets(%arg11 : memref<800xi32, #tpu.memory_space<vmem>>) semaphore(%arg20 : memref<!tpu.dma_semaphore, #tpu.memory_space<semaphore_mem>>)
      %dma_wait3A_106 = tpu.memref_slice %arg5[%add3A_76] : memref<3200000xf32, #tpu.memory_space<hbm>> -> memref<800xf32, #tpu.memory_space<hbm>>
      %dma_wait3A_107 = tpu.memref_slice %arg5[%add3A_76] : memref<3200000xf32, #tpu.memory_space<hbm>> -> memref<800xf32, #tpu.memory_space<hbm>>
      tpu.wait_dma2 semaphore(%arg16 : memref<!tpu.dma_semaphore, #tpu.memory_space<semaphore_mem>>) src(%dma_wait3A_107 : memref<800xf32, #tpu.memory_space<hbm>>) dst(%arg9 : memref<800xf32, #tpu.memory_space<vmem>>)
      %dma_wait3A_108 = arith.constant 0 : i32
      %dma_wait3A_109 = arith.constant 0 : i32
      %dma_wait3A_110 = tpu.memref_slice %arg2[%dma_wait3A_108, %dma_wait3A_109] : memref<100000x16xf32, #tpu.memory_space<hbm>> -> memref<100000x16xf32, #tpu.memory_space<hbm>>
      tpu.wait_indirect_dma semaphore(%arg17 : memref<!tpu.dma_semaphore, #tpu.memory_space<semaphore_mem>>) src(%dma_wait3A_110 : memref<100000x16xf32, #tpu.memory_space<hbm>>) dst(%arg10 : memref<800x16xf32, #tpu.memory_space<vmem>>)
      %parallel_loop3A_111 = arith.constant 0 : i32
      %parallel_loop3A_112 = arith.constant 800 : i32
      %parallel_loop3A_113 = arith.constant 1 : i32
      scf.for %parallel_loop3A_138 = %parallel_loop3A_111 to %parallel_loop3A_112 step %parallel_loop3A_113  : i32 {
        %parallel_loop3A_139 = vector.broadcast %parallel_loop3A_138 : i32 to vector<16xi32>
        %parallel_loop3A_140 = tpu.vector_load_idx %arg9[%parallel_loop3A_139] : memref<800xf32, #tpu.memory_space<vmem>>[vector<16xi32>], vector<16xf32>,
        %parallel_loop3A_141 = arith.index_cast %parallel_loop3A_138 : i32 to index
        %parallel_loop3A_142 = arith.constant 0 : index
        %parallel_loop3A_143 = tpu.vector_load %arg10[%parallel_loop3A_141, %parallel_loop3A_142] {strides = array<i32>} : memref<800x16xf32, #tpu.memory_space<vmem>>, vector<16xf32>,
        %parallel_loop3A_144 = arith.mulf %parallel_loop3A_143, %parallel_loop3A_140 : vector<16xf32>
        %parallel_loop3A_145 = arith.index_cast %parallel_loop3A_138 : i32 to index
        %parallel_loop3A_146 = arith.constant 0 : index
        %parallel_loop3A_147 = tpu.vector_load %arg10[%parallel_loop3A_145, %parallel_loop3A_146] {strides = array<i32>} : memref<800x16xf32, #tpu.memory_space<vmem>>, vector<16xf32>,
        tpu.vector_store %arg10[%parallel_loop3A_145, %parallel_loop3A_146], %parallel_loop3A_144 {strides = array<i32>} : memref<800x16xf32, #tpu.memory_space<vmem>>, vector<16xf32>,
      } {sc.loop_unroll_factor = 8 : i64, sc.parallel_access}
      %dma_wait3A_114 = tpu.memref_slice %arg4[%add3A_76] : memref<3200000xi32, #tpu.memory_space<hbm>> -> memref<800xi32, #tpu.memory_space<hbm>>
      %dma_wait3A_115 = tpu.memref_slice %arg4[%add3A_76] : memref<3200000xi32, #tpu.memory_space<hbm>> -> memref<800xi32, #tpu.memory_space<hbm>>
      tpu.wait_dma2 semaphore(%arg16 : memref<!tpu.dma_semaphore, #tpu.memory_space<semaphore_mem>>) src(%dma_wait3A_115 : memref<800xi32, #tpu.memory_space<hbm>>) dst(%arg8 : memref<800xi32, #tpu.memory_space<vmem>>)
      %dma_start3A_116 = arith.constant 0 : i32
      %dma_start3A_117 = arith.constant 0 : i32
      %dma_start3A_118 = tpu.memref_slice %arg15[%dma_start3A_116, %dma_start3A_117] : memref<100096x16xf32, #tpu.memory_space<vmem_shared>> -> memref<100096x16xf32, #tpu.memory_space<vmem_shared>>
      tpu.enqueue_indirect_dma source(%arg10 : memref<800x16xf32, #tpu.memory_space<vmem>>) target(%dma_start3A_118 : memref<100096x16xf32, #tpu.memory_space<vmem_shared>>) offsets(%arg8 : memref<800xi32, #tpu.memory_space<vmem>>) semaphore(%arg18 : memref<!tpu.dma_semaphore, #tpu.memory_space<semaphore_mem>>) {add = true}
      %dma_wait3A_119 = tpu.memref_slice %arg5[%add3A_83] : memref<3200000xf32, #tpu.memory_space<hbm>> -> memref<800xf32, #tpu.memory_space<hbm>>
      %dma_wait3A_120 = tpu.memref_slice %arg5[%add3A_83] : memref<3200000xf32, #tpu.memory_space<hbm>> -> memref<800xf32, #tpu.memory_space<hbm>>
      tpu.wait_dma2 semaphore(%arg19 : memref<!tpu.dma_semaphore, #tpu.memory_space<semaphore_mem>>) src(%dma_wait3A_120 : memref<800xf32, #tpu.memory_space<hbm>>) dst(%arg13 : memref<800xf32, #tpu.memory_space<vmem>>)
      %dma_wait3A_121 = arith.constant 0 : i32
      %dma_wait3A_122 = arith.constant 0 : i32
      %dma_wait3A_123 = tpu.memref_slice %arg2[%dma_wait3A_121, %dma_wait3A_122] : memref<100000x16xf32, #tpu.memory_space<hbm>> -> memref<100000x16xf32, #tpu.memory_space<hbm>>
      tpu.wait_indirect_dma semaphore(%arg20 : memref<!tpu.dma_semaphore, #tpu.memory_space<semaphore_mem>>) src(%dma_wait3A_123 : memref<100000x16xf32, #tpu.memory_space<hbm>>) dst(%arg14 : memref<800x16xf32, #tpu.memory_space<vmem>>)
      %parallel_loop3A_124 = arith.constant 0 : i32
      %parallel_loop3A_125 = arith.constant 800 : i32
      %parallel_loop3A_126 = arith.constant 1 : i32
      scf.for %parallel_loop3A_138 = %parallel_loop3A_124 to %parallel_loop3A_125 step %parallel_loop3A_126  : i32 {
        %parallel_loop3A_139 = vector.broadcast %parallel_loop3A_138 : i32 to vector<16xi32>
        %parallel_loop3A_140 = tpu.vector_load_idx %arg13[%parallel_loop3A_139] : memref<800xf32, #tpu.memory_space<vmem>>[vector<16xi32>], vector<16xf32>,
        %parallel_loop3A_141 = arith.index_cast %parallel_loop3A_138 : i32 to index
        %parallel_loop3A_142 = arith.constant 0 : index
        %parallel_loop3A_143 = tpu.vector_load %arg14[%parallel_loop3A_141, %parallel_loop3A_142] {strides = array<i32>} : memref<800x16xf32, #tpu.memory_space<vmem>>, vector<16xf32>,
        %parallel_loop3A_144 = arith.mulf %parallel_loop3A_143, %parallel_loop3A_140 : vector<16xf32>
        %parallel_loop3A_145 = arith.index_cast %parallel_loop3A_138 : i32 to index
        %parallel_loop3A_146 = arith.constant 0 : index
        %parallel_loop3A_147 = tpu.vector_load %arg14[%parallel_loop3A_145, %parallel_loop3A_146] {strides = array<i32>} : memref<800x16xf32, #tpu.memory_space<vmem>>, vector<16xf32>,
        tpu.vector_store %arg14[%parallel_loop3A_145, %parallel_loop3A_146], %parallel_loop3A_144 {strides = array<i32>} : memref<800x16xf32, #tpu.memory_space<vmem>>, vector<16xf32>,
      } {sc.loop_unroll_factor = 8 : i64, sc.parallel_access}
      %dma_wait3A_127 = tpu.memref_slice %arg4[%add3A_83] : memref<3200000xi32, #tpu.memory_space<hbm>> -> memref<800xi32, #tpu.memory_space<hbm>>
      %dma_wait3A_128 = tpu.memref_slice %arg4[%add3A_83] : memref<3200000xi32, #tpu.memory_space<hbm>> -> memref<800xi32, #tpu.memory_space<hbm>>
      tpu.wait_dma2 semaphore(%arg19 : memref<!tpu.dma_semaphore, #tpu.memory_space<semaphore_mem>>) src(%dma_wait3A_128 : memref<800xi32, #tpu.memory_space<hbm>>) dst(%arg12 : memref<800xi32, #tpu.memory_space<vmem>>)
      %dma_start3A_129 = arith.constant 0 : i32
      %dma_start3A_130 = arith.constant 0 : i32
      %dma_start3A_131 = tpu.memref_slice %arg15[%dma_start3A_129, %dma_start3A_130] : memref<100096x16xf32, #tpu.memory_space<vmem_shared>> -> memref<100096x16xf32, #tpu.memory_space<vmem_shared>>
      tpu.enqueue_indirect_dma source(%arg14 : memref<800x16xf32, #tpu.memory_space<vmem>>) target(%dma_start3A_131 : memref<100096x16xf32, #tpu.memory_space<vmem_shared>>) offsets(%arg12 : memref<800xi32, #tpu.memory_space<vmem>>) semaphore(%arg21 : memref<!tpu.dma_semaphore, #tpu.memory_space<semaphore_mem>>) {add = true}
      %dma_wait3A_132 = arith.constant 0 : i32
      %dma_wait3A_133 = arith.constant 0 : i32
      %dma_wait3A_134 = tpu.memref_slice %arg15[%dma_wait3A_132, %dma_wait3A_133] : memref<100096x16xf32, #tpu.memory_space<vmem_shared>> -> memref<100096x16xf32, #tpu.memory_space<vmem_shared>>
      tpu.wait_indirect_dma semaphore(%arg18 : memref<!tpu.dma_semaphore, #tpu.memory_space<semaphore_mem>>) src(%arg10 : memref<800x16xf32, #tpu.memory_space<vmem>>) dst(%dma_wait3A_134 : memref<100096x16xf32, #tpu.memory_space<vmem_shared>>)
      %dma_wait3A_135 = arith.constant 0 : i32
      %dma_wait3A_136 = arith.constant 0 : i32
      %dma_wait3A_137 = tpu.memref_slice %arg15[%dma_wait3A_135, %dma_wait3A_136] : memref<100096x16xf32, #tpu.memory_space<vmem_shared>> -> memref<100096x16xf32, #tpu.memory_space<vmem_shared>>
      tpu.wait_indirect_dma semaphore(%arg21 : memref<!tpu.dma_semaphore, #tpu.memory_space<semaphore_mem>>) src(%arg14 : memref<800x16xf32, #tpu.memory_space<vmem>>) dst(%dma_wait3A_137 : memref<100096x16xf32, #tpu.memory_space<vmem_shared>>)
    }
    %scan3A_52 = arith.constant 62 : i32
    %add3A_53 = arith.constant 99200 : i32
    %add3A_54 = arith.addi %mul3A_46, %add3A_53 : i32
    "tpu.region"() ({
      %run_scoped3A = tpu.sem_alloc : memref<!tpu.dma_semaphore, #tpu.memory_space<semaphore_mem>>
      %dma_start3A_71 = tpu.memref_slice %arg3[%add3A_54] : memref<3200000xi32, #tpu.memory_space<hbm>> -> memref<800xi32, #tpu.memory_space<hbm>>
      %dma_start3A_72 = tpu.memref_slice %arg3[%add3A_54] : memref<3200000xi32, #tpu.memory_space<hbm>> -> memref<800xi32, #tpu.memory_space<hbm>>
      tpu.enqueue_dma source(%dma_start3A_72 : memref<800xi32, #tpu.memory_space<hbm>>) target(%arg7 : memref<800xi32, #tpu.memory_space<vmem>>) target_semaphore(%run_scoped3A : memref<!tpu.dma_semaphore, #tpu.memory_space<semaphore_mem>>)
      %dma_wait3A_73 = tpu.memref_slice %arg3[%add3A_54] : memref<3200000xi32, #tpu.memory_space<hbm>> -> memref<800xi32, #tpu.memory_space<hbm>>
      %dma_wait3A_74 = tpu.memref_slice %arg3[%add3A_54] : memref<3200000xi32, #tpu.memory_space<hbm>> -> memref<800xi32, #tpu.memory_space<hbm>>
      tpu.wait_dma2 semaphore(%run_scoped3A : memref<!tpu.dma_semaphore, #tpu.memory_space<semaphore_mem>>) src(%dma_wait3A_74 : memref<800xi32, #tpu.memory_space<hbm>>) dst(%arg7 : memref<800xi32, #tpu.memory_space<vmem>>)
      tpu.yield
    }) : () -> ()
    "tpu.region"() ({
      %run_scoped3A = tpu.sem_alloc : memref<!tpu.dma_semaphore, #tpu.memory_space<semaphore_mem>>
      %dma_start3A_71 = tpu.memref_slice %arg4[%add3A_54] : memref<3200000xi32, #tpu.memory_space<hbm>> -> memref<800xi32, #tpu.memory_space<hbm>>
      %dma_start3A_72 = tpu.memref_slice %arg4[%add3A_54] : memref<3200000xi32, #tpu.memory_space<hbm>> -> memref<800xi32, #tpu.memory_space<hbm>>
      tpu.enqueue_dma source(%dma_start3A_72 : memref<800xi32, #tpu.memory_space<hbm>>) target(%arg8 : memref<800xi32, #tpu.memory_space<vmem>>) target_semaphore(%run_scoped3A : memref<!tpu.dma_semaphore, #tpu.memory_space<semaphore_mem>>)
      %dma_wait3A_73 = tpu.memref_slice %arg4[%add3A_54] : memref<3200000xi32, #tpu.memory_space<hbm>> -> memref<800xi32, #tpu.memory_space<hbm>>
      %dma_wait3A_74 = tpu.memref_slice %arg4[%add3A_54] : memref<3200000xi32, #tpu.memory_space<hbm>> -> memref<800xi32, #tpu.memory_space<hbm>>
      tpu.wait_dma2 semaphore(%run_scoped3A : memref<!tpu.dma_semaphore, #tpu.memory_space<semaphore_mem>>) src(%dma_wait3A_74 : memref<800xi32, #tpu.memory_space<hbm>>) dst(%arg8 : memref<800xi32, #tpu.memory_space<vmem>>)
      tpu.yield
    }) : () -> ()
    "tpu.region"() ({
      %run_scoped3A = tpu.sem_alloc : memref<!tpu.dma_semaphore, #tpu.memory_space<semaphore_mem>>
      %dma_start3A_71 = tpu.memref_slice %arg5[%add3A_54] : memref<3200000xf32, #tpu.memory_space<hbm>> -> memref<800xf32, #tpu.memory_space<hbm>>
      %dma_start3A_72 = tpu.memref_slice %arg5[%add3A_54] : memref<3200000xf32, #tpu.memory_space<hbm>> -> memref<800xf32, #tpu.memory_space<hbm>>
      tpu.enqueue_dma source(%dma_start3A_72 : memref<800xf32, #tpu.memory_space<hbm>>) target(%arg9 : memref<800xf32, #tpu.memory_space<vmem>>) target_semaphore(%run_scoped3A : memref<!tpu.dma_semaphore, #tpu.memory_space<semaphore_mem>>)
      %dma_wait3A_73 = tpu.memref_slice %arg5[%add3A_54] : memref<3200000xf32, #tpu.memory_space<hbm>> -> memref<800xf32, #tpu.memory_space<hbm>>
      %dma_wait3A_74 = tpu.memref_slice %arg5[%add3A_54] : memref<3200000xf32, #tpu.memory_space<hbm>> -> memref<800xf32, #tpu.memory_space<hbm>>
      tpu.wait_dma2 semaphore(%run_scoped3A : memref<!tpu.dma_semaphore, #tpu.memory_space<semaphore_mem>>) src(%dma_wait3A_74 : memref<800xf32, #tpu.memory_space<hbm>>) dst(%arg9 : memref<800xf32, #tpu.memory_space<vmem>>)
      tpu.yield
    }) : () -> ()
    %dma_start3A = arith.constant 0 : i32
    %dma_start3A_55 = arith.constant 0 : i32
    %dma_start3A_56 = tpu.memref_slice %arg2[%dma_start3A, %dma_start3A_55] : memref<100000x16xf32, #tpu.memory_space<hbm>> -> memref<100000x16xf32, #tpu.memory_space<hbm>>
    tpu.enqueue_indirect_dma source(%dma_start3A_56 : memref<100000x16xf32, #tpu.memory_space<hbm>>) target(%arg10 : memref<800x16xf32, #tpu.memory_space<vmem>>) offsets(%arg7 : memref<800xi32, #tpu.memory_space<vmem>>) semaphore(%arg17 : memref<!tpu.dma_semaphore, #tpu.memory_space<semaphore_mem>>)
    %dma_wait3A = arith.constant 0 : i32
    %dma_wait3A_57 = arith.constant 0 : i32
    %dma_wait3A_58 = tpu.memref_slice %arg2[%dma_wait3A, %dma_wait3A_57] : memref<100000x16xf32, #tpu.memory_space<hbm>> -> memref<100000x16xf32, #tpu.memory_space<hbm>>
    tpu.wait_indirect_dma semaphore(%arg17 : memref<!tpu.dma_semaphore, #tpu.memory_space<semaphore_mem>>) src(%dma_wait3A_58 : memref<100000x16xf32, #tpu.memory_space<hbm>>) dst(%arg10 : memref<800x16xf32, #tpu.memory_space<vmem>>)
    %parallel_loop3A = arith.constant 0 : i32
    %parallel_loop3A_59 = arith.constant 800 : i32
    %parallel_loop3A_60 = arith.constant 1 : i32
    scf.for %parallel_loop3A_71 = %parallel_loop3A to %parallel_loop3A_59 step %parallel_loop3A_60  : i32 {
      %parallel_loop3A_72 = vector.broadcast %parallel_loop3A_71 : i32 to vector<16xi32>
      %parallel_loop3A_73 = tpu.vector_load_idx %arg9[%parallel_loop3A_72] : memref<800xf32, #tpu.memory_space<vmem>>[vector<16xi32>], vector<16xf32>,
      %parallel_loop3A_74 = arith.index_cast %parallel_loop3A_71 : i32 to index
      %parallel_loop3A_75 = arith.constant 0 : index
      %parallel_loop3A_76 = tpu.vector_load %arg10[%parallel_loop3A_74, %parallel_loop3A_75] {strides = array<i32>} : memref<800x16xf32, #tpu.memory_space<vmem>>, vector<16xf32>,
      %parallel_loop3A_77 = arith.mulf %parallel_loop3A_76, %parallel_loop3A_73 : vector<16xf32>
      %parallel_loop3A_78 = arith.index_cast %parallel_loop3A_71 : i32 to index
      %parallel_loop3A_79 = arith.constant 0 : index
      %parallel_loop3A_80 = tpu.vector_load %arg10[%parallel_loop3A_78, %parallel_loop3A_79] {strides = array<i32>} : memref<800x16xf32, #tpu.memory_space<vmem>>, vector<16xf32>,
      tpu.vector_store %arg10[%parallel_loop3A_78, %parallel_loop3A_79], %parallel_loop3A_77 {strides = array<i32>} : memref<800x16xf32, #tpu.memory_space<vmem>>, vector<16xf32>,
    } {sc.loop_unroll_factor = 8 : i64, sc.parallel_access}
    "tpu.region"() ({
      %run_scoped3A = tpu.sem_alloc : memref<!tpu.dma_semaphore, #tpu.memory_space<semaphore_mem>>
      %dma_start3A_71 = arith.constant 0 : i32
      %dma_start3A_72 = arith.constant 0 : i32
      %dma_start3A_73 = tpu.memref_slice %arg15[%dma_start3A_71, %dma_start3A_72] : memref<100096x16xf32, #tpu.memory_space<vmem_shared>> -> memref<100096x16xf32, #tpu.memory_space<vmem_shared>>
      tpu.enqueue_indirect_dma source(%arg10 : memref<800x16xf32, #tpu.memory_space<vmem>>) target(%dma_start3A_73 : memref<100096x16xf32, #tpu.memory_space<vmem_shared>>) offsets(%arg8 : memref<800xi32, #tpu.memory_space<vmem>>) semaphore(%run_scoped3A : memref<!tpu.dma_semaphore, #tpu.memory_space<semaphore_mem>>) {add = true}
      %dma_wait3A_74 = arith.constant 0 : i32
      %dma_wait3A_75 = arith.constant 0 : i32
      %dma_wait3A_76 = tpu.memref_slice %arg15[%dma_wait3A_74, %dma_wait3A_75] : memref<100096x16xf32, #tpu.memory_space<vmem_shared>> -> memref<100096x16xf32, #tpu.memory_space<vmem_shared>>
      tpu.wait_indirect_dma semaphore(%run_scoped3A : memref<!tpu.dma_semaphore, #tpu.memory_space<semaphore_mem>>) src(%arg10 : memref<800x16xf32, #tpu.memory_space<vmem>>) dst(%dma_wait3A_76 : memref<100096x16xf32, #tpu.memory_space<vmem_shared>>)
      tpu.yield
    }) : () -> ()
    %barrier3A_61 = arith.constant 0 : index
    tpu.barrier barrier_id(%barrier3A_61)
    %mul3A_62 = arith.constant 6256 : i32
    %mul3A_63 = arith.muli %arg1, %mul3A_62 : i32
    %multiple_of3A_64 = tpu.assume_multiple %mul3A_63, 8 : i32
    %mul3A_65 = arith.constant 100096 : i32
    %mul3A_66 = arith.muli %arg0, %mul3A_65 : i32
    %mul3A_67 = arith.constant 6256 : i32
    %mul3A_68 = arith.muli %arg1, %mul3A_67 : i32
    %add3A_69 = arith.addi %mul3A_66, %mul3A_68 : i32
    %multiple_of3A_70 = tpu.assume_multiple %add3A_69, 8 : i32
    "tpu.region"() ({
      %run_scoped3A = tpu.sem_alloc : memref<!tpu.dma_semaphore, #tpu.memory_space<semaphore_mem>>
      %dma_start3A_71 = arith.constant 0 : i32
      %dma_start3A_72 = tpu.memref_slice %arg6[%multiple_of3A_70, %dma_start3A_71] : memref<200192x16xf32, #tpu.memory_space<hbm>> -> memref<6256x16xf32, #tpu.memory_space<hbm>>
      %dma_start3A_73 = arith.constant 0 : i32
      %dma_start3A_74 = tpu.memref_slice %arg15[%multiple_of3A_64, %dma_start3A_73] : memref<100096x16xf32, #tpu.memory_space<vmem_shared>> -> memref<6256x16xf32, #tpu.memory_space<vmem_shared>>
      tpu.enqueue_dma source(%dma_start3A_74 : memref<6256x16xf32, #tpu.memory_space<vmem_shared>>) target(%dma_start3A_72 : memref<6256x16xf32, #tpu.memory_space<hbm>>) target_semaphore(%run_scoped3A : memref<!tpu.dma_semaphore, #tpu.memory_space<semaphore_mem>>)
      %dma_wait3A_75 = arith.constant 0 : i32
      %dma_wait3A_76 = tpu.memref_slice %arg6[%multiple_of3A_70, %dma_wait3A_75] : memref<200192x16xf32, #tpu.memory_space<hbm>> -> memref<6256x16xf32, #tpu.memory_space<hbm>>
      %dma_wait3A_77 = arith.constant 0 : i32
      %dma_wait3A_78 = tpu.memref_slice %arg15[%multiple_of3A_64, %dma_wait3A_77] : memref<100096x16xf32, #tpu.memory_space<vmem_shared>> -> memref<6256x16xf32, #tpu.memory_space<vmem_shared>>
      tpu.wait_dma2 semaphore(%run_scoped3A : memref<!tpu.dma_semaphore, #tpu.memory_space<semaphore_mem>>) src(%dma_wait3A_78 : memref<6256x16xf32, #tpu.memory_space<vmem_shared>>) dst(%dma_wait3A_76 : memref<6256x16xf32, #tpu.memory_space<hbm>>)
      tpu.yield
    }) : () -> ()
    return
  }
}

#map = affine_map<(d0, d1) -> (0, 0)>
#map1 = affine_map<(d0, d1) -> (0)>
module attributes {stable_mosaic.version = 14 : i64} {
  func.func @_agg_split(%arg0: i32, %arg1: i32, %arg2: memref<100000x16xf32, #tpu.memory_space<hbm>>, %arg3: memref<3200000xi32, #tpu.memory_space<hbm>>, %arg4: memref<3200000xi32, #tpu.memory_space<hbm>>, %arg5: memref<3200000xf32, #tpu.memory_space<hbm>>, %arg6: memref<200192x16xf32, #tpu.memory_space<hbm>>, %arg7: memref<800xi32, #tpu.memory_space<vmem>>, %arg8: memref<800xi32, #tpu.memory_space<vmem>>, %arg9: memref<800xf32, #tpu.memory_space<vmem>>, %arg10: memref<800x16xf32, #tpu.memory_space<vmem>>, %arg11: memref<800xi32, #tpu.memory_space<vmem>>, %arg12: memref<800xi32, #tpu.memory_space<vmem>>, %arg13: memref<800xf32, #tpu.memory_space<vmem>>, %arg14: memref<800x16xf32, #tpu.memory_space<vmem>>, %arg15: memref<100096x16xf32, #tpu.memory_space<vmem_shared>>, %arg16: memref<!tpu.dma_semaphore, #tpu.memory_space<semaphore_mem>>, %arg17: memref<!tpu.dma_semaphore, #tpu.memory_space<semaphore_mem>>, %arg18: memref<!tpu.dma_semaphore, #tpu.memory_space<semaphore_mem>>, %arg19: memref<!tpu.dma_semaphore, #tpu.memory_space<semaphore_mem>>, %arg20: memref<!tpu.dma_semaphore, #tpu.memory_space<semaphore_mem>>, %arg21: memref<!tpu.dma_semaphore, #tpu.memory_space<semaphore_mem>>) attributes {dimension_semantics = [#tpu.dimension_semantics<core_parallel>, #tpu.dimension_semantics<subcore_parallel>], iteration_bounds = array<i64: 2, 16>, scalar_prefetch = 0 : i64, scratch_operands = 15 : i64, tpu.core_type = #tpu.core_type<sc_vector_subcore>, window_params = [{transform_indices = #map}, {transform_indices = #map1}, {transform_indices = #map1}, {transform_indices = #map1}, {transform_indices = #map}]} {
    %scan3A = arith.constant 0 : i32
    %scan3A_0 = arith.constant 0 : i32
    %scan3A_1 = arith.constant 800 : i32
    %scan3A_2 = arith.addi %scan3A_0, %scan3A_1 : i32
    %scan3A_3 = arith.constant 1 : i32
    scf.for %scan3A_71 = %scan3A_0 to %scan3A_2 step %scan3A_3  : i32 {
      %broadcast_in_dim3A = arith.constant 0.000000e+00 : f32
      %broadcast_in_dim3A_72 = vector.broadcast %broadcast_in_dim3A : f32 to vector<16xf32>
      %swap3A = arith.index_cast %scan3A_71 : i32 to index
      %swap3A_73 = arith.constant 0 : index
      %swap3A_74 = tpu.vector_load %arg10[%swap3A, %swap3A_73] {strides = array<i32>} : memref<800x16xf32, #tpu.memory_space<vmem>>, vector<16xf32>,
      tpu.vector_store %arg10[%swap3A, %swap3A_73], %broadcast_in_dim3A_72 {strides = array<i32>} : memref<800x16xf32, #tpu.memory_space<vmem>>, vector<16xf32>,
    }
    %scan3A_4 = arith.constant 800 : i32
    %mul3A = arith.constant 6256 : i32
    %mul3A_5 = arith.muli %arg1, %mul3A : i32
    %add3A = arith.constant 0 : i32
    %add3A_6 = arith.addi %mul3A_5, %add3A : i32
    %multiple_of3A = tpu.assume_multiple %add3A_6, 8 : i32
    "tpu.region"() ({
      %run_scoped3A = tpu.sem_alloc : memref<!tpu.dma_semaphore, #tpu.memory_space<semaphore_mem>>
      %dma_start3A_71 = arith.constant 0 : i32
      %dma_start3A_72 = tpu.memref_slice %arg15[%multiple_of3A, %dma_start3A_71] : memref<100096x16xf32, #tpu.memory_space<vmem_shared>> -> memref<800x16xf32, #tpu.memory_space<vmem_shared>>
      %dma_start3A_73 = arith.constant 0 : i32
      %dma_start3A_74 = tpu.memref_slice %arg15[%multiple_of3A, %dma_start3A_73] : memref<100096x16xf32, #tpu.memory_space<vmem_shared>> -> memref<800x16xf32, #tpu.memory_space<vmem_shared>>
      tpu.enqueue_dma source(%arg10 : memref<800x16xf32, #tpu.memory_space<vmem>>) target(%dma_start3A_74 : memref<800x16xf32, #tpu.memory_space<vmem_shared>>) target_semaphore(%run_scoped3A : memref<!tpu.dma_semaphore, #tpu.memory_space<semaphore_mem>>)
      %dma_wait3A_75 = arith.constant 0 : i32
      %dma_wait3A_76 = tpu.memref_slice %arg15[%multiple_of3A, %dma_wait3A_75] : memref<100096x16xf32, #tpu.memory_space<vmem_shared>> -> memref<800x16xf32, #tpu.memory_space<vmem_shared>>
      %dma_wait3A_77 = arith.constant 0 : i32
      %dma_wait3A_78 = tpu.memref_slice %arg15[%multiple_of3A, %dma_wait3A_77] : memref<100096x16xf32, #tpu.memory_space<vmem_shared>> -> memref<800x16xf32, #tpu.memory_space<vmem_shared>>
      tpu.wait_dma2 semaphore(%run_scoped3A : memref<!tpu.dma_semaphore, #tpu.memory_space<semaphore_mem>>) src(%arg10 : memref<800x16xf32, #tpu.memory_space<vmem>>) dst(%dma_wait3A_78 : memref<800x16xf32, #tpu.memory_space<vmem_shared>>)
      tpu.yield
    }) : () -> ()
    %mul3A_7 = arith.constant 6256 : i32
    %mul3A_8 = arith.muli %arg1, %mul3A_7 : i32
    %add3A_9 = arith.constant 800 : i32
    %add3A_10 = arith.addi %mul3A_8, %add3A_9 : i32
    %multiple_of3A_11 = tpu.assume_multiple %add3A_10, 8 : i32
    "tpu.region"() ({
      %run_scoped3A = tpu.sem_alloc : memref<!tpu.dma_semaphore, #tpu.memory_space<semaphore_mem>>
      %dma_start3A_71 = arith.constant 0 : i32
      %dma_start3A_72 = tpu.memref_slice %arg15[%multiple_of3A_11, %dma_start3A_71] : memref<100096x16xf32, #tpu.memory_space<vmem_shared>> -> memref<800x16xf32, #tpu.memory_space<vmem_shared>>
      %dma_start3A_73 = arith.constant 0 : i32
      %dma_start3A_74 = tpu.memref_slice %arg15[%multiple_of3A_11, %dma_start3A_73] : memref<100096x16xf32, #tpu.memory_space<vmem_shared>> -> memref<800x16xf32, #tpu.memory_space<vmem_shared>>
      tpu.enqueue_dma source(%arg10 : memref<800x16xf32, #tpu.memory_space<vmem>>) target(%dma_start3A_74 : memref<800x16xf32, #tpu.memory_space<vmem_shared>>) target_semaphore(%run_scoped3A : memref<!tpu.dma_semaphore, #tpu.memory_space<semaphore_mem>>)
      %dma_wait3A_75 = arith.constant 0 : i32
      %dma_wait3A_76 = tpu.memref_slice %arg15[%multiple_of3A_11, %dma_wait3A_75] : memref<100096x16xf32, #tpu.memory_space<vmem_shared>> -> memref<800x16xf32, #tpu.memory_space<vmem_shared>>
      %dma_wait3A_77 = arith.constant 0 : i32
      %dma_wait3A_78 = tpu.memref_slice %arg15[%multiple_of3A_11, %dma_wait3A_77] : memref<100096x16xf32, #tpu.memory_space<vmem_shared>> -> memref<800x16xf32, #tpu.memory_space<vmem_shared>>
      tpu.wait_dma2 semaphore(%run_scoped3A : memref<!tpu.dma_semaphore, #tpu.memory_space<semaphore_mem>>) src(%arg10 : memref<800x16xf32, #tpu.memory_space<vmem>>) dst(%dma_wait3A_78 : memref<800x16xf32, #tpu.memory_space<vmem_shared>>)
      tpu.yield
    }) : () -> ()
    %mul3A_12 = arith.constant 6256 : i32
    %mul3A_13 = arith.muli %arg1, %mul3A_12 : i32
    %add3A_14 = arith.constant 1600 : i32
    %add3A_15 = arith.addi %mul3A_13, %add3A_14 : i32
    %multiple_of3A_16 = tpu.assume_multiple %add3A_15, 8 : i32
    "tpu.region"() ({
      %run_scoped3A = tpu.sem_alloc : memref<!tpu.dma_semaphore, #tpu.memory_space<semaphore_mem>>
      %dma_start3A_71 = arith.constant 0 : i32
      %dma_start3A_72 = tpu.memref_slice %arg15[%multiple_of3A_16, %dma_start3A_71] : memref<100096x16xf32, #tpu.memory_space<vmem_shared>> -> memref<800x16xf32, #tpu.memory_space<vmem_shared>>
      %dma_start3A_73 = arith.constant 0 : i32
      %dma_start3A_74 = tpu.memref_slice %arg15[%multiple_of3A_16, %dma_start3A_73] : memref<100096x16xf32, #tpu.memory_space<vmem_shared>> -> memref<800x16xf32, #tpu.memory_space<vmem_shared>>
      tpu.enqueue_dma source(%arg10 : memref<800x16xf32, #tpu.memory_space<vmem>>) target(%dma_start3A_74 : memref<800x16xf32, #tpu.memory_space<vmem_shared>>) target_semaphore(%run_scoped3A : memref<!tpu.dma_semaphore, #tpu.memory_space<semaphore_mem>>)
      %dma_wait3A_75 = arith.constant 0 : i32
      %dma_wait3A_76 = tpu.memref_slice %arg15[%multiple_of3A_16, %dma_wait3A_75] : memref<100096x16xf32, #tpu.memory_space<vmem_shared>> -> memref<800x16xf32, #tpu.memory_space<vmem_shared>>
      %dma_wait3A_77 = arith.constant 0 : i32
      %dma_wait3A_78 = tpu.memref_slice %arg15[%multiple_of3A_16, %dma_wait3A_77] : memref<100096x16xf32, #tpu.memory_space<vmem_shared>> -> memref<800x16xf32, #tpu.memory_space<vmem_shared>>
      tpu.wait_dma2 semaphore(%run_scoped3A : memref<!tpu.dma_semaphore, #tpu.memory_space<semaphore_mem>>) src(%arg10 : memref<800x16xf32, #tpu.memory_space<vmem>>) dst(%dma_wait3A_78 : memref<800x16xf32, #tpu.memory_space<vmem_shared>>)
      tpu.yield
    }) : () -> ()
    %mul3A_17 = arith.constant 6256 : i32
    %mul3A_18 = arith.muli %arg1, %mul3A_17 : i32
    %add3A_19 = arith.constant 2400 : i32
    %add3A_20 = arith.addi %mul3A_18, %add3A_19 : i32
    %multiple_of3A_21 = tpu.assume_multiple %add3A_20, 8 : i32
    "tpu.region"() ({
      %run_scoped3A = tpu.sem_alloc : memref<!tpu.dma_semaphore, #tpu.memory_space<semaphore_mem>>
      %dma_start3A_71 = arith.constant 0 : i32
      %dma_start3A_72 = tpu.memref_slice %arg15[%multiple_of3A_21, %dma_start3A_71] : memref<100096x16xf32, #tpu.memory_space<vmem_shared>> -> memref<800x16xf32, #tpu.memory_space<vmem_shared>>
      %dma_start3A_73 = arith.constant 0 : i32
      %dma_start3A_74 = tpu.memref_slice %arg15[%multiple_of3A_21, %dma_start3A_73] : memref<100096x16xf32, #tpu.memory_space<vmem_shared>> -> memref<800x16xf32, #tpu.memory_space<vmem_shared>>
      tpu.enqueue_dma source(%arg10 : memref<800x16xf32, #tpu.memory_space<vmem>>) target(%dma_start3A_74 : memref<800x16xf32, #tpu.memory_space<vmem_shared>>) target_semaphore(%run_scoped3A : memref<!tpu.dma_semaphore, #tpu.memory_space<semaphore_mem>>)
      %dma_wait3A_75 = arith.constant 0 : i32
      %dma_wait3A_76 = tpu.memref_slice %arg15[%multiple_of3A_21, %dma_wait3A_75] : memref<100096x16xf32, #tpu.memory_space<vmem_shared>> -> memref<800x16xf32, #tpu.memory_space<vmem_shared>>
      %dma_wait3A_77 = arith.constant 0 : i32
      %dma_wait3A_78 = tpu.memref_slice %arg15[%multiple_of3A_21, %dma_wait3A_77] : memref<100096x16xf32, #tpu.memory_space<vmem_shared>> -> memref<800x16xf32, #tpu.memory_space<vmem_shared>>
      tpu.wait_dma2 semaphore(%run_scoped3A : memref<!tpu.dma_semaphore, #tpu.memory_space<semaphore_mem>>) src(%arg10 : memref<800x16xf32, #tpu.memory_space<vmem>>) dst(%dma_wait3A_78 : memref<800x16xf32, #tpu.memory_space<vmem_shared>>)
      tpu.yield
    }) : () -> ()
    %mul3A_22 = arith.constant 6256 : i32
    %mul3A_23 = arith.muli %arg1, %mul3A_22 : i32
    %add3A_24 = arith.constant 3200 : i32
    %add3A_25 = arith.addi %mul3A_23, %add3A_24 : i32
    %multiple_of3A_26 = tpu.assume_multiple %add3A_25, 8 : i32
    "tpu.region"() ({
      %run_scoped3A = tpu.sem_alloc : memref<!tpu.dma_semaphore, #tpu.memory_space<semaphore_mem>>
      %dma_start3A_71 = arith.constant 0 : i32
      %dma_start3A_72 = tpu.memref_slice %arg15[%multiple_of3A_26, %dma_start3A_71] : memref<100096x16xf32, #tpu.memory_space<vmem_shared>> -> memref<800x16xf32, #tpu.memory_space<vmem_shared>>
      %dma_start3A_73 = arith.constant 0 : i32
      %dma_start3A_74 = tpu.memref_slice %arg15[%multiple_of3A_26, %dma_start3A_73] : memref<100096x16xf32, #tpu.memory_space<vmem_shared>> -> memref<800x16xf32, #tpu.memory_space<vmem_shared>>
      tpu.enqueue_dma source(%arg10 : memref<800x16xf32, #tpu.memory_space<vmem>>) target(%dma_start3A_74 : memref<800x16xf32, #tpu.memory_space<vmem_shared>>) target_semaphore(%run_scoped3A : memref<!tpu.dma_semaphore, #tpu.memory_space<semaphore_mem>>)
      %dma_wait3A_75 = arith.constant 0 : i32
      %dma_wait3A_76 = tpu.memref_slice %arg15[%multiple_of3A_26, %dma_wait3A_75] : memref<100096x16xf32, #tpu.memory_space<vmem_shared>> -> memref<800x16xf32, #tpu.memory_space<vmem_shared>>
      %dma_wait3A_77 = arith.constant 0 : i32
      %dma_wait3A_78 = tpu.memref_slice %arg15[%multiple_of3A_26, %dma_wait3A_77] : memref<100096x16xf32, #tpu.memory_space<vmem_shared>> -> memref<800x16xf32, #tpu.memory_space<vmem_shared>>
      tpu.wait_dma2 semaphore(%run_scoped3A : memref<!tpu.dma_semaphore, #tpu.memory_space<semaphore_mem>>) src(%arg10 : memref<800x16xf32, #tpu.memory_space<vmem>>) dst(%dma_wait3A_78 : memref<800x16xf32, #tpu.memory_space<vmem_shared>>)
      tpu.yield
    }) : () -> ()
    %mul3A_27 = arith.constant 6256 : i32
    %mul3A_28 = arith.muli %arg1, %mul3A_27 : i32
    %add3A_29 = arith.constant 4000 : i32
    %add3A_30 = arith.addi %mul3A_28, %add3A_29 : i32
    %multiple_of3A_31 = tpu.assume_multiple %add3A_30, 8 : i32
    "tpu.region"() ({
      %run_scoped3A = tpu.sem_alloc : memref<!tpu.dma_semaphore, #tpu.memory_space<semaphore_mem>>
      %dma_start3A_71 = arith.constant 0 : i32
      %dma_start3A_72 = tpu.memref_slice %arg15[%multiple_of3A_31, %dma_start3A_71] : memref<100096x16xf32, #tpu.memory_space<vmem_shared>> -> memref<800x16xf32, #tpu.memory_space<vmem_shared>>
      %dma_start3A_73 = arith.constant 0 : i32
      %dma_start3A_74 = tpu.memref_slice %arg15[%multiple_of3A_31, %dma_start3A_73] : memref<100096x16xf32, #tpu.memory_space<vmem_shared>> -> memref<800x16xf32, #tpu.memory_space<vmem_shared>>
      tpu.enqueue_dma source(%arg10 : memref<800x16xf32, #tpu.memory_space<vmem>>) target(%dma_start3A_74 : memref<800x16xf32, #tpu.memory_space<vmem_shared>>) target_semaphore(%run_scoped3A : memref<!tpu.dma_semaphore, #tpu.memory_space<semaphore_mem>>)
      %dma_wait3A_75 = arith.constant 0 : i32
      %dma_wait3A_76 = tpu.memref_slice %arg15[%multiple_of3A_31, %dma_wait3A_75] : memref<100096x16xf32, #tpu.memory_space<vmem_shared>> -> memref<800x16xf32, #tpu.memory_space<vmem_shared>>
      %dma_wait3A_77 = arith.constant 0 : i32
      %dma_wait3A_78 = tpu.memref_slice %arg15[%multiple_of3A_31, %dma_wait3A_77] : memref<100096x16xf32, #tpu.memory_space<vmem_shared>> -> memref<800x16xf32, #tpu.memory_space<vmem_shared>>
      tpu.wait_dma2 semaphore(%run_scoped3A : memref<!tpu.dma_semaphore, #tpu.memory_space<semaphore_mem>>) src(%arg10 : memref<800x16xf32, #tpu.memory_space<vmem>>) dst(%dma_wait3A_78 : memref<800x16xf32, #tpu.memory_space<vmem_shared>>)
      tpu.yield
    }) : () -> ()
    %mul3A_32 = arith.constant 6256 : i32
    %mul3A_33 = arith.muli %arg1, %mul3A_32 : i32
    %add3A_34 = arith.constant 4800 : i32
    %add3A_35 = arith.addi %mul3A_33, %add3A_34 : i32
    %multiple_of3A_36 = tpu.assume_multiple %add3A_35, 8 : i32
    "tpu.region"() ({
      %run_scoped3A = tpu.sem_alloc : memref<!tpu.dma_semaphore, #tpu.memory_space<semaphore_mem>>
      %dma_start3A_71 = arith.constant 0 : i32
      %dma_start3A_72 = tpu.memref_slice %arg15[%multiple_of3A_36, %dma_start3A_71] : memref<100096x16xf32, #tpu.memory_space<vmem_shared>> -> memref<800x16xf32, #tpu.memory_space<vmem_shared>>
      %dma_start3A_73 = arith.constant 0 : i32
      %dma_start3A_74 = tpu.memref_slice %arg15[%multiple_of3A_36, %dma_start3A_73] : memref<100096x16xf32, #tpu.memory_space<vmem_shared>> -> memref<800x16xf32, #tpu.memory_space<vmem_shared>>
      tpu.enqueue_dma source(%arg10 : memref<800x16xf32, #tpu.memory_space<vmem>>) target(%dma_start3A_74 : memref<800x16xf32, #tpu.memory_space<vmem_shared>>) target_semaphore(%run_scoped3A : memref<!tpu.dma_semaphore, #tpu.memory_space<semaphore_mem>>)
      %dma_wait3A_75 = arith.constant 0 : i32
      %dma_wait3A_76 = tpu.memref_slice %arg15[%multiple_of3A_36, %dma_wait3A_75] : memref<100096x16xf32, #tpu.memory_space<vmem_shared>> -> memref<800x16xf32, #tpu.memory_space<vmem_shared>>
      %dma_wait3A_77 = arith.constant 0 : i32
      %dma_wait3A_78 = tpu.memref_slice %arg15[%multiple_of3A_36, %dma_wait3A_77] : memref<100096x16xf32, #tpu.memory_space<vmem_shared>> -> memref<800x16xf32, #tpu.memory_space<vmem_shared>>
      tpu.wait_dma2 semaphore(%run_scoped3A : memref<!tpu.dma_semaphore, #tpu.memory_space<semaphore_mem>>) src(%arg10 : memref<800x16xf32, #tpu.memory_space<vmem>>) dst(%dma_wait3A_78 : memref<800x16xf32, #tpu.memory_space<vmem_shared>>)
      tpu.yield
    }) : () -> ()
    %mul3A_37 = arith.constant 6256 : i32
    %mul3A_38 = arith.muli %arg1, %mul3A_37 : i32
    %add3A_39 = arith.constant 5600 : i32
    %add3A_40 = arith.addi %mul3A_38, %add3A_39 : i32
    %multiple_of3A_41 = tpu.assume_multiple %add3A_40, 8 : i32
    "tpu.region"() ({
      %run_scoped3A = tpu.sem_alloc : memref<!tpu.dma_semaphore, #tpu.memory_space<semaphore_mem>>
      %dma_start3A_71 = arith.constant 0 : i32
      %dma_start3A_72 = arith.constant 0 : i32
      %dma_start3A_73 = tpu.memref_slice %arg10[%dma_start3A_71, %dma_start3A_72] : memref<800x16xf32, #tpu.memory_space<vmem>> -> memref<656x16xf32, #tpu.memory_space<vmem>>
      %dma_start3A_74 = arith.constant 0 : i32
      %dma_start3A_75 = tpu.memref_slice %arg15[%multiple_of3A_41, %dma_start3A_74] : memref<100096x16xf32, #tpu.memory_space<vmem_shared>> -> memref<656x16xf32, #tpu.memory_space<vmem_shared>>
      %dma_start3A_76 = arith.constant 0 : i32
      %dma_start3A_77 = tpu.memref_slice %arg15[%multiple_of3A_41, %dma_start3A_76] : memref<100096x16xf32, #tpu.memory_space<vmem_shared>> -> memref<656x16xf32, #tpu.memory_space<vmem_shared>>
      %dma_start3A_78 = arith.constant 0 : i32
      %dma_start3A_79 = arith.constant 0 : i32
      %dma_start3A_80 = tpu.memref_slice %arg10[%dma_start3A_78, %dma_start3A_79] : memref<800x16xf32, #tpu.memory_space<vmem>> -> memref<656x16xf32, #tpu.memory_space<vmem>>
      tpu.enqueue_dma source(%dma_start3A_80 : memref<656x16xf32, #tpu.memory_space<vmem>>) target(%dma_start3A_77 : memref<656x16xf32, #tpu.memory_space<vmem_shared>>) target_semaphore(%run_scoped3A : memref<!tpu.dma_semaphore, #tpu.memory_space<semaphore_mem>>)
      %dma_wait3A_81 = arith.constant 0 : i32
      %dma_wait3A_82 = arith.constant 0 : i32
      %dma_wait3A_83 = tpu.memref_slice %arg10[%dma_wait3A_81, %dma_wait3A_82] : memref<800x16xf32, #tpu.memory_space<vmem>> -> memref<656x16xf32, #tpu.memory_space<vmem>>
      %dma_wait3A_84 = arith.constant 0 : i32
      %dma_wait3A_85 = tpu.memref_slice %arg15[%multiple_of3A_41, %dma_wait3A_84] : memref<100096x16xf32, #tpu.memory_space<vmem_shared>> -> memref<656x16xf32, #tpu.memory_space<vmem_shared>>
      %dma_wait3A_86 = arith.constant 0 : i32
      %dma_wait3A_87 = tpu.memref_slice %arg15[%multiple_of3A_41, %dma_wait3A_86] : memref<100096x16xf32, #tpu.memory_space<vmem_shared>> -> memref<656x16xf32, #tpu.memory_space<vmem_shared>>
      %dma_wait3A_88 = arith.constant 0 : i32
      %dma_wait3A_89 = arith.constant 0 : i32
      %dma_wait3A_90 = tpu.memref_slice %arg10[%dma_wait3A_88, %dma_wait3A_89] : memref<800x16xf32, #tpu.memory_space<vmem>> -> memref<656x16xf32, #tpu.memory_space<vmem>>
      tpu.wait_dma2 semaphore(%run_scoped3A : memref<!tpu.dma_semaphore, #tpu.memory_space<semaphore_mem>>) src(%dma_wait3A_90 : memref<656x16xf32, #tpu.memory_space<vmem>>) dst(%dma_wait3A_87 : memref<656x16xf32, #tpu.memory_space<vmem_shared>>)
      tpu.yield
    }) : () -> ()
    %barrier3A = arith.constant 0 : index
    tpu.barrier barrier_id(%barrier3A)
    %mul3A_42 = arith.constant 16 : i32
    %mul3A_43 = arith.muli %arg0, %mul3A_42 : i32
    %add3A_44 = arith.addi %mul3A_43, %arg1 : i32
    %mul3A_45 = arith.constant 100000 : i32
    %mul3A_46 = arith.muli %add3A_44, %mul3A_45 : i32
    %scan3A_47 = arith.constant 0 : i32
    %scan3A_48 = arith.constant 0 : i32
    %scan3A_49 = arith.constant 62 : i32
    %scan3A_50 = arith.addi %scan3A_48, %scan3A_49 : i32
    %scan3A_51 = arith.constant 1 : i32
    scf.for %scan3A_71 = %scan3A_48 to %scan3A_50 step %scan3A_51  : i32 {
      %mul3A_72 = arith.constant 2 : i32
      %mul3A_73 = arith.muli %mul3A_72, %scan3A_71 : i32
      %mul3A_74 = arith.constant 800 : i32
      %mul3A_75 = arith.muli %mul3A_73, %mul3A_74 : i32
      %add3A_76 = arith.addi %mul3A_46, %mul3A_75 : i32
      %mul3A_77 = arith.constant 2 : i32
      %mul3A_78 = arith.muli %mul3A_77, %scan3A_71 : i32
      %mul3A_79 = arith.constant 800 : i32
      %mul3A_80 = arith.muli %mul3A_78, %mul3A_79 : i32
      %add3A_81 = arith.addi %mul3A_46, %mul3A_80 : i32
      %add3A_82 = arith.constant 800 : i32
      %add3A_83 = arith.addi %add3A_81, %add3A_82 : i32
      %dma_start3A_84 = tpu.memref_slice %arg3[%add3A_76] : memref<3200000xi32, #tpu.memory_space<hbm>> -> memref<800xi32, #tpu.memory_space<hbm>>
      %dma_start3A_85 = tpu.memref_slice %arg3[%add3A_76] : memref<3200000xi32, #tpu.memory_space<hbm>> -> memref<800xi32, #tpu.memory_space<hbm>>
      tpu.enqueue_dma source(%dma_start3A_85 : memref<800xi32, #tpu.memory_space<hbm>>) target(%arg7 : memref<800xi32, #tpu.memory_space<vmem>>) target_semaphore(%arg16 : memref<!tpu.dma_semaphore, #tpu.memory_space<semaphore_mem>>)
      %dma_start3A_86 = tpu.memref_slice %arg4[%add3A_76] : memref<3200000xi32, #tpu.memory_space<hbm>> -> memref<800xi32, #tpu.memory_space<hbm>>
      %dma_start3A_87 = tpu.memref_slice %arg4[%add3A_76] : memref<3200000xi32, #tpu.memory_space<hbm>> -> memref<800xi32, #tpu.memory_space<hbm>>
      tpu.enqueue_dma source(%dma_start3A_87 : memref<800xi32, #tpu.memory_space<hbm>>) target(%arg8 : memref<800xi32, #tpu.memory_space<vmem>>) target_semaphore(%arg16 : memref<!tpu.dma_semaphore, #tpu.memory_space<semaphore_mem>>)
      %dma_start3A_88 = tpu.memref_slice %arg5[%add3A_76] : memref<3200000xf32, #tpu.memory_space<hbm>> -> memref<800xf32, #tpu.memory_space<hbm>>
      %dma_start3A_89 = tpu.memref_slice %arg5[%add3A_76] : memref<3200000xf32, #tpu.memory_space<hbm>> -> memref<800xf32, #tpu.memory_space<hbm>>
      tpu.enqueue_dma source(%dma_start3A_89 : memref<800xf32, #tpu.memory_space<hbm>>) target(%arg9 : memref<800xf32, #tpu.memory_space<vmem>>) target_semaphore(%arg16 : memref<!tpu.dma_semaphore, #tpu.memory_space<semaphore_mem>>)
      %dma_start3A_90 = tpu.memref_slice %arg3[%add3A_83] : memref<3200000xi32, #tpu.memory_space<hbm>> -> memref<800xi32, #tpu.memory_space<hbm>>
      %dma_start3A_91 = tpu.memref_slice %arg3[%add3A_83] : memref<3200000xi32, #tpu.memory_space<hbm>> -> memref<800xi32, #tpu.memory_space<hbm>>
      tpu.enqueue_dma source(%dma_start3A_91 : memref<800xi32, #tpu.memory_space<hbm>>) target(%arg11 : memref<800xi32, #tpu.memory_space<vmem>>) target_semaphore(%arg19 : memref<!tpu.dma_semaphore, #tpu.memory_space<semaphore_mem>>)
      %dma_start3A_92 = tpu.memref_slice %arg4[%add3A_83] : memref<3200000xi32, #tpu.memory_space<hbm>> -> memref<800xi32, #tpu.memory_space<hbm>>
      %dma_start3A_93 = tpu.memref_slice %arg4[%add3A_83] : memref<3200000xi32, #tpu.memory_space<hbm>> -> memref<800xi32, #tpu.memory_space<hbm>>
      tpu.enqueue_dma source(%dma_start3A_93 : memref<800xi32, #tpu.memory_space<hbm>>) target(%arg12 : memref<800xi32, #tpu.memory_space<vmem>>) target_semaphore(%arg19 : memref<!tpu.dma_semaphore, #tpu.memory_space<semaphore_mem>>)
      %dma_start3A_94 = tpu.memref_slice %arg5[%add3A_83] : memref<3200000xf32, #tpu.memory_space<hbm>> -> memref<800xf32, #tpu.memory_space<hbm>>
      %dma_start3A_95 = tpu.memref_slice %arg5[%add3A_83] : memref<3200000xf32, #tpu.memory_space<hbm>> -> memref<800xf32, #tpu.memory_space<hbm>>
      tpu.enqueue_dma source(%dma_start3A_95 : memref<800xf32, #tpu.memory_space<hbm>>) target(%arg13 : memref<800xf32, #tpu.memory_space<vmem>>) target_semaphore(%arg19 : memref<!tpu.dma_semaphore, #tpu.memory_space<semaphore_mem>>)
      %dma_wait3A_96 = tpu.memref_slice %arg3[%add3A_76] : memref<3200000xi32, #tpu.memory_space<hbm>> -> memref<800xi32, #tpu.memory_space<hbm>>
      %dma_wait3A_97 = tpu.memref_slice %arg3[%add3A_76] : memref<3200000xi32, #tpu.memory_space<hbm>> -> memref<800xi32, #tpu.memory_space<hbm>>
      tpu.wait_dma2 semaphore(%arg16 : memref<!tpu.dma_semaphore, #tpu.memory_space<semaphore_mem>>) src(%dma_wait3A_97 : memref<800xi32, #tpu.memory_space<hbm>>) dst(%arg7 : memref<800xi32, #tpu.memory_space<vmem>>)
      %dma_start3A_98 = arith.constant 0 : i32
      %dma_start3A_99 = arith.constant 0 : i32
      %dma_start3A_100 = tpu.memref_slice %arg2[%dma_start3A_98, %dma_start3A_99] : memref<100000x16xf32, #tpu.memory_space<hbm>> -> memref<100000x16xf32, #tpu.memory_space<hbm>>
      tpu.enqueue_indirect_dma source(%dma_start3A_100 : memref<100000x16xf32, #tpu.memory_space<hbm>>) target(%arg10 : memref<800x16xf32, #tpu.memory_space<vmem>>) offsets(%arg7 : memref<800xi32, #tpu.memory_space<vmem>>) semaphore(%arg17 : memref<!tpu.dma_semaphore, #tpu.memory_space<semaphore_mem>>)
      %dma_wait3A_101 = tpu.memref_slice %arg3[%add3A_83] : memref<3200000xi32, #tpu.memory_space<hbm>> -> memref<800xi32, #tpu.memory_space<hbm>>
      %dma_wait3A_102 = tpu.memref_slice %arg3[%add3A_83] : memref<3200000xi32, #tpu.memory_space<hbm>> -> memref<800xi32, #tpu.memory_space<hbm>>
      tpu.wait_dma2 semaphore(%arg19 : memref<!tpu.dma_semaphore, #tpu.memory_space<semaphore_mem>>) src(%dma_wait3A_102 : memref<800xi32, #tpu.memory_space<hbm>>) dst(%arg11 : memref<800xi32, #tpu.memory_space<vmem>>)
      %dma_start3A_103 = arith.constant 0 : i32
      %dma_start3A_104 = arith.constant 0 : i32
      %dma_start3A_105 = tpu.memref_slice %arg2[%dma_start3A_103, %dma_start3A_104] : memref<100000x16xf32, #tpu.memory_space<hbm>> -> memref<100000x16xf32, #tpu.memory_space<hbm>>
      tpu.enqueue_indirect_dma source(%dma_start3A_105 : memref<100000x16xf32, #tpu.memory_space<hbm>>) target(%arg14 : memref<800x16xf32, #tpu.memory_space<vmem>>) offsets(%arg11 : memref<800xi32, #tpu.memory_space<vmem>>) semaphore(%arg20 : memref<!tpu.dma_semaphore, #tpu.memory_space<semaphore_mem>>)
      %dma_wait3A_106 = tpu.memref_slice %arg5[%add3A_76] : memref<3200000xf32, #tpu.memory_space<hbm>> -> memref<800xf32, #tpu.memory_space<hbm>>
      %dma_wait3A_107 = tpu.memref_slice %arg5[%add3A_76] : memref<3200000xf32, #tpu.memory_space<hbm>> -> memref<800xf32, #tpu.memory_space<hbm>>
      tpu.wait_dma2 semaphore(%arg16 : memref<!tpu.dma_semaphore, #tpu.memory_space<semaphore_mem>>) src(%dma_wait3A_107 : memref<800xf32, #tpu.memory_space<hbm>>) dst(%arg9 : memref<800xf32, #tpu.memory_space<vmem>>)
      %dma_wait3A_108 = arith.constant 0 : i32
      %dma_wait3A_109 = arith.constant 0 : i32
      %dma_wait3A_110 = tpu.memref_slice %arg2[%dma_wait3A_108, %dma_wait3A_109] : memref<100000x16xf32, #tpu.memory_space<hbm>> -> memref<100000x16xf32, #tpu.memory_space<hbm>>
      tpu.wait_indirect_dma semaphore(%arg17 : memref<!tpu.dma_semaphore, #tpu.memory_space<semaphore_mem>>) src(%dma_wait3A_110 : memref<100000x16xf32, #tpu.memory_space<hbm>>) dst(%arg10 : memref<800x16xf32, #tpu.memory_space<vmem>>)
      %parallel_loop3A_111 = arith.constant 0 : i32
      %parallel_loop3A_112 = arith.constant 800 : i32
      %parallel_loop3A_113 = arith.constant 1 : i32
      scf.for %parallel_loop3A_138 = %parallel_loop3A_111 to %parallel_loop3A_112 step %parallel_loop3A_113  : i32 {
        %parallel_loop3A_139 = vector.broadcast %parallel_loop3A_138 : i32 to vector<16xi32>
        %parallel_loop3A_140 = tpu.vector_load_idx %arg9[%parallel_loop3A_139] : memref<800xf32, #tpu.memory_space<vmem>>[vector<16xi32>], vector<16xf32>,
        %parallel_loop3A_141 = arith.index_cast %parallel_loop3A_138 : i32 to index
        %parallel_loop3A_142 = arith.constant 0 : index
        %parallel_loop3A_143 = tpu.vector_load %arg10[%parallel_loop3A_141, %parallel_loop3A_142] {strides = array<i32>} : memref<800x16xf32, #tpu.memory_space<vmem>>, vector<16xf32>,
        %parallel_loop3A_144 = arith.mulf %parallel_loop3A_143, %parallel_loop3A_140 : vector<16xf32>
        %parallel_loop3A_145 = arith.index_cast %parallel_loop3A_138 : i32 to index
        %parallel_loop3A_146 = arith.constant 0 : index
        %parallel_loop3A_147 = tpu.vector_load %arg10[%parallel_loop3A_145, %parallel_loop3A_146] {strides = array<i32>} : memref<800x16xf32, #tpu.memory_space<vmem>>, vector<16xf32>,
        tpu.vector_store %arg10[%parallel_loop3A_145, %parallel_loop3A_146], %parallel_loop3A_144 {strides = array<i32>} : memref<800x16xf32, #tpu.memory_space<vmem>>, vector<16xf32>,
      } {sc.loop_unroll_factor = 8 : i64, sc.parallel_access}
      %dma_wait3A_114 = tpu.memref_slice %arg4[%add3A_76] : memref<3200000xi32, #tpu.memory_space<hbm>> -> memref<800xi32, #tpu.memory_space<hbm>>
      %dma_wait3A_115 = tpu.memref_slice %arg4[%add3A_76] : memref<3200000xi32, #tpu.memory_space<hbm>> -> memref<800xi32, #tpu.memory_space<hbm>>
      tpu.wait_dma2 semaphore(%arg16 : memref<!tpu.dma_semaphore, #tpu.memory_space<semaphore_mem>>) src(%dma_wait3A_115 : memref<800xi32, #tpu.memory_space<hbm>>) dst(%arg8 : memref<800xi32, #tpu.memory_space<vmem>>)
      %dma_start3A_116 = arith.constant 0 : i32
      %dma_start3A_117 = arith.constant 0 : i32
      %dma_start3A_118 = tpu.memref_slice %arg15[%dma_start3A_116, %dma_start3A_117] : memref<100096x16xf32, #tpu.memory_space<vmem_shared>> -> memref<100096x16xf32, #tpu.memory_space<vmem_shared>>
      tpu.enqueue_indirect_dma source(%arg10 : memref<800x16xf32, #tpu.memory_space<vmem>>) target(%dma_start3A_118 : memref<100096x16xf32, #tpu.memory_space<vmem_shared>>) offsets(%arg8 : memref<800xi32, #tpu.memory_space<vmem>>) semaphore(%arg18 : memref<!tpu.dma_semaphore, #tpu.memory_space<semaphore_mem>>) {add = true}
      %dma_wait3A_119 = tpu.memref_slice %arg5[%add3A_83] : memref<3200000xf32, #tpu.memory_space<hbm>> -> memref<800xf32, #tpu.memory_space<hbm>>
      %dma_wait3A_120 = tpu.memref_slice %arg5[%add3A_83] : memref<3200000xf32, #tpu.memory_space<hbm>> -> memref<800xf32, #tpu.memory_space<hbm>>
      tpu.wait_dma2 semaphore(%arg19 : memref<!tpu.dma_semaphore, #tpu.memory_space<semaphore_mem>>) src(%dma_wait3A_120 : memref<800xf32, #tpu.memory_space<hbm>>) dst(%arg13 : memref<800xf32, #tpu.memory_space<vmem>>)
      %dma_wait3A_121 = arith.constant 0 : i32
      %dma_wait3A_122 = arith.constant 0 : i32
      %dma_wait3A_123 = tpu.memref_slice %arg2[%dma_wait3A_121, %dma_wait3A_122] : memref<100000x16xf32, #tpu.memory_space<hbm>> -> memref<100000x16xf32, #tpu.memory_space<hbm>>
      tpu.wait_indirect_dma semaphore(%arg20 : memref<!tpu.dma_semaphore, #tpu.memory_space<semaphore_mem>>) src(%dma_wait3A_123 : memref<100000x16xf32, #tpu.memory_space<hbm>>) dst(%arg14 : memref<800x16xf32, #tpu.memory_space<vmem>>)
      %parallel_loop3A_124 = arith.constant 0 : i32
      %parallel_loop3A_125 = arith.constant 800 : i32
      %parallel_loop3A_126 = arith.constant 1 : i32
      scf.for %parallel_loop3A_138 = %parallel_loop3A_124 to %parallel_loop3A_125 step %parallel_loop3A_126  : i32 {
        %parallel_loop3A_139 = vector.broadcast %parallel_loop3A_138 : i32 to vector<16xi32>
        %parallel_loop3A_140 = tpu.vector_load_idx %arg13[%parallel_loop3A_139] : memref<800xf32, #tpu.memory_space<vmem>>[vector<16xi32>], vector<16xf32>,
        %parallel_loop3A_141 = arith.index_cast %parallel_loop3A_138 : i32 to index
        %parallel_loop3A_142 = arith.constant 0 : index
        %parallel_loop3A_143 = tpu.vector_load %arg14[%parallel_loop3A_141, %parallel_loop3A_142] {strides = array<i32>} : memref<800x16xf32, #tpu.memory_space<vmem>>, vector<16xf32>,
        %parallel_loop3A_144 = arith.mulf %parallel_loop3A_143, %parallel_loop3A_140 : vector<16xf32>
        %parallel_loop3A_145 = arith.index_cast %parallel_loop3A_138 : i32 to index
        %parallel_loop3A_146 = arith.constant 0 : index
        %parallel_loop3A_147 = tpu.vector_load %arg14[%parallel_loop3A_145, %parallel_loop3A_146] {strides = array<i32>} : memref<800x16xf32, #tpu.memory_space<vmem>>, vector<16xf32>,
        tpu.vector_store %arg14[%parallel_loop3A_145, %parallel_loop3A_146], %parallel_loop3A_144 {strides = array<i32>} : memref<800x16xf32, #tpu.memory_space<vmem>>, vector<16xf32>,
      } {sc.loop_unroll_factor = 8 : i64, sc.parallel_access}
      %dma_wait3A_127 = tpu.memref_slice %arg4[%add3A_83] : memref<3200000xi32, #tpu.memory_space<hbm>> -> memref<800xi32, #tpu.memory_space<hbm>>
      %dma_wait3A_128 = tpu.memref_slice %arg4[%add3A_83] : memref<3200000xi32, #tpu.memory_space<hbm>> -> memref<800xi32, #tpu.memory_space<hbm>>
      tpu.wait_dma2 semaphore(%arg19 : memref<!tpu.dma_semaphore, #tpu.memory_space<semaphore_mem>>) src(%dma_wait3A_128 : memref<800xi32, #tpu.memory_space<hbm>>) dst(%arg12 : memref<800xi32, #tpu.memory_space<vmem>>)
      %dma_start3A_129 = arith.constant 0 : i32
      %dma_start3A_130 = arith.constant 0 : i32
      %dma_start3A_131 = tpu.memref_slice %arg15[%dma_start3A_129, %dma_start3A_130] : memref<100096x16xf32, #tpu.memory_space<vmem_shared>> -> memref<100096x16xf32, #tpu.memory_space<vmem_shared>>
      tpu.enqueue_indirect_dma source(%arg14 : memref<800x16xf32, #tpu.memory_space<vmem>>) target(%dma_start3A_131 : memref<100096x16xf32, #tpu.memory_space<vmem_shared>>) offsets(%arg12 : memref<800xi32, #tpu.memory_space<vmem>>) semaphore(%arg21 : memref<!tpu.dma_semaphore, #tpu.memory_space<semaphore_mem>>) {add = true}
      %dma_wait3A_132 = arith.constant 0 : i32
      %dma_wait3A_133 = arith.constant 0 : i32
      %dma_wait3A_134 = tpu.memref_slice %arg15[%dma_wait3A_132, %dma_wait3A_133] : memref<100096x16xf32, #tpu.memory_space<vmem_shared>> -> memref<100096x16xf32, #tpu.memory_space<vmem_shared>>
      tpu.wait_indirect_dma semaphore(%arg18 : memref<!tpu.dma_semaphore, #tpu.memory_space<semaphore_mem>>) src(%arg10 : memref<800x16xf32, #tpu.memory_space<vmem>>) dst(%dma_wait3A_134 : memref<100096x16xf32, #tpu.memory_space<vmem_shared>>)
      %dma_wait3A_135 = arith.constant 0 : i32
      %dma_wait3A_136 = arith.constant 0 : i32
      %dma_wait3A_137 = tpu.memref_slice %arg15[%dma_wait3A_135, %dma_wait3A_136] : memref<100096x16xf32, #tpu.memory_space<vmem_shared>> -> memref<100096x16xf32, #tpu.memory_space<vmem_shared>>
      tpu.wait_indirect_dma semaphore(%arg21 : memref<!tpu.dma_semaphore, #tpu.memory_space<semaphore_mem>>) src(%arg14 : memref<800x16xf32, #tpu.memory_space<vmem>>) dst(%dma_wait3A_137 : memref<100096x16xf32, #tpu.memory_space<vmem_shared>>)
    }
    %scan3A_52 = arith.constant 62 : i32
    %add3A_53 = arith.constant 99200 : i32
    %add3A_54 = arith.addi %mul3A_46, %add3A_53 : i32
    "tpu.region"() ({
      %run_scoped3A = tpu.sem_alloc : memref<!tpu.dma_semaphore, #tpu.memory_space<semaphore_mem>>
      %dma_start3A_71 = tpu.memref_slice %arg3[%add3A_54] : memref<3200000xi32, #tpu.memory_space<hbm>> -> memref<800xi32, #tpu.memory_space<hbm>>
      %dma_start3A_72 = tpu.memref_slice %arg3[%add3A_54] : memref<3200000xi32, #tpu.memory_space<hbm>> -> memref<800xi32, #tpu.memory_space<hbm>>
      tpu.enqueue_dma source(%dma_start3A_72 : memref<800xi32, #tpu.memory_space<hbm>>) target(%arg7 : memref<800xi32, #tpu.memory_space<vmem>>) target_semaphore(%run_scoped3A : memref<!tpu.dma_semaphore, #tpu.memory_space<semaphore_mem>>)
      %dma_wait3A_73 = tpu.memref_slice %arg3[%add3A_54] : memref<3200000xi32, #tpu.memory_space<hbm>> -> memref<800xi32, #tpu.memory_space<hbm>>
      %dma_wait3A_74 = tpu.memref_slice %arg3[%add3A_54] : memref<3200000xi32, #tpu.memory_space<hbm>> -> memref<800xi32, #tpu.memory_space<hbm>>
      tpu.wait_dma2 semaphore(%run_scoped3A : memref<!tpu.dma_semaphore, #tpu.memory_space<semaphore_mem>>) src(%dma_wait3A_74 : memref<800xi32, #tpu.memory_space<hbm>>) dst(%arg7 : memref<800xi32, #tpu.memory_space<vmem>>)
      tpu.yield
    }) : () -> ()
    "tpu.region"() ({
      %run_scoped3A = tpu.sem_alloc : memref<!tpu.dma_semaphore, #tpu.memory_space<semaphore_mem>>
      %dma_start3A_71 = tpu.memref_slice %arg4[%add3A_54] : memref<3200000xi32, #tpu.memory_space<hbm>> -> memref<800xi32, #tpu.memory_space<hbm>>
      %dma_start3A_72 = tpu.memref_slice %arg4[%add3A_54] : memref<3200000xi32, #tpu.memory_space<hbm>> -> memref<800xi32, #tpu.memory_space<hbm>>
      tpu.enqueue_dma source(%dma_start3A_72 : memref<800xi32, #tpu.memory_space<hbm>>) target(%arg8 : memref<800xi32, #tpu.memory_space<vmem>>) target_semaphore(%run_scoped3A : memref<!tpu.dma_semaphore, #tpu.memory_space<semaphore_mem>>)
      %dma_wait3A_73 = tpu.memref_slice %arg4[%add3A_54] : memref<3200000xi32, #tpu.memory_space<hbm>> -> memref<800xi32, #tpu.memory_space<hbm>>
      %dma_wait3A_74 = tpu.memref_slice %arg4[%add3A_54] : memref<3200000xi32, #tpu.memory_space<hbm>> -> memref<800xi32, #tpu.memory_space<hbm>>
      tpu.wait_dma2 semaphore(%run_scoped3A : memref<!tpu.dma_semaphore, #tpu.memory_space<semaphore_mem>>) src(%dma_wait3A_74 : memref<800xi32, #tpu.memory_space<hbm>>) dst(%arg8 : memref<800xi32, #tpu.memory_space<vmem>>)
      tpu.yield
    }) : () -> ()
    "tpu.region"() ({
      %run_scoped3A = tpu.sem_alloc : memref<!tpu.dma_semaphore, #tpu.memory_space<semaphore_mem>>
      %dma_start3A_71 = tpu.memref_slice %arg5[%add3A_54] : memref<3200000xf32, #tpu.memory_space<hbm>> -> memref<800xf32, #tpu.memory_space<hbm>>
      %dma_start3A_72 = tpu.memref_slice %arg5[%add3A_54] : memref<3200000xf32, #tpu.memory_space<hbm>> -> memref<800xf32, #tpu.memory_space<hbm>>
      tpu.enqueue_dma source(%dma_start3A_72 : memref<800xf32, #tpu.memory_space<hbm>>) target(%arg9 : memref<800xf32, #tpu.memory_space<vmem>>) target_semaphore(%run_scoped3A : memref<!tpu.dma_semaphore, #tpu.memory_space<semaphore_mem>>)
      %dma_wait3A_73 = tpu.memref_slice %arg5[%add3A_54] : memref<3200000xf32, #tpu.memory_space<hbm>> -> memref<800xf32, #tpu.memory_space<hbm>>
      %dma_wait3A_74 = tpu.memref_slice %arg5[%add3A_54] : memref<3200000xf32, #tpu.memory_space<hbm>> -> memref<800xf32, #tpu.memory_space<hbm>>
      tpu.wait_dma2 semaphore(%run_scoped3A : memref<!tpu.dma_semaphore, #tpu.memory_space<semaphore_mem>>) src(%dma_wait3A_74 : memref<800xf32, #tpu.memory_space<hbm>>) dst(%arg9 : memref<800xf32, #tpu.memory_space<vmem>>)
      tpu.yield
    }) : () -> ()
    %dma_start3A = arith.constant 0 : i32
    %dma_start3A_55 = arith.constant 0 : i32
    %dma_start3A_56 = tpu.memref_slice %arg2[%dma_start3A, %dma_start3A_55] : memref<100000x16xf32, #tpu.memory_space<hbm>> -> memref<100000x16xf32, #tpu.memory_space<hbm>>
    tpu.enqueue_indirect_dma source(%dma_start3A_56 : memref<100000x16xf32, #tpu.memory_space<hbm>>) target(%arg10 : memref<800x16xf32, #tpu.memory_space<vmem>>) offsets(%arg7 : memref<800xi32, #tpu.memory_space<vmem>>) semaphore(%arg17 : memref<!tpu.dma_semaphore, #tpu.memory_space<semaphore_mem>>)
    %dma_wait3A = arith.constant 0 : i32
    %dma_wait3A_57 = arith.constant 0 : i32
    %dma_wait3A_58 = tpu.memref_slice %arg2[%dma_wait3A, %dma_wait3A_57] : memref<100000x16xf32, #tpu.memory_space<hbm>> -> memref<100000x16xf32, #tpu.memory_space<hbm>>
    tpu.wait_indirect_dma semaphore(%arg17 : memref<!tpu.dma_semaphore, #tpu.memory_space<semaphore_mem>>) src(%dma_wait3A_58 : memref<100000x16xf32, #tpu.memory_space<hbm>>) dst(%arg10 : memref<800x16xf32, #tpu.memory_space<vmem>>)
    %parallel_loop3A = arith.constant 0 : i32
    %parallel_loop3A_59 = arith.constant 800 : i32
    %parallel_loop3A_60 = arith.constant 1 : i32
    scf.for %parallel_loop3A_71 = %parallel_loop3A to %parallel_loop3A_59 step %parallel_loop3A_60  : i32 {
      %parallel_loop3A_72 = vector.broadcast %parallel_loop3A_71 : i32 to vector<16xi32>
      %parallel_loop3A_73 = tpu.vector_load_idx %arg9[%parallel_loop3A_72] : memref<800xf32, #tpu.memory_space<vmem>>[vector<16xi32>], vector<16xf32>,
      %parallel_loop3A_74 = arith.index_cast %parallel_loop3A_71 : i32 to index
      %parallel_loop3A_75 = arith.constant 0 : index
      %parallel_loop3A_76 = tpu.vector_load %arg10[%parallel_loop3A_74, %parallel_loop3A_75] {strides = array<i32>} : memref<800x16xf32, #tpu.memory_space<vmem>>, vector<16xf32>,
      %parallel_loop3A_77 = arith.mulf %parallel_loop3A_76, %parallel_loop3A_73 : vector<16xf32>
      %parallel_loop3A_78 = arith.index_cast %parallel_loop3A_71 : i32 to index
      %parallel_loop3A_79 = arith.constant 0 : index
      %parallel_loop3A_80 = tpu.vector_load %arg10[%parallel_loop3A_78, %parallel_loop3A_79] {strides = array<i32>} : memref<800x16xf32, #tpu.memory_space<vmem>>, vector<16xf32>,
      tpu.vector_store %arg10[%parallel_loop3A_78, %parallel_loop3A_79], %parallel_loop3A_77 {strides = array<i32>} : memref<800x16xf32, #tpu.memory_space<vmem>>, vector<16xf32>,
    } {sc.loop_unroll_factor = 8 : i64, sc.parallel_access}
    "tpu.region"() ({
      %run_scoped3A = tpu.sem_alloc : memref<!tpu.dma_semaphore, #tpu.memory_space<semaphore_mem>>
      %dma_start3A_71 = arith.constant 0 : i32
      %dma_start3A_72 = arith.constant 0 : i32
      %dma_start3A_73 = tpu.memref_slice %arg15[%dma_start3A_71, %dma_start3A_72] : memref<100096x16xf32, #tpu.memory_space<vmem_shared>> -> memref<100096x16xf32, #tpu.memory_space<vmem_shared>>
      tpu.enqueue_indirect_dma source(%arg10 : memref<800x16xf32, #tpu.memory_space<vmem>>) target(%dma_start3A_73 : memref<100096x16xf32, #tpu.memory_space<vmem_shared>>) offsets(%arg8 : memref<800xi32, #tpu.memory_space<vmem>>) semaphore(%run_scoped3A : memref<!tpu.dma_semaphore, #tpu.memory_space<semaphore_mem>>) {add = true}
      %dma_wait3A_74 = arith.constant 0 : i32
      %dma_wait3A_75 = arith.constant 0 : i32
      %dma_wait3A_76 = tpu.memref_slice %arg15[%dma_wait3A_74, %dma_wait3A_75] : memref<100096x16xf32, #tpu.memory_space<vmem_shared>> -> memref<100096x16xf32, #tpu.memory_space<vmem_shared>>
      tpu.wait_indirect_dma semaphore(%run_scoped3A : memref<!tpu.dma_semaphore, #tpu.memory_space<semaphore_mem>>) src(%arg10 : memref<800x16xf32, #tpu.memory_space<vmem>>) dst(%dma_wait3A_76 : memref<100096x16xf32, #tpu.memory_space<vmem_shared>>)
      tpu.yield
    }) : () -> ()
    %barrier3A_61 = arith.constant 0 : index
    tpu.barrier barrier_id(%barrier3A_61)
    %mul3A_62 = arith.constant 6256 : i32
    %mul3A_63 = arith.muli %arg1, %mul3A_62 : i32
    %multiple_of3A_64 = tpu.assume_multiple %mul3A_63, 8 : i32
    %mul3A_65 = arith.constant 100096 : i32
    %mul3A_66 = arith.muli %arg0, %mul3A_65 : i32
    %mul3A_67 = arith.constant 6256 : i32
    %mul3A_68 = arith.muli %arg1, %mul3A_67 : i32
    %add3A_69 = arith.addi %mul3A_66, %mul3A_68 : i32
    %multiple_of3A_70 = tpu.assume_multiple %add3A_69, 8 : i32
    "tpu.region"() ({
      %run_scoped3A = tpu.sem_alloc : memref<!tpu.dma_semaphore, #tpu.memory_space<semaphore_mem>>
      %dma_start3A_71 = arith.constant 0 : i32
      %dma_start3A_72 = tpu.memref_slice %arg6[%multiple_of3A_70, %dma_start3A_71] : memref<200192x16xf32, #tpu.memory_space<hbm>> -> memref<6256x16xf32, #tpu.memory_space<hbm>>
      %dma_start3A_73 = arith.constant 0 : i32
      %dma_start3A_74 = tpu.memref_slice %arg15[%multiple_of3A_64, %dma_start3A_73] : memref<100096x16xf32, #tpu.memory_space<vmem_shared>> -> memref<6256x16xf32, #tpu.memory_space<vmem_shared>>
      tpu.enqueue_dma source(%dma_start3A_74 : memref<6256x16xf32, #tpu.memory_space<vmem_shared>>) target(%dma_start3A_72 : memref<6256x16xf32, #tpu.memory_space<hbm>>) target_semaphore(%run_scoped3A : memref<!tpu.dma_semaphore, #tpu.memory_space<semaphore_mem>>)
      %dma_wait3A_75 = arith.constant 0 : i32
      %dma_wait3A_76 = tpu.memref_slice %arg6[%multiple_of3A_70, %dma_wait3A_75] : memref<200192x16xf32, #tpu.memory_space<hbm>> -> memref<6256x16xf32, #tpu.memory_space<hbm>>
      %dma_wait3A_77 = arith.constant 0 : i32
      %dma_wait3A_78 = tpu.memref_slice %arg15[%multiple_of3A_64, %dma_wait3A_77] : memref<100096x16xf32, #tpu.memory_space<vmem_shared>> -> memref<6256x16xf32, #tpu.memory_space<vmem_shared>>
      tpu.wait_dma2 semaphore(%run_scoped3A : memref<!tpu.dma_semaphore, #tpu.memory_space<semaphore_mem>>) src(%dma_wait3A_78 : memref<6256x16xf32, #tpu.memory_space<vmem_shared>>) dst(%dma_wait3A_76 : memref<6256x16xf32, #tpu.memory_space<hbm>>)
      tpu.yield
    }) : () -> ()
    return
  }
}

module attributes {stable_mosaic.version = 14 : i64} {
  func.func @_l0_body(%arg0: i32, %arg1: memref<2x4000x16xf32, #tpu.memory_space<vmem>>, %arg2: memref<4000x16xf32, #tpu.memory_space<vmem>>, %arg3: memref<16x64xf32, #tpu.memory_space<vmem>>, %arg4: memref<16x64xf32, #tpu.memory_space<vmem>>, %arg5: memref<1x64xf32, #tpu.memory_space<vmem>>, %arg6: memref<2x4000x32xbf16, #tpu.memory_space<vmem>>) attributes {dimension_semantics = [#tpu.dimension_semantics<arbitrary>], iteration_bounds = array<i64: 25>, scalar_prefetch = 0 : i64, scratch_operands = 0 : i64, tpu.core_type = #tpu.core_type<tc>, window_params = [{transform_indices = @transform_0, window_bounds = array<i64: 2, 4000, 16>}, {transform_indices = @transform_1, window_bounds = array<i64: 4000, 16>}, {pipeline_mode = #tpu.pipeline_mode<synchronous>, transform_indices = @transform_2, window_bounds = array<i64: 16, 64>}, {pipeline_mode = #tpu.pipeline_mode<synchronous>, transform_indices = @transform_3, window_bounds = array<i64: 16, 64>}, {pipeline_mode = #tpu.pipeline_mode<synchronous>, transform_indices = @transform_4, window_bounds = array<i64: 1, 64>}, {transform_indices = @transform_5, window_bounds = array<i64: 2, 4000, 32>}]} {
    %get3A = arith.constant 0 : index
    %get3A_0 = arith.constant 0 : index
    %get3A_1 = arith.constant 0 : index
    %get3A_2 = vector.load %arg1[%get3A, %get3A_0, %get3A_1] : memref<2x4000x16xf32, #tpu.memory_space<vmem>>, vector<1x4000x16xf32>
    %get3A_3 = vector.shape_cast %get3A_2 : vector<1x4000x16xf32> to vector<4000x16xf32>
    %get3A_4 = arith.constant 1 : index
    %get3A_5 = arith.constant 0 : index
    %get3A_6 = arith.constant 0 : index
    %get3A_7 = vector.load %arg1[%get3A_4, %get3A_5, %get3A_6] : memref<2x4000x16xf32, #tpu.memory_space<vmem>>, vector<1x4000x16xf32>
    %get3A_8 = vector.shape_cast %get3A_7 : vector<1x4000x16xf32> to vector<4000x16xf32>
    %add3A = arith.addf %get3A_3, %get3A_8 : vector<4000x16xf32>
    %get3A_9 = arith.constant 0 : index
    %get3A_10 = arith.constant 0 : index
    %get3A_11 = vector.load %arg3[%get3A_9, %get3A_10] : memref<16x64xf32, #tpu.memory_space<vmem>>, vector<16x64xf32>
    %dot_general3A = arith.constant dense<0.000000e+00> : vector<4000x64xf32>
    %dot_general3A_12 = tpu.matmul %add3A, %get3A_11, %dot_general3A {dimension_numbers = #tpu.dot_dimension_numbers<[1], [0], [0], [1], [0, 0, 1, 1], [], []>, transpose_lhs_hint = false} : vector<4000x16xf32>, vector<16x64xf32>, vector<4000x64xf32> -> vector<4000x64xf32>
    %get3A_13 = arith.constant 0 : index
    %get3A_14 = arith.constant 0 : index
    %get3A_15 = vector.load %arg2[%get3A_13, %get3A_14] : memref<4000x16xf32, #tpu.memory_space<vmem>>, vector<4000x16xf32>
    %get3A_16 = arith.constant 0 : index
    %get3A_17 = arith.constant 0 : index
    %get3A_18 = vector.load %arg4[%get3A_16, %get3A_17] : memref<16x64xf32, #tpu.memory_space<vmem>>, vector<16x64xf32>
    %dot_general3A_19 = arith.constant dense<0.000000e+00> : vector<4000x64xf32>
    %dot_general3A_20 = tpu.matmul %get3A_15, %get3A_18, %dot_general3A_19 {dimension_numbers = #tpu.dot_dimension_numbers<[1], [0], [0], [1], [0, 0, 1, 1], [], []>, transpose_lhs_hint = false} : vector<4000x16xf32>, vector<16x64xf32>, vector<4000x64xf32> -> vector<4000x64xf32>
    %add3A_21 = arith.addf %dot_general3A_12, %dot_general3A_20 : vector<4000x64xf32>
    %get3A_22 = arith.constant 0 : index
    %get3A_23 = arith.constant 0 : index
    %get3A_24 = vector.load %arg5[%get3A_22, %get3A_23] : memref<1x64xf32, #tpu.memory_space<vmem>>, vector<1x64xf32>
    %add3A_25 = vector.broadcast %get3A_24 : vector<1x64xf32> to vector<4000x64xf32>
    %add3A_26 = arith.addf %add3A_21, %add3A_25 : vector<4000x64xf32>
    %max3A = arith.constant 0.000000e+00 : f32
    %max3A_27 = vector.broadcast %max3A : f32 to vector<4000x64xf32>
    %max3A_28 = arith.maximumf %add3A_26, %max3A_27 : vector<4000x64xf32>
    %convert_element_type3A = arith.truncf %max3A_28 : vector<4000x64xf32> to vector<4000x64xbf16>
    %slice3A = vector.extract_strided_slice %convert_element_type3A {offsets = [0, 0], sizes = [4000, 32], strides = [1, 1]} : vector<4000x64xbf16> to vector<4000x32xbf16>
    %swap3A = arith.constant 0 : index
    %swap3A_29 = arith.constant 0 : index
    %swap3A_30 = arith.constant 0 : index
    %swap3A_31 = vector.load %arg6[%swap3A, %swap3A_29, %swap3A_30] : memref<2x4000x32xbf16, #tpu.memory_space<vmem>>, vector<1x4000x32xbf16>
    %swap3A_32 = vector.shape_cast %swap3A_31 : vector<1x4000x32xbf16> to vector<4000x32xbf16>
    %swap3A_33 = vector.shape_cast %slice3A : vector<4000x32xbf16> to vector<1x4000x32xbf16>
    tpu.vector_store %arg6[%swap3A, %swap3A_29, %swap3A_30], %swap3A_33 {strides = array<i32>} : memref<2x4000x32xbf16, #tpu.memory_space<vmem>>, vector<1x4000x32xbf16>,
    %slice3A_34 = vector.extract_strided_slice %convert_element_type3A {offsets = [0, 32], sizes = [4000, 32], strides = [1, 1]} : vector<4000x64xbf16> to vector<4000x32xbf16>
    %swap3A_35 = arith.constant 1 : index
    %swap3A_36 = arith.constant 0 : index
    %swap3A_37 = arith.constant 0 : index
    %swap3A_38 = vector.load %arg6[%swap3A_35, %swap3A_36, %swap3A_37] : memref<2x4000x32xbf16, #tpu.memory_space<vmem>>, vector<1x4000x32xbf16>
    %swap3A_39 = vector.shape_cast %swap3A_38 : vector<1x4000x32xbf16> to vector<4000x32xbf16>
    %swap3A_40 = vector.shape_cast %slice3A_34 : vector<4000x32xbf16> to vector<1x4000x32xbf16>
    tpu.vector_store %arg6[%swap3A_35, %swap3A_36, %swap3A_37], %swap3A_40 {strides = array<i32>} : memref<2x4000x32xbf16, #tpu.memory_space<vmem>>, vector<1x4000x32xbf16>,
    return
  }
  func.func @transform_0(%arg0: i32) -> (i32, i32, i32) {
    %c0_i32 = arith.constant 0 : i32
    %c0_i32_0 = arith.constant 0 : i32
    %c0_i32_1 = arith.constant 0 : i32
    return %c0_i32, %arg0, %c0_i32_0 : i32, i32, i32
  }
  func.func @transform_1(%arg0: i32) -> (i32, i32) {
    %c0_i32 = arith.constant 0 : i32
    %c0_i32_0 = arith.constant 0 : i32
    return %arg0, %c0_i32 : i32, i32
  }
  func.func @transform_2(%arg0: i32) -> (i32, i32) {
    %c0_i32 = arith.constant 0 : i32
    %c0_i32_0 = arith.constant 0 : i32
    %c0_i32_1 = arith.constant 0 : i32
    return %c0_i32, %c0_i32_0 : i32, i32
  }
  func.func @transform_3(%arg0: i32) -> (i32, i32) {
    %c0_i32 = arith.constant 0 : i32
    %c0_i32_0 = arith.constant 0 : i32
    %c0_i32_1 = arith.constant 0 : i32
    return %c0_i32, %c0_i32_0 : i32, i32
  }
  func.func @transform_4(%arg0: i32) -> (i32, i32) {
    %c0_i32 = arith.constant 0 : i32
    %c0_i32_0 = arith.constant 0 : i32
    %c0_i32_1 = arith.constant 0 : i32
    return %c0_i32, %c0_i32_0 : i32, i32
  }
  func.func @transform_5(%arg0: i32) -> (i32, i32, i32) {
    %c0_i32 = arith.constant 0 : i32
    %c0_i32_0 = arith.constant 0 : i32
    %c0_i32_1 = arith.constant 0 : i32
    return %c0_i32, %arg0, %c0_i32_0 : i32, i32, i32
  }
}

module attributes {stable_mosaic.version = 14 : i64} {
  func.func @_mid_body(%arg0: i32, %arg1: memref<2x4000x32xbf16, #tpu.memory_space<vmem>>, %arg2: memref<2x4000x32xbf16, #tpu.memory_space<vmem>>, %arg3: memref<64x64xf32, #tpu.memory_space<vmem>>, %arg4: memref<64x64xf32, #tpu.memory_space<vmem>>, %arg5: memref<1x64xf32, #tpu.memory_space<vmem>>, %arg6: memref<2x4000x32xbf16, #tpu.memory_space<vmem>>) attributes {dimension_semantics = [#tpu.dimension_semantics<arbitrary>], iteration_bounds = array<i64: 25>, scalar_prefetch = 0 : i64, scratch_operands = 0 : i64, tpu.core_type = #tpu.core_type<tc>, window_params = [{transform_indices = @transform_0, window_bounds = array<i64: 2, 4000, 32>}, {transform_indices = @transform_1, window_bounds = array<i64: 2, 4000, 32>}, {pipeline_mode = #tpu.pipeline_mode<synchronous>, transform_indices = @transform_2, window_bounds = array<i64: 64, 64>}, {pipeline_mode = #tpu.pipeline_mode<synchronous>, transform_indices = @transform_3, window_bounds = array<i64: 64, 64>}, {pipeline_mode = #tpu.pipeline_mode<synchronous>, transform_indices = @transform_4, window_bounds = array<i64: 1, 64>}, {transform_indices = @transform_5, window_bounds = array<i64: 2, 4000, 32>}]} {
    %get3A = arith.constant 0 : index
    %get3A_0 = arith.constant 0 : index
    %get3A_1 = arith.constant 0 : index
    %get3A_2 = vector.load %arg1[%get3A, %get3A_0, %get3A_1] : memref<2x4000x32xbf16, #tpu.memory_space<vmem>>, vector<1x4000x32xbf16>
    %get3A_3 = vector.shape_cast %get3A_2 : vector<1x4000x32xbf16> to vector<4000x32xbf16>
    %get3A_4 = arith.constant 1 : index
    %get3A_5 = arith.constant 0 : index
    %get3A_6 = arith.constant 0 : index
    %get3A_7 = vector.load %arg1[%get3A_4, %get3A_5, %get3A_6] : memref<2x4000x32xbf16, #tpu.memory_space<vmem>>, vector<1x4000x32xbf16>
    %get3A_8 = vector.shape_cast %get3A_7 : vector<1x4000x32xbf16> to vector<4000x32xbf16>
    %concatenate3A = tpu.concatenate %get3A_3, %get3A_8 in 1 : vector<4000x32xbf16>, vector<4000x32xbf16> -> vector<4000x64xbf16>
    %convert_element_type3A = arith.extf %concatenate3A : vector<4000x64xbf16> to vector<4000x64xf32>
    %get3A_9 = arith.constant 0 : index
    %get3A_10 = arith.constant 0 : index
    %get3A_11 = arith.constant 0 : index
    %get3A_12 = vector.load %arg2[%get3A_9, %get3A_10, %get3A_11] : memref<2x4000x32xbf16, #tpu.memory_space<vmem>>, vector<1x4000x32xbf16>
    %get3A_13 = vector.shape_cast %get3A_12 : vector<1x4000x32xbf16> to vector<4000x32xbf16>
    %get3A_14 = arith.constant 1 : index
    %get3A_15 = arith.constant 0 : index
    %get3A_16 = arith.constant 0 : index
    %get3A_17 = vector.load %arg2[%get3A_14, %get3A_15, %get3A_16] : memref<2x4000x32xbf16, #tpu.memory_space<vmem>>, vector<1x4000x32xbf16>
    %get3A_18 = vector.shape_cast %get3A_17 : vector<1x4000x32xbf16> to vector<4000x32xbf16>
    %concatenate3A_19 = tpu.concatenate %get3A_13, %get3A_18 in 1 : vector<4000x32xbf16>, vector<4000x32xbf16> -> vector<4000x64xbf16>
    %convert_element_type3A_20 = arith.extf %concatenate3A_19 : vector<4000x64xbf16> to vector<4000x64xf32>
    %get3A_21 = arith.constant 0 : index
    %get3A_22 = arith.constant 0 : index
    %get3A_23 = vector.load %arg3[%get3A_21, %get3A_22] : memref<64x64xf32, #tpu.memory_space<vmem>>, vector<64x64xf32>
    %dot_general3A = arith.constant dense<0.000000e+00> : vector<4000x64xf32>
    %dot_general3A_24 = tpu.matmul %convert_element_type3A, %get3A_23, %dot_general3A {dimension_numbers = #tpu.dot_dimension_numbers<[1], [0], [0], [1], [0, 0, 1, 1], [], []>, transpose_lhs_hint = false} : vector<4000x64xf32>, vector<64x64xf32>, vector<4000x64xf32> -> vector<4000x64xf32>
    %get3A_25 = arith.constant 0 : index
    %get3A_26 = arith.constant 0 : index
    %get3A_27 = vector.load %arg4[%get3A_25, %get3A_26] : memref<64x64xf32, #tpu.memory_space<vmem>>, vector<64x64xf32>
    %dot_general3A_28 = arith.constant dense<0.000000e+00> : vector<4000x64xf32>
    %dot_general3A_29 = tpu.matmul %convert_element_type3A_20, %get3A_27, %dot_general3A_28 {dimension_numbers = #tpu.dot_dimension_numbers<[1], [0], [0], [1], [0, 0, 1, 1], [], []>, transpose_lhs_hint = false} : vector<4000x64xf32>, vector<64x64xf32>, vector<4000x64xf32> -> vector<4000x64xf32>
    %add3A = arith.addf %dot_general3A_24, %dot_general3A_29 : vector<4000x64xf32>
    %get3A_30 = arith.constant 0 : index
    %get3A_31 = arith.constant 0 : index
    %get3A_32 = vector.load %arg5[%get3A_30, %get3A_31] : memref<1x64xf32, #tpu.memory_space<vmem>>, vector<1x64xf32>
    %add3A_33 = vector.broadcast %get3A_32 : vector<1x64xf32> to vector<4000x64xf32>
    %add3A_34 = arith.addf %add3A, %add3A_33 : vector<4000x64xf32>
    %max3A = arith.constant 0.000000e+00 : f32
    %max3A_35 = vector.broadcast %max3A : f32 to vector<4000x64xf32>
    %max3A_36 = arith.maximumf %add3A_34, %max3A_35 : vector<4000x64xf32>
    %convert_element_type3A_37 = arith.truncf %max3A_36 : vector<4000x64xf32> to vector<4000x64xbf16>
    %slice3A = vector.extract_strided_slice %convert_element_type3A_37 {offsets = [0, 0], sizes = [4000, 32], strides = [1, 1]} : vector<4000x64xbf16> to vector<4000x32xbf16>
    %swap3A = arith.constant 0 : index
    %swap3A_38 = arith.constant 0 : index
    %swap3A_39 = arith.constant 0 : index
    %swap3A_40 = vector.load %arg6[%swap3A, %swap3A_38, %swap3A_39] : memref<2x4000x32xbf16, #tpu.memory_space<vmem>>, vector<1x4000x32xbf16>
    %swap3A_41 = vector.shape_cast %swap3A_40 : vector<1x4000x32xbf16> to vector<4000x32xbf16>
    %swap3A_42 = vector.shape_cast %slice3A : vector<4000x32xbf16> to vector<1x4000x32xbf16>
    tpu.vector_store %arg6[%swap3A, %swap3A_38, %swap3A_39], %swap3A_42 {strides = array<i32>} : memref<2x4000x32xbf16, #tpu.memory_space<vmem>>, vector<1x4000x32xbf16>,
    %slice3A_43 = vector.extract_strided_slice %convert_element_type3A_37 {offsets = [0, 32], sizes = [4000, 32], strides = [1, 1]} : vector<4000x64xbf16> to vector<4000x32xbf16>
    %swap3A_44 = arith.constant 1 : index
    %swap3A_45 = arith.constant 0 : index
    %swap3A_46 = arith.constant 0 : index
    %swap3A_47 = vector.load %arg6[%swap3A_44, %swap3A_45, %swap3A_46] : memref<2x4000x32xbf16, #tpu.memory_space<vmem>>, vector<1x4000x32xbf16>
    %swap3A_48 = vector.shape_cast %swap3A_47 : vector<1x4000x32xbf16> to vector<4000x32xbf16>
    %swap3A_49 = vector.shape_cast %slice3A_43 : vector<4000x32xbf16> to vector<1x4000x32xbf16>
    tpu.vector_store %arg6[%swap3A_44, %swap3A_45, %swap3A_46], %swap3A_49 {strides = array<i32>} : memref<2x4000x32xbf16, #tpu.memory_space<vmem>>, vector<1x4000x32xbf16>,
    return
  }
  func.func @transform_0(%arg0: i32) -> (i32, i32, i32) {
    %c0_i32 = arith.constant 0 : i32
    %c0_i32_0 = arith.constant 0 : i32
    %c0_i32_1 = arith.constant 0 : i32
    return %c0_i32, %arg0, %c0_i32_0 : i32, i32, i32
  }
  func.func @transform_1(%arg0: i32) -> (i32, i32, i32) {
    %c0_i32 = arith.constant 0 : i32
    %c0_i32_0 = arith.constant 0 : i32
    %c0_i32_1 = arith.constant 0 : i32
    return %c0_i32, %arg0, %c0_i32_0 : i32, i32, i32
  }
  func.func @transform_2(%arg0: i32) -> (i32, i32) {
    %c0_i32 = arith.constant 0 : i32
    %c0_i32_0 = arith.constant 0 : i32
    %c0_i32_1 = arith.constant 0 : i32
    return %c0_i32, %c0_i32_0 : i32, i32
  }
  func.func @transform_3(%arg0: i32) -> (i32, i32) {
    %c0_i32 = arith.constant 0 : i32
    %c0_i32_0 = arith.constant 0 : i32
    %c0_i32_1 = arith.constant 0 : i32
    return %c0_i32, %c0_i32_0 : i32, i32
  }
  func.func @transform_4(%arg0: i32) -> (i32, i32) {
    %c0_i32 = arith.constant 0 : i32
    %c0_i32_0 = arith.constant 0 : i32
    %c0_i32_1 = arith.constant 0 : i32
    return %c0_i32, %c0_i32_0 : i32, i32
  }
  func.func @transform_5(%arg0: i32) -> (i32, i32, i32) {
    %c0_i32 = arith.constant 0 : i32
    %c0_i32_0 = arith.constant 0 : i32
    %c0_i32_1 = arith.constant 0 : i32
    return %c0_i32, %arg0, %c0_i32_0 : i32, i32, i32
  }
}

module attributes {stable_mosaic.version = 14 : i64} {
  func.func @_l3_body(%arg0: i32, %arg1: memref<2x4000x32xbf16, #tpu.memory_space<vmem>>, %arg2: memref<2x4000x32xbf16, #tpu.memory_space<vmem>>, %arg3: memref<64x64xf32, #tpu.memory_space<vmem>>, %arg4: memref<64x64xf32, #tpu.memory_space<vmem>>, %arg5: memref<1x64xf32, #tpu.memory_space<vmem>>, %arg6: memref<64x1xf32, #tpu.memory_space<vmem>>, %arg7: memref<64x1xf32, #tpu.memory_space<vmem>>, %arg8: memref<4000x16xf32, #tpu.memory_space<vmem>>, %arg9: memref<4000x1xf32, #tpu.memory_space<vmem>>) attributes {dimension_semantics = [#tpu.dimension_semantics<arbitrary>], iteration_bounds = array<i64: 25>, scalar_prefetch = 0 : i64, scratch_operands = 0 : i64, tpu.core_type = #tpu.core_type<tc>, window_params = [{transform_indices = @transform_0, window_bounds = array<i64: 2, 4000, 32>}, {transform_indices = @transform_1, window_bounds = array<i64: 2, 4000, 32>}, {pipeline_mode = #tpu.pipeline_mode<synchronous>, transform_indices = @transform_2, window_bounds = array<i64: 64, 64>}, {pipeline_mode = #tpu.pipeline_mode<synchronous>, transform_indices = @transform_3, window_bounds = array<i64: 64, 64>}, {pipeline_mode = #tpu.pipeline_mode<synchronous>, transform_indices = @transform_4, window_bounds = array<i64: 1, 64>}, {pipeline_mode = #tpu.pipeline_mode<synchronous>, transform_indices = @transform_5, window_bounds = array<i64: 64, 1>}, {pipeline_mode = #tpu.pipeline_mode<synchronous>, transform_indices = @transform_6, window_bounds = array<i64: 64, 1>}, {transform_indices = @transform_7, window_bounds = array<i64: 4000, 16>}, {transform_indices = @transform_8, window_bounds = array<i64: 4000, 1>}]} {
    %get3A = arith.constant 0 : index
    %get3A_0 = arith.constant 0 : index
    %get3A_1 = arith.constant 0 : index
    %get3A_2 = vector.load %arg1[%get3A, %get3A_0, %get3A_1] : memref<2x4000x32xbf16, #tpu.memory_space<vmem>>, vector<1x4000x32xbf16>
    %get3A_3 = vector.shape_cast %get3A_2 : vector<1x4000x32xbf16> to vector<4000x32xbf16>
    %get3A_4 = arith.constant 1 : index
    %get3A_5 = arith.constant 0 : index
    %get3A_6 = arith.constant 0 : index
    %get3A_7 = vector.load %arg1[%get3A_4, %get3A_5, %get3A_6] : memref<2x4000x32xbf16, #tpu.memory_space<vmem>>, vector<1x4000x32xbf16>
    %get3A_8 = vector.shape_cast %get3A_7 : vector<1x4000x32xbf16> to vector<4000x32xbf16>
    %concatenate3A = tpu.concatenate %get3A_3, %get3A_8 in 1 : vector<4000x32xbf16>, vector<4000x32xbf16> -> vector<4000x64xbf16>
    %convert_element_type3A = arith.extf %concatenate3A : vector<4000x64xbf16> to vector<4000x64xf32>
    %get3A_9 = arith.constant 0 : index
    %get3A_10 = arith.constant 0 : index
    %get3A_11 = arith.constant 0 : index
    %get3A_12 = vector.load %arg2[%get3A_9, %get3A_10, %get3A_11] : memref<2x4000x32xbf16, #tpu.memory_space<vmem>>, vector<1x4000x32xbf16>
    %get3A_13 = vector.shape_cast %get3A_12 : vector<1x4000x32xbf16> to vector<4000x32xbf16>
    %get3A_14 = arith.constant 1 : index
    %get3A_15 = arith.constant 0 : index
    %get3A_16 = arith.constant 0 : index
    %get3A_17 = vector.load %arg2[%get3A_14, %get3A_15, %get3A_16] : memref<2x4000x32xbf16, #tpu.memory_space<vmem>>, vector<1x4000x32xbf16>
    %get3A_18 = vector.shape_cast %get3A_17 : vector<1x4000x32xbf16> to vector<4000x32xbf16>
    %concatenate3A_19 = tpu.concatenate %get3A_13, %get3A_18 in 1 : vector<4000x32xbf16>, vector<4000x32xbf16> -> vector<4000x64xbf16>
    %convert_element_type3A_20 = arith.extf %concatenate3A_19 : vector<4000x64xbf16> to vector<4000x64xf32>
    %get3A_21 = arith.constant 0 : index
    %get3A_22 = arith.constant 0 : index
    %get3A_23 = vector.load %arg3[%get3A_21, %get3A_22] : memref<64x64xf32, #tpu.memory_space<vmem>>, vector<64x64xf32>
    %dot_general3A = arith.constant dense<0.000000e+00> : vector<4000x64xf32>
    %dot_general3A_24 = tpu.matmul %convert_element_type3A, %get3A_23, %dot_general3A {dimension_numbers = #tpu.dot_dimension_numbers<[1], [0], [0], [1], [0, 0, 1, 1], [], []>, transpose_lhs_hint = false} : vector<4000x64xf32>, vector<64x64xf32>, vector<4000x64xf32> -> vector<4000x64xf32>
    %get3A_25 = arith.constant 0 : index
    %get3A_26 = arith.constant 0 : index
    %get3A_27 = vector.load %arg4[%get3A_25, %get3A_26] : memref<64x64xf32, #tpu.memory_space<vmem>>, vector<64x64xf32>
    %dot_general3A_28 = arith.constant dense<0.000000e+00> : vector<4000x64xf32>
    %dot_general3A_29 = tpu.matmul %convert_element_type3A_20, %get3A_27, %dot_general3A_28 {dimension_numbers = #tpu.dot_dimension_numbers<[1], [0], [0], [1], [0, 0, 1, 1], [], []>, transpose_lhs_hint = false} : vector<4000x64xf32>, vector<64x64xf32>, vector<4000x64xf32> -> vector<4000x64xf32>
    %add3A = arith.addf %dot_general3A_24, %dot_general3A_29 : vector<4000x64xf32>
    %get3A_30 = arith.constant 0 : index
    %get3A_31 = arith.constant 0 : index
    %get3A_32 = vector.load %arg5[%get3A_30, %get3A_31] : memref<1x64xf32, #tpu.memory_space<vmem>>, vector<1x64xf32>
    %add3A_33 = vector.broadcast %get3A_32 : vector<1x64xf32> to vector<4000x64xf32>
    %add3A_34 = arith.addf %add3A, %add3A_33 : vector<4000x64xf32>
    %max3A = arith.constant 0.000000e+00 : f32
    %max3A_35 = vector.broadcast %max3A : f32 to vector<4000x64xf32>
    %max3A_36 = arith.maximumf %add3A_34, %max3A_35 : vector<4000x64xf32>
    %get3A_37 = arith.constant 0 : index
    %get3A_38 = arith.constant 0 : index
    %get3A_39 = vector.load %arg6[%get3A_37, %get3A_38] : memref<64x1xf32, #tpu.memory_space<vmem>>, vector<64x1xf32>
    %dot_general3A_40 = arith.constant dense<0.000000e+00> : vector<4000x1xf32>
    %dot_general3A_41 = tpu.matmul %max3A_36, %get3A_39, %dot_general3A_40 {dimension_numbers = #tpu.dot_dimension_numbers<[1], [0], [0], [1], [0, 0, 1, 1], [], []>, transpose_lhs_hint = false} : vector<4000x64xf32>, vector<64x1xf32>, vector<4000x1xf32> -> vector<4000x1xf32>
    %get3A_42 = arith.constant 0 : index
    %get3A_43 = arith.constant 0 : index
    %get3A_44 = vector.load %arg7[%get3A_42, %get3A_43] : memref<64x1xf32, #tpu.memory_space<vmem>>, vector<64x1xf32>
    %dot_general3A_45 = arith.constant dense<0.000000e+00> : vector<4000x1xf32>
    %dot_general3A_46 = tpu.matmul %max3A_36, %get3A_44, %dot_general3A_45 {dimension_numbers = #tpu.dot_dimension_numbers<[1], [0], [0], [1], [0, 0, 1, 1], [], []>, transpose_lhs_hint = false} : vector<4000x64xf32>, vector<64x1xf32>, vector<4000x1xf32> -> vector<4000x1xf32>
    %broadcast_in_dim3A = arith.constant 0.000000e+00 : f32
    %broadcast_in_dim3A_47 = vector.broadcast %broadcast_in_dim3A : f32 to vector<4000x15xf32>
    %concatenate3A_48 = tpu.concatenate %dot_general3A_41, %broadcast_in_dim3A_47 in 1 : vector<4000x1xf32>, vector<4000x15xf32> -> vector<4000x16xf32>
    %swap3A = arith.constant 0 : index
    %swap3A_49 = arith.constant 0 : index
    %swap3A_50 = vector.load %arg8[%swap3A, %swap3A_49] : memref<4000x16xf32, #tpu.memory_space<vmem>>, vector<4000x16xf32>
    tpu.vector_store %arg8[%swap3A, %swap3A_49], %concatenate3A_48 {strides = array<i32>} : memref<4000x16xf32, #tpu.memory_space<vmem>>, vector<4000x16xf32>,
    %swap3A_51 = arith.constant 0 : index
    %swap3A_52 = arith.constant 0 : index
    %swap3A_53 = vector.load %arg9[%swap3A_51, %swap3A_52] : memref<4000x1xf32, #tpu.memory_space<vmem>>, vector<4000x1xf32>
    tpu.vector_store %arg9[%swap3A_51, %swap3A_52], %dot_general3A_46 {strides = array<i32>} : memref<4000x1xf32, #tpu.memory_space<vmem>>, vector<4000x1xf32>,
    return
  }
  func.func @transform_0(%arg0: i32) -> (i32, i32, i32) {
    %c0_i32 = arith.constant 0 : i32
    %c0_i32_0 = arith.constant 0 : i32
    %c0_i32_1 = arith.constant 0 : i32
    return %c0_i32, %arg0, %c0_i32_0 : i32, i32, i32
  }
  func.func @transform_1(%arg0: i32) -> (i32, i32, i32) {
    %c0_i32 = arith.constant 0 : i32
    %c0_i32_0 = arith.constant 0 : i32
    %c0_i32_1 = arith.constant 0 : i32
    return %c0_i32, %arg0, %c0_i32_0 : i32, i32, i32
  }
  func.func @transform_2(%arg0: i32) -> (i32, i32) {
    %c0_i32 = arith.constant 0 : i32
    %c0_i32_0 = arith.constant 0 : i32
    %c0_i32_1 = arith.constant 0 : i32
    return %c0_i32, %c0_i32_0 : i32, i32
  }
  func.func @transform_3(%arg0: i32) -> (i32, i32) {
    %c0_i32 = arith.constant 0 : i32
    %c0_i32_0 = arith.constant 0 : i32
    %c0_i32_1 = arith.constant 0 : i32
    return %c0_i32, %c0_i32_0 : i32, i32
  }
  func.func @transform_4(%arg0: i32) -> (i32, i32) {
    %c0_i32 = arith.constant 0 : i32
    %c0_i32_0 = arith.constant 0 : i32
    %c0_i32_1 = arith.constant 0 : i32
    return %c0_i32, %c0_i32_0 : i32, i32
  }
  func.func @transform_5(%arg0: i32) -> (i32, i32) {
    %c0_i32 = arith.constant 0 : i32
    %c0_i32_0 = arith.constant 0 : i32
    %c0_i32_1 = arith.constant 0 : i32
    return %c0_i32, %c0_i32_0 : i32, i32
  }
  func.func @transform_6(%arg0: i32) -> (i32, i32) {
    %c0_i32 = arith.constant 0 : i32
    %c0_i32_0 = arith.constant 0 : i32
    %c0_i32_1 = arith.constant 0 : i32
    return %c0_i32, %c0_i32_0 : i32, i32
  }
  func.func @transform_7(%arg0: i32) -> (i32, i32) {
    %c0_i32 = arith.constant 0 : i32
    %c0_i32_0 = arith.constant 0 : i32
    return %arg0, %c0_i32 : i32, i32
  }
  func.func @transform_8(%arg0: i32) -> (i32, i32) {
    %c0_i32 = arith.constant 0 : i32
    %c0_i32_0 = arith.constant 0 : i32
    return %arg0, %c0_i32 : i32, i32
  }
}

module attributes {stable_mosaic.version = 14 : i64} {
  func.func @_fin_body(%arg0: i32, %arg1: memref<2x4000x16xf32, #tpu.memory_space<vmem>>, %arg2: memref<4000x1xf32, #tpu.memory_space<vmem>>, %arg3: memref<1x1xf32, #tpu.memory_space<vmem>>, %arg4: memref<4000x1xf32, #tpu.memory_space<vmem>>) attributes {dimension_semantics = [#tpu.dimension_semantics<arbitrary>], iteration_bounds = array<i64: 25>, scalar_prefetch = 0 : i64, scratch_operands = 0 : i64, tpu.core_type = #tpu.core_type<tc>, window_params = [{transform_indices = @transform_0, window_bounds = array<i64: 2, 4000, 16>}, {transform_indices = @transform_1, window_bounds = array<i64: 4000, 1>}, {pipeline_mode = #tpu.pipeline_mode<synchronous>, transform_indices = @transform_2, window_bounds = array<i64: 1, 1>}, {transform_indices = @transform_3, window_bounds = array<i64: 4000, 1>}]} {
    %get3A = arith.constant 0 : index
    %get3A_0 = arith.constant 0 : index
    %get3A_1 = arith.constant 0 : index
    %get3A_2 = vector.load %arg1[%get3A, %get3A_0, %get3A_1] : memref<2x4000x16xf32, #tpu.memory_space<vmem>>, vector<1x4000x16xf32>
    %get3A_3 = vector.shape_cast %get3A_2 : vector<1x4000x16xf32> to vector<4000x16xf32>
    %slice3A = vector.extract_strided_slice %get3A_3 {offsets = [0, 0], sizes = [4000, 1], strides = [1, 1]} : vector<4000x16xf32> to vector<4000x1xf32>
    %get3A_4 = arith.constant 1 : index
    %get3A_5 = arith.constant 0 : index
    %get3A_6 = arith.constant 0 : index
    %get3A_7 = vector.load %arg1[%get3A_4, %get3A_5, %get3A_6] : memref<2x4000x16xf32, #tpu.memory_space<vmem>>, vector<1x4000x16xf32>
    %get3A_8 = vector.shape_cast %get3A_7 : vector<1x4000x16xf32> to vector<4000x16xf32>
    %slice3A_9 = vector.extract_strided_slice %get3A_8 {offsets = [0, 0], sizes = [4000, 1], strides = [1, 1]} : vector<4000x16xf32> to vector<4000x1xf32>
    %add3A = arith.addf %slice3A, %slice3A_9 : vector<4000x1xf32>
    %get3A_10 = arith.constant 0 : index
    %get3A_11 = arith.constant 0 : index
    %get3A_12 = vector.load %arg2[%get3A_10, %get3A_11] : memref<4000x1xf32, #tpu.memory_space<vmem>>, vector<4000x1xf32>
    %add3A_13 = arith.addf %add3A, %get3A_12 : vector<4000x1xf32>
    %get3A_14 = arith.constant 0 : index
    %get3A_15 = arith.constant 0 : index
    %get3A_16 = vector.load %arg3[%get3A_14, %get3A_15] : memref<1x1xf32, #tpu.memory_space<vmem>>, vector<1x1xf32>
    %add3A_17 = vector.broadcast %get3A_16 : vector<1x1xf32> to vector<4000x1xf32>
    %add3A_18 = arith.addf %add3A_13, %add3A_17 : vector<4000x1xf32>
    %logistic3A = arith.negf %add3A_18 : vector<4000x1xf32>
    %logistic3A_19 = math.exp %logistic3A : vector<4000x1xf32>
    %logistic3A_20 = arith.constant 1.000000e+00 : f32
    %logistic3A_21 = vector.broadcast %logistic3A_20 : f32 to vector<4000x1xf32>
    %logistic3A_22 = arith.addf %logistic3A_21, %logistic3A_19 : vector<4000x1xf32>
    %logistic3A_23 = arith.divf %logistic3A_21, %logistic3A_22 : vector<4000x1xf32>
    %swap3A = arith.constant 0 : index
    %swap3A_24 = arith.constant 0 : index
    %swap3A_25 = vector.load %arg4[%swap3A, %swap3A_24] : memref<4000x1xf32, #tpu.memory_space<vmem>>, vector<4000x1xf32>
    tpu.vector_store %arg4[%swap3A, %swap3A_24], %logistic3A_23 {strides = array<i32>} : memref<4000x1xf32, #tpu.memory_space<vmem>>, vector<4000x1xf32>,
    return
  }
  func.func @transform_0(%arg0: i32) -> (i32, i32, i32) {
    %c0_i32 = arith.constant 0 : i32
    %c0_i32_0 = arith.constant 0 : i32
    %c0_i32_1 = arith.constant 0 : i32
    return %c0_i32, %arg0, %c0_i32_0 : i32, i32, i32
  }
  func.func @transform_1(%arg0: i32) -> (i32, i32) {
    %c0_i32 = arith.constant 0 : i32
    %c0_i32_0 = arith.constant 0 : i32
    return %arg0, %c0_i32 : i32, i32
  }
  func.func @transform_2(%arg0: i32) -> (i32, i32) {
    %c0_i32 = arith.constant 0 : i32
    %c0_i32_0 = arith.constant 0 : i32
    %c0_i32_1 = arith.constant 0 : i32
    return %c0_i32, %c0_i32_0 : i32, i32
  }
  func.func @transform_3(%arg0: i32) -> (i32, i32) {
    %c0_i32 = arith.constant 0 : i32
    %c0_i32_0 = arith.constant 0 : i32
    return %arg0, %c0_i32 : i32, i32
  }
}

</mosaic_0001>

<sc_bundles>
// kernel: kernel.12.cloned.1.call-start
scs
__scs_entry_jumppad:
0x0: {  	(pc) =	sbr.rel $0x88, $3  }
0x1: {  	(tag) =	ssettag $0x0;
	lr =	simm.s32 $0x1  }
0x2: {  	[smem:$0x3F8F] =	sst lr;
	_ =	strace $0xD0000000  }
0x3: {  	_ = 	snop  }
0x4: {  	_ = 	snop  }
0x5: {  	_ = 	snop  }
0x6: {  	_ = 	snop  }
0x7: {  	_ = 	snop  }
__scs_overlays_trampoline_lowered:
0x8: {  	[smem:$0x3F9E] =	sst s0  }
0x9: {  	[smem:$0x3F9F] =	sst s1  }
0xa: {  	[smem:$0x3FA0] =	sst s2  }
0xb: {  	[smem:$0x3FA1] =	sst s3  }
0xc: {  	[smem:$0x3FA2] =	sst s4  }
0xd: {  	[smem:$0x3FA3] =	sst s5  }
0xe: {  	[smem:$0x3FA4] =	sst s6  }
0xf: {  	[smem:$0x3FA5] =	sst s7  }
0x10: {  	[smem:$0x3FA6] =	sst s8  }
0x11: {  	[smem:$0x3FA7] =	sst s9;
	s0 =	simm.s32 @!p0 $0x0  }
0x12: {  	s1 =	sld [smem:$0x3F8D];
	s0 =	simm.s32 @p0 $0x1  }
0x13: {  	[smem:$0x3FA8] =	sst s0;
	s0 =	simm.s32 @!p1 $0x0  }
0x14: {  	s2 =	sld [smem:$0x3F8C];
	s0 =	simm.s32 @p1 $0x1  }
0x15: {  	[smem:$0x3FA9] =	sst s0;
	s0 =	simm.s32 @!p2 $0x0  }
0x16: {  	s3 =	sld [smem:$0x3FDB];
	s0 =	simm.s32 @p2 $0x1  }
0x17: {  	s4 =	simm.s32 $0x1BF5;
	[smem:$0x3FAB] =	sst s0  }
0x18: {  	s0 =	sld [smem:$0x3F8E];
	_ =	swait.ge [sflag:s4], $0x0  }
0x19: {  	s7 =	sld [smem:$0x3F8F]  }
0x1a: {  	s8 =	sadd.s32 $0xFFFFE003, lr  }
0x1b: {  	s9 =	sadd.s32 $0xFFFFFEF7, lr;
	s5 =	simm.s32 $0xFFFFFFFF;
	p2 =	slt.u32 s8, $0xFFFFF086  }
0x1c: {  	p1 =	slt.u32 s9, $0xF7A;
	s5 =	simm.s32 @!p2 $0x0  }
0x1d: {  	s5 =	simm.s32 @p1 $0x1;
	p0 =	seq.s32 s7, s2  }
0x1e: {  	s7 =	smul.u32 @!p0 $0xF7A, s2;
	p2 =	seq.s32 @!p0 s5, $0x0  }
0x1f: {  	s9 =	smul.u32 $0xF7A, s1;
	s8 =	simm.s32 @!p0 $0x1BF5;
	p2 =	por !p2, p0  }
0x20: {  	[sflag:s8] =	ssyncset.s32 @!p0 $0xFFFFF086;
	s6 =	sadd.s32 @!p0 s3, s7;
	s7 =	simm.s32 @!p0 $0x108  }
0x21: {  	s3 =	sadd.s32 s3, s9;
	s6 =	sadd.s32 @!p0 $0x88, s6;
	s7 =	simm.s32 @p2 $0x1082  }
0x22: {  	[simem:s7], [sflag:s8] =	dma.local @!p0 [hbm:s6], $0xF7A  }
0x23: {  	s9 =	sor.u32 $0xD0000000, s2;
	s6 =	simm.s32 $0x108;
	_ =	swait.ge @!p0 [sflag:s8], $0x0  }
0x24: {  	s3 =	sadd.s32 $0x88, s3;
	s6 =	simm.s32 @!p1 $0x1082;
	[sflag:s4] =	ssyncset.s32 $0xFFFFF086  }
0x25: {  	[simem:s6], [sflag:s4] =	dma.local [hbm:s3], $0xF7A  }
0x26: {  	[smem:$0x3F8F] =	sst s1;
	(tag) =	ssettag s2;
	_ =	strace s9  }
0x27: {  	s1 =	sld [smem:$0x3F9F]  }
0x28: {  	s2 =	sld [smem:$0x3FA0]  }
0x29: {  	s4 =	sld [smem:$0x3FA2]  }
0x2a: {  	p0 =	seq.s32 s5, $0x0;
	s5 =	sld [smem:$0x3FA3]  }
0x2b: {  	s6 =	sld [smem:$0x3FA4]  }
0x2c: {  	s7 =	sld [smem:$0x3FA5]  }
0x2d: {  	s3 =	simm.s32 $0x108;
	s8 =	sld [smem:$0x3FA6]  }
0x2e: {  	s3 =	simm.s32 @!p0 $0x1082;
	s9 =	sld [smem:$0x3FA7]  }
0x2f: {  	lr =	sadd.s32 s0, s3;
	s0 =	sld [smem:$0x3F9E]  }
0x30: {  	s3 =	sld [smem:$0x3FA1]  }
0x31: {  	[smem:$0x3FAA] =	sst s10  }
0x32: {  	s10 =	sld [smem:$0x3FA8];
	_ =	sdelay $0x3  }
0x33: {  	p0 =	seq.s32 s10, $0x1;
	s10 =	sld [smem:$0x3FAA];
	_ =	sdelay $0x3  }
0x34: {  	[smem:$0x3FAA] =	sst s10  }
0x35: {  	s10 =	sld [smem:$0x3FA9];
	_ =	sdelay $0x3  }
0x36: {  	p1 =	seq.s32 s10, $0x1;
	s10 =	sld [smem:$0x3FAA];
	_ =	sdelay $0x3  }
0x37: {  	[smem:$0x3FAA] =	sst s10  }
0x38: {  	s10 =	sld [smem:$0x3FAB]  }
0x39: {  	_ = 	snop;
	(pc) =	sbr.ind lr, $3  }
0x3a: {  	_ = 	snop  }
0x3b: {  	_ = 	snop  }
0x3c: {  	p2 =	seq.s32 s10, $0x1;
	s10 =	sld [smem:$0x3FAA]  }
0x3d: {  	_ =	shalt  }
0x3e: {  	_ =	shalt  }
0x3f: {  	_ =	shalt  }
0x40: {  	_ =	shalt  }
0x41: {  	_ =	shalt  }
0x42: {  	_ =	shalt  }
0x43: {  	_ =	shalt  }
0x44: {  	_ =	shalt  }
0x45: {  	_ =	shalt  }
0x46: {  	_ =	shalt  }
0x47: {  	_ =	shalt  }
0x48: {  	_ =	shalt  }
0x49: {  	_ =	shalt  }
0x4a: {  	_ =	shalt  }
0x4b: {  	_ =	shalt  }
0x4c: {  	_ =	shalt  }
0x4d: {  	_ =	shalt  }
0x4e: {  	_ =	shalt  }
0x4f: {  	_ =	shalt  }
0x50: {  	_ =	shalt  }
0x51: {  	_ =	shalt  }
0x52: {  	_ =	shalt  }
0x53: {  	_ =	shalt  }
0x54: {  	_ =	shalt  }
0x55: {  	_ =	shalt  }
0x56: {  	_ =	shalt  }
0x57: {  	_ =	shalt  }
0x58: {  	_ =	shalt  }
0x59: {  	_ =	shalt  }
0x5a: {  	_ =	shalt  }
0x5b: {  	_ =	shalt  }
0x5c: {  	_ =	shalt  }
0x5d: {  	_ =	shalt  }
0x5e: {  	_ =	shalt  }
0x5f: {  	_ =	shalt  }
0x60: {  	_ =	shalt  }
0x61: {  	_ =	shalt  }
0x62: {  	_ =	shalt  }
0x63: {  	_ =	shalt  }
0x64: {  	_ =	shalt  }
0x65: {  	_ =	shalt  }
0x66: {  	_ =	shalt  }
0x67: {  	_ =	shalt  }
0x68: {  	_ =	shalt  }
0x69: {  	_ =	shalt  }
0x6a: {  	_ =	shalt  }
0x6b: {  	_ =	shalt  }
0x6c: {  	_ =	shalt  }
0x6d: {  	_ =	shalt  }
0x6e: {  	_ =	shalt  }
0x6f: {  	_ =	shalt  }
0x70: {  	_ =	shalt  }
0x71: {  	_ =	shalt  }
0x72: {  	_ =	shalt  }
0x73: {  	_ =	shalt  }
0x74: {  	_ =	shalt  }
0x75: {  	_ =	shalt  }
0x76: {  	_ =	shalt  }
0x77: {  	_ =	shalt  }
0x78: {  	_ =	shalt  }
0x79: {  	_ =	shalt  }
0x7a: {  	_ =	shalt  }
0x7b: {  	_ =	shalt  }
0x7c: {  	_ =	shalt  }
0x7d: {  	_ =	shalt  }
0x7e: {  	_ =	shalt  }
0x7f: {  	_ =	shalt  }
0x80: {  	_ =	shalt  }
0x81: {  	_ =	shalt  }
0x82: {  	_ =	shalt  }
0x83: {  	_ =	shalt  }
0x84: {  	_ =	shalt  }
0x85: {  	_ =	shalt  }
0x86: {  	_ =	shalt  }
0x87: {  	_ =	shalt  }
.Lfunc_end0:
.L_simem_size_0:
called_computation_lowered:
.L_overlay_start_0:
0x88: {  	s2 =	sld [smem:$0x3FD9]  }
0x89: {  	s3 =	sld [smem:$0x3FFE];
	_ =	sdelay $0x1  }
0x8a: {  	s1 =	srdreg.scid  }
0x8b: {  	s0 =	sand.u32 $0x1, s1  }
0x8c: {  	s17 =	sshll.u32 s0, $0xA;
	s2 =	sadd.s32 s3, s2  }
0x8d: {  	s2 =	sadd.s32 s2, s17  }
0x8e: {  	[smem:$0x3FB6] =	sst s2  }
0x8f: {  	_ = 	snop  }
0x90: {  	s2 =	sld [smem:$0x3FC7];
	(tm) =	ssettm $0x1  }
0x91: {  	s18 =	sld [smem:$0x3FFB];
	_ =	sdelay $0x3  }
0x92: {  	_ =	strace s18  }
0x93: {  	s3 =	sld [smem:$0x3FFC];
	_ =	sdelay $0x3  }
0x94: {  	_ =	strace s3  }
0x95: {  	s3 =	sld [smem:$0x3FFD];
	_ =	sdelay $0x3  }
0x96: {  	_ =	strace s3  }
0x97: {  	_ =	strace $0x8FFFFFFF  }
0x98: {  	s19 =	sld [smem:$0x3FDB];
	_ =	sdelay $0x1  }
0x99: {  	s4 =	simm.s32 $_scs_section_size  }
0x9a: {  	s5 =	simm.s32 $_size__tile_overlayer_lowered;
	s6 =	simm.s32 $_tile_overlayer_lowered  }
0x9b: {  	s22 =	simm.s32 $0x1BFF;
	s21 =	sshll.u32 s6, $0x1;
	s3 =	sadd.s32 s4, s19  }
0x9c: {  	s7 =	simm.s32 $0x0;
	s20 =	sshll.u32 s5, $0x1;
	s5 =	sadd.s32 s21, s3  }
0x9d: {  	[timem:s7], [sflag:s22] =	dma.local [hbm:s5], s20  }
0x9e: {  	_ =	swait.ge [sflag:s22], s20  }
0x9f: {  	s4 =	ssub.s32 $0x0, s20;
	[sflag:s22] =	ssyncset.done $0x0  }
0xa0: {  	[sflag:s22] =	ssyncadd.s32 s4;
	_ =	sdelay $0x1  }
0xa1: {  	s23 =	simm.s32 $0x1B8B  }
0xa2: {  	_ =	swait.ge [sflag:s23], $0x1  }
0xa3: {  	[sflag:s23] =	ssyncset.done $0x0  }
0xa4: {  	s25 =	simm.s32 $0x1B8E;
	s24 =	sld [smem:$0x3FFE];
	[sflag:s23] =	ssyncadd.s32 $0xFFFFFFFF  }
0xa5: {  	s26 =	simm.s32 $execute0_lowered;
	[smem:$0x3FD2] =	sst s25  }
0xa6: {  	s5 =	sshll.u32 s26, $0x1;
	_ =	strace $0x80000046;
	[dreg:$0x1] =	wrdreg $0xFFFFFFFF  }
0xa7: {  	s28 =	simm.s32 $_size_execute0_lowered;
	s3 =	sadd.s32 s3, s5;
	[dreg:$0x0] =	wrdreg $0x0  }
0xa8: {  	s5 =	sshll.u32 s28, $0x1;
	[dreg:$0x2] =	wrdreg s3  }
0xa9: {  	[dreg:$0x3] =	wrdreg s5  }
0xaa: {  	[dreg:$0x4] =	wrdreg $0xC0  }
0xab: {  	_ =	task [dreg:s7], $0x5FFFF  }
0xac: {  	[dreg:$0x1] =	wrdreg $0xFFFFFFFF  }
0xad: {  	[dreg:$0x0] =	wrdreg $0x60  }
0xae: {  	[dreg:$0x2] =	wrdreg s24  }
0xaf: {  	[dreg:$0x3] =	wrdreg s2  }
0xb0: {  	[dreg:$0x4] =	wrdreg $0x76C00  }
0xb1: {  	[dreg:$0x5] =	wrdreg $0x9  }
0xb2: {  	_ =	task.clear_ibuf [dreg:s7], $0x6FFFF;
	_ =	strace $0x90000046  }
0xb3: {  	s29 =	simm.s32 $0x9;
	_ =	strace $0x80000048  }
0xb4: {  	_ =	swait.ge [sflag:s29], $0x1  }
0xb5: {  	[sflag:s29] =	ssyncadd.s32 $0xFFFFFFFF  }
0xb6: {  	_ =	strace $0x90000048  }
0xb7: {  	_ =	sfence  }
0xb8: {  	s30 =	sld [smem:$0x0];
	_ =	sdelay $0x2  }
0xb9: {  	s31 =	sshll.u32 s1, $0xD;
	s1 =	sshrl.u32 s1, $0x2  }
0xba: {  	s3 =	sand.u32 $0x4000, s31;
	s1 =	sadd.s32 s1, s30  }
0xbb: {  	s0 =	sor.u32 s3, s0;
	s1 =	sshll.u32 s1, $0x11  }
0xbc: {  	s0 =	sor.u32 s1, s0  }
0xbd: {  	s0 =	sadd.s32 $0x8F2B, s0  }
0xbe: {  	[sflag:s0] =	ssyncadd.remote.s32 $0x1  }
0xbf: {  	_ =	sfence.sel $0xFFFF  }
0xc0: {  	[dreg:$0x0] =	wrdreg $0xFFFFFFFF;
	(pc) =	sbr.abs _section_cstart, $3  }
0xc1: {  	[dreg:$0x1] =	wrdreg $0xFFFFFFFF  }
0xc2: {  	_ =	task.clear_ibuf [dreg:s7], $0x2FFFF;
	_ =	strace $0x9FFFFFFF  }
0xc3: {  	(tm) =	ssettm $0x7FFFFFFF  }
tec
execute0_lowered:
.L_overlay_start_1:
0x0: {  	(tag) =	ssettag $0x1  }
0x1: {  	s0 =	rddreg [dreg:$0x0]  }
0x2: {  	s1 =	rddreg [dreg:$0x1]  }
0x3: {  	s3 =	rddreg [dreg:$0x2];
	s4 =	simm.s32 $0x0;
	s2 =	srdreg.scid  }
0x4: {  	s12 =	stileid.u32;
	s28 =	simm.s32 $0x3E80;
	s29 =	simm.s32 $0x41A0  }
0x5: {  	s30 =	simm.s32 $0x1;
	s31 =	simm.s32 $0x4;
	s8 =	smul.u32 $0x30E0, s12  }
0x6: {  	[smem:$0x7FF] =	sst s4;
	s2 =	sand.u32 $0x1, s2;
	s10 =	smul.u32 $0x61C00, s12  }
0x7: {  	s5 =	sadd.s32 $0xC7000, s0;
	s6 =	sadd.s32 $0x65400, s0;
	s9 =	smul.u32 $0x30E00, s2  }
0x8: {  	s7 =	sadd.s32 $0x3800, s0;
	_ =	strace $0x80000047;
	s14 =	sshrl.u32 s10, $0x2  }
0x9: {  	s13 =	sshll.u32 s2, $0x4;
	s11 =	sadd.s32 s8, s9;
	s8 =	sadd.s32 s14, s3  }
0xa: {  	s2 =	ssub.s32 $0x2, s2;
	s15 =	sor.u32 s12, s13;
	s17 =	sadd.s32 $0x3200, s8  }
0xb: {  	s16 =	sshrl.u32 s2, $0x1;
	s18 =	sadd.s32 $0x6400, s8;
	[dreg:$0x4] =	wrdreg s17  }
0xc: {  	s12 =	simm.s32 $0x6;
	s19 =	sadd.s32 $0x9600, s8;
	[dreg:$0x5] =	wrdreg s18  }
0xd: {  	s9 =	smul.u32 $0x186A0, s15;
	s21 =	sadd.s32 $0xC800, s8;
	[dreg:$0x6] =	wrdreg s19  }
0xe: {  	s2 =	ssub.s32 s2, s16;
	s22 =	sadd.s32 $0xFA00, s8;
	[dreg:$0x7] =	wrdreg s21  }
0xf: {  	s0 =	sadd.s32 s11, s0;
	s23 =	sadd.s32 $0x12C00, s8;
	[dreg:$0x8] =	wrdreg s22  }
0x10: {  	s24 =	sadd.s32 $0x15E00, s8;
	s11 =	simm.s32 $0x3;
	[dreg:$0x9] =	wrdreg s23  }
0x11: {  	s20 =	sshrl.u32 s9, $0x3;
	[dreg:$0xa] =	wrdreg s24;
	s21 =	smax.u32 s2, $0x1  }
0x12: {  	s22 =	simm.s32 $0x960;
	s23 =	simm.s32 $0x7;
	s24 =	simm.s32 $0x320  }
0x13: {  	s2 =	simm.s32 $0x2;
	s10 =	sadd.s32 $0x3070, s20;
	s20 =	sadd.s32 $0xF7E00, s0  }
0x14: {  	s0 =	simm.s32 $0x44C0;
	s25 =	sadd.s32 s6, s10;
	s26 =	sadd.s32 s7, s10  }
0x15: {  	v1 =	vimm.s32 $0x0;
	vm0 =	vcmask $0x300;
	s19 =	sadd.s32 s1, s10;
	s10 =	simm.s32 $0x5;
	[dreg:$0xb] =	wrdreg s25  }
0x16: {  	v0 =	vimm.f32 $0.0e+00;
	v1 =	vsel vm0, $0x3, v1;
	[dreg:$0xc] =	wrdreg s26;
	s25 =	simm.s32 $0x640;
	s26 =	simm.s32 $0x3B60  }
.LBB2_1:
0x17: {  	s13 =	simm.s32 $0x40;
	s14 =	simm.s32 $0x0  }
.LBB2_2:
0x18: {  	p0 =	sne.s32 s13, $0xC7C0;
	[tilespmem:s14+$0x960] =	vst v0;
	s14 =	smov.u32 s13;
	s13 =	sadd.s32 $0x40, s13  }
.Ltmp0:
0x19: {  	(pc) =	sbr.rel @p0 .LBB2_2-.Ltmp0, $2  }
0x1a: {  	_ =	sdelay $0x2  }
0x1b: {  	s14 =	sshra.s32 s14, $0x2  }
0x1c: {  	[tilespmem:s14+$0x960] =	vst v0  }
0x1d: {  	[spmem:s8] =	stream.linear.scatter [tilespmem:s22], [sflag:$0x7], $0x3200, $0x38;
	[tilespmem:$0x1FDC0] =	vst v63  }
0x1e: {  	_ =	swait.ge [sflag:s23], $0x3200  }
0x1f: {  	[sflag:s23] =	ssyncset.done $0x0  }
0x20: {  	s13 =	rddreg [dreg:$0x4];
	[sflag:s23] =	ssyncadd.s32 $0xFFFFCE00  }
0x21: {  	[spmem:s13] =	stream.linear.scatter [tilespmem:s22], [sflag:$0x7], $0x3200, $0x38;
	[tilespmem:$0x1FDC0] =	vst v63  }
0x22: {  	_ =	swait.ge [sflag:s23], $0x3200  }
0x23: {  	[sflag:s23] =	ssyncset.done $0x0  }
0x24: {  	s18 =	rddreg [dreg:$0x5];
	[sflag:s23] =	ssyncadd.s32 $0xFFFFCE00  }
0x25: {  	[spmem:s18] =	stream.linear.scatter [tilespmem:s22], [sflag:$0x7], $0x3200, $0x38;
	[tilespmem:$0x1FDC0] =	vst v63  }
0x26: {  	_ =	swait.ge [sflag:s23], $0x3200  }
0x27: {  	[sflag:s23] =	ssyncset.done $0x0  }
0x28: {  	s14 =	rddreg [dreg:$0x6];
	[sflag:s23] =	ssyncadd.s32 $0xFFFFCE00  }
0x29: {  	[spmem:s14] =	stream.linear.scatter [tilespmem:s22], [sflag:$0x7], $0x3200, $0x38;
	[tilespmem:$0x1FDC0] =	vst v63  }
0x2a: {  	_ =	swait.ge [sflag:s23], $0x3200  }
0x2b: {  	[sflag:s23] =	ssyncset.done $0x0  }
0x2c: {  	s15 =	rddreg [dreg:$0x7];
	[sflag:s23] =	ssyncadd.s32 $0xFFFFCE00  }
0x2d: {  	[spmem:s15] =	stream.linear.scatter [tilespmem:s22], [sflag:$0x7], $0x3200, $0x38;
	[tilespmem:$0x1FDC0] =	vst v63  }
0x2e: {  	_ =	swait.ge [sflag:s23], $0x3200  }
0x2f: {  	[sflag:s23] =	ssyncset.done $0x0  }
0x30: {  	s16 =	rddreg [dreg:$0x8];
	[sflag:s23] =	ssyncadd.s32 $0xFFFFCE00  }
0x31: {  	[spmem:s16] =	stream.linear.scatter [tilespmem:s22], [sflag:$0x7], $0x3200, $0x38;
	[tilespmem:$0x1FDC0] =	vst v63  }
0x32: {  	_ =	swait.ge [sflag:s23], $0x3200  }
0x33: {  	[sflag:s23] =	ssyncset.done $0x0  }
0x34: {  	s17 =	rddreg [dreg:$0x9];
	[sflag:s23] =	ssyncadd.s32 $0xFFFFCE00  }
0x35: {  	[spmem:s17] =	stream.linear.scatter [tilespmem:s22], [sflag:$0x7], $0x3200, $0x38;
	[tilespmem:$0x1FDC0] =	vst v63  }
0x36: {  	_ =	swait.ge [sflag:s23], $0x3200  }
0x37: {  	[sflag:s23] =	ssyncset.done $0x0  }
0x38: {  	s18 =	rddreg [dreg:$0xa];
	[sflag:s23] =	ssyncadd.s32 $0xFFFFCE00  }
0x39: {  	[spmem:s18] =	stream.linear.scatter [tilespmem:s22], [sflag:$0x7], $0x2900, $0x38;
	[tilespmem:$0x1FDC0] =	vst v63  }
0x3a: {  	_ =	swait.ge [sflag:s23], $0x2900  }
0x3b: {  	[sflag:s23] =	ssyncset.done $0x0  }
0x3c: {  	[sflag:s23] =	ssyncadd.s32 $0xFFFFD700  }
0x3d: {  	s13 =	simm.s32 $0x0;
	s14 =	simm.s32 $0x0;
	[bflag:$0x0] =	sbarrier.arrive $0xFFFF  }
.LBB2_4:
0x3e: {  	s15 =	smul.u32 $0x640, s14;
	_ =	sdelay $0x1  }
0x3f: {  	s15 =	sadd.s32 s9, s15  }
0x40: {  	s15 =	sshrl.u32 s15, $0x3  }
0x41: {  	s16 =	sadd.s32 s6, s15  }
0x42: {  	[tilespmem:s13], [sflag:$0x1] =	stream.linear.gather [hbm4b:s16+s13], $0x320, $0x38;
	[tilespmem:$0x1FDC0] =	vst v63  }
0x43: {  	s17 =	sadd.s32 s7, s15  }
0x44: {  	[tilespmem:s24], [sflag:$0x1] =	stream.linear.gather [hbm4b:s17+s13], $0x320, $0x38;
	[tilespmem:$0x1FDC0] =	vst v63  }
0x45: {  	s18 =	sadd.s32 s1, s15;
	s15 =	sadd.s32 $0x64, s15  }
0x46: {  	[tilespmem:s25], [sflag:$0x1] =	stream.linear.gather [hbm4b:s18+s13], $0x320, $0x38;
	[tilespmem:$0x1FDC0] =	vst v63  }
0x47: {  	s17 =	sadd.s32 s6, s15  }
0x48: {  	[tilespmem:s26], [sflag:$0x4] =	stream.linear.gather [hbm4b:s17+s13], $0x320, $0x38;
	[tilespmem:$0x1FDC0] =	vst v63  }
0x49: {  	s18 =	sadd.s32 s7, s15  }
0x4a: {  	[tilespmem:s28], [sflag:$0x4] =	stream.linear.gather [hbm4b:s18+s13], $0x320, $0x38;
	[tilespmem:$0x1FDC0] =	vst v63  }
0x4b: {  	s15 =	sadd.s32 s1, s15  }
0x4c: {  	[tilespmem:s29], [sflag:$0x4] =	stream.linear.gather [hbm4b:s15+s13], $0x320, $0x38;
	[tilespmem:$0x1FDC0] =	vst v63  }
0x4d: {  	s16 =	simm.s32 $0x2;
	_ =	swait.ge [sflag:s30], $0x320  }
0x4e: {  	v2 =	vmov s13;
	v4 =	vmov s16;
	[sflag:s30] =	ssyncset.done $0x0  }
0x4f: {  	v2 =	vshrl.u32 v2, $0x3;
	v4 =	vshrl.u32 v4, $0x3;
	s17 =	simm.s32 $0x1;
	[sflag:s30] =	ssyncadd.s32 $0xFFFFFCE0  }
0x50: {  	v2 =	vshll.u32 v2, v1;
	v4 =	vshll.u32 v4, v1;
	[tilespmem:s22], [sflag:$0x2] =	stream.indirect.gather [hbm4b:s5+s24], $0x10, s13, s24, $0xb8;
	[tilespmem:$0x1FDC0] =	vst v63  }
0x51: {  	v2 =	vbroadcast v2, $0x0;
	v4 =	vadd.s32 $0x2, v4;
	v3 =	vmov s17;
	s17 =	simm.s32 $0x4;
	_ =	swait.ge [sflag:s31], $0x320  }
0x52: {  	v9 =	vbroadcast v4, $0x0;
	s18 =	simm.s32 $0x3;
	v6 =	vmov s17;
	s17 =	simm.s32 $0x5;
	v3 =	vshrl.u32 v3, $0x3;
	[sflag:s31] =	ssyncset.done $0x0  }
0x53: {  	v5 =	vmov s18;
	s18 =	simm.s32 $0x6;
	v7 =	vmov s17;
	v6 =	vshrl.u32 v6, $0x3;
	[sflag:s31] =	ssyncadd.s32 $0xFFFFFCE0  }
0x54: {  	v3 =	vshll.u32 v3, v1;
	v8 =	vmov s18;
	v5 =	vshrl.u32 v5, $0x3;
	[tilespmem:s0], [sflag:$0x5] =	stream.indirect.gather [hbm4b:s5+s24], $0x10, s26, s24, $0xb8;
	[tilespmem:$0x1FDC0] =	vst v63  }
0x55: {  	v7 =	vshrl.u32 v7, $0x3;
	v6 =	vshll.u32 v6, v1;
	v3 =	vadd.s32 $0x1, v3;
	_ =	swait.ge [sflag:s30], $0x320  }
0x56: {  	v8 =	vshrl.u32 v8, $0x3;
	v5 =	vshll.u32 v5, v1;
	v3 =	vbroadcast v3, $0x0;
	[sflag:s30] =	ssyncset.done $0x0  }
0x57: {  	s16 =	simm.s32 $0x7;
	v7 =	vshll.u32 v7, v1;
	v4 =	vadd.s32 $0x4, v6;
	v5 =	vadd.s32 $0x3, v5;
	[sflag:s30] =	ssyncadd.s32 $0xFFFFFCE0  }
0x58: {  	v6 =	vmov s16;
	v8 =	vshll.u32 v8, v1;
	v5 =	vbroadcast v5, $0x0;
	_ =	swait.ge [sflag:s2], $0x3200  }
0x59: {  	v7 =	vadd.s32 $0x5, v7;
	v10 =	vbroadcast v4, $0x0;
	v4 =	vshrl.u32 v6, $0x3;
	[sflag:s2] =	ssyncset.done $0x0  }
0x5a: {  	v6 =	vadd.s32 $0x6, v8;
	v8 =	vbroadcast v7, $0x0;
	v4 =	vshll.u32 v4, v1;
	[sflag:s2] =	ssyncadd.s32 $0xFFFFCE00  }
0x5b: {  	v6 =	vbroadcast v6, $0x0;
	v7 =	vadd.s32 $0x7, v4;
	v2 =	vld.idx.msk [tilespmem:v2+s25+$0x0], $0xffff  }
0x5c: {  	v11 =	vbroadcast v7, $0x0;
	v4 =	vld.idx.msk [tilespmem:v3+s25+$0x0], $0xffff  }
0x5d: {  	s17 =	simm.s32 $0x8;
	s18 =	simm.s32 $0x9;
	s16 =	simm.s32 $0xA;
	v3 =	vld.idx.msk [tilespmem:v9+s25+$0x0], $0xffff  }
0x5e: {  	v12 =	vmov s18;
	s18 =	simm.s32 $0xC;
	v13 =	vmov s16;
	v7 =	vmov s17;
	v5 =	vld.idx.msk [tilespmem:v5+s25+$0x0], $0xffff  }
0x5f: {  	v15 =	vmov s18;
	s18 =	simm.s32 $0xE;
	v12 =	vshrl.u32 v12, $0x3;
	s17 =	simm.s32 $0xB;
	v9 =	vshrl.u32 v7, $0x3;
	v7 =	vld.idx.msk [tilespmem:v10+s25+$0x0], $0xffff  }
0x60: {  	v16 =	vmov s18;
	v13 =	vshrl.u32 v13, $0x3;
	v14 =	vmov s17;
	s17 =	simm.s32 $0xD;
	v8 =	vld.idx.msk [tilespmem:v8+s25+$0x0], $0xffff  }
0x61: {  	v15 =	vshrl.u32 v15, $0x3;
	v12 =	vshll.u32 v12, v1;
	v10 =	vmov s17;
	v6 =	vld.idx.msk [tilespmem:v6+s25+$0x0], $0xffff  }
0x62: {  	s15 =	simm.s32 $0x9A0;
	v16 =	vshrl.u32 v16, $0x3;
	v18 =	vshll.u32 v13, v1;
	v17 =	vshrl.u32 v10, $0x3;
	v10 =	vld.idx.msk [tilespmem:v11+s25+$0x0], $0xffff  }
0x63: {  	v15 =	vshll.u32 v15, v1;
	v12 =	vadd.s32 $0x1, v12;
	v18 =	vadd.s32 $0x2, v18;
	v11 =	vld [tilespmem:s15+$0x30]  }
0x64: {  	v23 =	vshll.u32 v16, v1;
	v14 =	vshrl.u32 v14, $0x3;
	v13 =	vld [tilespmem:s15+$0xFFFFFFC0];
	v9 =	vshll.u32 v9, v1  }
0x65: {  	v20 =	vadd.s32 $0x4, v15;
	v19 =	vshll.u32 v14, v1;
	v14 =	vld [tilespmem:s15+$0xFFFFFFD0];
	v9 =	vbroadcast v9, $0x0  }
0x66: {  	v16 =	vbroadcast v18, $0x0;
	v22 =	vshll.u32 v17, v1;
	v17 =	vbroadcast v12, $0x0;
	v12 =	vld [tilespmem:s15+$0xFFFFFFE0]  }
0x67: {  	s16 =	simm.s32 $0x10;
	v18 =	vadd.s32 $0x6, v23;
	v21 =	vadd.s32 $0x3, v19;
	s17 =	simm.s32 $0xF;
	v15 =	vld [tilespmem:s15+$0xFFFFFFF0];
	v19 =	vadd.s32 $0x5, v22  }
.LBB2_5:
0x68: {  	p0 =	slt.u32 s16, $0x318;
	v21 =	vbroadcast v21, $0x0;
	v22 =	vmov s17;
	v23 =	vld [tilespmem:s15+$0x0];
	v10 =	vmul.f32 v11, v10  }
0x69: {  	v11 =	vbroadcast v20, $0x0;
	v20 =	vshrl.u32 v22, $0x3;
	v13 =	vmul.f32 v13, v2;
	v22 =	vld [tilespmem:s15+$0x10]  }
0x6a: {  	v19 =	vbroadcast v19, $0x0;
	v20 =	vshll.u32 v20, v1;
	v14 =	vmul.f32 v14, v4;
	v24 =	vld [tilespmem:s15+$0x20];
	[tilespmem:s15+$0x30] =	vst v10  }
0x6b: {  	v2 =	vld.idx.msk [tilespmem:v9+s25+$0x0], $0xffff;
	v9 =	vbroadcast v18, $0x0;
	v10 =	vadd.s32 $0x7, v20;
	[tilespmem:s15+$0xFFFFFFC0] =	vst v13;
	v12 =	vmul.f32 v12, v3  }
0x6c: {  	v3 =	vmov s16;
	v4 =	vld.idx.msk [tilespmem:v17+s25+$0x0], $0xffff;
	v10 =	vbroadcast v10, $0x0;
	[tilespmem:s15+$0xFFFFFFD0] =	vst v14;
	v13 =	vmul.f32 v15, v5  }
0x6d: {  	s17 =	sadd.s32 $0x1, s16;
	s18 =	sadd.s32 $0x2, s16;
	v14 =	vshrl.u32 v3, $0x3;
	v3 =	vld.idx.msk [tilespmem:v16+s25+$0x0], $0xffff;
	[tilespmem:s15+$0xFFFFFFE0] =	vst v12;
	v12 =	vmul.f32 v23, v7  }
0x6e: {  	v15 =	vmov s17;
	s17 =	sadd.s32 $0x3, s16;
	v16 =	vmov s18;
	s18 =	sadd.s32 $0x4, s16;
	v5 =	vld.idx.msk [tilespmem:v21+s25+$0x0], $0xffff;
	[tilespmem:s15+$0xFFFFFFF0] =	vst v13;
	v13 =	vmul.f32 v22, v8  }
0x6f: {  	v17 =	vmov s17;
	s17 =	sadd.s32 $0x5, s16;
	v18 =	vmov s18;
	s18 =	sadd.s32 $0x6, s16;
	v7 =	vld.idx.msk [tilespmem:v11+s25+$0x0], $0xffff;
	[tilespmem:s15+$0x0] =	vst v12;
	v11 =	vmul.f32 v24, v6  }
0x70: {  	v12 =	vshll.u32 v14, v1;
	v14 =	vmov s17;
	v20 =	vmov s18;
	v8 =	vld.idx.msk [tilespmem:v19+s25+$0x0], $0xffff;
	[tilespmem:s15+$0x10] =	vst v13  }
0x71: {  	v13 =	vshrl.u32 v15, $0x3;
	v15 =	vshrl.u32 v16, $0x3;
	v16 =	vshrl.u32 v17, $0x3;
	v6 =	vld.idx.msk [tilespmem:v9+s25+$0x0], $0xffff;
	[tilespmem:s15+$0x20] =	vst v11  }
0x72: {  	v17 =	vshrl.u32 v18, $0x3;
	v14 =	vshrl.u32 v14, $0x3;
	v18 =	vshrl.u32 v20, $0x3;
	s15 =	sadd.s32 $0x80, s15;
	v10 =	vld.idx.msk [tilespmem:v10+s25+$0x0], $0xffff  }
.Ltmp1:
0x73: {  	v9 =	vbroadcast v12, $0x0;
	v12 =	vshll.u32 v13, v1;
	v15 =	vshll.u32 v15, v1;
	v11 =	vld [tilespmem:s15+$0x30];
	(pc) =	sbr.rel @p0 .LBB2_5-.Ltmp1, $4  }
0x74: {  	v16 =	vshll.u32 v16, v1;
	v19 =	vshll.u32 v17, v1;
	v22 =	vshll.u32 v14, v1;
	v13 =	vld [tilespmem:s15+$0xFFFFFFC0]  }
0x75: {  	v18 =	vshll.u32 v18, v1;
	v12 =	vadd.s32 $0x1, v12;
	v15 =	vadd.s32 $0x2, v15;
	v14 =	vld [tilespmem:s15+$0xFFFFFFD0]  }
0x76: {  	v21 =	vadd.s32 $0x3, v16;
	v20 =	vadd.s32 $0x4, v19;
	v17 =	vbroadcast v12, $0x0;
	v12 =	vld [tilespmem:s15+$0xFFFFFFE0]  }
0x77: {  	s17 =	sadd.s32 $0x7, s16;
	s16 =	sadd.s32 $0x8, s16;
	v19 =	vadd.s32 $0x5, v22;
	v18 =	vadd.s32 $0x6, v18;
	v16 =	vbroadcast v15, $0x0;
	v15 =	vld [tilespmem:s15+$0xFFFFFFF0]  }
0x78: {  	_ = 	snop  }
0x79: {  	v23 =	vld [tilespmem:s15+$0x0]  }
0x7a: {  	v24 =	vld [tilespmem:s15+$0x10]  }
0x7b: {  	v25 =	vld [tilespmem:s15+$0x20]  }
0x7c: {  	v22 =	vmov s17;
	v20 =	vbroadcast v20, $0x0;
	v9 =	vld.idx.msk [tilespmem:v9+s25+$0x0], $0xffff  }
0x7d: {  	v17 =	vld.idx.msk [tilespmem:v17+s25+$0x0], $0xffff;
	v22 =	vshrl.u32 v22, $0x3;
	v2 =	vmul.f32 v13, v2  }
0x7e: {  	v18 =	vbroadcast v18, $0x0;
	s16 =	sadd.s32 $0x80, s15;
	v16 =	vld.idx.msk [tilespmem:v16+s25+$0x0], $0xffff;
	v22 =	vshll.u32 v22, v1;
	v4 =	vmul.f32 v14, v4  }
0x7f: {  	v10 =	vmul.f32 v11, v10;
	v22 =	vadd.s32 $0x7, v22;
	[tilespmem:s15+$0xFFFFFFC0] =	vst v2;
	v2 =	vmul.f32 v12, v3;
	v3 =	vld [tilespmem:s16+$0x30]  }
0x80: {  	v22 =	vbroadcast v22, $0x0;
	[tilespmem:s15+$0xFFFFFFD0] =	vst v4;
	v4 =	vmul.f32 v15, v5;
	v5 =	vld [tilespmem:s16+$0xFFFFFFC0]  }
0x81: {  	[tilespmem:s15+$0xFFFFFFE0] =	vst v2;
	v2 =	vmul.f32 v23, v7;
	v7 =	vld [tilespmem:s16+$0xFFFFFFD0]  }
0x82: {  	v21 =	vbroadcast v21, $0x0;
	[tilespmem:s15+$0x30] =	vst v10;
	v20 =	vld.idx.msk [tilespmem:v20+s25+$0x0], $0xffff  }
0x83: {  	[tilespmem:s15+$0xFFFFFFF0] =	vst v4;
	v4 =	vmul.f32 v24, v8;
	v8 =	vld [tilespmem:s16+$0xFFFFFFE0]  }
0x84: {  	v19 =	vbroadcast v19, $0x0;
	v13 =	vld.idx.msk [tilespmem:v18+s25+$0x0], $0xffff;
	[tilespmem:s15+$0x0] =	vst v2;
	v2 =	vmul.f32 v25, v6  }
0x85: {  	[tilespmem:s15+$0x10] =	vst v4;
	v4 =	vld [tilespmem:s16+$0x0]  }
0x86: {  	[tilespmem:s15+$0x20] =	vst v2;
	v2 =	vmul.f32 v5, v9;
	v10 =	vld.idx.msk [tilespmem:v22+s25+$0x0], $0xffff  }
0x87: {  	v9 =	vld [tilespmem:s16+$0x20]  }
0x88: {  	v21 =	vld.idx.msk [tilespmem:v21+s25+$0x0], $0xffff;
	[tilespmem:s16+$0xFFFFFFC0] =	vst v2;
	v2 =	vmul.f32 v8, v16  }
0x89: {  	v6 =	vld [tilespmem:s16+$0xFFFFFFF0]  }
0x8a: {  	v11 =	vld.idx.msk [tilespmem:v19+s25+$0x0], $0xffff;
	[tilespmem:s16+$0xFFFFFFE0] =	vst v2;
	v2 =	vmul.f32 v4, v20  }
0x8b: {  	v5 =	vld [tilespmem:s16+$0x10];
	v3 =	vmul.f32 v3, v10  }
0x8c: {  	s17 =	simm.s32 $0x0;
	[tilespmem:s16+$0x0] =	vst v2;
	v2 =	vmul.f32 v9, v13  }
0x8d: {  	v7 =	vmul.f32 v7, v17;
	v4 =	vmov s17;
	s17 =	simm.s32 $0x2;
	[tilespmem:s16+$0x30] =	vst v3  }
0x8e: {  	v3 =	vmul.f32 v6, v21;
	[tilespmem:s16+$0x20] =	vst v2;
	v2 =	vmov s17;
	s17 =	simm.s32 $0x5  }
0x8f: {  	s15 =	simm.s32 $0x3;
	[tilespmem:s16+$0xFFFFFFD0] =	vst v7;
	v7 =	vmov s17  }
0x90: {  	v2 =	vshrl.u32 v2, $0x3;
	[tilespmem:s16+$0xFFFFFFF0] =	vst v3;
	v3 =	vmul.f32 v5, v11;
	v5 =	vmov s15  }
0x91: {  	v7 =	vshrl.u32 v7, $0x3;
	v2 =	vshll.u32 v2, v1;
	v5 =	vshrl.u32 v5, $0x3  }
0x92: {  	s18 =	simm.s32 $0x1;
	v7 =	vshll.u32 v7, v1;
	v2 =	vadd.s32 $0x2, v2;
	[tilespmem:s16+$0x10] =	vst v3;
	v3 =	vshrl.u32 v4, $0x3  }
0x93: {  	v4 =	vmov s18;
	s18 =	simm.s32 $0x4;
	v5 =	vshll.u32 v5, v1;
	v9 =	vbroadcast v2, $0x0;
	_ =	swait.ge [sflag:s30], $0x320  }
0x94: {  	v7 =	vadd.s32 $0x5, v7;
	v6 =	vmov s18;
	s18 =	simm.s32 $0x6;
	v3 =	vshll.u32 v3, v1;
	[sflag:s30] =	ssyncset.done $0x0  }
0x95: {  	v4 =	vshrl.u32 v4, $0x3;
	v5 =	vadd.s32 $0x3, v5;
	v8 =	vmov s18;
	[sflag:s30] =	ssyncadd.s32 $0xFFFFFCE0  }
0x96: {  	v6 =	vshrl.u32 v6, $0x3;
	v3 =	vbroadcast v3, $0x0;
	v4 =	vshll.u32 v4, v1;
	[spmem:s3] =	stream.indirect.scatter.add.f32 [tilespmem:s22], [sflag:$0x3], $0x10, s24, s24, $0xb8;
	[tilespmem:$0x1FDC0] =	vst v63  }
0x97: {  	v5 =	vbroadcast v5, $0x0;
	v6 =	vshll.u32 v6, v1;
	v4 =	vadd.s32 $0x1, v4;
	_ =	swait.ge [sflag:s31], $0x320  }
0x98: {  	s16 =	simm.s32 $0x7;
	v8 =	vshrl.u32 v8, $0x3;
	v4 =	vbroadcast v4, $0x0;
	v2 =	vadd.s32 $0x4, v6;
	[sflag:s31] =	ssyncset.done $0x0  }
0x99: {  	v8 =	vshll.u32 v8, v1;
	v6 =	vmov s16;
	v10 =	vbroadcast v2, $0x0;
	[sflag:s31] =	ssyncadd.s32 $0xFFFFFCE0  }
0x9a: {  	v2 =	vshrl.u32 v6, $0x3;
	v6 =	vadd.s32 $0x6, v8;
	v8 =	vbroadcast v7, $0x0;
	_ =	swait.ge [sflag:s10], $0x3200  }
0x9b: {  	[sflag:s10] =	ssyncset.done $0x0  }
0x9c: {  	v7 =	vshll.u32 v2, v1;
	[sflag:s10] =	ssyncadd.s32 $0xFFFFCE00  }
0x9d: {  	v2 =	vld.idx.msk [tilespmem:v3+s29+$0x0], $0xffff;
	v3 =	vadd.s32 $0x7, v7  }
0x9e: {  	s18 =	simm.s32 $0x9;
	s16 =	simm.s32 $0xA;
	v4 =	vld.idx.msk [tilespmem:v4+s29+$0x0], $0xffff;
	v11 =	vbroadcast v3, $0x0  }
0x9f: {  	v12 =	vmov s18;
	s18 =	simm.s32 $0xC;
	v13 =	vmov s16;
	v5 =	vld.idx.msk [tilespmem:v5+s29+$0x0], $0xffff  }
0xa0: {  	s17 =	simm.s32 $0x8;
	s15 =	simm.s32 $0x4500;
	v15 =	vmov s18;
	v13 =	vshrl.u32 v13, $0x3;
	v8 =	vld.idx.msk [tilespmem:v8+s29+$0x0], $0xffff  }
0xa1: {  	s18 =	simm.s32 $0xE;
	v12 =	vshrl.u32 v12, $0x3;
	v18 =	vshll.u32 v13, v1;
	v7 =	vmov s17;
	s17 =	simm.s32 $0xB;
	v13 =	vld [tilespmem:s15+$0xFFFFFFC0]  }
0xa2: {  	v16 =	vmov s18;
	v15 =	vshrl.u32 v15, $0x3;
	v3 =	vld.idx.msk [tilespmem:v9+s29+$0x0], $0xffff;
	v14 =	vmov s17;
	s17 =	simm.s32 $0xD  }
0xa3: {  	v6 =	vbroadcast v6, $0x0;
	v9 =	vshrl.u32 v7, $0x3;
	v7 =	vld.idx.msk [tilespmem:v10+s29+$0x0], $0xffff;
	v10 =	vmov s17  }
0xa4: {  	v12 =	vshll.u32 v12, v1;
	v16 =	vshrl.u32 v16, $0x3;
	v17 =	vshrl.u32 v10, $0x3;
	v10 =	vld.idx.msk [tilespmem:v11+s29+$0x0], $0xffff  }
0xa5: {  	v15 =	vshll.u32 v15, v1;
	v12 =	vadd.s32 $0x1, v12;
	v23 =	vshll.u32 v16, v1;
	v11 =	vld [tilespmem:s15+$0x30]  }
0xa6: {  	v20 =	vadd.s32 $0x4, v15;
	v15 =	vld [tilespmem:s15+$0xFFFFFFF0];
	v9 =	vshll.u32 v9, v1;
	v14 =	vshrl.u32 v14, $0x3  }
0xa7: {  	v18 =	vadd.s32 $0x2, v18;
	v9 =	vbroadcast v9, $0x0;
	v19 =	vshll.u32 v14, v1;
	v14 =	vld [tilespmem:s15+$0xFFFFFFD0]  }
0xa8: {  	v16 =	vbroadcast v18, $0x0;
	v22 =	vshll.u32 v17, v1;
	v17 =	vbroadcast v12, $0x0;
	v12 =	vld [tilespmem:s15+$0xFFFFFFE0]  }
0xa9: {  	s16 =	simm.s32 $0x10;
	v18 =	vadd.s32 $0x6, v23;
	v6 =	vld.idx.msk [tilespmem:v6+s29+$0x0], $0xffff;
	s17 =	simm.s32 $0xF;
	v21 =	vadd.s32 $0x3, v19;
	v19 =	vadd.s32 $0x5, v22  }
.LBB2_7:
0xaa: {  	p0 =	slt.u32 s16, $0x318;
	v21 =	vbroadcast v21, $0x0;
	v22 =	vmov s17;
	v23 =	vld [tilespmem:s15+$0x0];
	v10 =	vmul.f32 v11, v10  }
0xab: {  	v11 =	vbroadcast v20, $0x0;
	v20 =	vshrl.u32 v22, $0x3;
	v13 =	vmul.f32 v13, v2;
	v22 =	vld [tilespmem:s15+$0x10]  }
0xac: {  	v19 =	vbroadcast v19, $0x0;
	v20 =	vshll.u32 v20, v1;
	v14 =	vmul.f32 v14, v4;
	v24 =	vld [tilespmem:s15+$0x20];
	[tilespmem:s15+$0x30] =	vst v10  }
0xad: {  	v2 =	vld.idx.msk [tilespmem:v9+s29+$0x0], $0xffff;
	v9 =	vbroadcast v18, $0x0;
	v10 =	vadd.s32 $0x7, v20;
	[tilespmem:s15+$0xFFFFFFC0] =	vst v13;
	v12 =	vmul.f32 v12, v3  }
0xae: {  	v3 =	vmov s16;
	v4 =	vld.idx.msk [tilespmem:v17+s29+$0x0], $0xffff;
	v10 =	vbroadcast v10, $0x0;
	[tilespmem:s15+$0xFFFFFFD0] =	vst v14;
	v13 =	vmul.f32 v15, v5  }
0xaf: {  	s17 =	sadd.s32 $0x1, s16;
	s18 =	sadd.s32 $0x2, s16;
	v14 =	vshrl.u32 v3, $0x3;
	v3 =	vld.idx.msk [tilespmem:v16+s29+$0x0], $0xffff;
	[tilespmem:s15+$0xFFFFFFE0] =	vst v12;
	v12 =	vmul.f32 v23, v7  }
0xb0: {  	v15 =	vmov s17;
	s17 =	sadd.s32 $0x3, s16;
	v16 =	vmov s18;
	s18 =	sadd.s32 $0x4, s16;
	v5 =	vld.idx.msk [tilespmem:v21+s29+$0x0], $0xffff;
	[tilespmem:s15+$0xFFFFFFF0] =	vst v13;
	v13 =	vmul.f32 v22, v8  }
0xb1: {  	v17 =	vmov s17;
	s17 =	sadd.s32 $0x5, s16;
	v18 =	vmov s18;
	s18 =	sadd.s32 $0x6, s16;
	v7 =	vld.idx.msk [tilespmem:v11+s29+$0x0], $0xffff;
	[tilespmem:s15+$0x0] =	vst v12;
	v11 =	vmul.f32 v24, v6  }
0xb2: {  	v12 =	vshll.u32 v14, v1;
	v14 =	vmov s17;
	v20 =	vmov s18;
	v8 =	vld.idx.msk [tilespmem:v19+s29+$0x0], $0xffff;
	[tilespmem:s15+$0x10] =	vst v13  }
0xb3: {  	v13 =	vshrl.u32 v15, $0x3;
	v15 =	vshrl.u32 v16, $0x3;
	v16 =	vshrl.u32 v17, $0x3;
	v6 =	vld.idx.msk [tilespmem:v9+s29+$0x0], $0xffff;
	[tilespmem:s15+$0x20] =	vst v11  }
0xb4: {  	v17 =	vshrl.u32 v18, $0x3;
	v14 =	vshrl.u32 v14, $0x3;
	v18 =	vshrl.u32 v20, $0x3;
	s15 =	sadd.s32 $0x80, s15;
	v10 =	vld.idx.msk [tilespmem:v10+s29+$0x0], $0xffff  }
.Ltmp2:
0xb5: {  	v9 =	vbroadcast v12, $0x0;
	v12 =	vshll.u32 v13, v1;
	v15 =	vshll.u32 v15, v1;
	v11 =	vld [tilespmem:s15+$0x30];
	(pc) =	sbr.rel @p0 .LBB2_7-.Ltmp2, $4  }
0xb6: {  	v16 =	vshll.u32 v16, v1;
	v19 =	vshll.u32 v17, v1;
	v22 =	vshll.u32 v14, v1;
	v13 =	vld [tilespmem:s15+$0xFFFFFFC0]  }
0xb7: {  	v18 =	vshll.u32 v18, v1;
	v12 =	vadd.s32 $0x1, v12;
	v15 =	vadd.s32 $0x2, v15;
	v14 =	vld [tilespmem:s15+$0xFFFFFFD0]  }
0xb8: {  	v21 =	vadd.s32 $0x3, v16;
	v20 =	vadd.s32 $0x4, v19;
	v17 =	vbroadcast v12, $0x0;
	v12 =	vld [tilespmem:s15+$0xFFFFFFE0]  }
0xb9: {  	s17 =	sadd.s32 $0x7, s16;
	s16 =	sadd.s32 $0x8, s16;
	v19 =	vadd.s32 $0x5, v22;
	v18 =	vadd.s32 $0x6, v18;
	v16 =	vbroadcast v15, $0x0;
	v15 =	vld [tilespmem:s15+$0xFFFFFFF0]  }
0xba: {  	_ = 	snop  }
0xbb: {  	v23 =	vld [tilespmem:s15+$0x0]  }
0xbc: {  	v24 =	vld [tilespmem:s15+$0x10]  }
0xbd: {  	v25 =	vld [tilespmem:s15+$0x20]  }
0xbe: {  	v9 =	vld.idx.msk [tilespmem:v9+s29+$0x0], $0xffff  }
0xbf: {  	v22 =	vmov s17;
	v17 =	vld.idx.msk [tilespmem:v17+s29+$0x0], $0xffff  }
0xc0: {  	s16 =	sadd.s32 $0x80, s15;
	v22 =	vshrl.u32 v22, $0x3;
	v16 =	vld.idx.msk [tilespmem:v16+s29+$0x0], $0xffff  }
0xc1: {  	v56 =	vld [tilespmem:s16+$0xFFFFFFC0];
	v22 =	vshll.u32 v22, v1  }
0xc2: {  	v57 =	vld [tilespmem:s16+$0xFFFFFFD0];
	v22 =	vadd.s32 $0x7, v22  }
0xc3: {  	v2 =	vmul.f32 v13, v2;
	v59 =	vld [tilespmem:s16+$0xFFFFFFE0];
	v22 =	vbroadcast v22, $0x0  }
0xc4: {  	v20 =	vbroadcast v20, $0x0;
	v10 =	vmul.f32 v11, v10;
	v60 =	vld [tilespmem:s16+$0xFFFFFFF0]  }
0xc5: {  	v21 =	vbroadcast v21, $0x0;
	v61 =	vld [tilespmem:s16+$0x0];
	[tilespmem:s15+$0xFFFFFFC0] =	vst v2;
	v2 =	vmul.f32 v12, v3  }
0xc6: {  	v18 =	vbroadcast v18, $0x0;
	v62 =	vld [tilespmem:s16+$0x10];
	v4 =	vmul.f32 v14, v4;
	[tilespmem:s15+$0x30] =	vst v10  }
0xc7: {  	v19 =	vbroadcast v19, $0x0;
	v63 =	vld [tilespmem:s16+$0x20];
	[tilespmem:s15+$0xFFFFFFE0] =	vst v2;
	v2 =	vmul.f32 v23, v7  }
0xc8: {  	v3 =	vld [tilespmem:s16+$0x30];
	[tilespmem:s15+$0xFFFFFFD0] =	vst v4;
	v55 =	vmul.f32 v15, v5  }
0xc9: {  	[tilespmem:s15+$0x0] =	vst v2;
	v2 =	vmul.f32 v25, v6;
	v54 =	vld.idx.msk [tilespmem:v22+s29+$0x0], $0xffff  }
0xca: {  	v58 =	vmul.f32 v24, v8;
	v20 =	vld.idx.msk [tilespmem:v20+s29+$0x0], $0xffff;
	[tilespmem:s15+$0xFFFFFFF0] =	vst v55  }
0xcb: {  	v21 =	vld.idx.msk [tilespmem:v21+s29+$0x0], $0xffff;
	[tilespmem:s15+$0x20] =	vst v2;
	v2 =	vmul.f32 v56, v9  }
0xcc: {  	v53 =	vld.idx.msk [tilespmem:v18+s29+$0x0], $0xffff;
	v7 =	vmul.f32 v57, v17;
	[tilespmem:s15+$0x10] =	vst v58  }
0xcd: {  	v52 =	vld.idx.msk [tilespmem:v19+s29+$0x0], $0xffff;
	[tilespmem:s16+$0xFFFFFFC0] =	vst v2;
	v2 =	vmul.f32 v59, v16  }
0xce: {  	[tilespmem:s16+$0xFFFFFFD0] =	vst v7;
	v3 =	vmul.f32 v3, v54  }
0xcf: {  	[tilespmem:s16+$0xFFFFFFE0] =	vst v2;
	v2 =	vmul.f32 v61, v20  }
0xd0: {  	[tilespmem:s16+$0x30] =	vst v3;
	v3 =	vmul.f32 v60, v21  }
0xd1: {  	[tilespmem:s16+$0x0] =	vst v2;
	v2 =	vmul.f32 v63, v53  }
0xd2: {  	[tilespmem:s16+$0xFFFFFFF0] =	vst v3;
	v3 =	vmul.f32 v62, v52  }
0xd3: {  	[tilespmem:s16+$0x20] =	vst v2  }
0xd4: {  	[tilespmem:s16+$0x10] =	vst v3  }
0xd5: {  	_ =	swait.ge [sflag:s31], $0x320  }
0xd6: {  	[sflag:s31] =	ssyncset.done $0x0  }
0xd7: {  	s14 =	sadd.s32 $0x1, s14;
	[sflag:s31] =	ssyncadd.s32 $0xFFFFFCE0  }
0xd8: {  	[spmem:s3] =	stream.indirect.scatter.add.f32 [tilespmem:s0], [sflag:$0x6], $0x10, s28, s24, $0xb8;
	[tilespmem:$0x1FDC0] =	vst v63  }
0xd9: {  	p0 =	sne.s32 s14, $0x3E;
	_ =	swait.ge [sflag:s11], $0x3200  }
.Ltmp3:
0xda: {  	[sflag:s11] =	ssyncset.done $0x0;
	(pc) =	sbr.rel @p0 .LBB2_4-.Ltmp3, $4  }
0xdb: {  	[sflag:s11] =	ssyncadd.s32 $0xFFFFCE00  }
0xdc: {  	_ =	swait.ge [sflag:s12], $0x3200  }
0xdd: {  	[sflag:s12] =	ssyncset.done $0x0  }
0xde: {  	[sflag:s12] =	ssyncadd.s32 $0xFFFFCE00  }
0xdf: {  	s13 =	simm.s32 $0x0;
	s14 =	rddreg [dreg:$0xb]  }
0xe0: {  	[tilespmem:s13], [sflag:$0x7] =	stream.linear.gather [hbm4b:s14+s13], $0x320, $0x38;
	[tilespmem:$0x1FDC0] =	vst v63  }
0xe1: {  	s18 =	simm.s32 $0x1;
	_ =	swait.ge [sflag:s23], $0x320  }
0xe2: {  	s15 =	simm.s32 $0x2;
	s16 =	simm.s32 $0x4;
	[sflag:s23] =	ssyncset.done $0x0  }
0xe3: {  	v4 =	vmov s15;
	s15 =	simm.s32 $0x3;
	s17 =	rddreg [dreg:$0xc];
	[sflag:s23] =	ssyncadd.s32 $0xFFFFFCE0  }
0xe4: {  	v2 =	vmov s13;
	v3 =	vmov s18;
	[tilespmem:s24], [sflag:$0x7] =	stream.linear.gather [hbm4b:s17+s13], $0x320, $0x38;
	[tilespmem:$0x1FDC0] =	vst v63  }
0xe5: {  	v6 =	vmov s16;
	s18 =	simm.s32 $0x6;
	v2 =	vshrl.u32 v2, $0x3;
	v5 =	vmov s15;
	_ =	swait.ge [sflag:s23], $0x320  }
0xe6: {  	v8 =	vmov s18;
	v3 =	vshrl.u32 v3, $0x3;
	v4 =	vshrl.u32 v4, $0x3;
	[sflag:s23] =	ssyncset.done $0x0  }
0xe7: {  	v6 =	vshrl.u32 v6, $0x3;
	v2 =	vshll.u32 v2, v1;
	v5 =	vshrl.u32 v5, $0x3;
	[sflag:s23] =	ssyncadd.s32 $0xFFFFFCE0  }
0xe8: {  	v8 =	vshrl.u32 v8, $0x3;
	v3 =	vshll.u32 v3, v1;
	v4 =	vshll.u32 v4, v1;
	[tilespmem:s25], [sflag:$0x7] =	stream.linear.gather [hbm4b:s19+s13], $0x320, $0x38;
	[tilespmem:$0x1FDC0] =	vst v63  }
0xe9: {  	v6 =	vshll.u32 v6, v1;
	v2 =	vbroadcast v2, $0x0;
	v5 =	vshll.u32 v5, v1;
	_ =	swait.ge [sflag:s23], $0x320  }
0xea: {  	v3 =	vadd.s32 $0x1, v3;
	v4 =	vadd.s32 $0x2, v4;
	v8 =	vshll.u32 v8, v1;
	s17 =	simm.s32 $0x5;
	[sflag:s23] =	ssyncset.done $0x0  }
0xeb: {  	s15 =	simm.s32 $0x7;
	v3 =	vbroadcast v3, $0x0;
	v5 =	vadd.s32 $0x3, v5;
	v7 =	vmov s17;
	[sflag:s23] =	ssyncadd.s32 $0xFFFFFCE0  }
0xec: {  	v9 =	vbroadcast v4, $0x0;
	v4 =	vadd.s32 $0x4, v6;
	v7 =	vshrl.u32 v7, $0x3;
	[tilespmem:s22], [sflag:$0x2] =	stream.indirect.gather [hbm4b:s5+s24], $0x10, s13, s24, $0xb8;
	[tilespmem:$0x1FDC0] =	vst v63  }
0xed: {  	v6 =	vmov s15;
	v5 =	vbroadcast v5, $0x0;
	v7 =	vshll.u32 v7, v1;
	_ =	swait.ge [sflag:s2], $0x3200  }
0xee: {  	v10 =	vbroadcast v4, $0x0;
	v4 =	vshrl.u32 v6, $0x3;
	v7 =	vadd.s32 $0x5, v7;
	[sflag:s2] =	ssyncset.done $0x0  }
0xef: {  	v6 =	vadd.s32 $0x6, v8;
	v4 =	vshll.u32 v4, v1;
	v8 =	vbroadcast v7, $0x0;
	[sflag:s2] =	ssyncadd.s32 $0xFFFFCE00  }
0xf0: {  	v6 =	vbroadcast v6, $0x0;
	v7 =	vadd.s32 $0x7, v4;
	v2 =	vld.idx.msk [tilespmem:v2+s25+$0x0], $0xffff  }
0xf1: {  	s18 =	simm.s32 $0xA;
	v11 =	vbroadcast v7, $0x0;
	v4 =	vld.idx.msk [tilespmem:v3+s25+$0x0], $0xffff  }
0xf2: {  	s16 =	simm.s32 $0x8;
	v13 =	vmov s18;
	s18 =	simm.s32 $0xE;
	v3 =	vld.idx.msk [tilespmem:v9+s25+$0x0], $0xffff  }
0xf3: {  	v16 =	vmov s18;
	v7 =	vmov s16;
	v5 =	vld.idx.msk [tilespmem:v5+s25+$0x0], $0xffff  }
0xf4: {  	v13 =	vshrl.u32 v13, $0x3;
	s15 =	simm.s32 $0xB;
	v16 =	vshrl.u32 v16, $0x3;
	s17 =	simm.s32 $0x9;
	v9 =	vshrl.u32 v7, $0x3;
	v7 =	vld.idx.msk [tilespmem:v10+s25+$0x0], $0xffff  }
0xf5: {  	v18 =	vshll.u32 v13, v1;
	v14 =	vmov s15;
	v12 =	vmov s17;
	s17 =	simm.s32 $0xD;
	v8 =	vld.idx.msk [tilespmem:v8+s25+$0x0], $0xffff  }
0xf6: {  	v18 =	vadd.s32 $0x2, v18;
	v23 =	vshll.u32 v16, v1;
	v10 =	vmov s17;
	v6 =	vld.idx.msk [tilespmem:v6+s25+$0x0], $0xffff  }
0xf7: {  	v14 =	vshrl.u32 v14, $0x3;
	v16 =	vbroadcast v18, $0x0;
	s13 =	simm.s32 $0x9A0;
	v17 =	vshrl.u32 v10, $0x3;
	v10 =	vld.idx.msk [tilespmem:v11+s25+$0x0], $0xffff  }
0xf8: {  	v18 =	vadd.s32 $0x6, v23;
	v12 =	vshrl.u32 v12, $0x3;
	v19 =	vshll.u32 v14, v1;
	s16 =	simm.s32 $0xC;
	v11 =	vld [tilespmem:s13+$0x30]  }
0xf9: {  	v12 =	vshll.u32 v12, v1;
	v15 =	vmov s16;
	v13 =	vld [tilespmem:s13+$0xFFFFFFC0];
	v9 =	vshll.u32 v9, v1  }
0xfa: {  	v12 =	vadd.s32 $0x1, v12;
	v15 =	vshrl.u32 v15, $0x3;
	v14 =	vld [tilespmem:s13+$0xFFFFFFD0];
	v9 =	vbroadcast v9, $0x0  }
0xfb: {  	v15 =	vshll.u32 v15, v1;
	v22 =	vshll.u32 v17, v1;
	v17 =	vbroadcast v12, $0x0;
	v12 =	vld [tilespmem:s13+$0xFFFFFFE0]  }
0xfc: {  	s14 =	simm.s32 $0x10;
	s15 =	simm.s32 $0xF;
	v21 =	vadd.s32 $0x3, v19;
	v20 =	vadd.s32 $0x4, v15;
	v15 =	vld [tilespmem:s13+$0xFFFFFFF0];
	v19 =	vadd.s32 $0x5, v22  }
.LBB2_10:
0xfd: {  	p0 =	slt.u32 s14, $0x318;
	v21 =	vbroadcast v21, $0x0;
	v22 =	vmov s15;
	v23 =	vld [tilespmem:s13+$0x0];
	v10 =	vmul.f32 v11, v10  }
0xfe: {  	v11 =	vbroadcast v20, $0x0;
	v20 =	vshrl.u32 v22, $0x3;
	v13 =	vmul.f32 v13, v2;
	v22 =	vld [tilespmem:s13+$0x10]  }
0xff: {  	v19 =	vbroadcast v19, $0x0;
	v20 =	vshll.u32 v20, v1;
	v14 =	vmul.f32 v14, v4;
	v24 =	vld [tilespmem:s13+$0x20];
	[tilespmem:s13+$0x30] =	vst v10  }
0x100: {  	v2 =	vld.idx.msk [tilespmem:v9+s25+$0x0], $0xffff;
	v9 =	vbroadcast v18, $0x0;
	v10 =	vadd.s32 $0x7, v20;
	[tilespmem:s13+$0xFFFFFFC0] =	vst v13;
	v12 =	vmul.f32 v12, v3  }
0x101: {  	v3 =	vmov s14;
	v4 =	vld.idx.msk [tilespmem:v17+s25+$0x0], $0xffff;
	v10 =	vbroadcast v10, $0x0;
	[tilespmem:s13+$0xFFFFFFD0] =	vst v14;
	v13 =	vmul.f32 v15, v5  }
0x102: {  	s15 =	sadd.s32 $0x1, s14;
	s16 =	sadd.s32 $0x2, s14;
	v14 =	vshrl.u32 v3, $0x3;
	v3 =	vld.idx.msk [tilespmem:v16+s25+$0x0], $0xffff;
	[tilespmem:s13+$0xFFFFFFE0] =	vst v12;
	v12 =	vmul.f32 v23, v7  }
0x103: {  	v15 =	vmov s15;
	s15 =	sadd.s32 $0x3, s14;
	v16 =	vmov s16;
	s16 =	sadd.s32 $0x4, s14;
	v5 =	vld.idx.msk [tilespmem:v21+s25+$0x0], $0xffff;
	[tilespmem:s13+$0xFFFFFFF0] =	vst v13;
	v13 =	vmul.f32 v22, v8  }
0x104: {  	v17 =	vmov s15;
	s15 =	sadd.s32 $0x5, s14;
	v18 =	vmov s16;
	s16 =	sadd.s32 $0x6, s14;
	v7 =	vld.idx.msk [tilespmem:v11+s25+$0x0], $0xffff;
	[tilespmem:s13+$0x0] =	vst v12;
	v11 =	vmul.f32 v24, v6  }
0x105: {  	v12 =	vshll.u32 v14, v1;
	v14 =	vmov s15;
	v20 =	vmov s16;
	v8 =	vld.idx.msk [tilespmem:v19+s25+$0x0], $0xffff;
	[tilespmem:s13+$0x10] =	vst v13  }
0x106: {  	v13 =	vshrl.u32 v15, $0x3;
	v15 =	vshrl.u32 v16, $0x3;
	v16 =	vshrl.u32 v17, $0x3;
	v6 =	vld.idx.msk [tilespmem:v9+s25+$0x0], $0xffff;
	[tilespmem:s13+$0x20] =	vst v11  }
0x107: {  	v17 =	vshrl.u32 v18, $0x3;
	v14 =	vshrl.u32 v14, $0x3;
	v18 =	vshrl.u32 v20, $0x3;
	s13 =	sadd.s32 $0x80, s13;
	v10 =	vld.idx.msk [tilespmem:v10+s25+$0x0], $0xffff  }
.Ltmp4:
0x108: {  	v9 =	vbroadcast v12, $0x0;
	v12 =	vshll.u32 v13, v1;
	v15 =	vshll.u32 v15, v1;
	v11 =	vld [tilespmem:s13+$0x30];
	(pc) =	sbr.rel @p0 .LBB2_10-.Ltmp4, $4  }
0x109: {  	v16 =	vshll.u32 v16, v1;
	v19 =	vshll.u32 v17, v1;
	v22 =	vshll.u32 v14, v1;
	v13 =	vld [tilespmem:s13+$0xFFFFFFC0]  }
0x10a: {  	v18 =	vshll.u32 v18, v1;
	v12 =	vadd.s32 $0x1, v12;
	v15 =	vadd.s32 $0x2, v15;
	v14 =	vld [tilespmem:s13+$0xFFFFFFD0]  }
0x10b: {  	v21 =	vadd.s32 $0x3, v16;
	v20 =	vadd.s32 $0x4, v19;
	v17 =	vbroadcast v12, $0x0;
	v12 =	vld [tilespmem:s13+$0xFFFFFFE0]  }
0x10c: {  	s15 =	sadd.s32 $0x7, s14;
	s14 =	sadd.s32 $0x8, s14;
	v19 =	vadd.s32 $0x5, v22;
	v18 =	vadd.s32 $0x6, v18;
	v16 =	vbroadcast v15, $0x0;
	v15 =	vld [tilespmem:s13+$0xFFFFFFF0]  }
0x10d: {  	_ = 	snop  }
0x10e: {  	v23 =	vld [tilespmem:s13+$0x0]  }
0x10f: {  	v24 =	vld [tilespmem:s13+$0x10]  }
0x110: {  	v25 =	vld [tilespmem:s13+$0x20]  }
0x111: {  	v9 =	vld.idx.msk [tilespmem:v9+s25+$0x0], $0xffff  }
0x112: {  	v22 =	vmov s15;
	v17 =	vld.idx.msk [tilespmem:v17+s25+$0x0], $0xffff  }
0x113: {  	s14 =	sadd.s32 $0x80, s13;
	v22 =	vshrl.u32 v22, $0x3;
	v16 =	vld.idx.msk [tilespmem:v16+s25+$0x0], $0xffff  }
0x114: {  	v56 =	vld [tilespmem:s14+$0xFFFFFFC0];
	v22 =	vshll.u32 v22, v1  }
0x115: {  	v57 =	vld [tilespmem:s14+$0xFFFFFFD0];
	v22 =	vadd.s32 $0x7, v22  }
0x116: {  	v2 =	vmul.f32 v13, v2;
	v59 =	vld [tilespmem:s14+$0xFFFFFFE0];
	v22 =	vbroadcast v22, $0x0  }
0x117: {  	v20 =	vbroadcast v20, $0x0;
	v10 =	vmul.f32 v11, v10;
	v60 =	vld [tilespmem:s14+$0xFFFFFFF0]  }
0x118: {  	v21 =	vbroadcast v21, $0x0;
	v61 =	vld [tilespmem:s14+$0x0];
	[tilespmem:s13+$0xFFFFFFC0] =	vst v2;
	v2 =	vmul.f32 v12, v3  }
0x119: {  	v18 =	vbroadcast v18, $0x0;
	v62 =	vld [tilespmem:s14+$0x10];
	v4 =	vmul.f32 v14, v4;
	[tilespmem:s13+$0x30] =	vst v10  }
0x11a: {  	v19 =	vbroadcast v19, $0x0;
	v63 =	vld [tilespmem:s14+$0x20];
	[tilespmem:s13+$0xFFFFFFE0] =	vst v2;
	v2 =	vmul.f32 v23, v7  }
0x11b: {  	v3 =	vld [tilespmem:s14+$0x30];
	[tilespmem:s13+$0xFFFFFFD0] =	vst v4;
	v55 =	vmul.f32 v15, v5  }
0x11c: {  	[tilespmem:s13+$0x0] =	vst v2;
	v2 =	vmul.f32 v25, v6;
	v54 =	vld.idx.msk [tilespmem:v22+s25+$0x0], $0xffff  }
0x11d: {  	v58 =	vmul.f32 v24, v8;
	v20 =	vld.idx.msk [tilespmem:v20+s25+$0x0], $0xffff;
	[tilespmem:s13+$0xFFFFFFF0] =	vst v55  }
0x11e: {  	v21 =	vld.idx.msk [tilespmem:v21+s25+$0x0], $0xffff;
	[tilespmem:s13+$0x20] =	vst v2;
	v2 =	vmul.f32 v56, v9  }
0x11f: {  	v53 =	vld.idx.msk [tilespmem:v18+s25+$0x0], $0xffff;
	v7 =	vmul.f32 v57, v17;
	[tilespmem:s13+$0x10] =	vst v58  }
0x120: {  	v52 =	vld.idx.msk [tilespmem:v19+s25+$0x0], $0xffff;
	[tilespmem:s14+$0xFFFFFFC0] =	vst v2;
	v2 =	vmul.f32 v59, v16  }
0x121: {  	[tilespmem:s14+$0xFFFFFFD0] =	vst v7;
	v3 =	vmul.f32 v3, v54  }
0x122: {  	[tilespmem:s14+$0xFFFFFFE0] =	vst v2;
	v2 =	vmul.f32 v61, v20  }
0x123: {  	[tilespmem:s14+$0x30] =	vst v3;
	v3 =	vmul.f32 v60, v21  }
0x124: {  	[tilespmem:s14+$0x0] =	vst v2;
	v2 =	vmul.f32 v63, v53  }
0x125: {  	[tilespmem:s14+$0xFFFFFFF0] =	vst v3;
	v3 =	vmul.f32 v62, v52  }
0x126: {  	[tilespmem:s14+$0x20] =	vst v2  }
0x127: {  	[tilespmem:s14+$0x10] =	vst v3  }
0x128: {  	[spmem:s3] =	stream.indirect.scatter.add.f32 [tilespmem:s22], [sflag:$0x7], $0x10, s24, s24, $0xb8;
	[tilespmem:$0x1FDC0] =	vst v63  }
0x129: {  	s17 =	stileid.u32;
	_ =	swait.ge [sflag:s23], $0x3200  }
0x12a: {  	s18 =	sshrl.u32 s8, $0x3;
	s4 =	sadd.s32 $0x1, s4;
	[sflag:s23] =	ssyncset.done $0x0  }
0x12b: {  	p0 =	sne.s32 s4, s21;
	s13 =	sshll.u32 s17, $0x6;
	[sflag:s23] =	ssyncadd.s32 $0xFFFFCE00  }
.Ltmp5:
0x12c: {  	s13 =	sor.u32 $0x1C07, s13;
	[bflag:$0x0] =	sbarrier.arrive $0xFFFF;
	(pc) =	sbr.rel @p0 .LBB2_1-.Ltmp5, $4  }
0x12d: {  	[hbm:s20], [sflag:s13] =	dma.local [spmem:s18], $0x30E0  }
0x12e: {  	_ =	swait.ge [sflag:s23], $0x30E0  }
0x12f: {  	[sflag:s23] =	ssyncset.done $0x0  }
0x130: {  	[sflag:s23] =	ssyncadd.s32 $0xFFFFCF20  }
0x131: {  	_ =	sfence.sel $0x180000  }
0x132: {  	[bflag:$0x0] =	sbarrier.arrive $0xFFFF  }
0x133: {  	_ =	strace $0x90000047  }
0x134: {  	s0 =	stileid.u32;
	[bflag:$0x2] =	sbarrier.arrive $0xFFFF  }
0x135: {  	p0 =	sne.s32 s0, $0x0;
	s0 =	rddreg [dreg:$0x3]  }
0x136: {  	s0 =	sadd.s32 @!p0 $0x100000, s0  }
0x137: {  	[sflag:s0] =	ssyncadd.tile.s32 @!p0 $0x1;
	_ =	shalt  }
.Lfunc_end2:
_tile_overlayer_lowered:
.L_overlay_start_2:
0x138: {  	(tag) =	ssettag $0x2  }
0x139: {  	s0 =	rddreg [dreg:$0x0];
	s2 =	stileid.u32  }
0x13a: {  	s1 =	rddreg [dreg:$0x1];
	p0 =	sne.s32 s2, $0x0  }
0x13b: {  	s3 =	rddreg [dreg:$0x2];
	[bflag:$0x3] =	sbarrier.arrive $0xFFFF;
	s2 =	simm.s32 @!p0 $0x1C07  }
0x13c: {  	[timem:s3], [sflag:s2] =	dma.local @!p0 [hbm:s0], s1  }
0x13d: {  	s0 =	simm.s32 @!p0 $0x7  }
0x13e: {  	_ =	swait.ge @!p0 [sflag:s0], s1  }
0x13f: {  	s1 =	ssub.s32 @!p0 $0x0, s1;
	[sflag:s0] =	ssyncset.done @!p0 $0x0  }
0x140: {  	[sflag:s0] =	ssyncadd.s32 @!p0 s1  }
0x141: {  	[bflag:$0x3] =	sbarrier.arrive $0xFFFF  }
0x142: {  	_ =	shalt  }

// kernel: kernel.15.cloned.1.call-start
scs
__scs_entry_jumppad:
0x0: {  	(pc) =	sbr.rel $0x88, $3  }
0x1: {  	(tag) =	ssettag $0x0;
	lr =	simm.s32 $0x1  }
0x2: {  	[smem:$0x3F8F] =	sst lr;
	_ =	strace $0xD0000000  }
0x3: {  	_ = 	snop  }
0x4: {  	_ = 	snop  }
0x5: {  	_ = 	snop  }
0x6: {  	_ = 	snop  }
0x7: {  	_ = 	snop  }
__scs_overlays_trampoline_lowered:
0x8: {  	[smem:$0x3F9E] =	sst s0  }
0x9: {  	[smem:$0x3F9F] =	sst s1  }
0xa: {  	[smem:$0x3FA0] =	sst s2  }
0xb: {  	[smem:$0x3FA1] =	sst s3  }
0xc: {  	[smem:$0x3FA2] =	sst s4  }
0xd: {  	[smem:$0x3FA3] =	sst s5  }
0xe: {  	[smem:$0x3FA4] =	sst s6  }
0xf: {  	[smem:$0x3FA5] =	sst s7  }
0x10: {  	[smem:$0x3FA6] =	sst s8  }
0x11: {  	[smem:$0x3FA7] =	sst s9;
	s0 =	simm.s32 @!p0 $0x0  }
0x12: {  	s1 =	sld [smem:$0x3F8D];
	s0 =	simm.s32 @p0 $0x1  }
0x13: {  	[smem:$0x3FA8] =	sst s0;
	s0 =	simm.s32 @!p1 $0x0  }
0x14: {  	s2 =	sld [smem:$0x3F8C];
	s0 =	simm.s32 @p1 $0x1  }
0x15: {  	[smem:$0x3FA9] =	sst s0;
	s0 =	simm.s32 @!p2 $0x0  }
0x16: {  	s3 =	sld [smem:$0x3FDB];
	s0 =	simm.s32 @p2 $0x1  }
0x17: {  	s4 =	simm.s32 $0x1BF5;
	[smem:$0x3FAB] =	sst s0  }
0x18: {  	s0 =	sld [smem:$0x3F8E];
	_ =	swait.ge [sflag:s4], $0x0  }
0x19: {  	s7 =	sld [smem:$0x3F8F]  }
0x1a: {  	s8 =	sadd.s32 $0xFFFFE003, lr  }
0x1b: {  	s9 =	sadd.s32 $0xFFFFFEF7, lr;
	s5 =	simm.s32 $0xFFFFFFFF;
	p2 =	slt.u32 s8, $0xFFFFF086  }
0x1c: {  	p1 =	slt.u32 s9, $0xF7A;
	s5 =	simm.s32 @!p2 $0x0  }
0x1d: {  	s5 =	simm.s32 @p1 $0x1;
	p0 =	seq.s32 s7, s2  }
0x1e: {  	s7 =	smul.u32 @!p0 $0xF7A, s2;
	p2 =	seq.s32 @!p0 s5, $0x0  }
0x1f: {  	s9 =	smul.u32 $0xF7A, s1;
	s8 =	simm.s32 @!p0 $0x1BF5;
	p2 =	por !p2, p0  }
0x20: {  	[sflag:s8] =	ssyncset.s32 @!p0 $0xFFFFF086;
	s6 =	sadd.s32 @!p0 s3, s7;
	s7 =	simm.s32 @!p0 $0x108  }
0x21: {  	s3 =	sadd.s32 s3, s9;
	s6 =	sadd.s32 @!p0 $0x88, s6;
	s7 =	simm.s32 @p2 $0x1082  }
0x22: {  	[simem:s7], [sflag:s8] =	dma.local @!p0 [hbm:s6], $0xF7A  }
0x23: {  	s9 =	sor.u32 $0xD0000000, s2;
	s6 =	simm.s32 $0x108;
	_ =	swait.ge @!p0 [sflag:s8], $0x0  }
0x24: {  	s3 =	sadd.s32 $0x88, s3;
	s6 =	simm.s32 @!p1 $0x1082;
	[sflag:s4] =	ssyncset.s32 $0xFFFFF086  }
0x25: {  	[simem:s6], [sflag:s4] =	dma.local [hbm:s3], $0xF7A  }
0x26: {  	[smem:$0x3F8F] =	sst s1;
	(tag) =	ssettag s2;
	_ =	strace s9  }
0x27: {  	s1 =	sld [smem:$0x3F9F]  }
0x28: {  	s2 =	sld [smem:$0x3FA0]  }
0x29: {  	s4 =	sld [smem:$0x3FA2]  }
0x2a: {  	p0 =	seq.s32 s5, $0x0;
	s5 =	sld [smem:$0x3FA3]  }
0x2b: {  	s6 =	sld [smem:$0x3FA4]  }
0x2c: {  	s7 =	sld [smem:$0x3FA5]  }
0x2d: {  	s3 =	simm.s32 $0x108;
	s8 =	sld [smem:$0x3FA6]  }
0x2e: {  	s3 =	simm.s32 @!p0 $0x1082;
	s9 =	sld [smem:$0x3FA7]  }
0x2f: {  	lr =	sadd.s32 s0, s3;
	s0 =	sld [smem:$0x3F9E]  }
0x30: {  	s3 =	sld [smem:$0x3FA1]  }
0x31: {  	[smem:$0x3FAA] =	sst s10  }
0x32: {  	s10 =	sld [smem:$0x3FA8];
	_ =	sdelay $0x3  }
0x33: {  	p0 =	seq.s32 s10, $0x1;
	s10 =	sld [smem:$0x3FAA];
	_ =	sdelay $0x3  }
0x34: {  	[smem:$0x3FAA] =	sst s10  }
0x35: {  	s10 =	sld [smem:$0x3FA9];
	_ =	sdelay $0x3  }
0x36: {  	p1 =	seq.s32 s10, $0x1;
	s10 =	sld [smem:$0x3FAA];
	_ =	sdelay $0x3  }
0x37: {  	[smem:$0x3FAA] =	sst s10  }
0x38: {  	s10 =	sld [smem:$0x3FAB]  }
0x39: {  	_ = 	snop;
	(pc) =	sbr.ind lr, $3  }
0x3a: {  	_ = 	snop  }
0x3b: {  	_ = 	snop  }
0x3c: {  	p2 =	seq.s32 s10, $0x1;
	s10 =	sld [smem:$0x3FAA]  }
0x3d: {  	_ =	shalt  }
0x3e: {  	_ =	shalt  }
0x3f: {  	_ =	shalt  }
0x40: {  	_ =	shalt  }
0x41: {  	_ =	shalt  }
0x42: {  	_ =	shalt  }
0x43: {  	_ =	shalt  }
0x44: {  	_ =	shalt  }
0x45: {  	_ =	shalt  }
0x46: {  	_ =	shalt  }
0x47: {  	_ =	shalt  }
0x48: {  	_ =	shalt  }
0x49: {  	_ =	shalt  }
0x4a: {  	_ =	shalt  }
0x4b: {  	_ =	shalt  }
0x4c: {  	_ =	shalt  }
0x4d: {  	_ =	shalt  }
0x4e: {  	_ =	shalt  }
0x4f: {  	_ =	shalt  }
0x50: {  	_ =	shalt  }
0x51: {  	_ =	shalt  }
0x52: {  	_ =	shalt  }
0x53: {  	_ =	shalt  }
0x54: {  	_ =	shalt  }
0x55: {  	_ =	shalt  }
0x56: {  	_ =	shalt  }
0x57: {  	_ =	shalt  }
0x58: {  	_ =	shalt  }
0x59: {  	_ =	shalt  }
0x5a: {  	_ =	shalt  }
0x5b: {  	_ =	shalt  }
0x5c: {  	_ =	shalt  }
0x5d: {  	_ =	shalt  }
0x5e: {  	_ =	shalt  }
0x5f: {  	_ =	shalt  }
0x60: {  	_ =	shalt  }
0x61: {  	_ =	shalt  }
0x62: {  	_ =	shalt  }
0x63: {  	_ =	shalt  }
0x64: {  	_ =	shalt  }
0x65: {  	_ =	shalt  }
0x66: {  	_ =	shalt  }
0x67: {  	_ =	shalt  }
0x68: {  	_ =	shalt  }
0x69: {  	_ =	shalt  }
0x6a: {  	_ =	shalt  }
0x6b: {  	_ =	shalt  }
0x6c: {  	_ =	shalt  }
0x6d: {  	_ =	shalt  }
0x6e: {  	_ =	shalt  }
0x6f: {  	_ =	shalt  }
0x70: {  	_ =	shalt  }
0x71: {  	_ =	shalt  }
0x72: {  	_ =	shalt  }
0x73: {  	_ =	shalt  }
0x74: {  	_ =	shalt  }
0x75: {  	_ =	shalt  }
0x76: {  	_ =	shalt  }
0x77: {  	_ =	shalt  }
0x78: {  	_ =	shalt  }
0x79: {  	_ =	shalt  }
0x7a: {  	_ =	shalt  }
0x7b: {  	_ =	shalt  }
0x7c: {  	_ =	shalt  }
0x7d: {  	_ =	shalt  }
0x7e: {  	_ =	shalt  }
0x7f: {  	_ =	shalt  }
0x80: {  	_ =	shalt  }
0x81: {  	_ =	shalt  }
0x82: {  	_ =	shalt  }
0x83: {  	_ =	shalt  }
0x84: {  	_ =	shalt  }
0x85: {  	_ =	shalt  }
0x86: {  	_ =	shalt  }
0x87: {  	_ =	shalt  }
.Lfunc_end0:
.L_simem_size_0:
called_computation.1_lowered:
.L_overlay_start_0:
0x88: {  	s2 =	sld [smem:$0x3FD9]  }
0x89: {  	s3 =	sld [smem:$0x3FFE];
	_ =	sdelay $0x1  }
0x8a: {  	s1 =	srdreg.scid  }
0x8b: {  	s0 =	sand.u32 $0x1, s1  }
0x8c: {  	s17 =	sshll.u32 s0, $0xA;
	s2 =	sadd.s32 s3, s2  }
0x8d: {  	s2 =	sadd.s32 s2, s17  }
0x8e: {  	[smem:$0x3FB6] =	sst s2  }
0x8f: {  	_ = 	snop  }
0x90: {  	s2 =	sld [smem:$0x3FC7];
	(tm) =	ssettm $0x1  }
0x91: {  	s18 =	sld [smem:$0x3FFB];
	_ =	sdelay $0x3  }
0x92: {  	_ =	strace s18  }
0x93: {  	s3 =	sld [smem:$0x3FFC];
	_ =	sdelay $0x3  }
0x94: {  	_ =	strace s3  }
0x95: {  	s3 =	sld [smem:$0x3FFD];
	_ =	sdelay $0x3  }
0x96: {  	_ =	strace s3  }
0x97: {  	_ =	strace $0x8FFFFFFF  }
0x98: {  	s19 =	sld [smem:$0x3FDB];
	_ =	sdelay $0x1  }
0x99: {  	s4 =	simm.s32 $_scs_section_size  }
0x9a: {  	s5 =	simm.s32 $_size__tile_overlayer_lowered;
	s6 =	simm.s32 $_tile_overlayer_lowered  }
0x9b: {  	s22 =	simm.s32 $0x1BFF;
	s21 =	sshll.u32 s6, $0x1;
	s3 =	sadd.s32 s4, s19  }
0x9c: {  	s7 =	simm.s32 $0x0;
	s20 =	sshll.u32 s5, $0x1;
	s5 =	sadd.s32 s21, s3  }
0x9d: {  	[timem:s7], [sflag:s22] =	dma.local [hbm:s5], s20  }
0x9e: {  	_ =	swait.ge [sflag:s22], s20  }
0x9f: {  	s4 =	ssub.s32 $0x0, s20;
	[sflag:s22] =	ssyncset.done $0x0  }
0xa0: {  	[sflag:s22] =	ssyncadd.s32 s4;
	_ =	sdelay $0x1  }
0xa1: {  	s23 =	simm.s32 $0x1B8B  }
0xa2: {  	_ =	swait.ge [sflag:s23], $0x1  }
0xa3: {  	[sflag:s23] =	ssyncset.done $0x0  }
0xa4: {  	s25 =	simm.s32 $0x1B8E;
	s24 =	sld [smem:$0x3FFE];
	[sflag:s23] =	ssyncadd.s32 $0xFFFFFFFF  }
0xa5: {  	s26 =	simm.s32 $execute0_lowered;
	[smem:$0x3FD2] =	sst s25  }
0xa6: {  	s5 =	sshll.u32 s26, $0x1;
	_ =	strace $0x80000049;
	[dreg:$0x1] =	wrdreg $0xFFFFFFFF  }
0xa7: {  	s28 =	simm.s32 $_size_execute0_lowered;
	s3 =	sadd.s32 s3, s5;
	[dreg:$0x0] =	wrdreg $0x0  }
0xa8: {  	s5 =	sshll.u32 s28, $0x1;
	[dreg:$0x2] =	wrdreg s3  }
0xa9: {  	[dreg:$0x3] =	wrdreg s5  }
0xaa: {  	[dreg:$0x4] =	wrdreg $0xC0  }
0xab: {  	_ =	task [dreg:s7], $0x5FFFF  }
0xac: {  	[dreg:$0x1] =	wrdreg $0xFFFFFFFF  }
0xad: {  	[dreg:$0x0] =	wrdreg $0x60  }
0xae: {  	[dreg:$0x2] =	wrdreg s24  }
0xaf: {  	[dreg:$0x3] =	wrdreg s2  }
0xb0: {  	[dreg:$0x4] =	wrdreg $0x76C00  }
0xb1: {  	[dreg:$0x5] =	wrdreg $0x9  }
0xb2: {  	_ =	task.clear_ibuf [dreg:s7], $0x6FFFF;
	_ =	strace $0x90000049  }
0xb3: {  	s29 =	simm.s32 $0x9;
	_ =	strace $0x8000004B  }
0xb4: {  	_ =	swait.ge [sflag:s29], $0x1  }
0xb5: {  	[sflag:s29] =	ssyncadd.s32 $0xFFFFFFFF  }
0xb6: {  	_ =	strace $0x9000004B  }
0xb7: {  	_ =	sfence  }
0xb8: {  	s30 =	sld [smem:$0x0];
	_ =	sdelay $0x2  }
0xb9: {  	s31 =	sshll.u32 s1, $0xD;
	s1 =	sshrl.u32 s1, $0x2  }
0xba: {  	s3 =	sand.u32 $0x4000, s31;
	s1 =	sadd.s32 s1, s30  }
0xbb: {  	s0 =	sor.u32 s3, s0;
	s1 =	sshll.u32 s1, $0x11  }
0xbc: {  	s0 =	sor.u32 s1, s0  }
0xbd: {  	s0 =	sadd.s32 $0x8F2B, s0  }
0xbe: {  	[sflag:s0] =	ssyncadd.remote.s32 $0x1  }
0xbf: {  	_ =	sfence.sel $0xFFFF  }
0xc0: {  	[dreg:$0x0] =	wrdreg $0xFFFFFFFF;
	(pc) =	sbr.abs _section_cstart, $3  }
0xc1: {  	[dreg:$0x1] =	wrdreg $0xFFFFFFFF  }
0xc2: {  	_ =	task.clear_ibuf [dreg:s7], $0x2FFFF;
	_ =	strace $0x9FFFFFFF  }
0xc3: {  	(tm) =	ssettm $0x7FFFFFFF  }
tec
execute0_lowered:
.L_overlay_start_1:
0x0: {  	(tag) =	ssettag $0x1  }
0x1: {  	s0 =	rddreg [dreg:$0x0]  }
0x2: {  	s1 =	rddreg [dreg:$0x1]  }
0x3: {  	s2 =	rddreg [dreg:$0x2];
	s3 =	simm.s32 $0x0  }
0x4: {  	s4 =	srdreg.scid;
	s12 =	stileid.u32;
	s19 =	simm.s32 $0x960  }
0x5: {  	s20 =	simm.s32 $0x7;
	s28 =	simm.s32 $0x4;
	s8 =	smul.u32 $0x61C00, s12  }
0x6: {  	s29 =	simm.s32 $0x44C0;
	s4 =	sand.u32 $0x1, s4;
	s10 =	smul.u32 $0x30E0, s12  }
0x7: {  	s30 =	simm.s32 $0x2;
	s31 =	simm.s32 $0x5;
	s7 =	smul.u32 $0x30E00, s4  }
0x8: {  	[smem:$0x7FF] =	sst s3;
	s5 =	sadd.s32 $0x65400, s0;
	s8 =	sshrl.u32 s8, $0x2  }
0x9: {  	s9 =	sadd.s32 s7, s0;
	s10 =	sadd.s32 s10, s7;
	s7 =	sadd.s32 s8, s2  }
0xa: {  	s6 =	sadd.s32 $0x3800, s0;
	s15 =	smul.u32 $0x30D40, s12;
	s8 =	sadd.s32 $0x3200, s7  }
0xb: {  	_ =	strace $0x8000004A;
	s21 =	sadd.s32 $0x6400, s7;
	[dreg:$0x4] =	wrdreg s8  }
0xc: {  	s4 =	ssub.s32 $0x2, s4;
	s22 =	sadd.s32 $0x9600, s7;
	[dreg:$0x5] =	wrdreg s21  }
0xd: {  	s11 =	sshrl.u32 s4, $0x1;
	s23 =	sadd.s32 $0xC800, s7;
	[dreg:$0x6] =	wrdreg s22  }
0xe: {  	s4 =	ssub.s32 s4, s11;
	s24 =	sadd.s32 $0xFA00, s7;
	[dreg:$0x7] =	wrdreg s23  }
0xf: {  	s0 =	sadd.s32 s10, s0;
	s25 =	sadd.s32 $0x12C00, s7;
	[dreg:$0x8] =	wrdreg s24  }
0x10: {  	s26 =	sadd.s32 $0x15E00, s7;
	s16 =	sadd.s32 $0xC7000, s9;
	[dreg:$0x9] =	wrdreg s25  }
0x11: {  	s18 =	smax.u32 s4, $0x1;
	s4 =	simm.s32 $0x6;
	[dreg:$0xa] =	wrdreg s26  }
0x12: {  	s0 =	sadd.s32 $0x128C00, s0;
	s21 =	simm.s32 $0x320;
	s22 =	simm.s32 $0x640  }
0x13: {  	v1 =	vimm.s32 $0x0;
	vm0 =	vcmask $0x300;
	s23 =	simm.s32 $0x3B60;
	s24 =	simm.s32 $0x3E80;
	s25 =	simm.s32 $0x41A0  }
0x14: {  	v0 =	vimm.bf16 $0.0e+00;
	v1 =	vsel vm0, $0x3, v1;
	s26 =	simm.s32 $0x1;
	[dreg:$0xb] =	wrdreg s0;
	s0 =	simm.s32 $0x3  }
.LBB2_1:
0x15: {  	s8 =	simm.s32 $0x40;
	s9 =	simm.s32 $0x0  }
.LBB2_2:
0x16: {  	p0 =	sne.s32 s8, $0xC7C0;
	[tilespmem:s9+$0x960] =	vst v0;
	s9 =	smov.u32 s8;
	s8 =	sadd.s32 $0x40, s8  }
.Ltmp0:
0x17: {  	(pc) =	sbr.rel @p0 .LBB2_2-.Ltmp0, $2  }
0x18: {  	_ =	sdelay $0x2  }
0x19: {  	s9 =	sshra.s32 s9, $0x2  }
0x1a: {  	[tilespmem:s9+$0x960] =	vst v0  }
0x1b: {  	[spmem:s7] =	stream.linear.scatter [tilespmem:s19], [sflag:$0x7], $0x3200, $0x38;
	[tilespmem:$0x1FDC0] =	vst v63  }
0x1c: {  	_ =	swait.ge [sflag:s20], $0x3200  }
0x1d: {  	[sflag:s20] =	ssyncset.done $0x0  }
0x1e: {  	s8 =	rddreg [dreg:$0x4];
	[sflag:s20] =	ssyncadd.s32 $0xFFFFCE00  }
0x1f: {  	[spmem:s8] =	stream.linear.scatter [tilespmem:s19], [sflag:$0x7], $0x3200, $0x38;
	[tilespmem:$0x1FDC0] =	vst v63  }
0x20: {  	_ =	swait.ge [sflag:s20], $0x3200  }
0x21: {  	[sflag:s20] =	ssyncset.done $0x0  }
0x22: {  	s10 =	rddreg [dreg:$0x5];
	[sflag:s20] =	ssyncadd.s32 $0xFFFFCE00  }
0x23: {  	[spmem:s10] =	stream.linear.scatter [tilespmem:s19], [sflag:$0x7], $0x3200, $0x38;
	[tilespmem:$0x1FDC0] =	vst v63  }
0x24: {  	_ =	swait.ge [sflag:s20], $0x3200  }
0x25: {  	[sflag:s20] =	ssyncset.done $0x0  }
0x26: {  	s11 =	rddreg [dreg:$0x6];
	[sflag:s20] =	ssyncadd.s32 $0xFFFFCE00  }
0x27: {  	[spmem:s11] =	stream.linear.scatter [tilespmem:s19], [sflag:$0x7], $0x3200, $0x38;
	[tilespmem:$0x1FDC0] =	vst v63  }
0x28: {  	_ =	swait.ge [sflag:s20], $0x3200  }
0x29: {  	[sflag:s20] =	ssyncset.done $0x0  }
0x2a: {  	s12 =	rddreg [dreg:$0x7];
	[sflag:s20] =	ssyncadd.s32 $0xFFFFCE00  }
0x2b: {  	[spmem:s12] =	stream.linear.scatter [tilespmem:s19], [sflag:$0x7], $0x3200, $0x38;
	[tilespmem:$0x1FDC0] =	vst v63  }
0x2c: {  	_ =	swait.ge [sflag:s20], $0x3200  }
0x2d: {  	[sflag:s20] =	ssyncset.done $0x0  }
0x2e: {  	s13 =	rddreg [dreg:$0x8];
	[sflag:s20] =	ssyncadd.s32 $0xFFFFCE00  }
0x2f: {  	[spmem:s13] =	stream.linear.scatter [tilespmem:s19], [sflag:$0x7], $0x3200, $0x38;
	[tilespmem:$0x1FDC0] =	vst v63  }
0x30: {  	_ =	swait.ge [sflag:s20], $0x3200  }
0x31: {  	[sflag:s20] =	ssyncset.done $0x0  }
0x32: {  	s14 =	rddreg [dreg:$0x9];
	[sflag:s20] =	ssyncadd.s32 $0xFFFFCE00  }
0x33: {  	[spmem:s14] =	stream.linear.scatter [tilespmem:s19], [sflag:$0x7], $0x3200, $0x38;
	[tilespmem:$0x1FDC0] =	vst v63  }
0x34: {  	_ =	swait.ge [sflag:s20], $0x3200  }
0x35: {  	[sflag:s20] =	ssyncset.done $0x0  }
0x36: {  	s17 =	rddreg [dreg:$0xa];
	[sflag:s20] =	ssyncadd.s32 $0xFFFFCE00  }
0x37: {  	[spmem:s17] =	stream.linear.scatter [tilespmem:s19], [sflag:$0x7], $0x2900, $0x38;
	[tilespmem:$0x1FDC0] =	vst v63  }
0x38: {  	_ =	swait.ge [sflag:s20], $0x2900  }
0x39: {  	[sflag:s20] =	ssyncset.done $0x0  }
0x3a: {  	[sflag:s20] =	ssyncadd.s32 $0xFFFFD700  }
0x3b: {  	s9 =	simm.s32 $0x0;
	s8 =	simm.s32 $0x0;
	[bflag:$0x0] =	sbarrier.arrive $0xFFFF  }
.LBB2_4:
0x3c: {  	s10 =	smul.u32 $0x640, s9;
	_ =	sdelay $0x1  }
0x3d: {  	s10 =	sadd.s32 s15, s10  }
0x3e: {  	s10 =	sshrl.u32 s10, $0x3  }
0x3f: {  	s11 =	sadd.s32 s5, s10  }
0x40: {  	[tilespmem:s8], [sflag:$0x1] =	stream.linear.gather [hbm4b:s11+s8], $0x320, $0x38;
	[tilespmem:$0x1FDC0] =	vst v63  }
0x41: {  	s14 =	sadd.s32 s6, s10  }
0x42: {  	[tilespmem:s21], [sflag:$0x1] =	stream.linear.gather [hbm4b:s14+s8], $0x320, $0x38;
	[tilespmem:$0x1FDC0] =	vst v63  }
0x43: {  	s17 =	sadd.s32 s1, s10;
	s10 =	sadd.s32 $0x64, s10  }
0x44: {  	[tilespmem:s22], [sflag:$0x1] =	stream.linear.gather [hbm4b:s17+s8], $0x320, $0x38;
	[tilespmem:$0x1FDC0] =	vst v63  }
0x45: {  	s12 =	sadd.s32 s5, s10  }
0x46: {  	[tilespmem:s23], [sflag:$0x4] =	stream.linear.gather [hbm4b:s12+s8], $0x320, $0x38;
	[tilespmem:$0x1FDC0] =	vst v63  }
0x47: {  	s13 =	sadd.s32 s6, s10  }
0x48: {  	[tilespmem:s24], [sflag:$0x4] =	stream.linear.gather [hbm4b:s13+s8], $0x320, $0x38;
	[tilespmem:$0x1FDC0] =	vst v63  }
0x49: {  	s10 =	sadd.s32 s1, s10  }
0x4a: {  	[tilespmem:s25], [sflag:$0x4] =	stream.linear.gather [hbm4b:s10+s8], $0x320, $0x38;
	[tilespmem:$0x1FDC0] =	vst v63  }
0x4b: {  	_ =	swait.ge [sflag:s26], $0x320  }
0x4c: {  	[sflag:s26] =	ssyncset.done $0x0  }
0x4d: {  	s14 =	simm.s32 $0x1;
	[sflag:s26] =	ssyncadd.s32 $0xFFFFFCE0  }
0x4e: {  	[tilespmem:s19], [sflag:$0x2] =	stream.indirect.gather [hbm4b:s16+s21], $0x10, s8, s21, $0xb8;
	[tilespmem:$0x1FDC0] =	vst v63  }
0x4f: {  	v2 =	vmov s14;
	s17 =	simm.s32 $0x2;
	_ =	swait.ge [sflag:s28], $0x320  }
0x50: {  	v2 =	vshrl.u32 v2, $0x3;
	v3 =	vmov s17;
	[sflag:s28] =	ssyncset.done $0x0  }
0x51: {  	v6 =	vmov s8;
	s14 =	simm.s32 $0xA;
	v2 =	vshll.u32 v2, v1;
	s12 =	simm.s32 $0x3;
	v3 =	vshrl.u32 v3, $0x3;
	[sflag:s28] =	ssyncadd.s32 $0xFFFFFCE0  }
0x52: {  	v8 =	vmov s14;
	v2 =	vadd.s32 $0x1, v2;
	v3 =	vshll.u32 v3, v1;
	[tilespmem:s29], [sflag:$0x5] =	stream.indirect.gather [hbm4b:s16+s21], $0x10, s23, s21, $0xb8;
	[tilespmem:$0x1FDC0] =	vst v63  }
0x53: {  	v4 =	vmov s12;
	s12 =	simm.s32 $0x7;
	v2 =	vbroadcast v2, $0x0;
	v3 =	vadd.s32 $0x2, v3;
	_ =	swait.ge [sflag:s26], $0x320  }
0x54: {  	s14 =	simm.s32 $0x5;
	v4 =	vshrl.u32 v4, $0x3;
	v5 =	vmov s12;
	v3 =	vbroadcast v3, $0x0;
	[sflag:s26] =	ssyncset.done $0x0  }
0x55: {  	s17 =	simm.s32 $0xB;
	v11 =	vmov s14;
	v5 =	vshrl.u32 v5, $0x3;
	v4 =	vshll.u32 v4, v1;
	[sflag:s26] =	ssyncadd.s32 $0xFFFFFCE0  }
0x56: {  	v9 =	vmov s17;
	s17 =	simm.s32 $0x6;
	v5 =	vshll.u32 v5, v1;
	v4 =	vadd.s32 $0x3, v4;
	_ =	swait.ge [sflag:s30], $0x3200  }
0x57: {  	v12 =	vmov s17;
	s13 =	simm.s32 $0x9;
	v5 =	vadd.s32 $0x7, v5;
	v7 =	vbroadcast v4, $0x0;
	[sflag:s30] =	ssyncset.done $0x0  }
0x58: {  	v4 =	vshrl.u32 v6, $0x3;
	v6 =	vmov s13;
	s13 =	simm.s32 $0x4;
	v5 =	vbroadcast v5, $0x0;
	[sflag:s30] =	ssyncadd.s32 $0xFFFFCE00  }
0x59: {  	v10 =	vmov s13;
	v4 =	vshll.u32 v4, v1;
	v13 =	vld.idx.msk [tilespmem:v2+s22+$0x0], $0xffff;
	v2 =	vshrl.u32 v6, $0x3  }
0x5a: {  	s10 =	simm.s32 $0x9A0;
	v6 =	vshrl.u32 v8, $0x3;
	v8 =	vld.idx.msk [tilespmem:v3+s22+$0x0], $0xffff;
	v3 =	vshrl.u32 v9, $0x3;
	v9 =	vshrl.u32 v10, $0x3  }
0x5b: {  	v10 =	vshrl.u32 v11, $0x3;
	v11 =	vbroadcast v4, $0x0;
	v4 =	vshrl.u32 v12, $0x3;
	v12 =	vld [tilespmem:s10+$0x30]  }
0x5c: {  	v15 =	vld [tilespmem:s10+$0xFFFFFFC0];
	v2 =	vshll.u32 v2, v1  }
0x5d: {  	v17 =	vld [tilespmem:s10+$0xFFFFFFE0];
	v6 =	vshll.u32 v6, v1;
	v14 =	vshll.u32 v3, v1;
	v3 =	vshll.u32 v9, v1  }
0x5e: {  	v9 =	vld.idx.msk [tilespmem:v5+s22+$0x0], $0xffff;
	v5 =	vshll.u32 v10, v1;
	v4 =	vshll.u32 v4, v1;
	v3 =	vadd.s32 $0x4, v3  }
0x5f: {  	v21 =	vld [tilespmem:s10+$0x10];
	v2 =	vadd.s32 $0x1, v2;
	v16 =	vbroadcast v3, $0x0;
	v3 =	vadd.s32 $0x5, v5  }
0x60: {  	v22 =	vld [tilespmem:s10+$0x20];
	v5 =	vadd.s32 $0x2, v6;
	v6 =	vadd.s32 $0x6, v4;
	v18 =	vbroadcast v3, $0x0  }
0x61: {  	v10 =	vld [tilespmem:s10+$0xFFFFFFD0];
	v4 =	vadd.s32 $0x3, v14;
	v3 =	vbroadcast v2, $0x0;
	v19 =	vbroadcast v6, $0x0  }
0x62: {  	v2 =	vbroadcast v5, $0x0;
	v6 =	vunpack.i.u.bf16.f32 v12;
	v12 =	vunpack.i.l.bf16.f32 v12  }
0x63: {  	v20 =	vld [tilespmem:s10+$0x0];
	v5 =	vunpack.i.u.bf16.f32 v15;
	v23 =	vunpack.i.u.bf16.f32 v17;
	v17 =	vunpack.i.l.bf16.f32 v17  }
0x64: {  	v14 =	vld [tilespmem:s10+$0xFFFFFFF0];
	v24 =	vunpack.i.u.bf16.f32 v21;
	v12 =	vmul.f32 v12, v9;
	v9 =	vmul.f32 v6, v9  }
0x65: {  	v7 =	vld.idx.msk [tilespmem:v7+s22+$0x0], $0xffff;
	v21 =	vunpack.i.l.bf16.f32 v21;
	v63 =	vunpack.i.u.bf16.f32 v22;
	v6 =	vunpack.i.l.bf16.f32 v15  }
0x66: {  	v15 =	vunpack.i.u.bf16.f32 v10;
	v10 =	vunpack.i.l.bf16.f32 v10;
	v9 =	vpack.i.f32.bf16 v9, v12;
	v12 =	vld.idx.msk [tilespmem:v16+s22+$0x0], $0xffff  }
0x67: {  	v22 =	vunpack.i.l.bf16.f32 v22;
	v17 =	vmul.f32 v17, v8;
	v10 =	vmul.f32 v10, v13;
	v18 =	vld.idx.msk [tilespmem:v18+s22+$0x0], $0xffff  }
0x68: {  	v13 =	vmul.f32 v15, v13;
	v15 =	vunpack.i.u.bf16.f32 v20;
	v20 =	vunpack.i.l.bf16.f32 v20;
	v19 =	vld.idx.msk [tilespmem:v19+s22+$0x0], $0xffff  }
0x69: {  	v62 =	vunpack.i.u.bf16.f32 v14;
	v14 =	vunpack.i.l.bf16.f32 v14;
	[tilespmem:s10+$0x30] =	vst v9;
	v9 =	vmul.f32 v23, v8;
	v8 =	vld.idx.msk [tilespmem:v11+s22+$0x0], $0xffff  }
0x6a: {  	v10 =	vpack.i.f32.bf16 v13, v10;
	v11 =	vmul.f32 v14, v7;
	v7 =	vmul.f32 v62, v7  }
0x6b: {  	[tilespmem:s10+$0xFFFFFFD0] =	vst v10;
	v9 =	vpack.i.f32.bf16 v9, v17;
	v13 =	vmul.f32 v20, v12;
	v12 =	vmul.f32 v15, v12  }
0x6c: {  	v7 =	vpack.i.f32.bf16 v7, v11;
	[tilespmem:s10+$0xFFFFFFE0] =	vst v9;
	v9 =	vmul.f32 v21, v18;
	v10 =	vmul.f32 v24, v18  }
0x6d: {  	s11 =	simm.s32 $0x8;
	s12 =	simm.s32 $0x10;
	s13 =	simm.s32 $0xF;
	[tilespmem:s10+$0xFFFFFFF0] =	vst v7;
	v11 =	vmul.f32 v22, v19;
	v7 =	vpack.i.f32.bf16 v12, v13;
	v12 =	vmul.f32 v63, v19  }
.LBB2_5:
0x6e: {  	p0 =	slt.u32 s12, $0x318;
	v13 =	vmov s13;
	v6 =	vmul.f32 v6, v8;
	v5 =	vmul.f32 v5, v8;
	[tilespmem:s10+$0x0] =	vst v7  }
0x6f: {  	v8 =	vpack.i.f32.bf16 v10, v9;
	v7 =	vshrl.u32 v13, $0x3;
	v9 =	vpack.i.f32.bf16 v12, v11  }
0x70: {  	v4 =	vbroadcast v4, $0x0;
	v7 =	vshll.u32 v7, v1;
	v5 =	vpack.i.f32.bf16 v5, v6;
	[tilespmem:s10+$0x10] =	vst v8  }
0x71: {  	v6 =	vmov s11;
	v7 =	vadd.s32 $0x7, v7;
	[tilespmem:s10+$0x20] =	vst v9  }
0x72: {  	s13 =	sadd.s32 $0x1, s12;
	s14 =	sadd.s32 $0x2, s12;
	s17 =	sadd.s32 $0x3, s12;
	v6 =	vshrl.u32 v6, $0x3;
	v7 =	vbroadcast v7, $0x0;
	[tilespmem:s10+$0xFFFFFFC0] =	vst v5  }
0x73: {  	v8 =	vmov s14;
	s14 =	sadd.s32 $0x5, s11;
	v9 =	vmov s17;
	v5 =	vmov s13;
	s13 =	sadd.s32 $0x4, s11;
	s11 =	sadd.s32 $0x6, s11  }
0x74: {  	v11 =	vmov s14;
	v12 =	vmov s11;
	s11 =	smov.u32 s12;
	v10 =	vld.idx.msk [tilespmem:v3+s22+$0x0], $0xffff;
	v3 =	vmov s13  }
0x75: {  	v8 =	vshrl.u32 v8, $0x3;
	v6 =	vshll.u32 v6, v1;
	v5 =	vshrl.u32 v5, $0x3;
	v13 =	vld.idx.msk [tilespmem:v2+s22+$0x0], $0xffff  }
0x76: {  	s10 =	sadd.s32 $0x80, s10;
	v2 =	vshrl.u32 v9, $0x3;
	v3 =	vshrl.u32 v3, $0x3;
	v9 =	vld.idx.msk [tilespmem:v4+s22+$0x0], $0xffff;
	v4 =	vshrl.u32 v11, $0x3  }
0x77: {  	v5 =	vshll.u32 v5, v1;
	v11 =	vbroadcast v6, $0x0;
	v6 =	vshrl.u32 v12, $0x3;
	v12 =	vld [tilespmem:s10+$0x30]  }
0x78: {  	v8 =	vshll.u32 v8, v1;
	v2 =	vshll.u32 v2, v1;
	v3 =	vshll.u32 v3, v1;
	v7 =	vld.idx.msk [tilespmem:v7+s22+$0x0], $0xffff  }
0x79: {  	v3 =	vadd.s32 $0x4, v3;
	v4 =	vshll.u32 v4, v1;
	v6 =	vshll.u32 v6, v1;
	v14 =	vld [tilespmem:s10+$0xFFFFFFC0]  }
0x7a: {  	v5 =	vadd.s32 $0x1, v5;
	v16 =	vbroadcast v3, $0x0;
	v3 =	vadd.s32 $0x5, v4;
	v15 =	vld [tilespmem:s10+$0xFFFFFFD0]  }
0x7b: {  	v8 =	vadd.s32 $0x2, v8;
	v6 =	vadd.s32 $0x6, v6;
	v18 =	vbroadcast v3, $0x0;
	v17 =	vld [tilespmem:s10+$0xFFFFFFE0]  }
0x7c: {  	v4 =	vadd.s32 $0x3, v2;
	v3 =	vbroadcast v5, $0x0;
	v20 =	vbroadcast v6, $0x0;
	v19 =	vld [tilespmem:s10+$0xFFFFFFF0]  }
0x7d: {  	v2 =	vbroadcast v8, $0x0;
	v6 =	vunpack.i.u.bf16.f32 v12;
	v12 =	vunpack.i.l.bf16.f32 v12;
	v8 =	vld [tilespmem:s10+$0x0]  }
0x7e: {  	v12 =	vmul.f32 v12, v7;
	v7 =	vmul.f32 v6, v7;
	v5 =	vunpack.i.u.bf16.f32 v14;
	v21 =	vld [tilespmem:s10+$0x10]  }
0x7f: {  	v6 =	vunpack.i.l.bf16.f32 v14;
	v14 =	vunpack.i.u.bf16.f32 v15;
	v15 =	vunpack.i.l.bf16.f32 v15;
	v22 =	vld [tilespmem:s10+$0x20]  }
0x80: {  	v7 =	vpack.i.f32.bf16 v7, v12;
	v23 =	vunpack.i.u.bf16.f32 v17;
	v17 =	vunpack.i.l.bf16.f32 v17;
	v16 =	vld.idx.msk [tilespmem:v16+s22+$0x0], $0xffff  }
0x81: {  	v12 =	vmul.f32 v15, v10;
	v15 =	vunpack.i.u.bf16.f32 v19;
	v19 =	vunpack.i.l.bf16.f32 v19;
	v18 =	vld.idx.msk [tilespmem:v18+s22+$0x0], $0xffff;
	[tilespmem:s10+$0x30] =	vst v7  }
0x82: {  	v7 =	vmul.f32 v14, v10;
	v10 =	vunpack.i.u.bf16.f32 v8;
	v14 =	vunpack.i.l.bf16.f32 v8;
	v20 =	vld.idx.msk [tilespmem:v20+s22+$0x0], $0xffff  }
0x83: {  	v8 =	vld.idx.msk [tilespmem:v11+s22+$0x0], $0xffff;
	v11 =	vmul.f32 v17, v13;
	v17 =	vunpack.i.u.bf16.f32 v21;
	v21 =	vunpack.i.l.bf16.f32 v21  }
.Ltmp1:
0x84: {  	v13 =	vmul.f32 v23, v13;
	v23 =	vunpack.i.u.bf16.f32 v22;
	v22 =	vunpack.i.l.bf16.f32 v22;
	(pc) =	sbr.rel @p0 .LBB2_5-.Ltmp1, $4  }
0x85: {  	v7 =	vpack.i.f32.bf16 v7, v12;
	v12 =	vmul.f32 v19, v9;
	v9 =	vmul.f32 v15, v9  }
0x86: {  	[tilespmem:s10+$0xFFFFFFD0] =	vst v7;
	v7 =	vpack.i.f32.bf16 v13, v11;
	v11 =	vmul.f32 v14, v16;
	v13 =	vmul.f32 v10, v16  }
0x87: {  	v10 =	vmul.f32 v17, v18;
	[tilespmem:s10+$0xFFFFFFE0] =	vst v7;
	v7 =	vpack.i.f32.bf16 v9, v12;
	v9 =	vmul.f32 v21, v18  }
0x88: {  	s12 =	sadd.s32 $0x8, s12;
	s13 =	sadd.s32 $0x7, s11;
	v12 =	vmul.f32 v23, v20;
	[tilespmem:s10+$0xFFFFFFF0] =	vst v7;
	v7 =	vpack.i.f32.bf16 v13, v11;
	v11 =	vmul.f32 v22, v20  }
0x89: {  	_ =	sdelay $0x1  }
0x8a: {  	v13 =	vmov s13  }
0x8b: {  	v6 =	vmul.f32 v6, v8;
	v5 =	vmul.f32 v5, v8;
	v8 =	vpack.i.f32.bf16 v10, v9  }
0x8c: {  	v4 =	vbroadcast v4, $0x0;
	v10 =	vmov s11;
	v2 =	vld.idx.msk [tilespmem:v2+s22+$0x0], $0xffff;
	s12 =	sadd.s32 $0x80, s10;
	s17 =	sadd.s32 $0x6, s11;
	v13 =	vshrl.u32 v13, $0x3  }
0x8d: {  	v9 =	vpack.i.f32.bf16 v12, v11;
	v11 =	vld [tilespmem:s12+$0x30];
	v14 =	vmov s17;
	v13 =	vshll.u32 v13, v1  }
0x8e: {  	s13 =	sadd.s32 $0x4, s11;
	v15 =	vld [tilespmem:s12+$0xFFFFFFC0];
	v5 =	vpack.i.f32.bf16 v5, v6;
	v6 =	vshrl.u32 v10, $0x3;
	v13 =	vadd.s32 $0x7, v13  }
0x8f: {  	s14 =	sadd.s32 $0x5, s11;
	v16 =	vld [tilespmem:s12+$0xFFFFFFD0];
	v10 =	vmov s13;
	v14 =	vshrl.u32 v14, $0x3;
	v13 =	vbroadcast v13, $0x0  }
0x90: {  	v12 =	vmov s14;
	v17 =	vld [tilespmem:s12+$0xFFFFFFE0];
	v10 =	vshrl.u32 v10, $0x3;
	v14 =	vshll.u32 v14, v1  }
0x91: {  	v18 =	vld [tilespmem:s12+$0xFFFFFFF0];
	v12 =	vshrl.u32 v12, $0x3;
	v10 =	vshll.u32 v10, v1;
	v14 =	vadd.s32 $0x6, v14  }
0x92: {  	v19 =	vld [tilespmem:s12+$0x0];
	v12 =	vshll.u32 v12, v1;
	v10 =	vadd.s32 $0x4, v10;
	v14 =	vbroadcast v14, $0x0  }
0x93: {  	v22 =	vld [tilespmem:s12+$0x10];
	v12 =	vadd.s32 $0x5, v12;
	v10 =	vbroadcast v10, $0x0  }
0x94: {  	v23 =	vld [tilespmem:s12+$0x20];
	v6 =	vshll.u32 v6, v1;
	v12 =	vbroadcast v12, $0x0  }
0x95: {  	v6 =	vbroadcast v6, $0x0;
	v20 =	vunpack.i.u.bf16.f32 v11;
	v11 =	vunpack.i.l.bf16.f32 v11;
	v13 =	vld.idx.msk [tilespmem:v13+s22+$0x0], $0xffff  }
0x96: {  	v3 =	vld.idx.msk [tilespmem:v3+s22+$0x0], $0xffff;
	v21 =	vunpack.i.u.bf16.f32 v15;
	v15 =	vunpack.i.l.bf16.f32 v15;
	v47 =	vunpack.i.u.bf16.f32 v16  }
0x97: {  	v16 =	vunpack.i.l.bf16.f32 v16;
	v4 =	vld.idx.msk [tilespmem:v4+s22+$0x0], $0xffff;
	v24 =	vunpack.i.u.bf16.f32 v17;
	v17 =	vunpack.i.l.bf16.f32 v17  }
0x98: {  	[tilespmem:s10+$0x20] =	vst v9;
	v48 =	vunpack.i.l.bf16.f32 v18;
	v49 =	vunpack.i.l.bf16.f32 v19;
	v50 =	vunpack.i.u.bf16.f32 v22;
	v9 =	vld.idx.msk [tilespmem:v14+s22+$0x0], $0xffff  }
0x99: {  	[tilespmem:s10+$0x0] =	vst v7;
	v51 =	vunpack.i.l.bf16.f32 v22;
	v14 =	vmul.f32 v17, v2;
	v2 =	vmul.f32 v24, v2;
	v7 =	vld.idx.msk [tilespmem:v10+s22+$0x0], $0xffff  }
0x9a: {  	[tilespmem:s10+$0x10] =	vst v8;
	v52 =	vunpack.i.l.bf16.f32 v23;
	v8 =	vld.idx.msk [tilespmem:v12+s22+$0x0], $0xffff;
	v11 =	vmul.f32 v11, v13;
	v13 =	vmul.f32 v20, v13  }
0x9b: {  	v12 =	vunpack.i.u.bf16.f32 v19;
	v10 =	vmul.f32 v16, v3;
	v3 =	vmul.f32 v47, v3  }
0x9c: {  	[tilespmem:s10+$0xFFFFFFC0] =	vst v5;
	v5 =	vld.idx.msk [tilespmem:v6+s22+$0x0], $0xffff;
	v2 =	vpack.i.f32.bf16 v2, v14;
	v11 =	vpack.i.f32.bf16 v13, v11;
	v13 =	vunpack.i.u.bf16.f32 v18  }
0x9d: {  	v3 =	vpack.i.f32.bf16 v3, v10;
	v10 =	vmul.f32 v48, v4;
	[tilespmem:s12+$0xFFFFFFE0] =	vst v2;
	v4 =	vmul.f32 v13, v4  }
0x9e: {  	v6 =	vunpack.i.u.bf16.f32 v23;
	[tilespmem:s12+$0xFFFFFFD0] =	vst v3;
	v3 =	vmul.f32 v49, v7;
	v7 =	vmul.f32 v12, v7  }
0x9f: {  	[tilespmem:s12+$0x30] =	vst v11;
	v2 =	vpack.i.f32.bf16 v4, v10;
	v4 =	vmul.f32 v51, v8;
	v8 =	vmul.f32 v50, v8  }
0xa0: {  	v6 =	vmul.f32 v6, v9;
	[tilespmem:s12+$0xFFFFFFF0] =	vst v2;
	v2 =	vpack.i.f32.bf16 v7, v3;
	v3 =	vmul.f32 v52, v9  }
0xa1: {  	v7 =	vmul.f32 v15, v5;
	v5 =	vmul.f32 v21, v5;
	[tilespmem:s12+$0x0] =	vst v2;
	v2 =	vpack.i.f32.bf16 v8, v4  }
0xa2: {  	v3 =	vpack.i.f32.bf16 v6, v3;
	[tilespmem:s12+$0x10] =	vst v2  }
0xa3: {  	v2 =	vpack.i.f32.bf16 v5, v7;
	[tilespmem:s12+$0x20] =	vst v3  }
0xa4: {  	s13 =	simm.s32 $0x1;
	[tilespmem:s12+$0xFFFFFFC0] =	vst v2  }
0xa5: {  	s14 =	simm.s32 $0x2;
	v2 =	vmov s13;
	_ =	swait.ge [sflag:s26], $0x320  }
0xa6: {  	s17 =	simm.s32 $0x3;
	v3 =	vmov s14;
	v2 =	vshrl.u32 v2, $0x3;
	[sflag:s26] =	ssyncset.done $0x0  }
0xa7: {  	s11 =	simm.s32 $0x7;
	v4 =	vmov s17;
	v3 =	vshrl.u32 v3, $0x3;
	v2 =	vshll.u32 v2, v1;
	[sflag:s26] =	ssyncadd.s32 $0xFFFFFCE0  }
0xa8: {  	v4 =	vshrl.u32 v4, $0x3;
	v3 =	vshll.u32 v3, v1;
	v2 =	vadd.s32 $0x1, v2;
	[spmem:s2] =	stream.indirect.scatter.add.bf16 [tilespmem:s19], [sflag:$0x3], $0x10, s21, s21, $0xb8;
	[tilespmem:$0x1FDC0] =	vst v63  }
0xa9: {  	s17 =	simm.s32 $0xB;
	v5 =	vmov s11;
	v3 =	vadd.s32 $0x2, v3;
	v2 =	vbroadcast v2, $0x0;
	_ =	swait.ge [sflag:s28], $0x320  }
0xaa: {  	v9 =	vmov s17;
	s17 =	simm.s32 $0x6;
	v5 =	vshrl.u32 v5, $0x3;
	v3 =	vbroadcast v3, $0x0;
	[sflag:s28] =	ssyncset.done $0x0  }
0xab: {  	s12 =	simm.s32 $0x0;
	v4 =	vshll.u32 v4, v1;
	s14 =	simm.s32 $0xA;
	v12 =	vmov s17;
	v5 =	vshll.u32 v5, v1;
	[sflag:s28] =	ssyncadd.s32 $0xFFFFFCE0  }
0xac: {  	v4 =	vadd.s32 $0x3, v4;
	v6 =	vmov s12;
	v8 =	vmov s14;
	_ =	swait.ge [sflag:s31], $0x3200  }
0xad: {  	s13 =	simm.s32 $0x9;
	s14 =	simm.s32 $0x5;
	v5 =	vadd.s32 $0x7, v5;
	v7 =	vbroadcast v4, $0x0;
	v4 =	vshrl.u32 v6, $0x3;
	[sflag:s31] =	ssyncset.done $0x0  }
0xae: {  	v6 =	vmov s13;
	s13 =	simm.s32 $0x4;
	v11 =	vmov s14;
	v5 =	vbroadcast v5, $0x0;
	[sflag:s31] =	ssyncadd.s32 $0xFFFFCE00  }
0xaf: {  	v10 =	vmov s13;
	v4 =	vshll.u32 v4, v1;
	v13 =	vld.idx.msk [tilespmem:v2+s25+$0x0], $0xffff;
	v2 =	vshrl.u32 v6, $0x3  }
0xb0: {  	s10 =	simm.s32 $0x4500;
	v6 =	vshrl.u32 v8, $0x3;
	v8 =	vld.idx.msk [tilespmem:v3+s25+$0x0], $0xffff;
	v3 =	vshrl.u32 v9, $0x3;
	v9 =	vshrl.u32 v10, $0x3  }
0xb1: {  	v10 =	vshrl.u32 v11, $0x3;
	v11 =	vbroadcast v4, $0x0;
	v4 =	vshrl.u32 v12, $0x3;
	v12 =	vld [tilespmem:s10+$0x30]  }
0xb2: {  	v15 =	vld [tilespmem:s10+$0xFFFFFFC0]  }
0xb3: {  	v54 =	vld [tilespmem:s10+$0xFFFFFFE0];
	v2 =	vshll.u32 v2, v1  }
0xb4: {  	v57 =	vld [tilespmem:s10+$0x0];
	v6 =	vshll.u32 v6, v1;
	v14 =	vshll.u32 v3, v1;
	v3 =	vshll.u32 v9, v1  }
0xb5: {  	v9 =	vld.idx.msk [tilespmem:v5+s25+$0x0], $0xffff;
	v5 =	vshll.u32 v10, v1;
	v4 =	vshll.u32 v4, v1;
	v3 =	vadd.s32 $0x4, v3  }
0xb6: {  	v58 =	vld [tilespmem:s10+$0x10];
	v2 =	vadd.s32 $0x1, v2;
	v53 =	vbroadcast v3, $0x0;
	v3 =	vadd.s32 $0x5, v5  }
0xb7: {  	v59 =	vld [tilespmem:s10+$0x20];
	v5 =	vadd.s32 $0x2, v6;
	v6 =	vadd.s32 $0x6, v4;
	v55 =	vbroadcast v3, $0x0  }
0xb8: {  	v4 =	vadd.s32 $0x3, v14;
	v3 =	vbroadcast v2, $0x0;
	v56 =	vbroadcast v6, $0x0  }
0xb9: {  	v10 =	vld [tilespmem:s10+$0xFFFFFFD0];
	v2 =	vbroadcast v5, $0x0;
	v6 =	vunpack.i.u.bf16.f32 v12;
	v12 =	vunpack.i.l.bf16.f32 v12  }
0xba: {  	v5 =	vunpack.i.u.bf16.f32 v15;
	v60 =	vunpack.i.u.bf16.f32 v54;
	v17 =	vunpack.i.l.bf16.f32 v54  }
0xbb: {  	v14 =	vld [tilespmem:s10+$0xFFFFFFF0];
	v20 =	vunpack.i.l.bf16.f32 v57;
	v12 =	vmul.f32 v12, v9;
	v9 =	vmul.f32 v6, v9  }
0xbc: {  	v7 =	vld.idx.msk [tilespmem:v7+s25+$0x0], $0xffff;
	v62 =	vunpack.i.u.bf16.f32 v58;
	v21 =	vunpack.i.l.bf16.f32 v58;
	v63 =	vunpack.i.u.bf16.f32 v59  }
0xbd: {  	v22 =	vunpack.i.l.bf16.f32 v59;
	v6 =	vunpack.i.l.bf16.f32 v15;
	v9 =	vpack.i.f32.bf16 v9, v12;
	v12 =	vld.idx.msk [tilespmem:v53+s25+$0x0], $0xffff  }
0xbe: {  	v15 =	vunpack.i.u.bf16.f32 v10;
	v10 =	vunpack.i.l.bf16.f32 v10;
	v17 =	vmul.f32 v17, v8;
	v18 =	vld.idx.msk [tilespmem:v55+s25+$0x0], $0xffff  }
0xbf: {  	v10 =	vmul.f32 v10, v13;
	v13 =	vmul.f32 v15, v13;
	v15 =	vunpack.i.u.bf16.f32 v57;
	v19 =	vld.idx.msk [tilespmem:v56+s25+$0x0], $0xffff  }
0xc0: {  	v61 =	vunpack.i.u.bf16.f32 v14;
	v14 =	vunpack.i.l.bf16.f32 v14;
	[tilespmem:s10+$0x30] =	vst v9;
	v9 =	vmul.f32 v60, v8;
	v8 =	vld.idx.msk [tilespmem:v11+s25+$0x0], $0xffff  }
0xc1: {  	v10 =	vpack.i.f32.bf16 v13, v10;
	v11 =	vmul.f32 v14, v7;
	v7 =	vmul.f32 v61, v7  }
0xc2: {  	[tilespmem:s10+$0xFFFFFFD0] =	vst v10;
	v9 =	vpack.i.f32.bf16 v9, v17;
	v13 =	vmul.f32 v20, v12;
	v12 =	vmul.f32 v15, v12  }
0xc3: {  	v7 =	vpack.i.f32.bf16 v7, v11;
	[tilespmem:s10+$0xFFFFFFE0] =	vst v9;
	v9 =	vmul.f32 v21, v18;
	v10 =	vmul.f32 v62, v18  }
0xc4: {  	s11 =	simm.s32 $0x8;
	s12 =	simm.s32 $0x10;
	s13 =	simm.s32 $0xF;
	[tilespmem:s10+$0xFFFFFFF0] =	vst v7;
	v11 =	vmul.f32 v22, v19;
	v7 =	vpack.i.f32.bf16 v12, v13;
	v12 =	vmul.f32 v63, v19  }
.LBB2_7:
0xc5: {  	p0 =	slt.u32 s12, $0x318;
	v13 =	vmov s13;
	v6 =	vmul.f32 v6, v8;
	v5 =	vmul.f32 v5, v8;
	[tilespmem:s10+$0x0] =	vst v7  }
0xc6: {  	v8 =	vpack.i.f32.bf16 v10, v9;
	v7 =	vshrl.u32 v13, $0x3;
	v9 =	vpack.i.f32.bf16 v12, v11  }
0xc7: {  	v4 =	vbroadcast v4, $0x0;
	v7 =	vshll.u32 v7, v1;
	v5 =	vpack.i.f32.bf16 v5, v6;
	[tilespmem:s10+$0x10] =	vst v8  }
0xc8: {  	v6 =	vmov s11;
	v7 =	vadd.s32 $0x7, v7;
	[tilespmem:s10+$0x20] =	vst v9  }
0xc9: {  	s13 =	sadd.s32 $0x1, s12;
	s14 =	sadd.s32 $0x2, s12;
	s17 =	sadd.s32 $0x3, s12;
	v6 =	vshrl.u32 v6, $0x3;
	v7 =	vbroadcast v7, $0x0;
	[tilespmem:s10+$0xFFFFFFC0] =	vst v5  }
0xca: {  	v8 =	vmov s14;
	s14 =	sadd.s32 $0x5, s11;
	v9 =	vmov s17;
	v5 =	vmov s13;
	s13 =	sadd.s32 $0x4, s11;
	s11 =	sadd.s32 $0x6, s11  }
0xcb: {  	v11 =	vmov s14;
	v12 =	vmov s11;
	s11 =	smov.u32 s12;
	v10 =	vld.idx.msk [tilespmem:v3+s25+$0x0], $0xffff;
	v3 =	vmov s13  }
0xcc: {  	v8 =	vshrl.u32 v8, $0x3;
	v6 =	vshll.u32 v6, v1;
	v5 =	vshrl.u32 v5, $0x3;
	v13 =	vld.idx.msk [tilespmem:v2+s25+$0x0], $0xffff  }
0xcd: {  	s10 =	sadd.s32 $0x80, s10;
	v2 =	vshrl.u32 v9, $0x3;
	v3 =	vshrl.u32 v3, $0x3;
	v9 =	vld.idx.msk [tilespmem:v4+s25+$0x0], $0xffff;
	v4 =	vshrl.u32 v11, $0x3  }
0xce: {  	v5 =	vshll.u32 v5, v1;
	v11 =	vbroadcast v6, $0x0;
	v6 =	vshrl.u32 v12, $0x3;
	v12 =	vld [tilespmem:s10+$0x30]  }
0xcf: {  	v8 =	vshll.u32 v8, v1;
	v2 =	vshll.u32 v2, v1;
	v3 =	vshll.u32 v3, v1;
	v7 =	vld.idx.msk [tilespmem:v7+s25+$0x0], $0xffff  }
0xd0: {  	v3 =	vadd.s32 $0x4, v3;
	v4 =	vshll.u32 v4, v1;
	v6 =	vshll.u32 v6, v1;
	v14 =	vld [tilespmem:s10+$0xFFFFFFC0]  }
0xd1: {  	v5 =	vadd.s32 $0x1, v5;
	v16 =	vbroadcast v3, $0x0;
	v3 =	vadd.s32 $0x5, v4;
	v15 =	vld [tilespmem:s10+$0xFFFFFFD0]  }
0xd2: {  	v8 =	vadd.s32 $0x2, v8;
	v6 =	vadd.s32 $0x6, v6;
	v18 =	vbroadcast v3, $0x0;
	v17 =	vld [tilespmem:s10+$0xFFFFFFE0]  }
0xd3: {  	v4 =	vadd.s32 $0x3, v2;
	v3 =	vbroadcast v5, $0x0;
	v20 =	vbroadcast v6, $0x0;
	v19 =	vld [tilespmem:s10+$0xFFFFFFF0]  }
0xd4: {  	v2 =	vbroadcast v8, $0x0;
	v6 =	vunpack.i.u.bf16.f32 v12;
	v12 =	vunpack.i.l.bf16.f32 v12;
	v8 =	vld [tilespmem:s10+$0x0]  }
0xd5: {  	v12 =	vmul.f32 v12, v7;
	v7 =	vmul.f32 v6, v7;
	v5 =	vunpack.i.u.bf16.f32 v14;
	v21 =	vld [tilespmem:s10+$0x10]  }
0xd6: {  	v6 =	vunpack.i.l.bf16.f32 v14;
	v14 =	vunpack.i.u.bf16.f32 v15;
	v15 =	vunpack.i.l.bf16.f32 v15;
	v22 =	vld [tilespmem:s10+$0x20]  }
0xd7: {  	v7 =	vpack.i.f32.bf16 v7, v12;
	v23 =	vunpack.i.u.bf16.f32 v17;
	v17 =	vunpack.i.l.bf16.f32 v17;
	v16 =	vld.idx.msk [tilespmem:v16+s25+$0x0], $0xffff  }
0xd8: {  	v12 =	vmul.f32 v15, v10;
	v15 =	vunpack.i.u.bf16.f32 v19;
	v19 =	vunpack.i.l.bf16.f32 v19;
	v18 =	vld.idx.msk [tilespmem:v18+s25+$0x0], $0xffff;
	[tilespmem:s10+$0x30] =	vst v7  }
0xd9: {  	v7 =	vmul.f32 v14, v10;
	v10 =	vunpack.i.u.bf16.f32 v8;
	v14 =	vunpack.i.l.bf16.f32 v8;
	v20 =	vld.idx.msk [tilespmem:v20+s25+$0x0], $0xffff  }
0xda: {  	v8 =	vld.idx.msk [tilespmem:v11+s25+$0x0], $0xffff;
	v11 =	vmul.f32 v17, v13;
	v17 =	vunpack.i.u.bf16.f32 v21;
	v21 =	vunpack.i.l.bf16.f32 v21  }
.Ltmp2:
0xdb: {  	v13 =	vmul.f32 v23, v13;
	v23 =	vunpack.i.u.bf16.f32 v22;
	v22 =	vunpack.i.l.bf16.f32 v22;
	(pc) =	sbr.rel @p0 .LBB2_7-.Ltmp2, $4  }
0xdc: {  	v7 =	vpack.i.f32.bf16 v7, v12;
	v12 =	vmul.f32 v19, v9;
	v9 =	vmul.f32 v15, v9  }
0xdd: {  	[tilespmem:s10+$0xFFFFFFD0] =	vst v7;
	v7 =	vpack.i.f32.bf16 v13, v11;
	v11 =	vmul.f32 v14, v16;
	v13 =	vmul.f32 v10, v16  }
0xde: {  	v10 =	vmul.f32 v17, v18;
	[tilespmem:s10+$0xFFFFFFE0] =	vst v7;
	v7 =	vpack.i.f32.bf16 v9, v12;
	v9 =	vmul.f32 v21, v18  }
0xdf: {  	s12 =	sadd.s32 $0x8, s12;
	s13 =	sadd.s32 $0x7, s11;
	v12 =	vmul.f32 v23, v20;
	[tilespmem:s10+$0xFFFFFFF0] =	vst v7;
	v7 =	vpack.i.f32.bf16 v13, v11;
	v11 =	vmul.f32 v22, v20  }
0xe0: {  	_ =	sdelay $0x1  }
0xe1: {  	v13 =	vmov s13;
	v6 =	vmul.f32 v6, v8  }
0xe2: {  	v5 =	vmul.f32 v5, v8;
	v40 =	vpack.i.f32.bf16 v10, v9;
	v4 =	vbroadcast v4, $0x0  }
0xe3: {  	v3 =	vld.idx.msk [tilespmem:v3+s25+$0x0], $0xffff;
	v42 =	vmov s11;
	s17 =	sadd.s32 $0x4, s11;
	s12 =	sadd.s32 $0x80, s10;
	s14 =	sadd.s32 $0x5, s11;
	v13 =	vshrl.u32 v13, $0x3;
	v41 =	vpack.i.f32.bf16 v12, v11  }
0xe4: {  	v43 =	vshrl.u32 v42, $0x3;
	v44 =	vmov s17;
	s17 =	sadd.s32 $0x6, s11;
	v45 =	vld [tilespmem:s12+$0x30];
	v46 =	vmov s14  }
0xe5: {  	v15 =	vld [tilespmem:s12+$0xFFFFFFC0];
	v13 =	vshll.u32 v13, v1;
	v5 =	vpack.i.f32.bf16 v5, v6;
	v14 =	vmov s17  }
0xe6: {  	v16 =	vld [tilespmem:s12+$0xFFFFFFD0];
	v10 =	vshrl.u32 v44, $0x3;
	v6 =	vshll.u32 v43, v1;
	v12 =	vshrl.u32 v46, $0x3  }
0xe7: {  	v17 =	vld [tilespmem:s12+$0xFFFFFFE0];
	v13 =	vadd.s32 $0x7, v13;
	v10 =	vshll.u32 v10, v1;
	v14 =	vshrl.u32 v14, $0x3  }
0xe8: {  	v18 =	vld [tilespmem:s12+$0xFFFFFFF0];
	v12 =	vshll.u32 v12, v1;
	v13 =	vbroadcast v13, $0x0;
	v10 =	vadd.s32 $0x4, v10  }
0xe9: {  	v19 =	vld [tilespmem:s12+$0x0];
	v14 =	vshll.u32 v14, v1;
	v12 =	vadd.s32 $0x5, v12;
	v10 =	vbroadcast v10, $0x0  }
0xea: {  	v22 =	vld [tilespmem:s12+$0x10];
	v6 =	vbroadcast v6, $0x0;
	v12 =	vbroadcast v12, $0x0;
	v14 =	vadd.s32 $0x6, v14  }
0xeb: {  	v23 =	vld [tilespmem:s12+$0x20];
	v14 =	vbroadcast v14, $0x0;
	v20 =	vunpack.i.u.bf16.f32 v45;
	v11 =	vunpack.i.l.bf16.f32 v45  }
0xec: {  	v2 =	vld.idx.msk [tilespmem:v2+s25+$0x0], $0xffff;
	v21 =	vunpack.i.u.bf16.f32 v15;
	v15 =	vunpack.i.l.bf16.f32 v15;
	v47 =	vunpack.i.u.bf16.f32 v16  }
0xed: {  	v16 =	vunpack.i.l.bf16.f32 v16;
	v4 =	vld.idx.msk [tilespmem:v4+s25+$0x0], $0xffff;
	v48 =	vunpack.i.u.bf16.f32 v17;
	v17 =	vunpack.i.l.bf16.f32 v17  }
0xee: {  	[tilespmem:s10+$0x0] =	vst v7;
	v51 =	vunpack.i.u.bf16.f32 v18;
	v18 =	vunpack.i.l.bf16.f32 v18;
	v53 =	vunpack.i.u.bf16.f32 v19;
	v13 =	vld.idx.msk [tilespmem:v13+s25+$0x0], $0xffff  }
0xef: {  	[tilespmem:s10+$0x10] =	vst v40;
	v19 =	vunpack.i.l.bf16.f32 v19;
	v56 =	vunpack.i.u.bf16.f32 v22;
	v57 =	vunpack.i.l.bf16.f32 v22;
	v49 =	vld.idx.msk [tilespmem:v10+s25+$0x0], $0xffff  }
0xf0: {  	[tilespmem:s10+$0x20] =	vst v41;
	v59 =	vunpack.i.u.bf16.f32 v23;
	v50 =	vmul.f32 v16, v3;
	v3 =	vmul.f32 v47, v3;
	v52 =	vld.idx.msk [tilespmem:v12+s25+$0x0], $0xffff  }
0xf1: {  	[tilespmem:s10+$0xFFFFFFC0] =	vst v5;
	v60 =	vunpack.i.l.bf16.f32 v23;
	v55 =	vmul.f32 v17, v2;
	v2 =	vmul.f32 v48, v2;
	v54 =	vld.idx.msk [tilespmem:v14+s25+$0x0], $0xffff  }
0xf2: {  	v58 =	vld.idx.msk [tilespmem:v6+s25+$0x0], $0xffff;
	v3 =	vpack.i.f32.bf16 v3, v50;
	v61 =	vmul.f32 v18, v4;
	v4 =	vmul.f32 v51, v4  }
0xf3: {  	v2 =	vpack.i.f32.bf16 v2, v55;
	[tilespmem:s12+$0xFFFFFFD0] =	vst v3;
	v11 =	vmul.f32 v11, v13;
	v13 =	vmul.f32 v20, v13  }
0xf4: {  	[tilespmem:s12+$0xFFFFFFE0] =	vst v2;
	v2 =	vpack.i.f32.bf16 v4, v61;
	v3 =	vmul.f32 v19, v49;
	v7 =	vmul.f32 v53, v49  }
0xf5: {  	[tilespmem:s12+$0xFFFFFFF0] =	vst v2;
	v62 =	vmul.f32 v57, v52;
	v8 =	vmul.f32 v56, v52;
	v11 =	vpack.i.f32.bf16 v13, v11  }
0xf6: {  	v6 =	vmul.f32 v59, v54;
	[tilespmem:s12+$0x30] =	vst v11;
	v2 =	vpack.i.f32.bf16 v7, v3;
	v3 =	vmul.f32 v60, v54  }
0xf7: {  	v63 =	vmul.f32 v15, v58;
	v5 =	vmul.f32 v21, v58;
	[tilespmem:s12+$0x0] =	vst v2;
	v2 =	vpack.i.f32.bf16 v8, v62  }
0xf8: {  	v3 =	vpack.i.f32.bf16 v6, v3;
	[tilespmem:s12+$0x10] =	vst v2  }
0xf9: {  	v2 =	vpack.i.f32.bf16 v5, v63;
	[tilespmem:s12+$0x20] =	vst v3  }
0xfa: {  	[tilespmem:s12+$0xFFFFFFC0] =	vst v2  }
0xfb: {  	_ =	swait.ge [sflag:s28], $0x320  }
0xfc: {  	[sflag:s28] =	ssyncset.done $0x0  }
0xfd: {  	s9 =	sadd.s32 $0x1, s9;
	[sflag:s28] =	ssyncadd.s32 $0xFFFFFCE0  }
0xfe: {  	[spmem:s2] =	stream.indirect.scatter.add.bf16 [tilespmem:s29], [sflag:$0x6], $0x10, s24, s21, $0xb8;
	[tilespmem:$0x1FDC0] =	vst v63  }
0xff: {  	p0 =	sne.s32 s9, $0x7D;
	_ =	swait.ge [sflag:s0], $0x3200  }
.Ltmp3:
0x100: {  	[sflag:s0] =	ssyncset.done $0x0;
	(pc) =	sbr.rel @p0 .LBB2_4-.Ltmp3, $4  }
0x101: {  	[sflag:s0] =	ssyncadd.s32 $0xFFFFCE00  }
0x102: {  	_ =	swait.ge [sflag:s4], $0x3200  }
0x103: {  	[sflag:s4] =	ssyncset.done $0x0  }
0x104: {  	[sflag:s4] =	ssyncadd.s32 $0xFFFFCE00  }
0x105: {  	s8 =	stileid.u32;
	[bflag:$0x0] =	sbarrier.arrive $0xFFFF;
	s3 =	sadd.s32 $0x1, s3  }
0x106: {  	s9 =	sshrl.u32 s7, $0x3;
	s8 =	sshll.u32 s8, $0x6;
	p0 =	sne.s32 s3, s18  }
.Ltmp4:
0x107: {  	s10 =	rddreg [dreg:$0xb];
	s8 =	sor.u32 $0x1C07, s8;
	(pc) =	sbr.rel @p0 .LBB2_1-.Ltmp4, $4  }
0x108: {  	[hbm:s10], [sflag:s8] =	dma.local [spmem:s9], $0x30E0  }
0x109: {  	_ =	swait.ge [sflag:s20], $0x30E0  }
0x10a: {  	[sflag:s20] =	ssyncset.done $0x0  }
0x10b: {  	[sflag:s20] =	ssyncadd.s32 $0xFFFFCF20  }
0x10c: {  	_ =	sfence.sel $0x180000  }
0x10d: {  	[bflag:$0x0] =	sbarrier.arrive $0xFFFF  }
0x10e: {  	_ =	strace $0x9000004A  }
0x10f: {  	s0 =	stileid.u32;
	[bflag:$0x2] =	sbarrier.arrive $0xFFFF  }
0x110: {  	p0 =	sne.s32 s0, $0x0;
	s0 =	rddreg [dreg:$0x3]  }
0x111: {  	s0 =	sadd.s32 @!p0 $0x100000, s0  }
0x112: {  	[sflag:s0] =	ssyncadd.tile.s32 @!p0 $0x1;
	_ =	shalt  }
.Lfunc_end2:
_tile_overlayer_lowered:
.L_overlay_start_2:
0x113: {  	(tag) =	ssettag $0x2  }
0x114: {  	s0 =	rddreg [dreg:$0x0];
	s2 =	stileid.u32  }
0x115: {  	s1 =	rddreg [dreg:$0x1];
	p0 =	sne.s32 s2, $0x0  }
0x116: {  	s3 =	rddreg [dreg:$0x2];
	[bflag:$0x3] =	sbarrier.arrive $0xFFFF;
	s2 =	simm.s32 @!p0 $0x1C07  }
0x117: {  	[timem:s3], [sflag:s2] =	dma.local @!p0 [hbm:s0], s1  }
0x118: {  	s0 =	simm.s32 @!p0 $0x7  }
0x119: {  	_ =	swait.ge @!p0 [sflag:s0], s1  }
0x11a: {  	s1 =	ssub.s32 @!p0 $0x0, s1;
	[sflag:s0] =	ssyncset.done @!p0 $0x0  }
0x11b: {  	[sflag:s0] =	ssyncadd.s32 @!p0 s1  }
0x11c: {  	[bflag:$0x3] =	sbarrier.arrive $0xFFFF  }
0x11d: {  	_ =	shalt  }

// kernel: kernel.18.cloned.1.call-start
scs
__scs_entry_jumppad:
0x0: {  	(pc) =	sbr.rel $0x88, $3  }
0x1: {  	(tag) =	ssettag $0x0;
	lr =	simm.s32 $0x1  }
0x2: {  	[smem:$0x3F8F] =	sst lr;
	_ =	strace $0xD0000000  }
0x3: {  	_ = 	snop  }
0x4: {  	_ = 	snop  }
0x5: {  	_ = 	snop  }
0x6: {  	_ = 	snop  }
0x7: {  	_ = 	snop  }
__scs_overlays_trampoline_lowered:
0x8: {  	[smem:$0x3F9E] =	sst s0  }
0x9: {  	[smem:$0x3F9F] =	sst s1  }
0xa: {  	[smem:$0x3FA0] =	sst s2  }
0xb: {  	[smem:$0x3FA1] =	sst s3  }
0xc: {  	[smem:$0x3FA2] =	sst s4  }
0xd: {  	[smem:$0x3FA3] =	sst s5  }
0xe: {  	[smem:$0x3FA4] =	sst s6  }
0xf: {  	[smem:$0x3FA5] =	sst s7  }
0x10: {  	[smem:$0x3FA6] =	sst s8  }
0x11: {  	[smem:$0x3FA7] =	sst s9;
	s0 =	simm.s32 @!p0 $0x0  }
0x12: {  	s1 =	sld [smem:$0x3F8D];
	s0 =	simm.s32 @p0 $0x1  }
0x13: {  	[smem:$0x3FA8] =	sst s0;
	s0 =	simm.s32 @!p1 $0x0  }
0x14: {  	s2 =	sld [smem:$0x3F8C];
	s0 =	simm.s32 @p1 $0x1  }
0x15: {  	[smem:$0x3FA9] =	sst s0;
	s0 =	simm.s32 @!p2 $0x0  }
0x16: {  	s3 =	sld [smem:$0x3FDB];
	s0 =	simm.s32 @p2 $0x1  }
0x17: {  	s4 =	simm.s32 $0x1BF5;
	[smem:$0x3FAB] =	sst s0  }
0x18: {  	s0 =	sld [smem:$0x3F8E];
	_ =	swait.ge [sflag:s4], $0x0  }
0x19: {  	s7 =	sld [smem:$0x3F8F]  }
0x1a: {  	s8 =	sadd.s32 $0xFFFFE003, lr  }
0x1b: {  	s9 =	sadd.s32 $0xFFFFFEF7, lr;
	s5 =	simm.s32 $0xFFFFFFFF;
	p2 =	slt.u32 s8, $0xFFFFF086  }
0x1c: {  	p1 =	slt.u32 s9, $0xF7A;
	s5 =	simm.s32 @!p2 $0x0  }
0x1d: {  	s5 =	simm.s32 @p1 $0x1;
	p0 =	seq.s32 s7, s2  }
0x1e: {  	s7 =	smul.u32 @!p0 $0xF7A, s2;
	p2 =	seq.s32 @!p0 s5, $0x0  }
0x1f: {  	s9 =	smul.u32 $0xF7A, s1;
	s8 =	simm.s32 @!p0 $0x1BF5;
	p2 =	por !p2, p0  }
0x20: {  	[sflag:s8] =	ssyncset.s32 @!p0 $0xFFFFF086;
	s6 =	sadd.s32 @!p0 s3, s7;
	s7 =	simm.s32 @!p0 $0x108  }
0x21: {  	s3 =	sadd.s32 s3, s9;
	s6 =	sadd.s32 @!p0 $0x88, s6;
	s7 =	simm.s32 @p2 $0x1082  }
0x22: {  	[simem:s7], [sflag:s8] =	dma.local @!p0 [hbm:s6], $0xF7A  }
0x23: {  	s9 =	sor.u32 $0xD0000000, s2;
	s6 =	simm.s32 $0x108;
	_ =	swait.ge @!p0 [sflag:s8], $0x0  }
0x24: {  	s3 =	sadd.s32 $0x88, s3;
	s6 =	simm.s32 @!p1 $0x1082;
	[sflag:s4] =	ssyncset.s32 $0xFFFFF086  }
0x25: {  	[simem:s6], [sflag:s4] =	dma.local [hbm:s3], $0xF7A  }
0x26: {  	[smem:$0x3F8F] =	sst s1;
	(tag) =	ssettag s2;
	_ =	strace s9  }
0x27: {  	s1 =	sld [smem:$0x3F9F]  }
0x28: {  	s2 =	sld [smem:$0x3FA0]  }
0x29: {  	s4 =	sld [smem:$0x3FA2]  }
0x2a: {  	p0 =	seq.s32 s5, $0x0;
	s5 =	sld [smem:$0x3FA3]  }
0x2b: {  	s6 =	sld [smem:$0x3FA4]  }
0x2c: {  	s7 =	sld [smem:$0x3FA5]  }
0x2d: {  	s3 =	simm.s32 $0x108;
	s8 =	sld [smem:$0x3FA6]  }
0x2e: {  	s3 =	simm.s32 @!p0 $0x1082;
	s9 =	sld [smem:$0x3FA7]  }
0x2f: {  	lr =	sadd.s32 s0, s3;
	s0 =	sld [smem:$0x3F9E]  }
0x30: {  	s3 =	sld [smem:$0x3FA1]  }
0x31: {  	[smem:$0x3FAA] =	sst s10  }
0x32: {  	s10 =	sld [smem:$0x3FA8];
	_ =	sdelay $0x3  }
0x33: {  	p0 =	seq.s32 s10, $0x1;
	s10 =	sld [smem:$0x3FAA];
	_ =	sdelay $0x3  }
0x34: {  	[smem:$0x3FAA] =	sst s10  }
0x35: {  	s10 =	sld [smem:$0x3FA9];
	_ =	sdelay $0x3  }
0x36: {  	p1 =	seq.s32 s10, $0x1;
	s10 =	sld [smem:$0x3FAA];
	_ =	sdelay $0x3  }
0x37: {  	[smem:$0x3FAA] =	sst s10  }
0x38: {  	s10 =	sld [smem:$0x3FAB]  }
0x39: {  	_ = 	snop;
	(pc) =	sbr.ind lr, $3  }
0x3a: {  	_ = 	snop  }
0x3b: {  	_ = 	snop  }
0x3c: {  	p2 =	seq.s32 s10, $0x1;
	s10 =	sld [smem:$0x3FAA]  }
0x3d: {  	_ =	shalt  }
0x3e: {  	_ =	shalt  }
0x3f: {  	_ =	shalt  }
0x40: {  	_ =	shalt  }
0x41: {  	_ =	shalt  }
0x42: {  	_ =	shalt  }
0x43: {  	_ =	shalt  }
0x44: {  	_ =	shalt  }
0x45: {  	_ =	shalt  }
0x46: {  	_ =	shalt  }
0x47: {  	_ =	shalt  }
0x48: {  	_ =	shalt  }
0x49: {  	_ =	shalt  }
0x4a: {  	_ =	shalt  }
0x4b: {  	_ =	shalt  }
0x4c: {  	_ =	shalt  }
0x4d: {  	_ =	shalt  }
0x4e: {  	_ =	shalt  }
0x4f: {  	_ =	shalt  }
0x50: {  	_ =	shalt  }
0x51: {  	_ =	shalt  }
0x52: {  	_ =	shalt  }
0x53: {  	_ =	shalt  }
0x54: {  	_ =	shalt  }
0x55: {  	_ =	shalt  }
0x56: {  	_ =	shalt  }
0x57: {  	_ =	shalt  }
0x58: {  	_ =	shalt  }
0x59: {  	_ =	shalt  }
0x5a: {  	_ =	shalt  }
0x5b: {  	_ =	shalt  }
0x5c: {  	_ =	shalt  }
0x5d: {  	_ =	shalt  }
0x5e: {  	_ =	shalt  }
0x5f: {  	_ =	shalt  }
0x60: {  	_ =	shalt  }
0x61: {  	_ =	shalt  }
0x62: {  	_ =	shalt  }
0x63: {  	_ =	shalt  }
0x64: {  	_ =	shalt  }
0x65: {  	_ =	shalt  }
0x66: {  	_ =	shalt  }
0x67: {  	_ =	shalt  }
0x68: {  	_ =	shalt  }
0x69: {  	_ =	shalt  }
0x6a: {  	_ =	shalt  }
0x6b: {  	_ =	shalt  }
0x6c: {  	_ =	shalt  }
0x6d: {  	_ =	shalt  }
0x6e: {  	_ =	shalt  }
0x6f: {  	_ =	shalt  }
0x70: {  	_ =	shalt  }
0x71: {  	_ =	shalt  }
0x72: {  	_ =	shalt  }
0x73: {  	_ =	shalt  }
0x74: {  	_ =	shalt  }
0x75: {  	_ =	shalt  }
0x76: {  	_ =	shalt  }
0x77: {  	_ =	shalt  }
0x78: {  	_ =	shalt  }
0x79: {  	_ =	shalt  }
0x7a: {  	_ =	shalt  }
0x7b: {  	_ =	shalt  }
0x7c: {  	_ =	shalt  }
0x7d: {  	_ =	shalt  }
0x7e: {  	_ =	shalt  }
0x7f: {  	_ =	shalt  }
0x80: {  	_ =	shalt  }
0x81: {  	_ =	shalt  }
0x82: {  	_ =	shalt  }
0x83: {  	_ =	shalt  }
0x84: {  	_ =	shalt  }
0x85: {  	_ =	shalt  }
0x86: {  	_ =	shalt  }
0x87: {  	_ =	shalt  }
.Lfunc_end0:
.L_simem_size_0:
called_computation.2_lowered:
.L_overlay_start_0:
0x88: {  	s2 =	sld [smem:$0x3FD9]  }
0x89: {  	s3 =	sld [smem:$0x3FFE];
	_ =	sdelay $0x1  }
0x8a: {  	s1 =	srdreg.scid  }
0x8b: {  	s0 =	sand.u32 $0x1, s1  }
0x8c: {  	s17 =	sshll.u32 s0, $0xA;
	s2 =	sadd.s32 s3, s2  }
0x8d: {  	s2 =	sadd.s32 s2, s17  }
0x8e: {  	[smem:$0x3FB6] =	sst s2  }
0x8f: {  	_ = 	snop  }
0x90: {  	s2 =	sld [smem:$0x3FC7];
	(tm) =	ssettm $0x1  }
0x91: {  	s18 =	sld [smem:$0x3FFB];
	_ =	sdelay $0x3  }
0x92: {  	_ =	strace s18  }
0x93: {  	s3 =	sld [smem:$0x3FFC];
	_ =	sdelay $0x3  }
0x94: {  	_ =	strace s3  }
0x95: {  	s3 =	sld [smem:$0x3FFD];
	_ =	sdelay $0x3  }
0x96: {  	_ =	strace s3  }
0x97: {  	_ =	strace $0x8FFFFFFF  }
0x98: {  	s19 =	sld [smem:$0x3FDB];
	_ =	sdelay $0x1  }
0x99: {  	s4 =	simm.s32 $_scs_section_size  }
0x9a: {  	s5 =	simm.s32 $_size__tile_overlayer_lowered;
	s6 =	simm.s32 $_tile_overlayer_lowered  }
0x9b: {  	s22 =	simm.s32 $0x1BFF;
	s21 =	sshll.u32 s6, $0x1;
	s3 =	sadd.s32 s4, s19  }
0x9c: {  	s7 =	simm.s32 $0x0;
	s20 =	sshll.u32 s5, $0x1;
	s5 =	sadd.s32 s21, s3  }
0x9d: {  	[timem:s7], [sflag:s22] =	dma.local [hbm:s5], s20  }
0x9e: {  	_ =	swait.ge [sflag:s22], s20  }
0x9f: {  	s4 =	ssub.s32 $0x0, s20;
	[sflag:s22] =	ssyncset.done $0x0  }
0xa0: {  	[sflag:s22] =	ssyncadd.s32 s4;
	_ =	sdelay $0x1  }
0xa1: {  	s23 =	simm.s32 $0x1B8B  }
0xa2: {  	_ =	swait.ge [sflag:s23], $0x1  }
0xa3: {  	[sflag:s23] =	ssyncset.done $0x0  }
0xa4: {  	s25 =	simm.s32 $0x1B8E;
	s24 =	sld [smem:$0x3FFE];
	[sflag:s23] =	ssyncadd.s32 $0xFFFFFFFF  }
0xa5: {  	s26 =	simm.s32 $execute0_lowered;
	[smem:$0x3FD2] =	sst s25  }
0xa6: {  	s5 =	sshll.u32 s26, $0x1;
	_ =	strace $0x8000004C;
	[dreg:$0x1] =	wrdreg $0xFFFFFFFF  }
0xa7: {  	s28 =	simm.s32 $_size_execute0_lowered;
	s3 =	sadd.s32 s3, s5;
	[dreg:$0x0] =	wrdreg $0x0  }
0xa8: {  	s5 =	sshll.u32 s28, $0x1;
	[dreg:$0x2] =	wrdreg s3  }
0xa9: {  	[dreg:$0x3] =	wrdreg s5  }
0xaa: {  	[dreg:$0x4] =	wrdreg $0xC0  }
0xab: {  	_ =	task [dreg:s7], $0x5FFFF  }
0xac: {  	[dreg:$0x1] =	wrdreg $0xFFFFFFFF  }
0xad: {  	[dreg:$0x0] =	wrdreg $0x60  }
0xae: {  	[dreg:$0x2] =	wrdreg s24  }
0xaf: {  	[dreg:$0x3] =	wrdreg s2  }
0xb0: {  	[dreg:$0x4] =	wrdreg $0x76C00  }
0xb1: {  	[dreg:$0x5] =	wrdreg $0x9  }
0xb2: {  	_ =	task.clear_ibuf [dreg:s7], $0x6FFFF;
	_ =	strace $0x9000004C  }
0xb3: {  	s29 =	simm.s32 $0x9;
	_ =	strace $0x8000004E  }
0xb4: {  	_ =	swait.ge [sflag:s29], $0x1  }
0xb5: {  	[sflag:s29] =	ssyncadd.s32 $0xFFFFFFFF  }
0xb6: {  	_ =	strace $0x9000004E  }
0xb7: {  	_ =	sfence  }
0xb8: {  	s30 =	sld [smem:$0x0];
	_ =	sdelay $0x2  }
0xb9: {  	s31 =	sshll.u32 s1, $0xD;
	s1 =	sshrl.u32 s1, $0x2  }
0xba: {  	s3 =	sand.u32 $0x4000, s31;
	s1 =	sadd.s32 s1, s30  }
0xbb: {  	s0 =	sor.u32 s3, s0;
	s1 =	sshll.u32 s1, $0x11  }
0xbc: {  	s0 =	sor.u32 s1, s0  }
0xbd: {  	s0 =	sadd.s32 $0x8F2B, s0  }
0xbe: {  	[sflag:s0] =	ssyncadd.remote.s32 $0x1  }
0xbf: {  	_ =	sfence.sel $0xFFFF  }
0xc0: {  	[dreg:$0x0] =	wrdreg $0xFFFFFFFF;
	(pc) =	sbr.abs _section_cstart, $3  }
0xc1: {  	[dreg:$0x1] =	wrdreg $0xFFFFFFFF  }
0xc2: {  	_ =	task.clear_ibuf [dreg:s7], $0x2FFFF;
	_ =	strace $0x9FFFFFFF  }
0xc3: {  	(tm) =	ssettm $0x7FFFFFFF  }
tec
execute0_lowered:
.L_overlay_start_1:
0x0: {  	(tag) =	ssettag $0x1  }
0x1: {  	s0 =	rddreg [dreg:$0x0]  }
0x2: {  	s1 =	rddreg [dreg:$0x1]  }
0x3: {  	s2 =	rddreg [dreg:$0x2];
	s3 =	simm.s32 $0x0  }
0x4: {  	s4 =	srdreg.scid;
	s12 =	stileid.u32;
	s19 =	simm.s32 $0x960  }
0x5: {  	s20 =	simm.s32 $0x7;
	s28 =	simm.s32 $0x4;
	s8 =	smul.u32 $0x61C00, s12  }
0x6: {  	s29 =	simm.s32 $0x44C0;
	s4 =	sand.u32 $0x1, s4;
	s10 =	smul.u32 $0x30E0, s12  }
0x7: {  	s30 =	simm.s32 $0x2;
	s31 =	simm.s32 $0x5;
	s7 =	smul.u32 $0x30E00, s4  }
0x8: {  	[smem:$0x7FF] =	sst s3;
	s5 =	sadd.s32 $0x65400, s0;
	s8 =	sshrl.u32 s8, $0x2  }
0x9: {  	s9 =	sadd.s32 s7, s0;
	s10 =	sadd.s32 s10, s7;
	s7 =	sadd.s32 s8, s2  }
0xa: {  	s6 =	sadd.s32 $0x3800, s0;
	s15 =	smul.u32 $0x30D40, s12;
	s8 =	sadd.s32 $0x3200, s7  }
0xb: {  	_ =	strace $0x8000004D;
	s21 =	sadd.s32 $0x6400, s7;
	[dreg:$0x4] =	wrdreg s8  }
0xc: {  	s4 =	ssub.s32 $0x2, s4;
	s22 =	sadd.s32 $0x9600, s7;
	[dreg:$0x5] =	wrdreg s21  }
0xd: {  	s11 =	sshrl.u32 s4, $0x1;
	s23 =	sadd.s32 $0xC800, s7;
	[dreg:$0x6] =	wrdreg s22  }
0xe: {  	s4 =	ssub.s32 s4, s11;
	s24 =	sadd.s32 $0xFA00, s7;
	[dreg:$0x7] =	wrdreg s23  }
0xf: {  	s0 =	sadd.s32 s10, s0;
	s25 =	sadd.s32 $0x12C00, s7;
	[dreg:$0x8] =	wrdreg s24  }
0x10: {  	s26 =	sadd.s32 $0x15E00, s7;
	s16 =	sadd.s32 $0xC7000, s9;
	[dreg:$0x9] =	wrdreg s25  }
0x11: {  	s18 =	smax.u32 s4, $0x1;
	s4 =	simm.s32 $0x6;
	[dreg:$0xa] =	wrdreg s26  }
0x12: {  	s0 =	sadd.s32 $0x128C00, s0;
	s21 =	simm.s32 $0x320;
	s22 =	simm.s32 $0x640  }
0x13: {  	v1 =	vimm.s32 $0x0;
	vm0 =	vcmask $0x300;
	s23 =	simm.s32 $0x3B60;
	s24 =	simm.s32 $0x3E80;
	s25 =	simm.s32 $0x41A0  }
0x14: {  	v0 =	vimm.bf16 $0.0e+00;
	v1 =	vsel vm0, $0x3, v1;
	s26 =	simm.s32 $0x1;
	[dreg:$0xb] =	wrdreg s0;
	s0 =	simm.s32 $0x3  }
.LBB2_1:
0x15: {  	s8 =	simm.s32 $0x40;
	s9 =	simm.s32 $0x0  }
.LBB2_2:
0x16: {  	p0 =	sne.s32 s8, $0xC7C0;
	[tilespmem:s9+$0x960] =	vst v0;
	s9 =	smov.u32 s8;
	s8 =	sadd.s32 $0x40, s8  }
.Ltmp0:
0x17: {  	(pc) =	sbr.rel @p0 .LBB2_2-.Ltmp0, $2  }
0x18: {  	_ =	sdelay $0x2  }
0x19: {  	s9 =	sshra.s32 s9, $0x2  }
0x1a: {  	[tilespmem:s9+$0x960] =	vst v0  }
0x1b: {  	[spmem:s7] =	stream.linear.scatter [tilespmem:s19], [sflag:$0x7], $0x3200, $0x38;
	[tilespmem:$0x1FDC0] =	vst v63  }
0x1c: {  	_ =	swait.ge [sflag:s20], $0x3200  }
0x1d: {  	[sflag:s20] =	ssyncset.done $0x0  }
0x1e: {  	s8 =	rddreg [dreg:$0x4];
	[sflag:s20] =	ssyncadd.s32 $0xFFFFCE00  }
0x1f: {  	[spmem:s8] =	stream.linear.scatter [tilespmem:s19], [sflag:$0x7], $0x3200, $0x38;
	[tilespmem:$0x1FDC0] =	vst v63  }
0x20: {  	_ =	swait.ge [sflag:s20], $0x3200  }
0x21: {  	[sflag:s20] =	ssyncset.done $0x0  }
0x22: {  	s10 =	rddreg [dreg:$0x5];
	[sflag:s20] =	ssyncadd.s32 $0xFFFFCE00  }
0x23: {  	[spmem:s10] =	stream.linear.scatter [tilespmem:s19], [sflag:$0x7], $0x3200, $0x38;
	[tilespmem:$0x1FDC0] =	vst v63  }
0x24: {  	_ =	swait.ge [sflag:s20], $0x3200  }
0x25: {  	[sflag:s20] =	ssyncset.done $0x0  }
0x26: {  	s11 =	rddreg [dreg:$0x6];
	[sflag:s20] =	ssyncadd.s32 $0xFFFFCE00  }
0x27: {  	[spmem:s11] =	stream.linear.scatter [tilespmem:s19], [sflag:$0x7], $0x3200, $0x38;
	[tilespmem:$0x1FDC0] =	vst v63  }
0x28: {  	_ =	swait.ge [sflag:s20], $0x3200  }
0x29: {  	[sflag:s20] =	ssyncset.done $0x0  }
0x2a: {  	s12 =	rddreg [dreg:$0x7];
	[sflag:s20] =	ssyncadd.s32 $0xFFFFCE00  }
0x2b: {  	[spmem:s12] =	stream.linear.scatter [tilespmem:s19], [sflag:$0x7], $0x3200, $0x38;
	[tilespmem:$0x1FDC0] =	vst v63  }
0x2c: {  	_ =	swait.ge [sflag:s20], $0x3200  }
0x2d: {  	[sflag:s20] =	ssyncset.done $0x0  }
0x2e: {  	s13 =	rddreg [dreg:$0x8];
	[sflag:s20] =	ssyncadd.s32 $0xFFFFCE00  }
0x2f: {  	[spmem:s13] =	stream.linear.scatter [tilespmem:s19], [sflag:$0x7], $0x3200, $0x38;
	[tilespmem:$0x1FDC0] =	vst v63  }
0x30: {  	_ =	swait.ge [sflag:s20], $0x3200  }
0x31: {  	[sflag:s20] =	ssyncset.done $0x0  }
0x32: {  	s14 =	rddreg [dreg:$0x9];
	[sflag:s20] =	ssyncadd.s32 $0xFFFFCE00  }
0x33: {  	[spmem:s14] =	stream.linear.scatter [tilespmem:s19], [sflag:$0x7], $0x3200, $0x38;
	[tilespmem:$0x1FDC0] =	vst v63  }
0x34: {  	_ =	swait.ge [sflag:s20], $0x3200  }
0x35: {  	[sflag:s20] =	ssyncset.done $0x0  }
0x36: {  	s17 =	rddreg [dreg:$0xa];
	[sflag:s20] =	ssyncadd.s32 $0xFFFFCE00  }
0x37: {  	[spmem:s17] =	stream.linear.scatter [tilespmem:s19], [sflag:$0x7], $0x2900, $0x38;
	[tilespmem:$0x1FDC0] =	vst v63  }
0x38: {  	_ =	swait.ge [sflag:s20], $0x2900  }
0x39: {  	[sflag:s20] =	ssyncset.done $0x0  }
0x3a: {  	[sflag:s20] =	ssyncadd.s32 $0xFFFFD700  }
0x3b: {  	s9 =	simm.s32 $0x0;
	s8 =	simm.s32 $0x0;
	[bflag:$0x0] =	sbarrier.arrive $0xFFFF  }
.LBB2_4:
0x3c: {  	s10 =	smul.u32 $0x640, s9;
	_ =	sdelay $0x1  }
0x3d: {  	s10 =	sadd.s32 s15, s10  }
0x3e: {  	s10 =	sshrl.u32 s10, $0x3  }
0x3f: {  	s11 =	sadd.s32 s5, s10  }
0x40: {  	[tilespmem:s8], [sflag:$0x1] =	stream.linear.gather [hbm4b:s11+s8], $0x320, $0x38;
	[tilespmem:$0x1FDC0] =	vst v63  }
0x41: {  	s14 =	sadd.s32 s6, s10  }
0x42: {  	[tilespmem:s21], [sflag:$0x1] =	stream.linear.gather [hbm4b:s14+s8], $0x320, $0x38;
	[tilespmem:$0x1FDC0] =	vst v63  }
0x43: {  	s17 =	sadd.s32 s1, s10;
	s10 =	sadd.s32 $0x64, s10  }
0x44: {  	[tilespmem:s22], [sflag:$0x1] =	stream.linear.gather [hbm4b:s17+s8], $0x320, $0x38;
	[tilespmem:$0x1FDC0] =	vst v63  }
0x45: {  	s12 =	sadd.s32 s5, s10  }
0x46: {  	[tilespmem:s23], [sflag:$0x4] =	stream.linear.gather [hbm4b:s12+s8], $0x320, $0x38;
	[tilespmem:$0x1FDC0] =	vst v63  }
0x47: {  	s13 =	sadd.s32 s6, s10  }
0x48: {  	[tilespmem:s24], [sflag:$0x4] =	stream.linear.gather [hbm4b:s13+s8], $0x320, $0x38;
	[tilespmem:$0x1FDC0] =	vst v63  }
0x49: {  	s10 =	sadd.s32 s1, s10  }
0x4a: {  	[tilespmem:s25], [sflag:$0x4] =	stream.linear.gather [hbm4b:s10+s8], $0x320, $0x38;
	[tilespmem:$0x1FDC0] =	vst v63  }
0x4b: {  	_ =	swait.ge [sflag:s26], $0x320  }
0x4c: {  	[sflag:s26] =	ssyncset.done $0x0  }
0x4d: {  	s14 =	simm.s32 $0x1;
	[sflag:s26] =	ssyncadd.s32 $0xFFFFFCE0  }
0x4e: {  	[tilespmem:s19], [sflag:$0x2] =	stream.indirect.gather [hbm4b:s16+s21], $0x10, s8, s21, $0xb8;
	[tilespmem:$0x1FDC0] =	vst v63  }
0x4f: {  	v2 =	vmov s14;
	s17 =	simm.s32 $0x2;
	_ =	swait.ge [sflag:s28], $0x320  }
0x50: {  	v2 =	vshrl.u32 v2, $0x3;
	v3 =	vmov s17;
	[sflag:s28] =	ssyncset.done $0x0  }
0x51: {  	v6 =	vmov s8;
	s14 =	simm.s32 $0xA;
	v2 =	vshll.u32 v2, v1;
	s12 =	simm.s32 $0x3;
	v3 =	vshrl.u32 v3, $0x3;
	[sflag:s28] =	ssyncadd.s32 $0xFFFFFCE0  }
0x52: {  	v8 =	vmov s14;
	v2 =	vadd.s32 $0x1, v2;
	v3 =	vshll.u32 v3, v1;
	[tilespmem:s29], [sflag:$0x5] =	stream.indirect.gather [hbm4b:s16+s21], $0x10, s23, s21, $0xb8;
	[tilespmem:$0x1FDC0] =	vst v63  }
0x53: {  	v4 =	vmov s12;
	s12 =	simm.s32 $0x7;
	v2 =	vbroadcast v2, $0x0;
	v3 =	vadd.s32 $0x2, v3;
	_ =	swait.ge [sflag:s26], $0x320  }
0x54: {  	s14 =	simm.s32 $0x5;
	v4 =	vshrl.u32 v4, $0x3;
	v5 =	vmov s12;
	v3 =	vbroadcast v3, $0x0;
	[sflag:s26] =	ssyncset.done $0x0  }
0x55: {  	s17 =	simm.s32 $0xB;
	v11 =	vmov s14;
	v5 =	vshrl.u32 v5, $0x3;
	v4 =	vshll.u32 v4, v1;
	[sflag:s26] =	ssyncadd.s32 $0xFFFFFCE0  }
0x56: {  	v9 =	vmov s17;
	s17 =	simm.s32 $0x6;
	v5 =	vshll.u32 v5, v1;
	v4 =	vadd.s32 $0x3, v4;
	_ =	swait.ge [sflag:s30], $0x3200  }
0x57: {  	v12 =	vmov s17;
	s13 =	simm.s32 $0x9;
	v5 =	vadd.s32 $0x7, v5;
	v7 =	vbroadcast v4, $0x0;
	[sflag:s30] =	ssyncset.done $0x0  }
0x58: {  	v4 =	vshrl.u32 v6, $0x3;
	v6 =	vmov s13;
	s13 =	simm.s32 $0x4;
	v5 =	vbroadcast v5, $0x0;
	[sflag:s30] =	ssyncadd.s32 $0xFFFFCE00  }
0x59: {  	v10 =	vmov s13;
	v4 =	vshll.u32 v4, v1;
	v13 =	vld.idx.msk [tilespmem:v2+s22+$0x0], $0xffff;
	v2 =	vshrl.u32 v6, $0x3  }
0x5a: {  	s10 =	simm.s32 $0x9A0;
	v6 =	vshrl.u32 v8, $0x3;
	v8 =	vld.idx.msk [tilespmem:v3+s22+$0x0], $0xffff;
	v3 =	vshrl.u32 v9, $0x3;
	v9 =	vshrl.u32 v10, $0x3  }
0x5b: {  	v10 =	vshrl.u32 v11, $0x3;
	v11 =	vbroadcast v4, $0x0;
	v4 =	vshrl.u32 v12, $0x3;
	v12 =	vld [tilespmem:s10+$0x30]  }
0x5c: {  	v15 =	vld [tilespmem:s10+$0xFFFFFFC0];
	v2 =	vshll.u32 v2, v1  }
0x5d: {  	v17 =	vld [tilespmem:s10+$0xFFFFFFE0];
	v6 =	vshll.u32 v6, v1;
	v14 =	vshll.u32 v3, v1;
	v3 =	vshll.u32 v9, v1  }
0x5e: {  	v9 =	vld.idx.msk [tilespmem:v5+s22+$0x0], $0xffff;
	v5 =	vshll.u32 v10, v1;
	v4 =	vshll.u32 v4, v1;
	v3 =	vadd.s32 $0x4, v3  }
0x5f: {  	v21 =	vld [tilespmem:s10+$0x10];
	v2 =	vadd.s32 $0x1, v2;
	v16 =	vbroadcast v3, $0x0;
	v3 =	vadd.s32 $0x5, v5  }
0x60: {  	v22 =	vld [tilespmem:s10+$0x20];
	v5 =	vadd.s32 $0x2, v6;
	v6 =	vadd.s32 $0x6, v4;
	v18 =	vbroadcast v3, $0x0  }
0x61: {  	v10 =	vld [tilespmem:s10+$0xFFFFFFD0];
	v4 =	vadd.s32 $0x3, v14;
	v3 =	vbroadcast v2, $0x0;
	v19 =	vbroadcast v6, $0x0  }
0x62: {  	v2 =	vbroadcast v5, $0x0;
	v6 =	vunpack.i.u.bf16.f32 v12;
	v12 =	vunpack.i.l.bf16.f32 v12  }
0x63: {  	v20 =	vld [tilespmem:s10+$0x0];
	v5 =	vunpack.i.u.bf16.f32 v15;
	v23 =	vunpack.i.u.bf16.f32 v17;
	v17 =	vunpack.i.l.bf16.f32 v17  }
0x64: {  	v14 =	vld [tilespmem:s10+$0xFFFFFFF0];
	v24 =	vunpack.i.u.bf16.f32 v21;
	v12 =	vmul.f32 v12, v9;
	v9 =	vmul.f32 v6, v9  }
0x65: {  	v7 =	vld.idx.msk [tilespmem:v7+s22+$0x0], $0xffff;
	v21 =	vunpack.i.l.bf16.f32 v21;
	v63 =	vunpack.i.u.bf16.f32 v22;
	v6 =	vunpack.i.l.bf16.f32 v15  }
0x66: {  	v15 =	vunpack.i.u.bf16.f32 v10;
	v10 =	vunpack.i.l.bf16.f32 v10;
	v9 =	vpack.i.f32.bf16 v9, v12;
	v12 =	vld.idx.msk [tilespmem:v16+s22+$0x0], $0xffff  }
0x67: {  	v22 =	vunpack.i.l.bf16.f32 v22;
	v17 =	vmul.f32 v17, v8;
	v10 =	vmul.f32 v10, v13;
	v18 =	vld.idx.msk [tilespmem:v18+s22+$0x0], $0xffff  }
0x68: {  	v13 =	vmul.f32 v15, v13;
	v15 =	vunpack.i.u.bf16.f32 v20;
	v20 =	vunpack.i.l.bf16.f32 v20;
	v19 =	vld.idx.msk [tilespmem:v19+s22+$0x0], $0xffff  }
0x69: {  	v62 =	vunpack.i.u.bf16.f32 v14;
	v14 =	vunpack.i.l.bf16.f32 v14;
	[tilespmem:s10+$0x30] =	vst v9;
	v9 =	vmul.f32 v23, v8;
	v8 =	vld.idx.msk [tilespmem:v11+s22+$0x0], $0xffff  }
0x6a: {  	v10 =	vpack.i.f32.bf16 v13, v10;
	v11 =	vmul.f32 v14, v7;
	v7 =	vmul.f32 v62, v7  }
0x6b: {  	[tilespmem:s10+$0xFFFFFFD0] =	vst v10;
	v9 =	vpack.i.f32.bf16 v9, v17;
	v13 =	vmul.f32 v20, v12;
	v12 =	vmul.f32 v15, v12  }
0x6c: {  	v7 =	vpack.i.f32.bf16 v7, v11;
	[tilespmem:s10+$0xFFFFFFE0] =	vst v9;
	v9 =	vmul.f32 v21, v18;
	v10 =	vmul.f32 v24, v18  }
0x6d: {  	s11 =	simm.s32 $0x8;
	s12 =	simm.s32 $0x10;
	s13 =	simm.s32 $0xF;
	[tilespmem:s10+$0xFFFFFFF0] =	vst v7;
	v11 =	vmul.f32 v22, v19;
	v7 =	vpack.i.f32.bf16 v12, v13;
	v12 =	vmul.f32 v63, v19  }
.LBB2_5:
0x6e: {  	p0 =	slt.u32 s12, $0x318;
	v13 =	vmov s13;
	v6 =	vmul.f32 v6, v8;
	v5 =	vmul.f32 v5, v8;
	[tilespmem:s10+$0x0] =	vst v7  }
0x6f: {  	v8 =	vpack.i.f32.bf16 v10, v9;
	v7 =	vshrl.u32 v13, $0x3;
	v9 =	vpack.i.f32.bf16 v12, v11  }
0x70: {  	v4 =	vbroadcast v4, $0x0;
	v7 =	vshll.u32 v7, v1;
	v5 =	vpack.i.f32.bf16 v5, v6;
	[tilespmem:s10+$0x10] =	vst v8  }
0x71: {  	v6 =	vmov s11;
	v7 =	vadd.s32 $0x7, v7;
	[tilespmem:s10+$0x20] =	vst v9  }
0x72: {  	s13 =	sadd.s32 $0x1, s12;
	s14 =	sadd.s32 $0x2, s12;
	s17 =	sadd.s32 $0x3, s12;
	v6 =	vshrl.u32 v6, $0x3;
	v7 =	vbroadcast v7, $0x0;
	[tilespmem:s10+$0xFFFFFFC0] =	vst v5  }
0x73: {  	v8 =	vmov s14;
	s14 =	sadd.s32 $0x5, s11;
	v9 =	vmov s17;
	v5 =	vmov s13;
	s13 =	sadd.s32 $0x4, s11;
	s11 =	sadd.s32 $0x6, s11  }
0x74: {  	v11 =	vmov s14;
	v12 =	vmov s11;
	s11 =	smov.u32 s12;
	v10 =	vld.idx.msk [tilespmem:v3+s22+$0x0], $0xffff;
	v3 =	vmov s13  }
0x75: {  	v8 =	vshrl.u32 v8, $0x3;
	v6 =	vshll.u32 v6, v1;
	v5 =	vshrl.u32 v5, $0x3;
	v13 =	vld.idx.msk [tilespmem:v2+s22+$0x0], $0xffff  }
0x76: {  	s10 =	sadd.s32 $0x80, s10;
	v2 =	vshrl.u32 v9, $0x3;
	v3 =	vshrl.u32 v3, $0x3;
	v9 =	vld.idx.msk [tilespmem:v4+s22+$0x0], $0xffff;
	v4 =	vshrl.u32 v11, $0x3  }
0x77: {  	v5 =	vshll.u32 v5, v1;
	v11 =	vbroadcast v6, $0x0;
	v6 =	vshrl.u32 v12, $0x3;
	v12 =	vld [tilespmem:s10+$0x30]  }
0x78: {  	v8 =	vshll.u32 v8, v1;
	v2 =	vshll.u32 v2, v1;
	v3 =	vshll.u32 v3, v1;
	v7 =	vld.idx.msk [tilespmem:v7+s22+$0x0], $0xffff  }
0x79: {  	v3 =	vadd.s32 $0x4, v3;
	v4 =	vshll.u32 v4, v1;
	v6 =	vshll.u32 v6, v1;
	v14 =	vld [tilespmem:s10+$0xFFFFFFC0]  }
0x7a: {  	v5 =	vadd.s32 $0x1, v5;
	v16 =	vbroadcast v3, $0x0;
	v3 =	vadd.s32 $0x5, v4;
	v15 =	vld [tilespmem:s10+$0xFFFFFFD0]  }
0x7b: {  	v8 =	vadd.s32 $0x2, v8;
	v6 =	vadd.s32 $0x6, v6;
	v18 =	vbroadcast v3, $0x0;
	v17 =	vld [tilespmem:s10+$0xFFFFFFE0]  }
0x7c: {  	v4 =	vadd.s32 $0x3, v2;
	v3 =	vbroadcast v5, $0x0;
	v20 =	vbroadcast v6, $0x0;
	v19 =	vld [tilespmem:s10+$0xFFFFFFF0]  }
0x7d: {  	v2 =	vbroadcast v8, $0x0;
	v6 =	vunpack.i.u.bf16.f32 v12;
	v12 =	vunpack.i.l.bf16.f32 v12;
	v8 =	vld [tilespmem:s10+$0x0]  }
0x7e: {  	v12 =	vmul.f32 v12, v7;
	v7 =	vmul.f32 v6, v7;
	v5 =	vunpack.i.u.bf16.f32 v14;
	v21 =	vld [tilespmem:s10+$0x10]  }
0x7f: {  	v6 =	vunpack.i.l.bf16.f32 v14;
	v14 =	vunpack.i.u.bf16.f32 v15;
	v15 =	vunpack.i.l.bf16.f32 v15;
	v22 =	vld [tilespmem:s10+$0x20]  }
0x80: {  	v7 =	vpack.i.f32.bf16 v7, v12;
	v23 =	vunpack.i.u.bf16.f32 v17;
	v17 =	vunpack.i.l.bf16.f32 v17;
	v16 =	vld.idx.msk [tilespmem:v16+s22+$0x0], $0xffff  }
0x81: {  	v12 =	vmul.f32 v15, v10;
	v15 =	vunpack.i.u.bf16.f32 v19;
	v19 =	vunpack.i.l.bf16.f32 v19;
	v18 =	vld.idx.msk [tilespmem:v18+s22+$0x0], $0xffff;
	[tilespmem:s10+$0x30] =	vst v7  }
0x82: {  	v7 =	vmul.f32 v14, v10;
	v10 =	vunpack.i.u.bf16.f32 v8;
	v14 =	vunpack.i.l.bf16.f32 v8;
	v20 =	vld.idx.msk [tilespmem:v20+s22+$0x0], $0xffff  }
0x83: {  	v8 =	vld.idx.msk [tilespmem:v11+s22+$0x0], $0xffff;
	v11 =	vmul.f32 v17, v13;
	v17 =	vunpack.i.u.bf16.f32 v21;
	v21 =	vunpack.i.l.bf16.f32 v21  }
.Ltmp1:
0x84: {  	v13 =	vmul.f32 v23, v13;
	v23 =	vunpack.i.u.bf16.f32 v22;
	v22 =	vunpack.i.l.bf16.f32 v22;
	(pc) =	sbr.rel @p0 .LBB2_5-.Ltmp1, $4  }
0x85: {  	v7 =	vpack.i.f32.bf16 v7, v12;
	v12 =	vmul.f32 v19, v9;
	v9 =	vmul.f32 v15, v9  }
0x86: {  	[tilespmem:s10+$0xFFFFFFD0] =	vst v7;
	v7 =	vpack.i.f32.bf16 v13, v11;
	v11 =	vmul.f32 v14, v16;
	v13 =	vmul.f32 v10, v16  }
0x87: {  	v10 =	vmul.f32 v17, v18;
	[tilespmem:s10+$0xFFFFFFE0] =	vst v7;
	v7 =	vpack.i.f32.bf16 v9, v12;
	v9 =	vmul.f32 v21, v18  }
0x88: {  	s12 =	sadd.s32 $0x8, s12;
	s13 =	sadd.s32 $0x7, s11;
	v12 =	vmul.f32 v23, v20;
	[tilespmem:s10+$0xFFFFFFF0] =	vst v7;
	v7 =	vpack.i.f32.bf16 v13, v11;
	v11 =	vmul.f32 v22, v20  }
0x89: {  	_ =	sdelay $0x1  }
0x8a: {  	v13 =	vmov s13  }
0x8b: {  	v6 =	vmul.f32 v6, v8;
	v5 =	vmul.f32 v5, v8;
	v8 =	vpack.i.f32.bf16 v10, v9  }
0x8c: {  	v4 =	vbroadcast v4, $0x0;
	v10 =	vmov s11;
	v2 =	vld.idx.msk [tilespmem:v2+s22+$0x0], $0xffff;
	s12 =	sadd.s32 $0x80, s10;
	s17 =	sadd.s32 $0x6, s11;
	v13 =	vshrl.u32 v13, $0x3  }
0x8d: {  	v9 =	vpack.i.f32.bf16 v12, v11;
	v11 =	vld [tilespmem:s12+$0x30];
	v14 =	vmov s17;
	v13 =	vshll.u32 v13, v1  }
0x8e: {  	s13 =	sadd.s32 $0x4, s11;
	v15 =	vld [tilespmem:s12+$0xFFFFFFC0];
	v5 =	vpack.i.f32.bf16 v5, v6;
	v6 =	vshrl.u32 v10, $0x3;
	v13 =	vadd.s32 $0x7, v13  }
0x8f: {  	s14 =	sadd.s32 $0x5, s11;
	v16 =	vld [tilespmem:s12+$0xFFFFFFD0];
	v10 =	vmov s13;
	v14 =	vshrl.u32 v14, $0x3;
	v13 =	vbroadcast v13, $0x0  }
0x90: {  	v12 =	vmov s14;
	v17 =	vld [tilespmem:s12+$0xFFFFFFE0];
	v10 =	vshrl.u32 v10, $0x3;
	v14 =	vshll.u32 v14, v1  }
0x91: {  	v18 =	vld [tilespmem:s12+$0xFFFFFFF0];
	v12 =	vshrl.u32 v12, $0x3;
	v10 =	vshll.u32 v10, v1;
	v14 =	vadd.s32 $0x6, v14  }
0x92: {  	v19 =	vld [tilespmem:s12+$0x0];
	v12 =	vshll.u32 v12, v1;
	v10 =	vadd.s32 $0x4, v10;
	v14 =	vbroadcast v14, $0x0  }
0x93: {  	v22 =	vld [tilespmem:s12+$0x10];
	v12 =	vadd.s32 $0x5, v12;
	v10 =	vbroadcast v10, $0x0  }
0x94: {  	v23 =	vld [tilespmem:s12+$0x20];
	v6 =	vshll.u32 v6, v1;
	v12 =	vbroadcast v12, $0x0  }
0x95: {  	v6 =	vbroadcast v6, $0x0;
	v20 =	vunpack.i.u.bf16.f32 v11;
	v11 =	vunpack.i.l.bf16.f32 v11;
	v13 =	vld.idx.msk [tilespmem:v13+s22+$0x0], $0xffff  }
0x96: {  	v3 =	vld.idx.msk [tilespmem:v3+s22+$0x0], $0xffff;
	v21 =	vunpack.i.u.bf16.f32 v15;
	v15 =	vunpack.i.l.bf16.f32 v15;
	v47 =	vunpack.i.u.bf16.f32 v16  }
0x97: {  	v16 =	vunpack.i.l.bf16.f32 v16;
	v4 =	vld.idx.msk [tilespmem:v4+s22+$0x0], $0xffff;
	v24 =	vunpack.i.u.bf16.f32 v17;
	v17 =	vunpack.i.l.bf16.f32 v17  }
0x98: {  	[tilespmem:s10+$0x20] =	vst v9;
	v48 =	vunpack.i.l.bf16.f32 v18;
	v49 =	vunpack.i.l.bf16.f32 v19;
	v50 =	vunpack.i.u.bf16.f32 v22;
	v9 =	vld.idx.msk [tilespmem:v14+s22+$0x0], $0xffff  }
0x99: {  	[tilespmem:s10+$0x0] =	vst v7;
	v51 =	vunpack.i.l.bf16.f32 v22;
	v14 =	vmul.f32 v17, v2;
	v2 =	vmul.f32 v24, v2;
	v7 =	vld.idx.msk [tilespmem:v10+s22+$0x0], $0xffff  }
0x9a: {  	[tilespmem:s10+$0x10] =	vst v8;
	v52 =	vunpack.i.l.bf16.f32 v23;
	v8 =	vld.idx.msk [tilespmem:v12+s22+$0x0], $0xffff;
	v11 =	vmul.f32 v11, v13;
	v13 =	vmul.f32 v20, v13  }
0x9b: {  	v12 =	vunpack.i.u.bf16.f32 v19;
	v10 =	vmul.f32 v16, v3;
	v3 =	vmul.f32 v47, v3  }
0x9c: {  	[tilespmem:s10+$0xFFFFFFC0] =	vst v5;
	v5 =	vld.idx.msk [tilespmem:v6+s22+$0x0], $0xffff;
	v2 =	vpack.i.f32.bf16 v2, v14;
	v11 =	vpack.i.f32.bf16 v13, v11;
	v13 =	vunpack.i.u.bf16.f32 v18  }
0x9d: {  	v3 =	vpack.i.f32.bf16 v3, v10;
	v10 =	vmul.f32 v48, v4;
	[tilespmem:s12+$0xFFFFFFE0] =	vst v2;
	v4 =	vmul.f32 v13, v4  }
0x9e: {  	v6 =	vunpack.i.u.bf16.f32 v23;
	[tilespmem:s12+$0xFFFFFFD0] =	vst v3;
	v3 =	vmul.f32 v49, v7;
	v7 =	vmul.f32 v12, v7  }
0x9f: {  	[tilespmem:s12+$0x30] =	vst v11;
	v2 =	vpack.i.f32.bf16 v4, v10;
	v4 =	vmul.f32 v51, v8;
	v8 =	vmul.f32 v50, v8  }
0xa0: {  	v6 =	vmul.f32 v6, v9;
	[tilespmem:s12+$0xFFFFFFF0] =	vst v2;
	v2 =	vpack.i.f32.bf16 v7, v3;
	v3 =	vmul.f32 v52, v9  }
0xa1: {  	v7 =	vmul.f32 v15, v5;
	v5 =	vmul.f32 v21, v5;
	[tilespmem:s12+$0x0] =	vst v2;
	v2 =	vpack.i.f32.bf16 v8, v4  }
0xa2: {  	v3 =	vpack.i.f32.bf16 v6, v3;
	[tilespmem:s12+$0x10] =	vst v2  }
0xa3: {  	v2 =	vpack.i.f32.bf16 v5, v7;
	[tilespmem:s12+$0x20] =	vst v3  }
0xa4: {  	s13 =	simm.s32 $0x1;
	[tilespmem:s12+$0xFFFFFFC0] =	vst v2  }
0xa5: {  	s14 =	simm.s32 $0x2;
	v2 =	vmov s13;
	_ =	swait.ge [sflag:s26], $0x320  }
0xa6: {  	s17 =	simm.s32 $0x3;
	v3 =	vmov s14;
	v2 =	vshrl.u32 v2, $0x3;
	[sflag:s26] =	ssyncset.done $0x0  }
0xa7: {  	s11 =	simm.s32 $0x7;
	v4 =	vmov s17;
	v3 =	vshrl.u32 v3, $0x3;
	v2 =	vshll.u32 v2, v1;
	[sflag:s26] =	ssyncadd.s32 $0xFFFFFCE0  }
0xa8: {  	v4 =	vshrl.u32 v4, $0x3;
	v3 =	vshll.u32 v3, v1;
	v2 =	vadd.s32 $0x1, v2;
	[spmem:s2] =	stream.indirect.scatter.add.bf16 [tilespmem:s19], [sflag:$0x3], $0x10, s21, s21, $0xb8;
	[tilespmem:$0x1FDC0] =	vst v63  }
0xa9: {  	s17 =	simm.s32 $0xB;
	v5 =	vmov s11;
	v3 =	vadd.s32 $0x2, v3;
	v2 =	vbroadcast v2, $0x0;
	_ =	swait.ge [sflag:s28], $0x320  }
0xaa: {  	v9 =	vmov s17;
	s17 =	simm.s32 $0x6;
	v5 =	vshrl.u32 v5, $0x3;
	v3 =	vbroadcast v3, $0x0;
	[sflag:s28] =	ssyncset.done $0x0  }
0xab: {  	s12 =	simm.s32 $0x0;
	v4 =	vshll.u32 v4, v1;
	s14 =	simm.s32 $0xA;
	v12 =	vmov s17;
	v5 =	vshll.u32 v5, v1;
	[sflag:s28] =	ssyncadd.s32 $0xFFFFFCE0  }
0xac: {  	v4 =	vadd.s32 $0x3, v4;
	v6 =	vmov s12;
	v8 =	vmov s14;
	_ =	swait.ge [sflag:s31], $0x3200  }
0xad: {  	s13 =	simm.s32 $0x9;
	s14 =	simm.s32 $0x5;
	v5 =	vadd.s32 $0x7, v5;
	v7 =	vbroadcast v4, $0x0;
	v4 =	vshrl.u32 v6, $0x3;
	[sflag:s31] =	ssyncset.done $0x0  }
0xae: {  	v6 =	vmov s13;
	s13 =	simm.s32 $0x4;
	v11 =	vmov s14;
	v5 =	vbroadcast v5, $0x0;
	[sflag:s31] =	ssyncadd.s32 $0xFFFFCE00  }
0xaf: {  	v10 =	vmov s13;
	v4 =	vshll.u32 v4, v1;
	v13 =	vld.idx.msk [tilespmem:v2+s25+$0x0], $0xffff;
	v2 =	vshrl.u32 v6, $0x3  }
0xb0: {  	s10 =	simm.s32 $0x4500;
	v6 =	vshrl.u32 v8, $0x3;
	v8 =	vld.idx.msk [tilespmem:v3+s25+$0x0], $0xffff;
	v3 =	vshrl.u32 v9, $0x3;
	v9 =	vshrl.u32 v10, $0x3  }
0xb1: {  	v10 =	vshrl.u32 v11, $0x3;
	v11 =	vbroadcast v4, $0x0;
	v4 =	vshrl.u32 v12, $0x3;
	v12 =	vld [tilespmem:s10+$0x30]  }
0xb2: {  	v15 =	vld [tilespmem:s10+$0xFFFFFFC0]  }
0xb3: {  	v54 =	vld [tilespmem:s10+$0xFFFFFFE0];
	v2 =	vshll.u32 v2, v1  }
0xb4: {  	v57 =	vld [tilespmem:s10+$0x0];
	v6 =	vshll.u32 v6, v1;
	v14 =	vshll.u32 v3, v1;
	v3 =	vshll.u32 v9, v1  }
0xb5: {  	v9 =	vld.idx.msk [tilespmem:v5+s25+$0x0], $0xffff;
	v5 =	vshll.u32 v10, v1;
	v4 =	vshll.u32 v4, v1;
	v3 =	vadd.s32 $0x4, v3  }
0xb6: {  	v58 =	vld [tilespmem:s10+$0x10];
	v2 =	vadd.s32 $0x1, v2;
	v53 =	vbroadcast v3, $0x0;
	v3 =	vadd.s32 $0x5, v5  }
0xb7: {  	v59 =	vld [tilespmem:s10+$0x20];
	v5 =	vadd.s32 $0x2, v6;
	v6 =	vadd.s32 $0x6, v4;
	v55 =	vbroadcast v3, $0x0  }
0xb8: {  	v4 =	vadd.s32 $0x3, v14;
	v3 =	vbroadcast v2, $0x0;
	v56 =	vbroadcast v6, $0x0  }
0xb9: {  	v10 =	vld [tilespmem:s10+$0xFFFFFFD0];
	v2 =	vbroadcast v5, $0x0;
	v6 =	vunpack.i.u.bf16.f32 v12;
	v12 =	vunpack.i.l.bf16.f32 v12  }
0xba: {  	v5 =	vunpack.i.u.bf16.f32 v15;
	v60 =	vunpack.i.u.bf16.f32 v54;
	v17 =	vunpack.i.l.bf16.f32 v54  }
0xbb: {  	v14 =	vld [tilespmem:s10+$0xFFFFFFF0];
	v20 =	vunpack.i.l.bf16.f32 v57;
	v12 =	vmul.f32 v12, v9;
	v9 =	vmul.f32 v6, v9  }
0xbc: {  	v7 =	vld.idx.msk [tilespmem:v7+s25+$0x0], $0xffff;
	v62 =	vunpack.i.u.bf16.f32 v58;
	v21 =	vunpack.i.l.bf16.f32 v58;
	v63 =	vunpack.i.u.bf16.f32 v59  }
0xbd: {  	v22 =	vunpack.i.l.bf16.f32 v59;
	v6 =	vunpack.i.l.bf16.f32 v15;
	v9 =	vpack.i.f32.bf16 v9, v12;
	v12 =	vld.idx.msk [tilespmem:v53+s25+$0x0], $0xffff  }
0xbe: {  	v15 =	vunpack.i.u.bf16.f32 v10;
	v10 =	vunpack.i.l.bf16.f32 v10;
	v17 =	vmul.f32 v17, v8;
	v18 =	vld.idx.msk [tilespmem:v55+s25+$0x0], $0xffff  }
0xbf: {  	v10 =	vmul.f32 v10, v13;
	v13 =	vmul.f32 v15, v13;
	v15 =	vunpack.i.u.bf16.f32 v57;
	v19 =	vld.idx.msk [tilespmem:v56+s25+$0x0], $0xffff  }
0xc0: {  	v61 =	vunpack.i.u.bf16.f32 v14;
	v14 =	vunpack.i.l.bf16.f32 v14;
	[tilespmem:s10+$0x30] =	vst v9;
	v9 =	vmul.f32 v60, v8;
	v8 =	vld.idx.msk [tilespmem:v11+s25+$0x0], $0xffff  }
0xc1: {  	v10 =	vpack.i.f32.bf16 v13, v10;
	v11 =	vmul.f32 v14, v7;
	v7 =	vmul.f32 v61, v7  }
0xc2: {  	[tilespmem:s10+$0xFFFFFFD0] =	vst v10;
	v9 =	vpack.i.f32.bf16 v9, v17;
	v13 =	vmul.f32 v20, v12;
	v12 =	vmul.f32 v15, v12  }
0xc3: {  	v7 =	vpack.i.f32.bf16 v7, v11;
	[tilespmem:s10+$0xFFFFFFE0] =	vst v9;
	v9 =	vmul.f32 v21, v18;
	v10 =	vmul.f32 v62, v18  }
0xc4: {  	s11 =	simm.s32 $0x8;
	s12 =	simm.s32 $0x10;
	s13 =	simm.s32 $0xF;
	[tilespmem:s10+$0xFFFFFFF0] =	vst v7;
	v11 =	vmul.f32 v22, v19;
	v7 =	vpack.i.f32.bf16 v12, v13;
	v12 =	vmul.f32 v63, v19  }
.LBB2_7:
0xc5: {  	p0 =	slt.u32 s12, $0x318;
	v13 =	vmov s13;
	v6 =	vmul.f32 v6, v8;
	v5 =	vmul.f32 v5, v8;
	[tilespmem:s10+$0x0] =	vst v7  }
0xc6: {  	v8 =	vpack.i.f32.bf16 v10, v9;
	v7 =	vshrl.u32 v13, $0x3;
	v9 =	vpack.i.f32.bf16 v12, v11  }
0xc7: {  	v4 =	vbroadcast v4, $0x0;
	v7 =	vshll.u32 v7, v1;
	v5 =	vpack.i.f32.bf16 v5, v6;
	[tilespmem:s10+$0x10] =	vst v8  }
0xc8: {  	v6 =	vmov s11;
	v7 =	vadd.s32 $0x7, v7;
	[tilespmem:s10+$0x20] =	vst v9  }
0xc9: {  	s13 =	sadd.s32 $0x1, s12;
	s14 =	sadd.s32 $0x2, s12;
	s17 =	sadd.s32 $0x3, s12;
	v6 =	vshrl.u32 v6, $0x3;
	v7 =	vbroadcast v7, $0x0;
	[tilespmem:s10+$0xFFFFFFC0] =	vst v5  }
0xca: {  	v8 =	vmov s14;
	s14 =	sadd.s32 $0x5, s11;
	v9 =	vmov s17;
	v5 =	vmov s13;
	s13 =	sadd.s32 $0x4, s11;
	s11 =	sadd.s32 $0x6, s11  }
0xcb: {  	v11 =	vmov s14;
	v12 =	vmov s11;
	s11 =	smov.u32 s12;
	v10 =	vld.idx.msk [tilespmem:v3+s25+$0x0], $0xffff;
	v3 =	vmov s13  }
0xcc: {  	v8 =	vshrl.u32 v8, $0x3;
	v6 =	vshll.u32 v6, v1;
	v5 =	vshrl.u32 v5, $0x3;
	v13 =	vld.idx.msk [tilespmem:v2+s25+$0x0], $0xffff  }
0xcd: {  	s10 =	sadd.s32 $0x80, s10;
	v2 =	vshrl.u32 v9, $0x3;
	v3 =	vshrl.u32 v3, $0x3;
	v9 =	vld.idx.msk [tilespmem:v4+s25+$0x0], $0xffff;
	v4 =	vshrl.u32 v11, $0x3  }
0xce: {  	v5 =	vshll.u32 v5, v1;
	v11 =	vbroadcast v6, $0x0;
	v6 =	vshrl.u32 v12, $0x3;
	v12 =	vld [tilespmem:s10+$0x30]  }
0xcf: {  	v8 =	vshll.u32 v8, v1;
	v2 =	vshll.u32 v2, v1;
	v3 =	vshll.u32 v3, v1;
	v7 =	vld.idx.msk [tilespmem:v7+s25+$0x0], $0xffff  }
0xd0: {  	v3 =	vadd.s32 $0x4, v3;
	v4 =	vshll.u32 v4, v1;
	v6 =	vshll.u32 v6, v1;
	v14 =	vld [tilespmem:s10+$0xFFFFFFC0]  }
0xd1: {  	v5 =	vadd.s32 $0x1, v5;
	v16 =	vbroadcast v3, $0x0;
	v3 =	vadd.s32 $0x5, v4;
	v15 =	vld [tilespmem:s10+$0xFFFFFFD0]  }
0xd2: {  	v8 =	vadd.s32 $0x2, v8;
	v6 =	vadd.s32 $0x6, v6;
	v18 =	vbroadcast v3, $0x0;
	v17 =	vld [tilespmem:s10+$0xFFFFFFE0]  }
0xd3: {  	v4 =	vadd.s32 $0x3, v2;
	v3 =	vbroadcast v5, $0x0;
	v20 =	vbroadcast v6, $0x0;
	v19 =	vld [tilespmem:s10+$0xFFFFFFF0]  }
0xd4: {  	v2 =	vbroadcast v8, $0x0;
	v6 =	vunpack.i.u.bf16.f32 v12;
	v12 =	vunpack.i.l.bf16.f32 v12;
	v8 =	vld [tilespmem:s10+$0x0]  }
0xd5: {  	v12 =	vmul.f32 v12, v7;
	v7 =	vmul.f32 v6, v7;
	v5 =	vunpack.i.u.bf16.f32 v14;
	v21 =	vld [tilespmem:s10+$0x10]  }
0xd6: {  	v6 =	vunpack.i.l.bf16.f32 v14;
	v14 =	vunpack.i.u.bf16.f32 v15;
	v15 =	vunpack.i.l.bf16.f32 v15;
	v22 =	vld [tilespmem:s10+$0x20]  }
0xd7: {  	v7 =	vpack.i.f32.bf16 v7, v12;
	v23 =	vunpack.i.u.bf16.f32 v17;
	v17 =	vunpack.i.l.bf16.f32 v17;
	v16 =	vld.idx.msk [tilespmem:v16+s25+$0x0], $0xffff  }
0xd8: {  	v12 =	vmul.f32 v15, v10;
	v15 =	vunpack.i.u.bf16.f32 v19;
	v19 =	vunpack.i.l.bf16.f32 v19;
	v18 =	vld.idx.msk [tilespmem:v18+s25+$0x0], $0xffff;
	[tilespmem:s10+$0x30] =	vst v7  }
0xd9: {  	v7 =	vmul.f32 v14, v10;
	v10 =	vunpack.i.u.bf16.f32 v8;
	v14 =	vunpack.i.l.bf16.f32 v8;
	v20 =	vld.idx.msk [tilespmem:v20+s25+$0x0], $0xffff  }
0xda: {  	v8 =	vld.idx.msk [tilespmem:v11+s25+$0x0], $0xffff;
	v11 =	vmul.f32 v17, v13;
	v17 =	vunpack.i.u.bf16.f32 v21;
	v21 =	vunpack.i.l.bf16.f32 v21  }
.Ltmp2:
0xdb: {  	v13 =	vmul.f32 v23, v13;
	v23 =	vunpack.i.u.bf16.f32 v22;
	v22 =	vunpack.i.l.bf16.f32 v22;
	(pc) =	sbr.rel @p0 .LBB2_7-.Ltmp2, $4  }
0xdc: {  	v7 =	vpack.i.f32.bf16 v7, v12;
	v12 =	vmul.f32 v19, v9;
	v9 =	vmul.f32 v15, v9  }
0xdd: {  	[tilespmem:s10+$0xFFFFFFD0] =	vst v7;
	v7 =	vpack.i.f32.bf16 v13, v11;
	v11 =	vmul.f32 v14, v16;
	v13 =	vmul.f32 v10, v16  }
0xde: {  	v10 =	vmul.f32 v17, v18;
	[tilespmem:s10+$0xFFFFFFE0] =	vst v7;
	v7 =	vpack.i.f32.bf16 v9, v12;
	v9 =	vmul.f32 v21, v18  }
0xdf: {  	s12 =	sadd.s32 $0x8, s12;
	s13 =	sadd.s32 $0x7, s11;
	v12 =	vmul.f32 v23, v20;
	[tilespmem:s10+$0xFFFFFFF0] =	vst v7;
	v7 =	vpack.i.f32.bf16 v13, v11;
	v11 =	vmul.f32 v22, v20  }
0xe0: {  	_ =	sdelay $0x1  }
0xe1: {  	v13 =	vmov s13;
	v6 =	vmul.f32 v6, v8  }
0xe2: {  	v5 =	vmul.f32 v5, v8;
	v40 =	vpack.i.f32.bf16 v10, v9;
	v4 =	vbroadcast v4, $0x0  }
0xe3: {  	v3 =	vld.idx.msk [tilespmem:v3+s25+$0x0], $0xffff;
	v42 =	vmov s11;
	s17 =	sadd.s32 $0x4, s11;
	s12 =	sadd.s32 $0x80, s10;
	s14 =	sadd.s32 $0x5, s11;
	v13 =	vshrl.u32 v13, $0x3;
	v41 =	vpack.i.f32.bf16 v12, v11  }
0xe4: {  	v43 =	vshrl.u32 v42, $0x3;
	v44 =	vmov s17;
	s17 =	sadd.s32 $0x6, s11;
	v45 =	vld [tilespmem:s12+$0x30];
	v46 =	vmov s14  }
0xe5: {  	v15 =	vld [tilespmem:s12+$0xFFFFFFC0];
	v13 =	vshll.u32 v13, v1;
	v5 =	vpack.i.f32.bf16 v5, v6;
	v14 =	vmov s17  }
0xe6: {  	v16 =	vld [tilespmem:s12+$0xFFFFFFD0];
	v10 =	vshrl.u32 v44, $0x3;
	v6 =	vshll.u32 v43, v1;
	v12 =	vshrl.u32 v46, $0x3  }
0xe7: {  	v17 =	vld [tilespmem:s12+$0xFFFFFFE0];
	v13 =	vadd.s32 $0x7, v13;
	v10 =	vshll.u32 v10, v1;
	v14 =	vshrl.u32 v14, $0x3  }
0xe8: {  	v18 =	vld [tilespmem:s12+$0xFFFFFFF0];
	v12 =	vshll.u32 v12, v1;
	v13 =	vbroadcast v13, $0x0;
	v10 =	vadd.s32 $0x4, v10  }
0xe9: {  	v19 =	vld [tilespmem:s12+$0x0];
	v14 =	vshll.u32 v14, v1;
	v12 =	vadd.s32 $0x5, v12;
	v10 =	vbroadcast v10, $0x0  }
0xea: {  	v22 =	vld [tilespmem:s12+$0x10];
	v6 =	vbroadcast v6, $0x0;
	v12 =	vbroadcast v12, $0x0;
	v14 =	vadd.s32 $0x6, v14  }
0xeb: {  	v23 =	vld [tilespmem:s12+$0x20];
	v14 =	vbroadcast v14, $0x0;
	v20 =	vunpack.i.u.bf16.f32 v45;
	v11 =	vunpack.i.l.bf16.f32 v45  }
0xec: {  	v2 =	vld.idx.msk [tilespmem:v2+s25+$0x0], $0xffff;
	v21 =	vunpack.i.u.bf16.f32 v15;
	v15 =	vunpack.i.l.bf16.f32 v15;
	v47 =	vunpack.i.u.bf16.f32 v16  }
0xed: {  	v16 =	vunpack.i.l.bf16.f32 v16;
	v4 =	vld.idx.msk [tilespmem:v4+s25+$0x0], $0xffff;
	v48 =	vunpack.i.u.bf16.f32 v17;
	v17 =	vunpack.i.l.bf16.f32 v17  }
0xee: {  	[tilespmem:s10+$0x0] =	vst v7;
	v51 =	vunpack.i.u.bf16.f32 v18;
	v18 =	vunpack.i.l.bf16.f32 v18;
	v53 =	vunpack.i.u.bf16.f32 v19;
	v13 =	vld.idx.msk [tilespmem:v13+s25+$0x0], $0xffff  }
0xef: {  	[tilespmem:s10+$0x10] =	vst v40;
	v19 =	vunpack.i.l.bf16.f32 v19;
	v56 =	vunpack.i.u.bf16.f32 v22;
	v57 =	vunpack.i.l.bf16.f32 v22;
	v49 =	vld.idx.msk [tilespmem:v10+s25+$0x0], $0xffff  }
0xf0: {  	[tilespmem:s10+$0x20] =	vst v41;
	v59 =	vunpack.i.u.bf16.f32 v23;
	v50 =	vmul.f32 v16, v3;
	v3 =	vmul.f32 v47, v3;
	v52 =	vld.idx.msk [tilespmem:v12+s25+$0x0], $0xffff  }
0xf1: {  	[tilespmem:s10+$0xFFFFFFC0] =	vst v5;
	v60 =	vunpack.i.l.bf16.f32 v23;
	v55 =	vmul.f32 v17, v2;
	v2 =	vmul.f32 v48, v2;
	v54 =	vld.idx.msk [tilespmem:v14+s25+$0x0], $0xffff  }
0xf2: {  	v58 =	vld.idx.msk [tilespmem:v6+s25+$0x0], $0xffff;
	v3 =	vpack.i.f32.bf16 v3, v50;
	v61 =	vmul.f32 v18, v4;
	v4 =	vmul.f32 v51, v4  }
0xf3: {  	v2 =	vpack.i.f32.bf16 v2, v55;
	[tilespmem:s12+$0xFFFFFFD0] =	vst v3;
	v11 =	vmul.f32 v11, v13;
	v13 =	vmul.f32 v20, v13  }
0xf4: {  	[tilespmem:s12+$0xFFFFFFE0] =	vst v2;
	v2 =	vpack.i.f32.bf16 v4, v61;
	v3 =	vmul.f32 v19, v49;
	v7 =	vmul.f32 v53, v49  }
0xf5: {  	[tilespmem:s12+$0xFFFFFFF0] =	vst v2;
	v62 =	vmul.f32 v57, v52;
	v8 =	vmul.f32 v56, v52;
	v11 =	vpack.i.f32.bf16 v13, v11  }
0xf6: {  	v6 =	vmul.f32 v59, v54;
	[tilespmem:s12+$0x30] =	vst v11;
	v2 =	vpack.i.f32.bf16 v7, v3;
	v3 =	vmul.f32 v60, v54  }
0xf7: {  	v63 =	vmul.f32 v15, v58;
	v5 =	vmul.f32 v21, v58;
	[tilespmem:s12+$0x0] =	vst v2;
	v2 =	vpack.i.f32.bf16 v8, v62  }
0xf8: {  	v3 =	vpack.i.f32.bf16 v6, v3;
	[tilespmem:s12+$0x10] =	vst v2  }
0xf9: {  	v2 =	vpack.i.f32.bf16 v5, v63;
	[tilespmem:s12+$0x20] =	vst v3  }
0xfa: {  	[tilespmem:s12+$0xFFFFFFC0] =	vst v2  }
0xfb: {  	_ =	swait.ge [sflag:s28], $0x320  }
0xfc: {  	[sflag:s28] =	ssyncset.done $0x0  }
0xfd: {  	s9 =	sadd.s32 $0x1, s9;
	[sflag:s28] =	ssyncadd.s32 $0xFFFFFCE0  }
0xfe: {  	[spmem:s2] =	stream.indirect.scatter.add.bf16 [tilespmem:s29], [sflag:$0x6], $0x10, s24, s21, $0xb8;
	[tilespmem:$0x1FDC0] =	vst v63  }
0xff: {  	p0 =	sne.s32 s9, $0x7D;
	_ =	swait.ge [sflag:s0], $0x3200  }
.Ltmp3:
0x100: {  	[sflag:s0] =	ssyncset.done $0x0;
	(pc) =	sbr.rel @p0 .LBB2_4-.Ltmp3, $4  }
0x101: {  	[sflag:s0] =	ssyncadd.s32 $0xFFFFCE00  }
0x102: {  	_ =	swait.ge [sflag:s4], $0x3200  }
0x103: {  	[sflag:s4] =	ssyncset.done $0x0  }
0x104: {  	[sflag:s4] =	ssyncadd.s32 $0xFFFFCE00  }
0x105: {  	s8 =	stileid.u32;
	[bflag:$0x0] =	sbarrier.arrive $0xFFFF;
	s3 =	sadd.s32 $0x1, s3  }
0x106: {  	s9 =	sshrl.u32 s7, $0x3;
	s8 =	sshll.u32 s8, $0x6;
	p0 =	sne.s32 s3, s18  }
.Ltmp4:
0x107: {  	s10 =	rddreg [dreg:$0xb];
	s8 =	sor.u32 $0x1C07, s8;
	(pc) =	sbr.rel @p0 .LBB2_1-.Ltmp4, $4  }
0x108: {  	[hbm:s10], [sflag:s8] =	dma.local [spmem:s9], $0x30E0  }
0x109: {  	_ =	swait.ge [sflag:s20], $0x30E0  }
0x10a: {  	[sflag:s20] =	ssyncset.done $0x0  }
0x10b: {  	[sflag:s20] =	ssyncadd.s32 $0xFFFFCF20  }
0x10c: {  	_ =	sfence.sel $0x180000  }
0x10d: {  	[bflag:$0x0] =	sbarrier.arrive $0xFFFF  }
0x10e: {  	_ =	strace $0x9000004D  }
0x10f: {  	s0 =	stileid.u32;
	[bflag:$0x2] =	sbarrier.arrive $0xFFFF  }
0x110: {  	p0 =	sne.s32 s0, $0x0;
	s0 =	rddreg [dreg:$0x3]  }
0x111: {  	s0 =	sadd.s32 @!p0 $0x100000, s0  }
0x112: {  	[sflag:s0] =	ssyncadd.tile.s32 @!p0 $0x1;
	_ =	shalt  }
.Lfunc_end2:
_tile_overlayer_lowered:
.L_overlay_start_2:
0x113: {  	(tag) =	ssettag $0x2  }
0x114: {  	s0 =	rddreg [dreg:$0x0];
	s2 =	stileid.u32  }
0x115: {  	s1 =	rddreg [dreg:$0x1];
	p0 =	sne.s32 s2, $0x0  }
0x116: {  	s3 =	rddreg [dreg:$0x2];
	[bflag:$0x3] =	sbarrier.arrive $0xFFFF;
	s2 =	simm.s32 @!p0 $0x1C07  }
0x117: {  	[timem:s3], [sflag:s2] =	dma.local @!p0 [hbm:s0], s1  }
0x118: {  	s0 =	simm.s32 @!p0 $0x7  }
0x119: {  	_ =	swait.ge @!p0 [sflag:s0], s1  }
0x11a: {  	s1 =	ssub.s32 @!p0 $0x0, s1;
	[sflag:s0] =	ssyncset.done @!p0 $0x0  }
0x11b: {  	[sflag:s0] =	ssyncadd.s32 @!p0 s1  }
0x11c: {  	[bflag:$0x3] =	sbarrier.arrive $0xFFFF  }
0x11d: {  	_ =	shalt  }

// kernel: kernel.21.cloned.1.call-start
scs
__scs_entry_jumppad:
0x0: {  	(pc) =	sbr.rel $0x88, $3  }
0x1: {  	(tag) =	ssettag $0x0;
	lr =	simm.s32 $0x1  }
0x2: {  	[smem:$0x3F8F] =	sst lr;
	_ =	strace $0xD0000000  }
0x3: {  	_ = 	snop  }
0x4: {  	_ = 	snop  }
0x5: {  	_ = 	snop  }
0x6: {  	_ = 	snop  }
0x7: {  	_ = 	snop  }
__scs_overlays_trampoline_lowered:
0x8: {  	[smem:$0x3F9E] =	sst s0  }
0x9: {  	[smem:$0x3F9F] =	sst s1  }
0xa: {  	[smem:$0x3FA0] =	sst s2  }
0xb: {  	[smem:$0x3FA1] =	sst s3  }
0xc: {  	[smem:$0x3FA2] =	sst s4  }
0xd: {  	[smem:$0x3FA3] =	sst s5  }
0xe: {  	[smem:$0x3FA4] =	sst s6  }
0xf: {  	[smem:$0x3FA5] =	sst s7  }
0x10: {  	[smem:$0x3FA6] =	sst s8  }
0x11: {  	[smem:$0x3FA7] =	sst s9;
	s0 =	simm.s32 @!p0 $0x0  }
0x12: {  	s1 =	sld [smem:$0x3F8D];
	s0 =	simm.s32 @p0 $0x1  }
0x13: {  	[smem:$0x3FA8] =	sst s0;
	s0 =	simm.s32 @!p1 $0x0  }
0x14: {  	s2 =	sld [smem:$0x3F8C];
	s0 =	simm.s32 @p1 $0x1  }
0x15: {  	[smem:$0x3FA9] =	sst s0;
	s0 =	simm.s32 @!p2 $0x0  }
0x16: {  	s3 =	sld [smem:$0x3FDB];
	s0 =	simm.s32 @p2 $0x1  }
0x17: {  	s4 =	simm.s32 $0x1BF5;
	[smem:$0x3FAB] =	sst s0  }
0x18: {  	s0 =	sld [smem:$0x3F8E];
	_ =	swait.ge [sflag:s4], $0x0  }
0x19: {  	s7 =	sld [smem:$0x3F8F]  }
0x1a: {  	s8 =	sadd.s32 $0xFFFFE003, lr  }
0x1b: {  	s9 =	sadd.s32 $0xFFFFFEF7, lr;
	s5 =	simm.s32 $0xFFFFFFFF;
	p2 =	slt.u32 s8, $0xFFFFF086  }
0x1c: {  	p1 =	slt.u32 s9, $0xF7A;
	s5 =	simm.s32 @!p2 $0x0  }
0x1d: {  	s5 =	simm.s32 @p1 $0x1;
	p0 =	seq.s32 s7, s2  }
0x1e: {  	s7 =	smul.u32 @!p0 $0xF7A, s2;
	p2 =	seq.s32 @!p0 s5, $0x0  }
0x1f: {  	s9 =	smul.u32 $0xF7A, s1;
	s8 =	simm.s32 @!p0 $0x1BF5;
	p2 =	por !p2, p0  }
0x20: {  	[sflag:s8] =	ssyncset.s32 @!p0 $0xFFFFF086;
	s6 =	sadd.s32 @!p0 s3, s7;
	s7 =	simm.s32 @!p0 $0x108  }
0x21: {  	s3 =	sadd.s32 s3, s9;
	s6 =	sadd.s32 @!p0 $0x88, s6;
	s7 =	simm.s32 @p2 $0x1082  }
0x22: {  	[simem:s7], [sflag:s8] =	dma.local @!p0 [hbm:s6], $0xF7A  }
0x23: {  	s9 =	sor.u32 $0xD0000000, s2;
	s6 =	simm.s32 $0x108;
	_ =	swait.ge @!p0 [sflag:s8], $0x0  }
0x24: {  	s3 =	sadd.s32 $0x88, s3;
	s6 =	simm.s32 @!p1 $0x1082;
	[sflag:s4] =	ssyncset.s32 $0xFFFFF086  }
0x25: {  	[simem:s6], [sflag:s4] =	dma.local [hbm:s3], $0xF7A  }
0x26: {  	[smem:$0x3F8F] =	sst s1;
	(tag) =	ssettag s2;
	_ =	strace s9  }
0x27: {  	s1 =	sld [smem:$0x3F9F]  }
0x28: {  	s2 =	sld [smem:$0x3FA0]  }
0x29: {  	s4 =	sld [smem:$0x3FA2]  }
0x2a: {  	p0 =	seq.s32 s5, $0x0;
	s5 =	sld [smem:$0x3FA3]  }
0x2b: {  	s6 =	sld [smem:$0x3FA4]  }
0x2c: {  	s7 =	sld [smem:$0x3FA5]  }
0x2d: {  	s3 =	simm.s32 $0x108;
	s8 =	sld [smem:$0x3FA6]  }
0x2e: {  	s3 =	simm.s32 @!p0 $0x1082;
	s9 =	sld [smem:$0x3FA7]  }
0x2f: {  	lr =	sadd.s32 s0, s3;
	s0 =	sld [smem:$0x3F9E]  }
0x30: {  	s3 =	sld [smem:$0x3FA1]  }
0x31: {  	[smem:$0x3FAA] =	sst s10  }
0x32: {  	s10 =	sld [smem:$0x3FA8];
	_ =	sdelay $0x3  }
0x33: {  	p0 =	seq.s32 s10, $0x1;
	s10 =	sld [smem:$0x3FAA];
	_ =	sdelay $0x3  }
0x34: {  	[smem:$0x3FAA] =	sst s10  }
0x35: {  	s10 =	sld [smem:$0x3FA9];
	_ =	sdelay $0x3  }
0x36: {  	p1 =	seq.s32 s10, $0x1;
	s10 =	sld [smem:$0x3FAA];
	_ =	sdelay $0x3  }
0x37: {  	[smem:$0x3FAA] =	sst s10  }
0x38: {  	s10 =	sld [smem:$0x3FAB]  }
0x39: {  	_ = 	snop;
	(pc) =	sbr.ind lr, $3  }
0x3a: {  	_ = 	snop  }
0x3b: {  	_ = 	snop  }
0x3c: {  	p2 =	seq.s32 s10, $0x1;
	s10 =	sld [smem:$0x3FAA]  }
0x3d: {  	_ =	shalt  }
0x3e: {  	_ =	shalt  }
0x3f: {  	_ =	shalt  }
0x40: {  	_ =	shalt  }
0x41: {  	_ =	shalt  }
0x42: {  	_ =	shalt  }
0x43: {  	_ =	shalt  }
0x44: {  	_ =	shalt  }
0x45: {  	_ =	shalt  }
0x46: {  	_ =	shalt  }
0x47: {  	_ =	shalt  }
0x48: {  	_ =	shalt  }
0x49: {  	_ =	shalt  }
0x4a: {  	_ =	shalt  }
0x4b: {  	_ =	shalt  }
0x4c: {  	_ =	shalt  }
0x4d: {  	_ =	shalt  }
0x4e: {  	_ =	shalt  }
0x4f: {  	_ =	shalt  }
0x50: {  	_ =	shalt  }
0x51: {  	_ =	shalt  }
0x52: {  	_ =	shalt  }
0x53: {  	_ =	shalt  }
0x54: {  	_ =	shalt  }
0x55: {  	_ =	shalt  }
0x56: {  	_ =	shalt  }
0x57: {  	_ =	shalt  }
0x58: {  	_ =	shalt  }
0x59: {  	_ =	shalt  }
0x5a: {  	_ =	shalt  }
0x5b: {  	_ =	shalt  }
0x5c: {  	_ =	shalt  }
0x5d: {  	_ =	shalt  }
0x5e: {  	_ =	shalt  }
0x5f: {  	_ =	shalt  }
0x60: {  	_ =	shalt  }
0x61: {  	_ =	shalt  }
0x62: {  	_ =	shalt  }
0x63: {  	_ =	shalt  }
0x64: {  	_ =	shalt  }
0x65: {  	_ =	shalt  }
0x66: {  	_ =	shalt  }
0x67: {  	_ =	shalt  }
0x68: {  	_ =	shalt  }
0x69: {  	_ =	shalt  }
0x6a: {  	_ =	shalt  }
0x6b: {  	_ =	shalt  }
0x6c: {  	_ =	shalt  }
0x6d: {  	_ =	shalt  }
0x6e: {  	_ =	shalt  }
0x6f: {  	_ =	shalt  }
0x70: {  	_ =	shalt  }
0x71: {  	_ =	shalt  }
0x72: {  	_ =	shalt  }
0x73: {  	_ =	shalt  }
0x74: {  	_ =	shalt  }
0x75: {  	_ =	shalt  }
0x76: {  	_ =	shalt  }
0x77: {  	_ =	shalt  }
0x78: {  	_ =	shalt  }
0x79: {  	_ =	shalt  }
0x7a: {  	_ =	shalt  }
0x7b: {  	_ =	shalt  }
0x7c: {  	_ =	shalt  }
0x7d: {  	_ =	shalt  }
0x7e: {  	_ =	shalt  }
0x7f: {  	_ =	shalt  }
0x80: {  	_ =	shalt  }
0x81: {  	_ =	shalt  }
0x82: {  	_ =	shalt  }
0x83: {  	_ =	shalt  }
0x84: {  	_ =	shalt  }
0x85: {  	_ =	shalt  }
0x86: {  	_ =	shalt  }
0x87: {  	_ =	shalt  }
.Lfunc_end0:
.L_simem_size_0:
called_computation.3_lowered:
.L_overlay_start_0:
0x88: {  	s2 =	sld [smem:$0x3FD9]  }
0x89: {  	s3 =	sld [smem:$0x3FFE];
	_ =	sdelay $0x1  }
0x8a: {  	s1 =	srdreg.scid  }
0x8b: {  	s0 =	sand.u32 $0x1, s1  }
0x8c: {  	s17 =	sshll.u32 s0, $0xA;
	s2 =	sadd.s32 s3, s2  }
0x8d: {  	s2 =	sadd.s32 s2, s17  }
0x8e: {  	[smem:$0x3FB6] =	sst s2  }
0x8f: {  	_ = 	snop  }
0x90: {  	s2 =	sld [smem:$0x3FC7];
	(tm) =	ssettm $0x1  }
0x91: {  	s18 =	sld [smem:$0x3FFB];
	_ =	sdelay $0x3  }
0x92: {  	_ =	strace s18  }
0x93: {  	s3 =	sld [smem:$0x3FFC];
	_ =	sdelay $0x3  }
0x94: {  	_ =	strace s3  }
0x95: {  	s3 =	sld [smem:$0x3FFD];
	_ =	sdelay $0x3  }
0x96: {  	_ =	strace s3  }
0x97: {  	_ =	strace $0x8FFFFFFF  }
0x98: {  	s19 =	sld [smem:$0x3FDB];
	_ =	sdelay $0x1  }
0x99: {  	s4 =	simm.s32 $_scs_section_size  }
0x9a: {  	s5 =	simm.s32 $_size__tile_overlayer_lowered;
	s6 =	simm.s32 $_tile_overlayer_lowered  }
0x9b: {  	s22 =	simm.s32 $0x1BFF;
	s21 =	sshll.u32 s6, $0x1;
	s3 =	sadd.s32 s4, s19  }
0x9c: {  	s7 =	simm.s32 $0x0;
	s20 =	sshll.u32 s5, $0x1;
	s5 =	sadd.s32 s21, s3  }
0x9d: {  	[timem:s7], [sflag:s22] =	dma.local [hbm:s5], s20  }
0x9e: {  	_ =	swait.ge [sflag:s22], s20  }
0x9f: {  	s4 =	ssub.s32 $0x0, s20;
	[sflag:s22] =	ssyncset.done $0x0  }
0xa0: {  	[sflag:s22] =	ssyncadd.s32 s4;
	_ =	sdelay $0x1  }
0xa1: {  	s23 =	simm.s32 $0x1B8B  }
0xa2: {  	_ =	swait.ge [sflag:s23], $0x1  }
0xa3: {  	[sflag:s23] =	ssyncset.done $0x0  }
0xa4: {  	s25 =	simm.s32 $0x1B8E;
	s24 =	sld [smem:$0x3FFE];
	[sflag:s23] =	ssyncadd.s32 $0xFFFFFFFF  }
0xa5: {  	s26 =	simm.s32 $execute0_lowered;
	[smem:$0x3FD2] =	sst s25  }
0xa6: {  	s5 =	sshll.u32 s26, $0x1;
	_ =	strace $0x8000004F;
	[dreg:$0x1] =	wrdreg $0xFFFFFFFF  }
0xa7: {  	s28 =	simm.s32 $_size_execute0_lowered;
	s3 =	sadd.s32 s3, s5;
	[dreg:$0x0] =	wrdreg $0x0  }
0xa8: {  	s5 =	sshll.u32 s28, $0x1;
	[dreg:$0x2] =	wrdreg s3  }
0xa9: {  	[dreg:$0x3] =	wrdreg s5  }
0xaa: {  	[dreg:$0x4] =	wrdreg $0xC0  }
0xab: {  	_ =	task [dreg:s7], $0x5FFFF  }
0xac: {  	[dreg:$0x1] =	wrdreg $0xFFFFFFFF  }
0xad: {  	[dreg:$0x0] =	wrdreg $0x60  }
0xae: {  	[dreg:$0x2] =	wrdreg s24  }
0xaf: {  	[dreg:$0x3] =	wrdreg s2  }
0xb0: {  	[dreg:$0x4] =	wrdreg $0x76C00  }
0xb1: {  	[dreg:$0x5] =	wrdreg $0x9  }
0xb2: {  	_ =	task.clear_ibuf [dreg:s7], $0x6FFFF;
	_ =	strace $0x9000004F  }
0xb3: {  	s29 =	simm.s32 $0x9;
	_ =	strace $0x80000051  }
0xb4: {  	_ =	swait.ge [sflag:s29], $0x1  }
0xb5: {  	[sflag:s29] =	ssyncadd.s32 $0xFFFFFFFF  }
0xb6: {  	_ =	strace $0x90000051  }
0xb7: {  	_ =	sfence  }
0xb8: {  	s30 =	sld [smem:$0x0];
	_ =	sdelay $0x2  }
0xb9: {  	s31 =	sshll.u32 s1, $0xD;
	s1 =	sshrl.u32 s1, $0x2  }
0xba: {  	s3 =	sand.u32 $0x4000, s31;
	s1 =	sadd.s32 s1, s30  }
0xbb: {  	s0 =	sor.u32 s3, s0;
	s1 =	sshll.u32 s1, $0x11  }
0xbc: {  	s0 =	sor.u32 s1, s0  }
0xbd: {  	s0 =	sadd.s32 $0x8F2B, s0  }
0xbe: {  	[sflag:s0] =	ssyncadd.remote.s32 $0x1  }
0xbf: {  	_ =	sfence.sel $0xFFFF  }
0xc0: {  	[dreg:$0x0] =	wrdreg $0xFFFFFFFF;
	(pc) =	sbr.abs _section_cstart, $3  }
0xc1: {  	[dreg:$0x1] =	wrdreg $0xFFFFFFFF  }
0xc2: {  	_ =	task.clear_ibuf [dreg:s7], $0x2FFFF;
	_ =	strace $0x9FFFFFFF  }
0xc3: {  	(tm) =	ssettm $0x7FFFFFFF  }
tec
execute0_lowered:
.L_overlay_start_1:
0x0: {  	(tag) =	ssettag $0x1  }
0x1: {  	s0 =	rddreg [dreg:$0x0]  }
0x2: {  	s1 =	rddreg [dreg:$0x1]  }
0x3: {  	s2 =	rddreg [dreg:$0x2];
	s3 =	simm.s32 $0x0  }
0x4: {  	s4 =	srdreg.scid;
	s12 =	stileid.u32;
	s19 =	simm.s32 $0x960  }
0x5: {  	s20 =	simm.s32 $0x7;
	s28 =	simm.s32 $0x4;
	s8 =	smul.u32 $0x61C00, s12  }
0x6: {  	s29 =	simm.s32 $0x44C0;
	s4 =	sand.u32 $0x1, s4;
	s10 =	smul.u32 $0x30E0, s12  }
0x7: {  	s30 =	simm.s32 $0x2;
	s31 =	simm.s32 $0x5;
	s7 =	smul.u32 $0x30E00, s4  }
0x8: {  	[smem:$0x7FF] =	sst s3;
	s5 =	sadd.s32 $0x65400, s0;
	s8 =	sshrl.u32 s8, $0x2  }
0x9: {  	s9 =	sadd.s32 s7, s0;
	s10 =	sadd.s32 s10, s7;
	s7 =	sadd.s32 s8, s2  }
0xa: {  	s6 =	sadd.s32 $0x3800, s0;
	s15 =	smul.u32 $0x30D40, s12;
	s8 =	sadd.s32 $0x3200, s7  }
0xb: {  	_ =	strace $0x80000050;
	s21 =	sadd.s32 $0x6400, s7;
	[dreg:$0x4] =	wrdreg s8  }
0xc: {  	s4 =	ssub.s32 $0x2, s4;
	s22 =	sadd.s32 $0x9600, s7;
	[dreg:$0x5] =	wrdreg s21  }
0xd: {  	s11 =	sshrl.u32 s4, $0x1;
	s23 =	sadd.s32 $0xC800, s7;
	[dreg:$0x6] =	wrdreg s22  }
0xe: {  	s4 =	ssub.s32 s4, s11;
	s24 =	sadd.s32 $0xFA00, s7;
	[dreg:$0x7] =	wrdreg s23  }
0xf: {  	s0 =	sadd.s32 s10, s0;
	s25 =	sadd.s32 $0x12C00, s7;
	[dreg:$0x8] =	wrdreg s24  }
0x10: {  	s26 =	sadd.s32 $0x15E00, s7;
	s16 =	sadd.s32 $0xC7000, s9;
	[dreg:$0x9] =	wrdreg s25  }
0x11: {  	s18 =	smax.u32 s4, $0x1;
	s4 =	simm.s32 $0x6;
	[dreg:$0xa] =	wrdreg s26  }
0x12: {  	s0 =	sadd.s32 $0x128C00, s0;
	s21 =	simm.s32 $0x320;
	s22 =	simm.s32 $0x640  }
0x13: {  	v1 =	vimm.s32 $0x0;
	vm0 =	vcmask $0x300;
	s23 =	simm.s32 $0x3B60;
	s24 =	simm.s32 $0x3E80;
	s25 =	simm.s32 $0x41A0  }
0x14: {  	v0 =	vimm.bf16 $0.0e+00;
	v1 =	vsel vm0, $0x3, v1;
	s26 =	simm.s32 $0x1;
	[dreg:$0xb] =	wrdreg s0;
	s0 =	simm.s32 $0x3  }
.LBB2_1:
0x15: {  	s8 =	simm.s32 $0x40;
	s9 =	simm.s32 $0x0  }
.LBB2_2:
0x16: {  	p0 =	sne.s32 s8, $0xC7C0;
	[tilespmem:s9+$0x960] =	vst v0;
	s9 =	smov.u32 s8;
	s8 =	sadd.s32 $0x40, s8  }
.Ltmp0:
0x17: {  	(pc) =	sbr.rel @p0 .LBB2_2-.Ltmp0, $2  }
0x18: {  	_ =	sdelay $0x2  }
0x19: {  	s9 =	sshra.s32 s9, $0x2  }
0x1a: {  	[tilespmem:s9+$0x960] =	vst v0  }
0x1b: {  	[spmem:s7] =	stream.linear.scatter [tilespmem:s19], [sflag:$0x7], $0x3200, $0x38;
	[tilespmem:$0x1FDC0] =	vst v63  }
0x1c: {  	_ =	swait.ge [sflag:s20], $0x3200  }
0x1d: {  	[sflag:s20] =	ssyncset.done $0x0  }
0x1e: {  	s8 =	rddreg [dreg:$0x4];
	[sflag:s20] =	ssyncadd.s32 $0xFFFFCE00  }
0x1f: {  	[spmem:s8] =	stream.linear.scatter [tilespmem:s19], [sflag:$0x7], $0x3200, $0x38;
	[tilespmem:$0x1FDC0] =	vst v63  }
0x20: {  	_ =	swait.ge [sflag:s20], $0x3200  }
0x21: {  	[sflag:s20] =	ssyncset.done $0x0  }
0x22: {  	s10 =	rddreg [dreg:$0x5];
	[sflag:s20] =	ssyncadd.s32 $0xFFFFCE00  }
0x23: {  	[spmem:s10] =	stream.linear.scatter [tilespmem:s19], [sflag:$0x7], $0x3200, $0x38;
	[tilespmem:$0x1FDC0] =	vst v63  }
0x24: {  	_ =	swait.ge [sflag:s20], $0x3200  }
0x25: {  	[sflag:s20] =	ssyncset.done $0x0  }
0x26: {  	s11 =	rddreg [dreg:$0x6];
	[sflag:s20] =	ssyncadd.s32 $0xFFFFCE00  }
0x27: {  	[spmem:s11] =	stream.linear.scatter [tilespmem:s19], [sflag:$0x7], $0x3200, $0x38;
	[tilespmem:$0x1FDC0] =	vst v63  }
0x28: {  	_ =	swait.ge [sflag:s20], $0x3200  }
0x29: {  	[sflag:s20] =	ssyncset.done $0x0  }
0x2a: {  	s12 =	rddreg [dreg:$0x7];
	[sflag:s20] =	ssyncadd.s32 $0xFFFFCE00  }
0x2b: {  	[spmem:s12] =	stream.linear.scatter [tilespmem:s19], [sflag:$0x7], $0x3200, $0x38;
	[tilespmem:$0x1FDC0] =	vst v63  }
0x2c: {  	_ =	swait.ge [sflag:s20], $0x3200  }
0x2d: {  	[sflag:s20] =	ssyncset.done $0x0  }
0x2e: {  	s13 =	rddreg [dreg:$0x8];
	[sflag:s20] =	ssyncadd.s32 $0xFFFFCE00  }
0x2f: {  	[spmem:s13] =	stream.linear.scatter [tilespmem:s19], [sflag:$0x7], $0x3200, $0x38;
	[tilespmem:$0x1FDC0] =	vst v63  }
0x30: {  	_ =	swait.ge [sflag:s20], $0x3200  }
0x31: {  	[sflag:s20] =	ssyncset.done $0x0  }
0x32: {  	s14 =	rddreg [dreg:$0x9];
	[sflag:s20] =	ssyncadd.s32 $0xFFFFCE00  }
0x33: {  	[spmem:s14] =	stream.linear.scatter [tilespmem:s19], [sflag:$0x7], $0x3200, $0x38;
	[tilespmem:$0x1FDC0] =	vst v63  }
0x34: {  	_ =	swait.ge [sflag:s20], $0x3200  }
0x35: {  	[sflag:s20] =	ssyncset.done $0x0  }
0x36: {  	s17 =	rddreg [dreg:$0xa];
	[sflag:s20] =	ssyncadd.s32 $0xFFFFCE00  }
0x37: {  	[spmem:s17] =	stream.linear.scatter [tilespmem:s19], [sflag:$0x7], $0x2900, $0x38;
	[tilespmem:$0x1FDC0] =	vst v63  }
0x38: {  	_ =	swait.ge [sflag:s20], $0x2900  }
0x39: {  	[sflag:s20] =	ssyncset.done $0x0  }
0x3a: {  	[sflag:s20] =	ssyncadd.s32 $0xFFFFD700  }
0x3b: {  	s9 =	simm.s32 $0x0;
	s8 =	simm.s32 $0x0;
	[bflag:$0x0] =	sbarrier.arrive $0xFFFF  }
.LBB2_4:
0x3c: {  	s10 =	smul.u32 $0x640, s9;
	_ =	sdelay $0x1  }
0x3d: {  	s10 =	sadd.s32 s15, s10  }
0x3e: {  	s10 =	sshrl.u32 s10, $0x3  }
0x3f: {  	s11 =	sadd.s32 s5, s10  }
0x40: {  	[tilespmem:s8], [sflag:$0x1] =	stream.linear.gather [hbm4b:s11+s8], $0x320, $0x38;
	[tilespmem:$0x1FDC0] =	vst v63  }
0x41: {  	s14 =	sadd.s32 s6, s10  }
0x42: {  	[tilespmem:s21], [sflag:$0x1] =	stream.linear.gather [hbm4b:s14+s8], $0x320, $0x38;
	[tilespmem:$0x1FDC0] =	vst v63  }
0x43: {  	s17 =	sadd.s32 s1, s10;
	s10 =	sadd.s32 $0x64, s10  }
0x44: {  	[tilespmem:s22], [sflag:$0x1] =	stream.linear.gather [hbm4b:s17+s8], $0x320, $0x38;
	[tilespmem:$0x1FDC0] =	vst v63  }
0x45: {  	s12 =	sadd.s32 s5, s10  }
0x46: {  	[tilespmem:s23], [sflag:$0x4] =	stream.linear.gather [hbm4b:s12+s8], $0x320, $0x38;
	[tilespmem:$0x1FDC0] =	vst v63  }
0x47: {  	s13 =	sadd.s32 s6, s10  }
0x48: {  	[tilespmem:s24], [sflag:$0x4] =	stream.linear.gather [hbm4b:s13+s8], $0x320, $0x38;
	[tilespmem:$0x1FDC0] =	vst v63  }
0x49: {  	s10 =	sadd.s32 s1, s10  }
0x4a: {  	[tilespmem:s25], [sflag:$0x4] =	stream.linear.gather [hbm4b:s10+s8], $0x320, $0x38;
	[tilespmem:$0x1FDC0] =	vst v63  }
0x4b: {  	_ =	swait.ge [sflag:s26], $0x320  }
0x4c: {  	[sflag:s26] =	ssyncset.done $0x0  }
0x4d: {  	s14 =	simm.s32 $0x1;
	[sflag:s26] =	ssyncadd.s32 $0xFFFFFCE0  }
0x4e: {  	[tilespmem:s19], [sflag:$0x2] =	stream.indirect.gather [hbm4b:s16+s21], $0x10, s8, s21, $0xb8;
	[tilespmem:$0x1FDC0] =	vst v63  }
0x4f: {  	v2 =	vmov s14;
	s17 =	simm.s32 $0x2;
	_ =	swait.ge [sflag:s28], $0x320  }
0x50: {  	v2 =	vshrl.u32 v2, $0x3;
	v3 =	vmov s17;
	[sflag:s28] =	ssyncset.done $0x0  }
0x51: {  	v6 =	vmov s8;
	s14 =	simm.s32 $0xA;
	v2 =	vshll.u32 v2, v1;
	s12 =	simm.s32 $0x3;
	v3 =	vshrl.u32 v3, $0x3;
	[sflag:s28] =	ssyncadd.s32 $0xFFFFFCE0  }
0x52: {  	v8 =	vmov s14;
	v2 =	vadd.s32 $0x1, v2;
	v3 =	vshll.u32 v3, v1;
	[tilespmem:s29], [sflag:$0x5] =	stream.indirect.gather [hbm4b:s16+s21], $0x10, s23, s21, $0xb8;
	[tilespmem:$0x1FDC0] =	vst v63  }
0x53: {  	v4 =	vmov s12;
	s12 =	simm.s32 $0x7;
	v2 =	vbroadcast v2, $0x0;
	v3 =	vadd.s32 $0x2, v3;
	_ =	swait.ge [sflag:s26], $0x320  }
0x54: {  	s14 =	simm.s32 $0x5;
	v4 =	vshrl.u32 v4, $0x3;
	v5 =	vmov s12;
	v3 =	vbroadcast v3, $0x0;
	[sflag:s26] =	ssyncset.done $0x0  }
0x55: {  	s17 =	simm.s32 $0xB;
	v11 =	vmov s14;
	v5 =	vshrl.u32 v5, $0x3;
	v4 =	vshll.u32 v4, v1;
	[sflag:s26] =	ssyncadd.s32 $0xFFFFFCE0  }
0x56: {  	v9 =	vmov s17;
	s17 =	simm.s32 $0x6;
	v5 =	vshll.u32 v5, v1;
	v4 =	vadd.s32 $0x3, v4;
	_ =	swait.ge [sflag:s30], $0x3200  }
0x57: {  	v12 =	vmov s17;
	s13 =	simm.s32 $0x9;
	v5 =	vadd.s32 $0x7, v5;
	v7 =	vbroadcast v4, $0x0;
	[sflag:s30] =	ssyncset.done $0x0  }
0x58: {  	v4 =	vshrl.u32 v6, $0x3;
	v6 =	vmov s13;
	s13 =	simm.s32 $0x4;
	v5 =	vbroadcast v5, $0x0;
	[sflag:s30] =	ssyncadd.s32 $0xFFFFCE00  }
0x59: {  	v10 =	vmov s13;
	v4 =	vshll.u32 v4, v1;
	v13 =	vld.idx.msk [tilespmem:v2+s22+$0x0], $0xffff;
	v2 =	vshrl.u32 v6, $0x3  }
0x5a: {  	s10 =	simm.s32 $0x9A0;
	v6 =	vshrl.u32 v8, $0x3;
	v8 =	vld.idx.msk [tilespmem:v3+s22+$0x0], $0xffff;
	v3 =	vshrl.u32 v9, $0x3;
	v9 =	vshrl.u32 v10, $0x3  }
0x5b: {  	v10 =	vshrl.u32 v11, $0x3;
	v11 =	vbroadcast v4, $0x0;
	v4 =	vshrl.u32 v12, $0x3;
	v12 =	vld [tilespmem:s10+$0x30]  }
0x5c: {  	v15 =	vld [tilespmem:s10+$0xFFFFFFC0];
	v2 =	vshll.u32 v2, v1  }
0x5d: {  	v17 =	vld [tilespmem:s10+$0xFFFFFFE0];
	v6 =	vshll.u32 v6, v1;
	v14 =	vshll.u32 v3, v1;
	v3 =	vshll.u32 v9, v1  }
0x5e: {  	v9 =	vld.idx.msk [tilespmem:v5+s22+$0x0], $0xffff;
	v5 =	vshll.u32 v10, v1;
	v4 =	vshll.u32 v4, v1;
	v3 =	vadd.s32 $0x4, v3  }
0x5f: {  	v21 =	vld [tilespmem:s10+$0x10];
	v2 =	vadd.s32 $0x1, v2;
	v16 =	vbroadcast v3, $0x0;
	v3 =	vadd.s32 $0x5, v5  }
0x60: {  	v22 =	vld [tilespmem:s10+$0x20];
	v5 =	vadd.s32 $0x2, v6;
	v6 =	vadd.s32 $0x6, v4;
	v18 =	vbroadcast v3, $0x0  }
0x61: {  	v10 =	vld [tilespmem:s10+$0xFFFFFFD0];
	v4 =	vadd.s32 $0x3, v14;
	v3 =	vbroadcast v2, $0x0;
	v19 =	vbroadcast v6, $0x0  }
0x62: {  	v2 =	vbroadcast v5, $0x0;
	v6 =	vunpack.i.u.bf16.f32 v12;
	v12 =	vunpack.i.l.bf16.f32 v12  }
0x63: {  	v20 =	vld [tilespmem:s10+$0x0];
	v5 =	vunpack.i.u.bf16.f32 v15;
	v23 =	vunpack.i.u.bf16.f32 v17;
	v17 =	vunpack.i.l.bf16.f32 v17  }
0x64: {  	v14 =	vld [tilespmem:s10+$0xFFFFFFF0];
	v24 =	vunpack.i.u.bf16.f32 v21;
	v12 =	vmul.f32 v12, v9;
	v9 =	vmul.f32 v6, v9  }
0x65: {  	v7 =	vld.idx.msk [tilespmem:v7+s22+$0x0], $0xffff;
	v21 =	vunpack.i.l.bf16.f32 v21;
	v63 =	vunpack.i.u.bf16.f32 v22;
	v6 =	vunpack.i.l.bf16.f32 v15  }
0x66: {  	v15 =	vunpack.i.u.bf16.f32 v10;
	v10 =	vunpack.i.l.bf16.f32 v10;
	v9 =	vpack.i.f32.bf16 v9, v12;
	v12 =	vld.idx.msk [tilespmem:v16+s22+$0x0], $0xffff  }
0x67: {  	v22 =	vunpack.i.l.bf16.f32 v22;
	v17 =	vmul.f32 v17, v8;
	v10 =	vmul.f32 v10, v13;
	v18 =	vld.idx.msk [tilespmem:v18+s22+$0x0], $0xffff  }
0x68: {  	v13 =	vmul.f32 v15, v13;
	v15 =	vunpack.i.u.bf16.f32 v20;
	v20 =	vunpack.i.l.bf16.f32 v20;
	v19 =	vld.idx.msk [tilespmem:v19+s22+$0x0], $0xffff  }
0x69: {  	v62 =	vunpack.i.u.bf16.f32 v14;
	v14 =	vunpack.i.l.bf16.f32 v14;
	[tilespmem:s10+$0x30] =	vst v9;
	v9 =	vmul.f32 v23, v8;
	v8 =	vld.idx.msk [tilespmem:v11+s22+$0x0], $0xffff  }
0x6a: {  	v10 =	vpack.i.f32.bf16 v13, v10;
	v11 =	vmul.f32 v14, v7;
	v7 =	vmul.f32 v62, v7  }
0x6b: {  	[tilespmem:s10+$0xFFFFFFD0] =	vst v10;
	v9 =	vpack.i.f32.bf16 v9, v17;
	v13 =	vmul.f32 v20, v12;
	v12 =	vmul.f32 v15, v12  }
0x6c: {  	v7 =	vpack.i.f32.bf16 v7, v11;
	[tilespmem:s10+$0xFFFFFFE0] =	vst v9;
	v9 =	vmul.f32 v21, v18;
	v10 =	vmul.f32 v24, v18  }
0x6d: {  	s11 =	simm.s32 $0x8;
	s12 =	simm.s32 $0x10;
	s13 =	simm.s32 $0xF;
	[tilespmem:s10+$0xFFFFFFF0] =	vst v7;
	v11 =	vmul.f32 v22, v19;
	v7 =	vpack.i.f32.bf16 v12, v13;
	v12 =	vmul.f32 v63, v19  }
.LBB2_5:
0x6e: {  	p0 =	slt.u32 s12, $0x318;
	v13 =	vmov s13;
	v6 =	vmul.f32 v6, v8;
	v5 =	vmul.f32 v5, v8;
	[tilespmem:s10+$0x0] =	vst v7  }
0x6f: {  	v8 =	vpack.i.f32.bf16 v10, v9;
	v7 =	vshrl.u32 v13, $0x3;
	v9 =	vpack.i.f32.bf16 v12, v11  }
0x70: {  	v4 =	vbroadcast v4, $0x0;
	v7 =	vshll.u32 v7, v1;
	v5 =	vpack.i.f32.bf16 v5, v6;
	[tilespmem:s10+$0x10] =	vst v8  }
0x71: {  	v6 =	vmov s11;
	v7 =	vadd.s32 $0x7, v7;
	[tilespmem:s10+$0x20] =	vst v9  }
0x72: {  	s13 =	sadd.s32 $0x1, s12;
	s14 =	sadd.s32 $0x2, s12;
	s17 =	sadd.s32 $0x3, s12;
	v6 =	vshrl.u32 v6, $0x3;
	v7 =	vbroadcast v7, $0x0;
	[tilespmem:s10+$0xFFFFFFC0] =	vst v5  }
0x73: {  	v8 =	vmov s14;
	s14 =	sadd.s32 $0x5, s11;
	v9 =	vmov s17;
	v5 =	vmov s13;
	s13 =	sadd.s32 $0x4, s11;
	s11 =	sadd.s32 $0x6, s11  }
0x74: {  	v11 =	vmov s14;
	v12 =	vmov s11;
	s11 =	smov.u32 s12;
	v10 =	vld.idx.msk [tilespmem:v3+s22+$0x0], $0xffff;
	v3 =	vmov s13  }
0x75: {  	v8 =	vshrl.u32 v8, $0x3;
	v6 =	vshll.u32 v6, v1;
	v5 =	vshrl.u32 v5, $0x3;
	v13 =	vld.idx.msk [tilespmem:v2+s22+$0x0], $0xffff  }
0x76: {  	s10 =	sadd.s32 $0x80, s10;
	v2 =	vshrl.u32 v9, $0x3;
	v3 =	vshrl.u32 v3, $0x3;
	v9 =	vld.idx.msk [tilespmem:v4+s22+$0x0], $0xffff;
	v4 =	vshrl.u32 v11, $0x3  }
0x77: {  	v5 =	vshll.u32 v5, v1;
	v11 =	vbroadcast v6, $0x0;
	v6 =	vshrl.u32 v12, $0x3;
	v12 =	vld [tilespmem:s10+$0x30]  }
0x78: {  	v8 =	vshll.u32 v8, v1;
	v2 =	vshll.u32 v2, v1;
	v3 =	vshll.u32 v3, v1;
	v7 =	vld.idx.msk [tilespmem:v7+s22+$0x0], $0xffff  }
0x79: {  	v3 =	vadd.s32 $0x4, v3;
	v4 =	vshll.u32 v4, v1;
	v6 =	vshll.u32 v6, v1;
	v14 =	vld [tilespmem:s10+$0xFFFFFFC0]  }
0x7a: {  	v5 =	vadd.s32 $0x1, v5;
	v16 =	vbroadcast v3, $0x0;
	v3 =	vadd.s32 $0x5, v4;
	v15 =	vld [tilespmem:s10+$0xFFFFFFD0]  }
0x7b: {  	v8 =	vadd.s32 $0x2, v8;
	v6 =	vadd.s32 $0x6, v6;
	v18 =	vbroadcast v3, $0x0;
	v17 =	vld [tilespmem:s10+$0xFFFFFFE0]  }
0x7c: {  	v4 =	vadd.s32 $0x3, v2;
	v3 =	vbroadcast v5, $0x0;
	v20 =	vbroadcast v6, $0x0;
	v19 =	vld [tilespmem:s10+$0xFFFFFFF0]  }
0x7d: {  	v2 =	vbroadcast v8, $0x0;
	v6 =	vunpack.i.u.bf16.f32 v12;
	v12 =	vunpack.i.l.bf16.f32 v12;
	v8 =	vld [tilespmem:s10+$0x0]  }
0x7e: {  	v12 =	vmul.f32 v12, v7;
	v7 =	vmul.f32 v6, v7;
	v5 =	vunpack.i.u.bf16.f32 v14;
	v21 =	vld [tilespmem:s10+$0x10]  }
0x7f: {  	v6 =	vunpack.i.l.bf16.f32 v14;
	v14 =	vunpack.i.u.bf16.f32 v15;
	v15 =	vunpack.i.l.bf16.f32 v15;
	v22 =	vld [tilespmem:s10+$0x20]  }
0x80: {  	v7 =	vpack.i.f32.bf16 v7, v12;
	v23 =	vunpack.i.u.bf16.f32 v17;
	v17 =	vunpack.i.l.bf16.f32 v17;
	v16 =	vld.idx.msk [tilespmem:v16+s22+$0x0], $0xffff  }
0x81: {  	v12 =	vmul.f32 v15, v10;
	v15 =	vunpack.i.u.bf16.f32 v19;
	v19 =	vunpack.i.l.bf16.f32 v19;
	v18 =	vld.idx.msk [tilespmem:v18+s22+$0x0], $0xffff;
	[tilespmem:s10+$0x30] =	vst v7  }
0x82: {  	v7 =	vmul.f32 v14, v10;
	v10 =	vunpack.i.u.bf16.f32 v8;
	v14 =	vunpack.i.l.bf16.f32 v8;
	v20 =	vld.idx.msk [tilespmem:v20+s22+$0x0], $0xffff  }
0x83: {  	v8 =	vld.idx.msk [tilespmem:v11+s22+$0x0], $0xffff;
	v11 =	vmul.f32 v17, v13;
	v17 =	vunpack.i.u.bf16.f32 v21;
	v21 =	vunpack.i.l.bf16.f32 v21  }
.Ltmp1:
0x84: {  	v13 =	vmul.f32 v23, v13;
	v23 =	vunpack.i.u.bf16.f32 v22;
	v22 =	vunpack.i.l.bf16.f32 v22;
	(pc) =	sbr.rel @p0 .LBB2_5-.Ltmp1, $4  }
0x85: {  	v7 =	vpack.i.f32.bf16 v7, v12;
	v12 =	vmul.f32 v19, v9;
	v9 =	vmul.f32 v15, v9  }
0x86: {  	[tilespmem:s10+$0xFFFFFFD0] =	vst v7;
	v7 =	vpack.i.f32.bf16 v13, v11;
	v11 =	vmul.f32 v14, v16;
	v13 =	vmul.f32 v10, v16  }
0x87: {  	v10 =	vmul.f32 v17, v18;
	[tilespmem:s10+$0xFFFFFFE0] =	vst v7;
	v7 =	vpack.i.f32.bf16 v9, v12;
	v9 =	vmul.f32 v21, v18  }
0x88: {  	s12 =	sadd.s32 $0x8, s12;
	s13 =	sadd.s32 $0x7, s11;
	v12 =	vmul.f32 v23, v20;
	[tilespmem:s10+$0xFFFFFFF0] =	vst v7;
	v7 =	vpack.i.f32.bf16 v13, v11;
	v11 =	vmul.f32 v22, v20  }
0x89: {  	_ =	sdelay $0x1  }
0x8a: {  	v13 =	vmov s13  }
0x8b: {  	v6 =	vmul.f32 v6, v8;
	v5 =	vmul.f32 v5, v8;
	v8 =	vpack.i.f32.bf16 v10, v9  }
0x8c: {  	v4 =	vbroadcast v4, $0x0;
	v10 =	vmov s11;
	v2 =	vld.idx.msk [tilespmem:v2+s22+$0x0], $0xffff;
	s12 =	sadd.s32 $0x80, s10;
	s17 =	sadd.s32 $0x6, s11;
	v13 =	vshrl.u32 v13, $0x3  }
0x8d: {  	v9 =	vpack.i.f32.bf16 v12, v11;
	v11 =	vld [tilespmem:s12+$0x30];
	v14 =	vmov s17;
	v13 =	vshll.u32 v13, v1  }
0x8e: {  	s13 =	sadd.s32 $0x4, s11;
	v15 =	vld [tilespmem:s12+$0xFFFFFFC0];
	v5 =	vpack.i.f32.bf16 v5, v6;
	v6 =	vshrl.u32 v10, $0x3;
	v13 =	vadd.s32 $0x7, v13  }
0x8f: {  	s14 =	sadd.s32 $0x5, s11;
	v16 =	vld [tilespmem:s12+$0xFFFFFFD0];
	v10 =	vmov s13;
	v14 =	vshrl.u32 v14, $0x3;
	v13 =	vbroadcast v13, $0x0  }
0x90: {  	v12 =	vmov s14;
	v17 =	vld [tilespmem:s12+$0xFFFFFFE0];
	v10 =	vshrl.u32 v10, $0x3;
	v14 =	vshll.u32 v14, v1  }
0x91: {  	v18 =	vld [tilespmem:s12+$0xFFFFFFF0];
	v12 =	vshrl.u32 v12, $0x3;
	v10 =	vshll.u32 v10, v1;
	v14 =	vadd.s32 $0x6, v14  }
0x92: {  	v19 =	vld [tilespmem:s12+$0x0];
	v12 =	vshll.u32 v12, v1;
	v10 =	vadd.s32 $0x4, v10;
	v14 =	vbroadcast v14, $0x0  }
0x93: {  	v22 =	vld [tilespmem:s12+$0x10];
	v12 =	vadd.s32 $0x5, v12;
	v10 =	vbroadcast v10, $0x0  }
0x94: {  	v23 =	vld [tilespmem:s12+$0x20];
	v6 =	vshll.u32 v6, v1;
	v12 =	vbroadcast v12, $0x0  }
0x95: {  	v6 =	vbroadcast v6, $0x0;
	v20 =	vunpack.i.u.bf16.f32 v11;
	v11 =	vunpack.i.l.bf16.f32 v11;
	v13 =	vld.idx.msk [tilespmem:v13+s22+$0x0], $0xffff  }
0x96: {  	v3 =	vld.idx.msk [tilespmem:v3+s22+$0x0], $0xffff;
	v21 =	vunpack.i.u.bf16.f32 v15;
	v15 =	vunpack.i.l.bf16.f32 v15;
	v47 =	vunpack.i.u.bf16.f32 v16  }
0x97: {  	v16 =	vunpack.i.l.bf16.f32 v16;
	v4 =	vld.idx.msk [tilespmem:v4+s22+$0x0], $0xffff;
	v24 =	vunpack.i.u.bf16.f32 v17;
	v17 =	vunpack.i.l.bf16.f32 v17  }
0x98: {  	[tilespmem:s10+$0x20] =	vst v9;
	v48 =	vunpack.i.l.bf16.f32 v18;
	v49 =	vunpack.i.l.bf16.f32 v19;
	v50 =	vunpack.i.u.bf16.f32 v22;
	v9 =	vld.idx.msk [tilespmem:v14+s22+$0x0], $0xffff  }
0x99: {  	[tilespmem:s10+$0x0] =	vst v7;
	v51 =	vunpack.i.l.bf16.f32 v22;
	v14 =	vmul.f32 v17, v2;
	v2 =	vmul.f32 v24, v2;
	v7 =	vld.idx.msk [tilespmem:v10+s22+$0x0], $0xffff  }
0x9a: {  	[tilespmem:s10+$0x10] =	vst v8;
	v52 =	vunpack.i.l.bf16.f32 v23;
	v8 =	vld.idx.msk [tilespmem:v12+s22+$0x0], $0xffff;
	v11 =	vmul.f32 v11, v13;
	v13 =	vmul.f32 v20, v13  }
0x9b: {  	v12 =	vunpack.i.u.bf16.f32 v19;
	v10 =	vmul.f32 v16, v3;
	v3 =	vmul.f32 v47, v3  }
0x9c: {  	[tilespmem:s10+$0xFFFFFFC0] =	vst v5;
	v5 =	vld.idx.msk [tilespmem:v6+s22+$0x0], $0xffff;
	v2 =	vpack.i.f32.bf16 v2, v14;
	v11 =	vpack.i.f32.bf16 v13, v11;
	v13 =	vunpack.i.u.bf16.f32 v18  }
0x9d: {  	v3 =	vpack.i.f32.bf16 v3, v10;
	v10 =	vmul.f32 v48, v4;
	[tilespmem:s12+$0xFFFFFFE0] =	vst v2;
	v4 =	vmul.f32 v13, v4  }
0x9e: {  	v6 =	vunpack.i.u.bf16.f32 v23;
	[tilespmem:s12+$0xFFFFFFD0] =	vst v3;
	v3 =	vmul.f32 v49, v7;
	v7 =	vmul.f32 v12, v7  }
0x9f: {  	[tilespmem:s12+$0x30] =	vst v11;
	v2 =	vpack.i.f32.bf16 v4, v10;
	v4 =	vmul.f32 v51, v8;
	v8 =	vmul.f32 v50, v8  }
0xa0: {  	v6 =	vmul.f32 v6, v9;
	[tilespmem:s12+$0xFFFFFFF0] =	vst v2;
	v2 =	vpack.i.f32.bf16 v7, v3;
	v3 =	vmul.f32 v52, v9  }
0xa1: {  	v7 =	vmul.f32 v15, v5;
	v5 =	vmul.f32 v21, v5;
	[tilespmem:s12+$0x0] =	vst v2;
	v2 =	vpack.i.f32.bf16 v8, v4  }
0xa2: {  	v3 =	vpack.i.f32.bf16 v6, v3;
	[tilespmem:s12+$0x10] =	vst v2  }
0xa3: {  	v2 =	vpack.i.f32.bf16 v5, v7;
	[tilespmem:s12+$0x20] =	vst v3  }
0xa4: {  	s13 =	simm.s32 $0x1;
	[tilespmem:s12+$0xFFFFFFC0] =	vst v2  }
0xa5: {  	s14 =	simm.s32 $0x2;
	v2 =	vmov s13;
	_ =	swait.ge [sflag:s26], $0x320  }
0xa6: {  	s17 =	simm.s32 $0x3;
	v3 =	vmov s14;
	v2 =	vshrl.u32 v2, $0x3;
	[sflag:s26] =	ssyncset.done $0x0  }
0xa7: {  	s11 =	simm.s32 $0x7;
	v4 =	vmov s17;
	v3 =	vshrl.u32 v3, $0x3;
	v2 =	vshll.u32 v2, v1;
	[sflag:s26] =	ssyncadd.s32 $0xFFFFFCE0  }
0xa8: {  	v4 =	vshrl.u32 v4, $0x3;
	v3 =	vshll.u32 v3, v1;
	v2 =	vadd.s32 $0x1, v2;
	[spmem:s2] =	stream.indirect.scatter.add.bf16 [tilespmem:s19], [sflag:$0x3], $0x10, s21, s21, $0xb8;
	[tilespmem:$0x1FDC0] =	vst v63  }
0xa9: {  	s17 =	simm.s32 $0xB;
	v5 =	vmov s11;
	v3 =	vadd.s32 $0x2, v3;
	v2 =	vbroadcast v2, $0x0;
	_ =	swait.ge [sflag:s28], $0x320  }
0xaa: {  	v9 =	vmov s17;
	s17 =	simm.s32 $0x6;
	v5 =	vshrl.u32 v5, $0x3;
	v3 =	vbroadcast v3, $0x0;
	[sflag:s28] =	ssyncset.done $0x0  }
0xab: {  	s12 =	simm.s32 $0x0;
	v4 =	vshll.u32 v4, v1;
	s14 =	simm.s32 $0xA;
	v12 =	vmov s17;
	v5 =	vshll.u32 v5, v1;
	[sflag:s28] =	ssyncadd.s32 $0xFFFFFCE0  }
0xac: {  	v4 =	vadd.s32 $0x3, v4;
	v6 =	vmov s12;
	v8 =	vmov s14;
	_ =	swait.ge [sflag:s31], $0x3200  }
0xad: {  	s13 =	simm.s32 $0x9;
	s14 =	simm.s32 $0x5;
	v5 =	vadd.s32 $0x7, v5;
	v7 =	vbroadcast v4, $0x0;
	v4 =	vshrl.u32 v6, $0x3;
	[sflag:s31] =	ssyncset.done $0x0  }
0xae: {  	v6 =	vmov s13;
	s13 =	simm.s32 $0x4;
	v11 =	vmov s14;
	v5 =	vbroadcast v5, $0x0;
	[sflag:s31] =	ssyncadd.s32 $0xFFFFCE00  }
0xaf: {  	v10 =	vmov s13;
	v4 =	vshll.u32 v4, v1;
	v13 =	vld.idx.msk [tilespmem:v2+s25+$0x0], $0xffff;
	v2 =	vshrl.u32 v6, $0x3  }
0xb0: {  	s10 =	simm.s32 $0x4500;
	v6 =	vshrl.u32 v8, $0x3;
	v8 =	vld.idx.msk [tilespmem:v3+s25+$0x0], $0xffff;
	v3 =	vshrl.u32 v9, $0x3;
	v9 =	vshrl.u32 v10, $0x3  }
0xb1: {  	v10 =	vshrl.u32 v11, $0x3;
	v11 =	vbroadcast v4, $0x0;
	v4 =	vshrl.u32 v12, $0x3;
	v12 =	vld [tilespmem:s10+$0x30]  }
0xb2: {  	v15 =	vld [tilespmem:s10+$0xFFFFFFC0]  }
0xb3: {  	v54 =	vld [tilespmem:s10+$0xFFFFFFE0];
	v2 =	vshll.u32 v2, v1  }
0xb4: {  	v57 =	vld [tilespmem:s10+$0x0];
	v6 =	vshll.u32 v6, v1;
	v14 =	vshll.u32 v3, v1;
	v3 =	vshll.u32 v9, v1  }
0xb5: {  	v9 =	vld.idx.msk [tilespmem:v5+s25+$0x0], $0xffff;
	v5 =	vshll.u32 v10, v1;
	v4 =	vshll.u32 v4, v1;
	v3 =	vadd.s32 $0x4, v3  }
0xb6: {  	v58 =	vld [tilespmem:s10+$0x10];
	v2 =	vadd.s32 $0x1, v2;
	v53 =	vbroadcast v3, $0x0;
	v3 =	vadd.s32 $0x5, v5  }
0xb7: {  	v59 =	vld [tilespmem:s10+$0x20];
	v5 =	vadd.s32 $0x2, v6;
	v6 =	vadd.s32 $0x6, v4;
	v55 =	vbroadcast v3, $0x0  }
0xb8: {  	v4 =	vadd.s32 $0x3, v14;
	v3 =	vbroadcast v2, $0x0;
	v56 =	vbroadcast v6, $0x0  }
0xb9: {  	v10 =	vld [tilespmem:s10+$0xFFFFFFD0];
	v2 =	vbroadcast v5, $0x0;
	v6 =	vunpack.i.u.bf16.f32 v12;
	v12 =	vunpack.i.l.bf16.f32 v12  }
0xba: {  	v5 =	vunpack.i.u.bf16.f32 v15;
	v60 =	vunpack.i.u.bf16.f32 v54;
	v17 =	vunpack.i.l.bf16.f32 v54  }
0xbb: {  	v14 =	vld [tilespmem:s10+$0xFFFFFFF0];
	v20 =	vunpack.i.l.bf16.f32 v57;
	v12 =	vmul.f32 v12, v9;
	v9 =	vmul.f32 v6, v9  }
0xbc: {  	v7 =	vld.idx.msk [tilespmem:v7+s25+$0x0], $0xffff;
	v62 =	vunpack.i.u.bf16.f32 v58;
	v21 =	vunpack.i.l.bf16.f32 v58;
	v63 =	vunpack.i.u.bf16.f32 v59  }
0xbd: {  	v22 =	vunpack.i.l.bf16.f32 v59;
	v6 =	vunpack.i.l.bf16.f32 v15;
	v9 =	vpack.i.f32.bf16 v9, v12;
	v12 =	vld.idx.msk [tilespmem:v53+s25+$0x0], $0xffff  }
0xbe: {  	v15 =	vunpack.i.u.bf16.f32 v10;
	v10 =	vunpack.i.l.bf16.f32 v10;
	v17 =	vmul.f32 v17, v8;
	v18 =	vld.idx.msk [tilespmem:v55+s25+$0x0], $0xffff  }
0xbf: {  	v10 =	vmul.f32 v10, v13;
	v13 =	vmul.f32 v15, v13;
	v15 =	vunpack.i.u.bf16.f32 v57;
	v19 =	vld.idx.msk [tilespmem:v56+s25+$0x0], $0xffff  }
0xc0: {  	v61 =	vunpack.i.u.bf16.f32 v14;
	v14 =	vunpack.i.l.bf16.f32 v14;
	[tilespmem:s10+$0x30] =	vst v9;
	v9 =	vmul.f32 v60, v8;
	v8 =	vld.idx.msk [tilespmem:v11+s25+$0x0], $0xffff  }
0xc1: {  	v10 =	vpack.i.f32.bf16 v13, v10;
	v11 =	vmul.f32 v14, v7;
	v7 =	vmul.f32 v61, v7  }
0xc2: {  	[tilespmem:s10+$0xFFFFFFD0] =	vst v10;
	v9 =	vpack.i.f32.bf16 v9, v17;
	v13 =	vmul.f32 v20, v12;
	v12 =	vmul.f32 v15, v12  }
0xc3: {  	v7 =	vpack.i.f32.bf16 v7, v11;
	[tilespmem:s10+$0xFFFFFFE0] =	vst v9;
	v9 =	vmul.f32 v21, v18;
	v10 =	vmul.f32 v62, v18  }
0xc4: {  	s11 =	simm.s32 $0x8;
	s12 =	simm.s32 $0x10;
	s13 =	simm.s32 $0xF;
	[tilespmem:s10+$0xFFFFFFF0] =	vst v7;
	v11 =	vmul.f32 v22, v19;
	v7 =	vpack.i.f32.bf16 v12, v13;
	v12 =	vmul.f32 v63, v19  }
.LBB2_7:
0xc5: {  	p0 =	slt.u32 s12, $0x318;
	v13 =	vmov s13;
	v6 =	vmul.f32 v6, v8;
	v5 =	vmul.f32 v5, v8;
	[tilespmem:s10+$0x0] =	vst v7  }
0xc6: {  	v8 =	vpack.i.f32.bf16 v10, v9;
	v7 =	vshrl.u32 v13, $0x3;
	v9 =	vpack.i.f32.bf16 v12, v11  }
0xc7: {  	v4 =	vbroadcast v4, $0x0;
	v7 =	vshll.u32 v7, v1;
	v5 =	vpack.i.f32.bf16 v5, v6;
	[tilespmem:s10+$0x10] =	vst v8  }
0xc8: {  	v6 =	vmov s11;
	v7 =	vadd.s32 $0x7, v7;
	[tilespmem:s10+$0x20] =	vst v9  }
0xc9: {  	s13 =	sadd.s32 $0x1, s12;
	s14 =	sadd.s32 $0x2, s12;
	s17 =	sadd.s32 $0x3, s12;
	v6 =	vshrl.u32 v6, $0x3;
	v7 =	vbroadcast v7, $0x0;
	[tilespmem:s10+$0xFFFFFFC0] =	vst v5  }
0xca: {  	v8 =	vmov s14;
	s14 =	sadd.s32 $0x5, s11;
	v9 =	vmov s17;
	v5 =	vmov s13;
	s13 =	sadd.s32 $0x4, s11;
	s11 =	sadd.s32 $0x6, s11  }
0xcb: {  	v11 =	vmov s14;
	v12 =	vmov s11;
	s11 =	smov.u32 s12;
	v10 =	vld.idx.msk [tilespmem:v3+s25+$0x0], $0xffff;
	v3 =	vmov s13  }
0xcc: {  	v8 =	vshrl.u32 v8, $0x3;
	v6 =	vshll.u32 v6, v1;
	v5 =	vshrl.u32 v5, $0x3;
	v13 =	vld.idx.msk [tilespmem:v2+s25+$0x0], $0xffff  }
0xcd: {  	s10 =	sadd.s32 $0x80, s10;
	v2 =	vshrl.u32 v9, $0x3;
	v3 =	vshrl.u32 v3, $0x3;
	v9 =	vld.idx.msk [tilespmem:v4+s25+$0x0], $0xffff;
	v4 =	vshrl.u32 v11, $0x3  }
0xce: {  	v5 =	vshll.u32 v5, v1;
	v11 =	vbroadcast v6, $0x0;
	v6 =	vshrl.u32 v12, $0x3;
	v12 =	vld [tilespmem:s10+$0x30]  }
0xcf: {  	v8 =	vshll.u32 v8, v1;
	v2 =	vshll.u32 v2, v1;
	v3 =	vshll.u32 v3, v1;
	v7 =	vld.idx.msk [tilespmem:v7+s25+$0x0], $0xffff  }
0xd0: {  	v3 =	vadd.s32 $0x4, v3;
	v4 =	vshll.u32 v4, v1;
	v6 =	vshll.u32 v6, v1;
	v14 =	vld [tilespmem:s10+$0xFFFFFFC0]  }
0xd1: {  	v5 =	vadd.s32 $0x1, v5;
	v16 =	vbroadcast v3, $0x0;
	v3 =	vadd.s32 $0x5, v4;
	v15 =	vld [tilespmem:s10+$0xFFFFFFD0]  }
0xd2: {  	v8 =	vadd.s32 $0x2, v8;
	v6 =	vadd.s32 $0x6, v6;
	v18 =	vbroadcast v3, $0x0;
	v17 =	vld [tilespmem:s10+$0xFFFFFFE0]  }
0xd3: {  	v4 =	vadd.s32 $0x3, v2;
	v3 =	vbroadcast v5, $0x0;
	v20 =	vbroadcast v6, $0x0;
	v19 =	vld [tilespmem:s10+$0xFFFFFFF0]  }
0xd4: {  	v2 =	vbroadcast v8, $0x0;
	v6 =	vunpack.i.u.bf16.f32 v12;
	v12 =	vunpack.i.l.bf16.f32 v12;
	v8 =	vld [tilespmem:s10+$0x0]  }
0xd5: {  	v12 =	vmul.f32 v12, v7;
	v7 =	vmul.f32 v6, v7;
	v5 =	vunpack.i.u.bf16.f32 v14;
	v21 =	vld [tilespmem:s10+$0x10]  }
0xd6: {  	v6 =	vunpack.i.l.bf16.f32 v14;
	v14 =	vunpack.i.u.bf16.f32 v15;
	v15 =	vunpack.i.l.bf16.f32 v15;
	v22 =	vld [tilespmem:s10+$0x20]  }
0xd7: {  	v7 =	vpack.i.f32.bf16 v7, v12;
	v23 =	vunpack.i.u.bf16.f32 v17;
	v17 =	vunpack.i.l.bf16.f32 v17;
	v16 =	vld.idx.msk [tilespmem:v16+s25+$0x0], $0xffff  }
0xd8: {  	v12 =	vmul.f32 v15, v10;
	v15 =	vunpack.i.u.bf16.f32 v19;
	v19 =	vunpack.i.l.bf16.f32 v19;
	v18 =	vld.idx.msk [tilespmem:v18+s25+$0x0], $0xffff;
	[tilespmem:s10+$0x30] =	vst v7  }
0xd9: {  	v7 =	vmul.f32 v14, v10;
	v10 =	vunpack.i.u.bf16.f32 v8;
	v14 =	vunpack.i.l.bf16.f32 v8;
	v20 =	vld.idx.msk [tilespmem:v20+s25+$0x0], $0xffff  }
0xda: {  	v8 =	vld.idx.msk [tilespmem:v11+s25+$0x0], $0xffff;
	v11 =	vmul.f32 v17, v13;
	v17 =	vunpack.i.u.bf16.f32 v21;
	v21 =	vunpack.i.l.bf16.f32 v21  }
.Ltmp2:
0xdb: {  	v13 =	vmul.f32 v23, v13;
	v23 =	vunpack.i.u.bf16.f32 v22;
	v22 =	vunpack.i.l.bf16.f32 v22;
	(pc) =	sbr.rel @p0 .LBB2_7-.Ltmp2, $4  }
0xdc: {  	v7 =	vpack.i.f32.bf16 v7, v12;
	v12 =	vmul.f32 v19, v9;
	v9 =	vmul.f32 v15, v9  }
0xdd: {  	[tilespmem:s10+$0xFFFFFFD0] =	vst v7;
	v7 =	vpack.i.f32.bf16 v13, v11;
	v11 =	vmul.f32 v14, v16;
	v13 =	vmul.f32 v10, v16  }
0xde: {  	v10 =	vmul.f32 v17, v18;
	[tilespmem:s10+$0xFFFFFFE0] =	vst v7;
	v7 =	vpack.i.f32.bf16 v9, v12;
	v9 =	vmul.f32 v21, v18  }
0xdf: {  	s12 =	sadd.s32 $0x8, s12;
	s13 =	sadd.s32 $0x7, s11;
	v12 =	vmul.f32 v23, v20;
	[tilespmem:s10+$0xFFFFFFF0] =	vst v7;
	v7 =	vpack.i.f32.bf16 v13, v11;
	v11 =	vmul.f32 v22, v20  }
0xe0: {  	_ =	sdelay $0x1  }
0xe1: {  	v13 =	vmov s13;
	v6 =	vmul.f32 v6, v8  }
0xe2: {  	v5 =	vmul.f32 v5, v8;
	v40 =	vpack.i.f32.bf16 v10, v9;
	v4 =	vbroadcast v4, $0x0  }
0xe3: {  	v3 =	vld.idx.msk [tilespmem:v3+s25+$0x0], $0xffff;
	v42 =	vmov s11;
	s17 =	sadd.s32 $0x4, s11;
	s12 =	sadd.s32 $0x80, s10;
	s14 =	sadd.s32 $0x5, s11;
	v13 =	vshrl.u32 v13, $0x3;
	v41 =	vpack.i.f32.bf16 v12, v11  }
0xe4: {  	v43 =	vshrl.u32 v42, $0x3;
	v44 =	vmov s17;
	s17 =	sadd.s32 $0x6, s11;
	v45 =	vld [tilespmem:s12+$0x30];
	v46 =	vmov s14  }
0xe5: {  	v15 =	vld [tilespmem:s12+$0xFFFFFFC0];
	v13 =	vshll.u32 v13, v1;
	v5 =	vpack.i.f32.bf16 v5, v6;
	v14 =	vmov s17  }
0xe6: {  	v16 =	vld [tilespmem:s12+$0xFFFFFFD0];
	v10 =	vshrl.u32 v44, $0x3;
	v6 =	vshll.u32 v43, v1;
	v12 =	vshrl.u32 v46, $0x3  }
0xe7: {  	v17 =	vld [tilespmem:s12+$0xFFFFFFE0];
	v13 =	vadd.s32 $0x7, v13;
	v10 =	vshll.u32 v10, v1;
	v14 =	vshrl.u32 v14, $0x3  }
0xe8: {  	v18 =	vld [tilespmem:s12+$0xFFFFFFF0];
	v12 =	vshll.u32 v12, v1;
	v13 =	vbroadcast v13, $0x0;
	v10 =	vadd.s32 $0x4, v10  }
0xe9: {  	v19 =	vld [tilespmem:s12+$0x0];
	v14 =	vshll.u32 v14, v1;
	v12 =	vadd.s32 $0x5, v12;
	v10 =	vbroadcast v10, $0x0  }
0xea: {  	v22 =	vld [tilespmem:s12+$0x10];
	v6 =	vbroadcast v6, $0x0;
	v12 =	vbroadcast v12, $0x0;
	v14 =	vadd.s32 $0x6, v14  }
0xeb: {  	v23 =	vld [tilespmem:s12+$0x20];
	v14 =	vbroadcast v14, $0x0;
	v20 =	vunpack.i.u.bf16.f32 v45;
	v11 =	vunpack.i.l.bf16.f32 v45  }
0xec: {  	v2 =	vld.idx.msk [tilespmem:v2+s25+$0x0], $0xffff;
	v21 =	vunpack.i.u.bf16.f32 v15;
	v15 =	vunpack.i.l.bf16.f32 v15;
	v47 =	vunpack.i.u.bf16.f32 v16  }
0xed: {  	v16 =	vunpack.i.l.bf16.f32 v16;
	v4 =	vld.idx.msk [tilespmem:v4+s25+$0x0], $0xffff;
	v48 =	vunpack.i.u.bf16.f32 v17;
	v17 =	vunpack.i.l.bf16.f32 v17  }
0xee: {  	[tilespmem:s10+$0x0] =	vst v7;
	v51 =	vunpack.i.u.bf16.f32 v18;
	v18 =	vunpack.i.l.bf16.f32 v18;
	v53 =	vunpack.i.u.bf16.f32 v19;
	v13 =	vld.idx.msk [tilespmem:v13+s25+$0x0], $0xffff  }
0xef: {  	[tilespmem:s10+$0x10] =	vst v40;
	v19 =	vunpack.i.l.bf16.f32 v19;
	v56 =	vunpack.i.u.bf16.f32 v22;
	v57 =	vunpack.i.l.bf16.f32 v22;
	v49 =	vld.idx.msk [tilespmem:v10+s25+$0x0], $0xffff  }
0xf0: {  	[tilespmem:s10+$0x20] =	vst v41;
	v59 =	vunpack.i.u.bf16.f32 v23;
	v50 =	vmul.f32 v16, v3;
	v3 =	vmul.f32 v47, v3;
	v52 =	vld.idx.msk [tilespmem:v12+s25+$0x0], $0xffff  }
0xf1: {  	[tilespmem:s10+$0xFFFFFFC0] =	vst v5;
	v60 =	vunpack.i.l.bf16.f32 v23;
	v55 =	vmul.f32 v17, v2;
	v2 =	vmul.f32 v48, v2;
	v54 =	vld.idx.msk [tilespmem:v14+s25+$0x0], $0xffff  }
0xf2: {  	v58 =	vld.idx.msk [tilespmem:v6+s25+$0x0], $0xffff;
	v3 =	vpack.i.f32.bf16 v3, v50;
	v61 =	vmul.f32 v18, v4;
	v4 =	vmul.f32 v51, v4  }
0xf3: {  	v2 =	vpack.i.f32.bf16 v2, v55;
	[tilespmem:s12+$0xFFFFFFD0] =	vst v3;
	v11 =	vmul.f32 v11, v13;
	v13 =	vmul.f32 v20, v13  }
0xf4: {  	[tilespmem:s12+$0xFFFFFFE0] =	vst v2;
	v2 =	vpack.i.f32.bf16 v4, v61;
	v3 =	vmul.f32 v19, v49;
	v7 =	vmul.f32 v53, v49  }
0xf5: {  	[tilespmem:s12+$0xFFFFFFF0] =	vst v2;
	v62 =	vmul.f32 v57, v52;
	v8 =	vmul.f32 v56, v52;
	v11 =	vpack.i.f32.bf16 v13, v11  }
0xf6: {  	v6 =	vmul.f32 v59, v54;
	[tilespmem:s12+$0x30] =	vst v11;
	v2 =	vpack.i.f32.bf16 v7, v3;
	v3 =	vmul.f32 v60, v54  }
0xf7: {  	v63 =	vmul.f32 v15, v58;
	v5 =	vmul.f32 v21, v58;
	[tilespmem:s12+$0x0] =	vst v2;
	v2 =	vpack.i.f32.bf16 v8, v62  }
0xf8: {  	v3 =	vpack.i.f32.bf16 v6, v3;
	[tilespmem:s12+$0x10] =	vst v2  }
0xf9: {  	v2 =	vpack.i.f32.bf16 v5, v63;
	[tilespmem:s12+$0x20] =	vst v3  }
0xfa: {  	[tilespmem:s12+$0xFFFFFFC0] =	vst v2  }
0xfb: {  	_ =	swait.ge [sflag:s28], $0x320  }
0xfc: {  	[sflag:s28] =	ssyncset.done $0x0  }
0xfd: {  	s9 =	sadd.s32 $0x1, s9;
	[sflag:s28] =	ssyncadd.s32 $0xFFFFFCE0  }
0xfe: {  	[spmem:s2] =	stream.indirect.scatter.add.bf16 [tilespmem:s29], [sflag:$0x6], $0x10, s24, s21, $0xb8;
	[tilespmem:$0x1FDC0] =	vst v63  }
0xff: {  	p0 =	sne.s32 s9, $0x7D;
	_ =	swait.ge [sflag:s0], $0x3200  }
.Ltmp3:
0x100: {  	[sflag:s0] =	ssyncset.done $0x0;
	(pc) =	sbr.rel @p0 .LBB2_4-.Ltmp3, $4  }
0x101: {  	[sflag:s0] =	ssyncadd.s32 $0xFFFFCE00  }
0x102: {  	_ =	swait.ge [sflag:s4], $0x3200  }
0x103: {  	[sflag:s4] =	ssyncset.done $0x0  }
0x104: {  	[sflag:s4] =	ssyncadd.s32 $0xFFFFCE00  }
0x105: {  	s8 =	stileid.u32;
	[bflag:$0x0] =	sbarrier.arrive $0xFFFF;
	s3 =	sadd.s32 $0x1, s3  }
0x106: {  	s9 =	sshrl.u32 s7, $0x3;
	s8 =	sshll.u32 s8, $0x6;
	p0 =	sne.s32 s3, s18  }
.Ltmp4:
0x107: {  	s10 =	rddreg [dreg:$0xb];
	s8 =	sor.u32 $0x1C07, s8;
	(pc) =	sbr.rel @p0 .LBB2_1-.Ltmp4, $4  }
0x108: {  	[hbm:s10], [sflag:s8] =	dma.local [spmem:s9], $0x30E0  }
0x109: {  	_ =	swait.ge [sflag:s20], $0x30E0  }
0x10a: {  	[sflag:s20] =	ssyncset.done $0x0  }
0x10b: {  	[sflag:s20] =	ssyncadd.s32 $0xFFFFCF20  }
0x10c: {  	_ =	sfence.sel $0x180000  }
0x10d: {  	[bflag:$0x0] =	sbarrier.arrive $0xFFFF  }
0x10e: {  	_ =	strace $0x90000050  }
0x10f: {  	s0 =	stileid.u32;
	[bflag:$0x2] =	sbarrier.arrive $0xFFFF  }
0x110: {  	p0 =	sne.s32 s0, $0x0;
	s0 =	rddreg [dreg:$0x3]  }
0x111: {  	s0 =	sadd.s32 @!p0 $0x100000, s0  }
0x112: {  	[sflag:s0] =	ssyncadd.tile.s32 @!p0 $0x1;
	_ =	shalt  }
.Lfunc_end2:
_tile_overlayer_lowered:
.L_overlay_start_2:
0x113: {  	(tag) =	ssettag $0x2  }
0x114: {  	s0 =	rddreg [dreg:$0x0];
	s2 =	stileid.u32  }
0x115: {  	s1 =	rddreg [dreg:$0x1];
	p0 =	sne.s32 s2, $0x0  }
0x116: {  	s3 =	rddreg [dreg:$0x2];
	[bflag:$0x3] =	sbarrier.arrive $0xFFFF;
	s2 =	simm.s32 @!p0 $0x1C07  }
0x117: {  	[timem:s3], [sflag:s2] =	dma.local @!p0 [hbm:s0], s1  }
0x118: {  	s0 =	simm.s32 @!p0 $0x7  }
0x119: {  	_ =	swait.ge @!p0 [sflag:s0], s1  }
0x11a: {  	s1 =	ssub.s32 @!p0 $0x0, s1;
	[sflag:s0] =	ssyncset.done @!p0 $0x0  }
0x11b: {  	[sflag:s0] =	ssyncadd.s32 @!p0 s1  }
0x11c: {  	[bflag:$0x3] =	sbarrier.arrive $0xFFFF  }
0x11d: {  	_ =	shalt  }

// kernel: kernel.24.cloned.1.call-start
scs
__scs_entry_jumppad:
0x0: {  	(pc) =	sbr.rel $0x88, $3  }
0x1: {  	(tag) =	ssettag $0x0;
	lr =	simm.s32 $0x1  }
0x2: {  	[smem:$0x3F8F] =	sst lr;
	_ =	strace $0xD0000000  }
0x3: {  	_ = 	snop  }
0x4: {  	_ = 	snop  }
0x5: {  	_ = 	snop  }
0x6: {  	_ = 	snop  }
0x7: {  	_ = 	snop  }
__scs_overlays_trampoline_lowered:
0x8: {  	[smem:$0x3F9E] =	sst s0  }
0x9: {  	[smem:$0x3F9F] =	sst s1  }
0xa: {  	[smem:$0x3FA0] =	sst s2  }
0xb: {  	[smem:$0x3FA1] =	sst s3  }
0xc: {  	[smem:$0x3FA2] =	sst s4  }
0xd: {  	[smem:$0x3FA3] =	sst s5  }
0xe: {  	[smem:$0x3FA4] =	sst s6  }
0xf: {  	[smem:$0x3FA5] =	sst s7  }
0x10: {  	[smem:$0x3FA6] =	sst s8  }
0x11: {  	[smem:$0x3FA7] =	sst s9;
	s0 =	simm.s32 @!p0 $0x0  }
0x12: {  	s1 =	sld [smem:$0x3F8D];
	s0 =	simm.s32 @p0 $0x1  }
0x13: {  	[smem:$0x3FA8] =	sst s0;
	s0 =	simm.s32 @!p1 $0x0  }
0x14: {  	s2 =	sld [smem:$0x3F8C];
	s0 =	simm.s32 @p1 $0x1  }
0x15: {  	[smem:$0x3FA9] =	sst s0;
	s0 =	simm.s32 @!p2 $0x0  }
0x16: {  	s3 =	sld [smem:$0x3FDB];
	s0 =	simm.s32 @p2 $0x1  }
0x17: {  	s4 =	simm.s32 $0x1BF5;
	[smem:$0x3FAB] =	sst s0  }
0x18: {  	s0 =	sld [smem:$0x3F8E];
	_ =	swait.ge [sflag:s4], $0x0  }
0x19: {  	s7 =	sld [smem:$0x3F8F]  }
0x1a: {  	s8 =	sadd.s32 $0xFFFFE003, lr  }
0x1b: {  	s9 =	sadd.s32 $0xFFFFFEF7, lr;
	s5 =	simm.s32 $0xFFFFFFFF;
	p2 =	slt.u32 s8, $0xFFFFF086  }
0x1c: {  	p1 =	slt.u32 s9, $0xF7A;
	s5 =	simm.s32 @!p2 $0x0  }
0x1d: {  	s5 =	simm.s32 @p1 $0x1;
	p0 =	seq.s32 s7, s2  }
0x1e: {  	s7 =	smul.u32 @!p0 $0xF7A, s2;
	p2 =	seq.s32 @!p0 s5, $0x0  }
0x1f: {  	s9 =	smul.u32 $0xF7A, s1;
	s8 =	simm.s32 @!p0 $0x1BF5;
	p2 =	por !p2, p0  }
0x20: {  	[sflag:s8] =	ssyncset.s32 @!p0 $0xFFFFF086;
	s6 =	sadd.s32 @!p0 s3, s7;
	s7 =	simm.s32 @!p0 $0x108  }
0x21: {  	s3 =	sadd.s32 s3, s9;
	s6 =	sadd.s32 @!p0 $0x88, s6;
	s7 =	simm.s32 @p2 $0x1082  }
0x22: {  	[simem:s7], [sflag:s8] =	dma.local @!p0 [hbm:s6], $0xF7A  }
0x23: {  	s9 =	sor.u32 $0xD0000000, s2;
	s6 =	simm.s32 $0x108;
	_ =	swait.ge @!p0 [sflag:s8], $0x0  }
0x24: {  	s3 =	sadd.s32 $0x88, s3;
	s6 =	simm.s32 @!p1 $0x1082;
	[sflag:s4] =	ssyncset.s32 $0xFFFFF086  }
0x25: {  	[simem:s6], [sflag:s4] =	dma.local [hbm:s3], $0xF7A  }
0x26: {  	[smem:$0x3F8F] =	sst s1;
	(tag) =	ssettag s2;
	_ =	strace s9  }
0x27: {  	s1 =	sld [smem:$0x3F9F]  }
0x28: {  	s2 =	sld [smem:$0x3FA0]  }
0x29: {  	s4 =	sld [smem:$0x3FA2]  }
0x2a: {  	p0 =	seq.s32 s5, $0x0;
	s5 =	sld [smem:$0x3FA3]  }
0x2b: {  	s6 =	sld [smem:$0x3FA4]  }
0x2c: {  	s7 =	sld [smem:$0x3FA5]  }
0x2d: {  	s3 =	simm.s32 $0x108;
	s8 =	sld [smem:$0x3FA6]  }
0x2e: {  	s3 =	simm.s32 @!p0 $0x1082;
	s9 =	sld [smem:$0x3FA7]  }
0x2f: {  	lr =	sadd.s32 s0, s3;
	s0 =	sld [smem:$0x3F9E]  }
0x30: {  	s3 =	sld [smem:$0x3FA1]  }
0x31: {  	[smem:$0x3FAA] =	sst s10  }
0x32: {  	s10 =	sld [smem:$0x3FA8];
	_ =	sdelay $0x3  }
0x33: {  	p0 =	seq.s32 s10, $0x1;
	s10 =	sld [smem:$0x3FAA];
	_ =	sdelay $0x3  }
0x34: {  	[smem:$0x3FAA] =	sst s10  }
0x35: {  	s10 =	sld [smem:$0x3FA9];
	_ =	sdelay $0x3  }
0x36: {  	p1 =	seq.s32 s10, $0x1;
	s10 =	sld [smem:$0x3FAA];
	_ =	sdelay $0x3  }
0x37: {  	[smem:$0x3FAA] =	sst s10  }
0x38: {  	s10 =	sld [smem:$0x3FAB]  }
0x39: {  	_ = 	snop;
	(pc) =	sbr.ind lr, $3  }
0x3a: {  	_ = 	snop  }
0x3b: {  	_ = 	snop  }
0x3c: {  	p2 =	seq.s32 s10, $0x1;
	s10 =	sld [smem:$0x3FAA]  }
0x3d: {  	_ =	shalt  }
0x3e: {  	_ =	shalt  }
0x3f: {  	_ =	shalt  }
0x40: {  	_ =	shalt  }
0x41: {  	_ =	shalt  }
0x42: {  	_ =	shalt  }
0x43: {  	_ =	shalt  }
0x44: {  	_ =	shalt  }
0x45: {  	_ =	shalt  }
0x46: {  	_ =	shalt  }
0x47: {  	_ =	shalt  }
0x48: {  	_ =	shalt  }
0x49: {  	_ =	shalt  }
0x4a: {  	_ =	shalt  }
0x4b: {  	_ =	shalt  }
0x4c: {  	_ =	shalt  }
0x4d: {  	_ =	shalt  }
0x4e: {  	_ =	shalt  }
0x4f: {  	_ =	shalt  }
0x50: {  	_ =	shalt  }
0x51: {  	_ =	shalt  }
0x52: {  	_ =	shalt  }
0x53: {  	_ =	shalt  }
0x54: {  	_ =	shalt  }
0x55: {  	_ =	shalt  }
0x56: {  	_ =	shalt  }
0x57: {  	_ =	shalt  }
0x58: {  	_ =	shalt  }
0x59: {  	_ =	shalt  }
0x5a: {  	_ =	shalt  }
0x5b: {  	_ =	shalt  }
0x5c: {  	_ =	shalt  }
0x5d: {  	_ =	shalt  }
0x5e: {  	_ =	shalt  }
0x5f: {  	_ =	shalt  }
0x60: {  	_ =	shalt  }
0x61: {  	_ =	shalt  }
0x62: {  	_ =	shalt  }
0x63: {  	_ =	shalt  }
0x64: {  	_ =	shalt  }
0x65: {  	_ =	shalt  }
0x66: {  	_ =	shalt  }
0x67: {  	_ =	shalt  }
0x68: {  	_ =	shalt  }
0x69: {  	_ =	shalt  }
0x6a: {  	_ =	shalt  }
0x6b: {  	_ =	shalt  }
0x6c: {  	_ =	shalt  }
0x6d: {  	_ =	shalt  }
0x6e: {  	_ =	shalt  }
0x6f: {  	_ =	shalt  }
0x70: {  	_ =	shalt  }
0x71: {  	_ =	shalt  }
0x72: {  	_ =	shalt  }
0x73: {  	_ =	shalt  }
0x74: {  	_ =	shalt  }
0x75: {  	_ =	shalt  }
0x76: {  	_ =	shalt  }
0x77: {  	_ =	shalt  }
0x78: {  	_ =	shalt  }
0x79: {  	_ =	shalt  }
0x7a: {  	_ =	shalt  }
0x7b: {  	_ =	shalt  }
0x7c: {  	_ =	shalt  }
0x7d: {  	_ =	shalt  }
0x7e: {  	_ =	shalt  }
0x7f: {  	_ =	shalt  }
0x80: {  	_ =	shalt  }
0x81: {  	_ =	shalt  }
0x82: {  	_ =	shalt  }
0x83: {  	_ =	shalt  }
0x84: {  	_ =	shalt  }
0x85: {  	_ =	shalt  }
0x86: {  	_ =	shalt  }
0x87: {  	_ =	shalt  }
.Lfunc_end0:
.L_simem_size_0:
called_computation.4_lowered:
.L_overlay_start_0:
0x88: {  	s2 =	sld [smem:$0x3FD9]  }
0x89: {  	s3 =	sld [smem:$0x3FFE];
	_ =	sdelay $0x1  }
0x8a: {  	s1 =	srdreg.scid  }
0x8b: {  	s0 =	sand.u32 $0x1, s1  }
0x8c: {  	s17 =	sshll.u32 s0, $0xA;
	s2 =	sadd.s32 s3, s2  }
0x8d: {  	s2 =	sadd.s32 s2, s17  }
0x8e: {  	[smem:$0x3FB6] =	sst s2  }
0x8f: {  	_ = 	snop  }
0x90: {  	s2 =	sld [smem:$0x3FC7];
	(tm) =	ssettm $0x1  }
0x91: {  	s18 =	sld [smem:$0x3FFB];
	_ =	sdelay $0x3  }
0x92: {  	_ =	strace s18  }
0x93: {  	s3 =	sld [smem:$0x3FFC];
	_ =	sdelay $0x3  }
0x94: {  	_ =	strace s3  }
0x95: {  	s3 =	sld [smem:$0x3FFD];
	_ =	sdelay $0x3  }
0x96: {  	_ =	strace s3  }
0x97: {  	_ =	strace $0x8FFFFFFF  }
0x98: {  	s19 =	sld [smem:$0x3FDB];
	_ =	sdelay $0x1  }
0x99: {  	s4 =	simm.s32 $_scs_section_size  }
0x9a: {  	s5 =	simm.s32 $_size__tile_overlayer_lowered;
	s6 =	simm.s32 $_tile_overlayer_lowered  }
0x9b: {  	s22 =	simm.s32 $0x1BFF;
	s21 =	sshll.u32 s6, $0x1;
	s3 =	sadd.s32 s4, s19  }
0x9c: {  	s7 =	simm.s32 $0x0;
	s20 =	sshll.u32 s5, $0x1;
	s5 =	sadd.s32 s21, s3  }
0x9d: {  	[timem:s7], [sflag:s22] =	dma.local [hbm:s5], s20  }
0x9e: {  	_ =	swait.ge [sflag:s22], s20  }
0x9f: {  	s4 =	ssub.s32 $0x0, s20;
	[sflag:s22] =	ssyncset.done $0x0  }
0xa0: {  	[sflag:s22] =	ssyncadd.s32 s4;
	_ =	sdelay $0x1  }
0xa1: {  	s23 =	simm.s32 $0x1B8B  }
0xa2: {  	_ =	swait.ge [sflag:s23], $0x1  }
0xa3: {  	[sflag:s23] =	ssyncset.done $0x0  }
0xa4: {  	s25 =	simm.s32 $0x1B8E;
	s24 =	sld [smem:$0x3FFE];
	[sflag:s23] =	ssyncadd.s32 $0xFFFFFFFF  }
0xa5: {  	s26 =	simm.s32 $execute0_lowered;
	[smem:$0x3FD2] =	sst s25  }
0xa6: {  	s5 =	sshll.u32 s26, $0x1;
	_ =	strace $0x80000052;
	[dreg:$0x1] =	wrdreg $0xFFFFFFFF  }
0xa7: {  	s28 =	simm.s32 $_size_execute0_lowered;
	s3 =	sadd.s32 s3, s5;
	[dreg:$0x0] =	wrdreg $0x0  }
0xa8: {  	s5 =	sshll.u32 s28, $0x1;
	[dreg:$0x2] =	wrdreg s3  }
0xa9: {  	[dreg:$0x3] =	wrdreg s5  }
0xaa: {  	[dreg:$0x4] =	wrdreg $0xC0  }
0xab: {  	_ =	task [dreg:s7], $0x5FFFF  }
0xac: {  	[dreg:$0x1] =	wrdreg $0xFFFFFFFF  }
0xad: {  	[dreg:$0x0] =	wrdreg $0x60  }
0xae: {  	[dreg:$0x2] =	wrdreg s24  }
0xaf: {  	[dreg:$0x3] =	wrdreg s2  }
0xb0: {  	[dreg:$0x4] =	wrdreg $0x76C00  }
0xb1: {  	[dreg:$0x5] =	wrdreg $0x9  }
0xb2: {  	_ =	task.clear_ibuf [dreg:s7], $0x6FFFF;
	_ =	strace $0x90000052  }
0xb3: {  	s29 =	simm.s32 $0x9;
	_ =	strace $0x80000054  }
0xb4: {  	_ =	swait.ge [sflag:s29], $0x1  }
0xb5: {  	[sflag:s29] =	ssyncadd.s32 $0xFFFFFFFF  }
0xb6: {  	_ =	strace $0x90000054  }
0xb7: {  	_ =	sfence  }
0xb8: {  	s30 =	sld [smem:$0x0];
	_ =	sdelay $0x2  }
0xb9: {  	s31 =	sshll.u32 s1, $0xD;
	s1 =	sshrl.u32 s1, $0x2  }
0xba: {  	s3 =	sand.u32 $0x4000, s31;
	s1 =	sadd.s32 s1, s30  }
0xbb: {  	s0 =	sor.u32 s3, s0;
	s1 =	sshll.u32 s1, $0x11  }
0xbc: {  	s0 =	sor.u32 s1, s0  }
0xbd: {  	s0 =	sadd.s32 $0x8F2B, s0  }
0xbe: {  	[sflag:s0] =	ssyncadd.remote.s32 $0x1  }
0xbf: {  	_ =	sfence.sel $0xFFFF  }
0xc0: {  	[dreg:$0x0] =	wrdreg $0xFFFFFFFF;
	(pc) =	sbr.abs _section_cstart, $3  }
0xc1: {  	[dreg:$0x1] =	wrdreg $0xFFFFFFFF  }
0xc2: {  	_ =	task.clear_ibuf [dreg:s7], $0x2FFFF;
	_ =	strace $0x9FFFFFFF  }
0xc3: {  	(tm) =	ssettm $0x7FFFFFFF  }
tec
execute0_lowered:
.L_overlay_start_1:
0x0: {  	(tag) =	ssettag $0x1  }
0x1: {  	s0 =	rddreg [dreg:$0x0]  }
0x2: {  	s1 =	rddreg [dreg:$0x1]  }
0x3: {  	s3 =	rddreg [dreg:$0x2];
	s4 =	simm.s32 $0x0;
	s2 =	srdreg.scid  }
0x4: {  	s12 =	stileid.u32;
	s28 =	simm.s32 $0x3E80;
	s29 =	simm.s32 $0x41A0  }
0x5: {  	s30 =	simm.s32 $0x1;
	s31 =	simm.s32 $0x4;
	s8 =	smul.u32 $0x30E0, s12  }
0x6: {  	[smem:$0x7FF] =	sst s4;
	s2 =	sand.u32 $0x1, s2;
	s10 =	smul.u32 $0x61C00, s12  }
0x7: {  	s5 =	sadd.s32 $0xC7000, s0;
	s6 =	sadd.s32 $0x65400, s0;
	s9 =	smul.u32 $0x30E00, s2  }
0x8: {  	s7 =	sadd.s32 $0x3800, s0;
	_ =	strace $0x80000053;
	s14 =	sshrl.u32 s10, $0x2  }
0x9: {  	s13 =	sshll.u32 s2, $0x4;
	s11 =	sadd.s32 s8, s9;
	s8 =	sadd.s32 s14, s3  }
0xa: {  	s2 =	ssub.s32 $0x2, s2;
	s15 =	sor.u32 s12, s13;
	s17 =	sadd.s32 $0x3200, s8  }
0xb: {  	s16 =	sshrl.u32 s2, $0x1;
	s18 =	sadd.s32 $0x6400, s8;
	[dreg:$0x4] =	wrdreg s17  }
0xc: {  	s12 =	simm.s32 $0x6;
	s19 =	sadd.s32 $0x9600, s8;
	[dreg:$0x5] =	wrdreg s18  }
0xd: {  	s9 =	smul.u32 $0x186A0, s15;
	s21 =	sadd.s32 $0xC800, s8;
	[dreg:$0x6] =	wrdreg s19  }
0xe: {  	s2 =	ssub.s32 s2, s16;
	s22 =	sadd.s32 $0xFA00, s8;
	[dreg:$0x7] =	wrdreg s21  }
0xf: {  	s0 =	sadd.s32 s11, s0;
	s23 =	sadd.s32 $0x12C00, s8;
	[dreg:$0x8] =	wrdreg s22  }
0x10: {  	s24 =	sadd.s32 $0x15E00, s8;
	s11 =	simm.s32 $0x3;
	[dreg:$0x9] =	wrdreg s23  }
0x11: {  	s20 =	sshrl.u32 s9, $0x3;
	[dreg:$0xa] =	wrdreg s24;
	s21 =	smax.u32 s2, $0x1  }
0x12: {  	s22 =	simm.s32 $0x960;
	s23 =	simm.s32 $0x7;
	s24 =	simm.s32 $0x320  }
0x13: {  	s2 =	simm.s32 $0x2;
	s10 =	sadd.s32 $0x3070, s20;
	s20 =	sadd.s32 $0xF7E00, s0  }
0x14: {  	s0 =	simm.s32 $0x44C0;
	s25 =	sadd.s32 s6, s10;
	s26 =	sadd.s32 s7, s10  }
0x15: {  	v1 =	vimm.s32 $0x0;
	vm0 =	vcmask $0x300;
	s19 =	sadd.s32 s1, s10;
	s10 =	simm.s32 $0x5;
	[dreg:$0xb] =	wrdreg s25  }
0x16: {  	v0 =	vimm.f32 $0.0e+00;
	v1 =	vsel vm0, $0x3, v1;
	[dreg:$0xc] =	wrdreg s26;
	s25 =	simm.s32 $0x640;
	s26 =	simm.s32 $0x3B60  }
.LBB2_1:
0x17: {  	s13 =	simm.s32 $0x40;
	s14 =	simm.s32 $0x0  }
.LBB2_2:
0x18: {  	p0 =	sne.s32 s13, $0xC7C0;
	[tilespmem:s14+$0x960] =	vst v0;
	s14 =	smov.u32 s13;
	s13 =	sadd.s32 $0x40, s13  }
.Ltmp0:
0x19: {  	(pc) =	sbr.rel @p0 .LBB2_2-.Ltmp0, $2  }
0x1a: {  	_ =	sdelay $0x2  }
0x1b: {  	s14 =	sshra.s32 s14, $0x2  }
0x1c: {  	[tilespmem:s14+$0x960] =	vst v0  }
0x1d: {  	[spmem:s8] =	stream.linear.scatter [tilespmem:s22], [sflag:$0x7], $0x3200, $0x38;
	[tilespmem:$0x1FDC0] =	vst v63  }
0x1e: {  	_ =	swait.ge [sflag:s23], $0x3200  }
0x1f: {  	[sflag:s23] =	ssyncset.done $0x0  }
0x20: {  	s13 =	rddreg [dreg:$0x4];
	[sflag:s23] =	ssyncadd.s32 $0xFFFFCE00  }
0x21: {  	[spmem:s13] =	stream.linear.scatter [tilespmem:s22], [sflag:$0x7], $0x3200, $0x38;
	[tilespmem:$0x1FDC0] =	vst v63  }
0x22: {  	_ =	swait.ge [sflag:s23], $0x3200  }
0x23: {  	[sflag:s23] =	ssyncset.done $0x0  }
0x24: {  	s18 =	rddreg [dreg:$0x5];
	[sflag:s23] =	ssyncadd.s32 $0xFFFFCE00  }
0x25: {  	[spmem:s18] =	stream.linear.scatter [tilespmem:s22], [sflag:$0x7], $0x3200, $0x38;
	[tilespmem:$0x1FDC0] =	vst v63  }
0x26: {  	_ =	swait.ge [sflag:s23], $0x3200  }
0x27: {  	[sflag:s23] =	ssyncset.done $0x0  }
0x28: {  	s14 =	rddreg [dreg:$0x6];
	[sflag:s23] =	ssyncadd.s32 $0xFFFFCE00  }
0x29: {  	[spmem:s14] =	stream.linear.scatter [tilespmem:s22], [sflag:$0x7], $0x3200, $0x38;
	[tilespmem:$0x1FDC0] =	vst v63  }
0x2a: {  	_ =	swait.ge [sflag:s23], $0x3200  }
0x2b: {  	[sflag:s23] =	ssyncset.done $0x0  }
0x2c: {  	s15 =	rddreg [dreg:$0x7];
	[sflag:s23] =	ssyncadd.s32 $0xFFFFCE00  }
0x2d: {  	[spmem:s15] =	stream.linear.scatter [tilespmem:s22], [sflag:$0x7], $0x3200, $0x38;
	[tilespmem:$0x1FDC0] =	vst v63  }
0x2e: {  	_ =	swait.ge [sflag:s23], $0x3200  }
0x2f: {  	[sflag:s23] =	ssyncset.done $0x0  }
0x30: {  	s16 =	rddreg [dreg:$0x8];
	[sflag:s23] =	ssyncadd.s32 $0xFFFFCE00  }
0x31: {  	[spmem:s16] =	stream.linear.scatter [tilespmem:s22], [sflag:$0x7], $0x3200, $0x38;
	[tilespmem:$0x1FDC0] =	vst v63  }
0x32: {  	_ =	swait.ge [sflag:s23], $0x3200  }
0x33: {  	[sflag:s23] =	ssyncset.done $0x0  }
0x34: {  	s17 =	rddreg [dreg:$0x9];
	[sflag:s23] =	ssyncadd.s32 $0xFFFFCE00  }
0x35: {  	[spmem:s17] =	stream.linear.scatter [tilespmem:s22], [sflag:$0x7], $0x3200, $0x38;
	[tilespmem:$0x1FDC0] =	vst v63  }
0x36: {  	_ =	swait.ge [sflag:s23], $0x3200  }
0x37: {  	[sflag:s23] =	ssyncset.done $0x0  }
0x38: {  	s18 =	rddreg [dreg:$0xa];
	[sflag:s23] =	ssyncadd.s32 $0xFFFFCE00  }
0x39: {  	[spmem:s18] =	stream.linear.scatter [tilespmem:s22], [sflag:$0x7], $0x2900, $0x38;
	[tilespmem:$0x1FDC0] =	vst v63  }
0x3a: {  	_ =	swait.ge [sflag:s23], $0x2900  }
0x3b: {  	[sflag:s23] =	ssyncset.done $0x0  }
0x3c: {  	[sflag:s23] =	ssyncadd.s32 $0xFFFFD700  }
0x3d: {  	s13 =	simm.s32 $0x0;
	s14 =	simm.s32 $0x0;
	[bflag:$0x0] =	sbarrier.arrive $0xFFFF  }
.LBB2_4:
0x3e: {  	s15 =	smul.u32 $0x640, s14;
	_ =	sdelay $0x1  }
0x3f: {  	s15 =	sadd.s32 s9, s15  }
0x40: {  	s15 =	sshrl.u32 s15, $0x3  }
0x41: {  	s16 =	sadd.s32 s6, s15  }
0x42: {  	[tilespmem:s13], [sflag:$0x1] =	stream.linear.gather [hbm4b:s16+s13], $0x320, $0x38;
	[tilespmem:$0x1FDC0] =	vst v63  }
0x43: {  	s17 =	sadd.s32 s7, s15  }
0x44: {  	[tilespmem:s24], [sflag:$0x1] =	stream.linear.gather [hbm4b:s17+s13], $0x320, $0x38;
	[tilespmem:$0x1FDC0] =	vst v63  }
0x45: {  	s18 =	sadd.s32 s1, s15;
	s15 =	sadd.s32 $0x64, s15  }
0x46: {  	[tilespmem:s25], [sflag:$0x1] =	stream.linear.gather [hbm4b:s18+s13], $0x320, $0x38;
	[tilespmem:$0x1FDC0] =	vst v63  }
0x47: {  	s17 =	sadd.s32 s6, s15  }
0x48: {  	[tilespmem:s26], [sflag:$0x4] =	stream.linear.gather [hbm4b:s17+s13], $0x320, $0x38;
	[tilespmem:$0x1FDC0] =	vst v63  }
0x49: {  	s18 =	sadd.s32 s7, s15  }
0x4a: {  	[tilespmem:s28], [sflag:$0x4] =	stream.linear.gather [hbm4b:s18+s13], $0x320, $0x38;
	[tilespmem:$0x1FDC0] =	vst v63  }
0x4b: {  	s15 =	sadd.s32 s1, s15  }
0x4c: {  	[tilespmem:s29], [sflag:$0x4] =	stream.linear.gather [hbm4b:s15+s13], $0x320, $0x38;
	[tilespmem:$0x1FDC0] =	vst v63  }
0x4d: {  	s16 =	simm.s32 $0x2;
	_ =	swait.ge [sflag:s30], $0x320  }
0x4e: {  	v2 =	vmov s13;
	v4 =	vmov s16;
	[sflag:s30] =	ssyncset.done $0x0  }
0x4f: {  	v2 =	vshrl.u32 v2, $0x3;
	v4 =	vshrl.u32 v4, $0x3;
	s17 =	simm.s32 $0x1;
	[sflag:s30] =	ssyncadd.s32 $0xFFFFFCE0  }
0x50: {  	v2 =	vshll.u32 v2, v1;
	v4 =	vshll.u32 v4, v1;
	[tilespmem:s22], [sflag:$0x2] =	stream.indirect.gather [hbm4b:s5+s24], $0x10, s13, s24, $0xb8;
	[tilespmem:$0x1FDC0] =	vst v63  }
0x51: {  	v2 =	vbroadcast v2, $0x0;
	v4 =	vadd.s32 $0x2, v4;
	v3 =	vmov s17;
	s17 =	simm.s32 $0x4;
	_ =	swait.ge [sflag:s31], $0x320  }
0x52: {  	v9 =	vbroadcast v4, $0x0;
	s18 =	simm.s32 $0x3;
	v6 =	vmov s17;
	s17 =	simm.s32 $0x5;
	v3 =	vshrl.u32 v3, $0x3;
	[sflag:s31] =	ssyncset.done $0x0  }
0x53: {  	v5 =	vmov s18;
	s18 =	simm.s32 $0x6;
	v7 =	vmov s17;
	v6 =	vshrl.u32 v6, $0x3;
	[sflag:s31] =	ssyncadd.s32 $0xFFFFFCE0  }
0x54: {  	v3 =	vshll.u32 v3, v1;
	v8 =	vmov s18;
	v5 =	vshrl.u32 v5, $0x3;
	[tilespmem:s0], [sflag:$0x5] =	stream.indirect.gather [hbm4b:s5+s24], $0x10, s26, s24, $0xb8;
	[tilespmem:$0x1FDC0] =	vst v63  }
0x55: {  	v7 =	vshrl.u32 v7, $0x3;
	v6 =	vshll.u32 v6, v1;
	v3 =	vadd.s32 $0x1, v3;
	_ =	swait.ge [sflag:s30], $0x320  }
0x56: {  	v8 =	vshrl.u32 v8, $0x3;
	v5 =	vshll.u32 v5, v1;
	v3 =	vbroadcast v3, $0x0;
	[sflag:s30] =	ssyncset.done $0x0  }
0x57: {  	s16 =	simm.s32 $0x7;
	v7 =	vshll.u32 v7, v1;
	v4 =	vadd.s32 $0x4, v6;
	v5 =	vadd.s32 $0x3, v5;
	[sflag:s30] =	ssyncadd.s32 $0xFFFFFCE0  }
0x58: {  	v6 =	vmov s16;
	v8 =	vshll.u32 v8, v1;
	v5 =	vbroadcast v5, $0x0;
	_ =	swait.ge [sflag:s2], $0x3200  }
0x59: {  	v7 =	vadd.s32 $0x5, v7;
	v10 =	vbroadcast v4, $0x0;
	v4 =	vshrl.u32 v6, $0x3;
	[sflag:s2] =	ssyncset.done $0x0  }
0x5a: {  	v6 =	vadd.s32 $0x6, v8;
	v8 =	vbroadcast v7, $0x0;
	v4 =	vshll.u32 v4, v1;
	[sflag:s2] =	ssyncadd.s32 $0xFFFFCE00  }
0x5b: {  	v6 =	vbroadcast v6, $0x0;
	v7 =	vadd.s32 $0x7, v4;
	v2 =	vld.idx.msk [tilespmem:v2+s25+$0x0], $0xffff  }
0x5c: {  	v11 =	vbroadcast v7, $0x0;
	v4 =	vld.idx.msk [tilespmem:v3+s25+$0x0], $0xffff  }
0x5d: {  	s17 =	simm.s32 $0x8;
	s18 =	simm.s32 $0x9;
	s16 =	simm.s32 $0xA;
	v3 =	vld.idx.msk [tilespmem:v9+s25+$0x0], $0xffff  }
0x5e: {  	v12 =	vmov s18;
	s18 =	simm.s32 $0xC;
	v13 =	vmov s16;
	v7 =	vmov s17;
	v5 =	vld.idx.msk [tilespmem:v5+s25+$0x0], $0xffff  }
0x5f: {  	v15 =	vmov s18;
	s18 =	simm.s32 $0xE;
	v12 =	vshrl.u32 v12, $0x3;
	s17 =	simm.s32 $0xB;
	v9 =	vshrl.u32 v7, $0x3;
	v7 =	vld.idx.msk [tilespmem:v10+s25+$0x0], $0xffff  }
0x60: {  	v16 =	vmov s18;
	v13 =	vshrl.u32 v13, $0x3;
	v14 =	vmov s17;
	s17 =	simm.s32 $0xD;
	v8 =	vld.idx.msk [tilespmem:v8+s25+$0x0], $0xffff  }
0x61: {  	v15 =	vshrl.u32 v15, $0x3;
	v12 =	vshll.u32 v12, v1;
	v10 =	vmov s17;
	v6 =	vld.idx.msk [tilespmem:v6+s25+$0x0], $0xffff  }
0x62: {  	s15 =	simm.s32 $0x9A0;
	v16 =	vshrl.u32 v16, $0x3;
	v18 =	vshll.u32 v13, v1;
	v17 =	vshrl.u32 v10, $0x3;
	v10 =	vld.idx.msk [tilespmem:v11+s25+$0x0], $0xffff  }
0x63: {  	v15 =	vshll.u32 v15, v1;
	v12 =	vadd.s32 $0x1, v12;
	v18 =	vadd.s32 $0x2, v18;
	v11 =	vld [tilespmem:s15+$0x30]  }
0x64: {  	v23 =	vshll.u32 v16, v1;
	v14 =	vshrl.u32 v14, $0x3;
	v13 =	vld [tilespmem:s15+$0xFFFFFFC0];
	v9 =	vshll.u32 v9, v1  }
0x65: {  	v20 =	vadd.s32 $0x4, v15;
	v19 =	vshll.u32 v14, v1;
	v14 =	vld [tilespmem:s15+$0xFFFFFFD0];
	v9 =	vbroadcast v9, $0x0  }
0x66: {  	v16 =	vbroadcast v18, $0x0;
	v22 =	vshll.u32 v17, v1;
	v17 =	vbroadcast v12, $0x0;
	v12 =	vld [tilespmem:s15+$0xFFFFFFE0]  }
0x67: {  	s16 =	simm.s32 $0x10;
	v18 =	vadd.s32 $0x6, v23;
	v21 =	vadd.s32 $0x3, v19;
	s17 =	simm.s32 $0xF;
	v15 =	vld [tilespmem:s15+$0xFFFFFFF0];
	v19 =	vadd.s32 $0x5, v22  }
.LBB2_5:
0x68: {  	p0 =	slt.u32 s16, $0x318;
	v21 =	vbroadcast v21, $0x0;
	v22 =	vmov s17;
	v23 =	vld [tilespmem:s15+$0x0];
	v10 =	vmul.f32 v11, v10  }
0x69: {  	v11 =	vbroadcast v20, $0x0;
	v20 =	vshrl.u32 v22, $0x3;
	v13 =	vmul.f32 v13, v2;
	v22 =	vld [tilespmem:s15+$0x10]  }
0x6a: {  	v19 =	vbroadcast v19, $0x0;
	v20 =	vshll.u32 v20, v1;
	v14 =	vmul.f32 v14, v4;
	v24 =	vld [tilespmem:s15+$0x20];
	[tilespmem:s15+$0x30] =	vst v10  }
0x6b: {  	v2 =	vld.idx.msk [tilespmem:v9+s25+$0x0], $0xffff;
	v9 =	vbroadcast v18, $0x0;
	v10 =	vadd.s32 $0x7, v20;
	[tilespmem:s15+$0xFFFFFFC0] =	vst v13;
	v12 =	vmul.f32 v12, v3  }
0x6c: {  	v3 =	vmov s16;
	v4 =	vld.idx.msk [tilespmem:v17+s25+$0x0], $0xffff;
	v10 =	vbroadcast v10, $0x0;
	[tilespmem:s15+$0xFFFFFFD0] =	vst v14;
	v13 =	vmul.f32 v15, v5  }
0x6d: {  	s17 =	sadd.s32 $0x1, s16;
	s18 =	sadd.s32 $0x2, s16;
	v14 =	vshrl.u32 v3, $0x3;
	v3 =	vld.idx.msk [tilespmem:v16+s25+$0x0], $0xffff;
	[tilespmem:s15+$0xFFFFFFE0] =	vst v12;
	v12 =	vmul.f32 v23, v7  }
0x6e: {  	v15 =	vmov s17;
	s17 =	sadd.s32 $0x3, s16;
	v16 =	vmov s18;
	s18 =	sadd.s32 $0x4, s16;
	v5 =	vld.idx.msk [tilespmem:v21+s25+$0x0], $0xffff;
	[tilespmem:s15+$0xFFFFFFF0] =	vst v13;
	v13 =	vmul.f32 v22, v8  }
0x6f: {  	v17 =	vmov s17;
	s17 =	sadd.s32 $0x5, s16;
	v18 =	vmov s18;
	s18 =	sadd.s32 $0x6, s16;
	v7 =	vld.idx.msk [tilespmem:v11+s25+$0x0], $0xffff;
	[tilespmem:s15+$0x0] =	vst v12;
	v11 =	vmul.f32 v24, v6  }
0x70: {  	v12 =	vshll.u32 v14, v1;
	v14 =	vmov s17;
	v20 =	vmov s18;
	v8 =	vld.idx.msk [tilespmem:v19+s25+$0x0], $0xffff;
	[tilespmem:s15+$0x10] =	vst v13  }
0x71: {  	v13 =	vshrl.u32 v15, $0x3;
	v15 =	vshrl.u32 v16, $0x3;
	v16 =	vshrl.u32 v17, $0x3;
	v6 =	vld.idx.msk [tilespmem:v9+s25+$0x0], $0xffff;
	[tilespmem:s15+$0x20] =	vst v11  }
0x72: {  	v17 =	vshrl.u32 v18, $0x3;
	v14 =	vshrl.u32 v14, $0x3;
	v18 =	vshrl.u32 v20, $0x3;
	s15 =	sadd.s32 $0x80, s15;
	v10 =	vld.idx.msk [tilespmem:v10+s25+$0x0], $0xffff  }
.Ltmp1:
0x73: {  	v9 =	vbroadcast v12, $0x0;
	v12 =	vshll.u32 v13, v1;
	v15 =	vshll.u32 v15, v1;
	v11 =	vld [tilespmem:s15+$0x30];
	(pc) =	sbr.rel @p0 .LBB2_5-.Ltmp1, $4  }
0x74: {  	v16 =	vshll.u32 v16, v1;
	v19 =	vshll.u32 v17, v1;
	v22 =	vshll.u32 v14, v1;
	v13 =	vld [tilespmem:s15+$0xFFFFFFC0]  }
0x75: {  	v18 =	vshll.u32 v18, v1;
	v12 =	vadd.s32 $0x1, v12;
	v15 =	vadd.s32 $0x2, v15;
	v14 =	vld [tilespmem:s15+$0xFFFFFFD0]  }
0x76: {  	v21 =	vadd.s32 $0x3, v16;
	v20 =	vadd.s32 $0x4, v19;
	v17 =	vbroadcast v12, $0x0;
	v12 =	vld [tilespmem:s15+$0xFFFFFFE0]  }
0x77: {  	s17 =	sadd.s32 $0x7, s16;
	s16 =	sadd.s32 $0x8, s16;
	v19 =	vadd.s32 $0x5, v22;
	v18 =	vadd.s32 $0x6, v18;
	v16 =	vbroadcast v15, $0x0;
	v15 =	vld [tilespmem:s15+$0xFFFFFFF0]  }
0x78: {  	_ = 	snop  }
0x79: {  	v23 =	vld [tilespmem:s15+$0x0]  }
0x7a: {  	v24 =	vld [tilespmem:s15+$0x10]  }
0x7b: {  	v25 =	vld [tilespmem:s15+$0x20]  }
0x7c: {  	v22 =	vmov s17;
	v20 =	vbroadcast v20, $0x0;
	v9 =	vld.idx.msk [tilespmem:v9+s25+$0x0], $0xffff  }
0x7d: {  	v17 =	vld.idx.msk [tilespmem:v17+s25+$0x0], $0xffff;
	v22 =	vshrl.u32 v22, $0x3;
	v2 =	vmul.f32 v13, v2  }
0x7e: {  	v18 =	vbroadcast v18, $0x0;
	s16 =	sadd.s32 $0x80, s15;
	v16 =	vld.idx.msk [tilespmem:v16+s25+$0x0], $0xffff;
	v22 =	vshll.u32 v22, v1;
	v4 =	vmul.f32 v14, v4  }
0x7f: {  	v10 =	vmul.f32 v11, v10;
	v22 =	vadd.s32 $0x7, v22;
	[tilespmem:s15+$0xFFFFFFC0] =	vst v2;
	v2 =	vmul.f32 v12, v3;
	v3 =	vld [tilespmem:s16+$0x30]  }
0x80: {  	v22 =	vbroadcast v22, $0x0;
	[tilespmem:s15+$0xFFFFFFD0] =	vst v4;
	v4 =	vmul.f32 v15, v5;
	v5 =	vld [tilespmem:s16+$0xFFFFFFC0]  }
0x81: {  	[tilespmem:s15+$0xFFFFFFE0] =	vst v2;
	v2 =	vmul.f32 v23, v7;
	v7 =	vld [tilespmem:s16+$0xFFFFFFD0]  }
0x82: {  	v21 =	vbroadcast v21, $0x0;
	[tilespmem:s15+$0x30] =	vst v10;
	v20 =	vld.idx.msk [tilespmem:v20+s25+$0x0], $0xffff  }
0x83: {  	[tilespmem:s15+$0xFFFFFFF0] =	vst v4;
	v4 =	vmul.f32 v24, v8;
	v8 =	vld [tilespmem:s16+$0xFFFFFFE0]  }
0x84: {  	v19 =	vbroadcast v19, $0x0;
	v13 =	vld.idx.msk [tilespmem:v18+s25+$0x0], $0xffff;
	[tilespmem:s15+$0x0] =	vst v2;
	v2 =	vmul.f32 v25, v6  }
0x85: {  	[tilespmem:s15+$0x10] =	vst v4;
	v4 =	vld [tilespmem:s16+$0x0]  }
0x86: {  	[tilespmem:s15+$0x20] =	vst v2;
	v2 =	vmul.f32 v5, v9;
	v10 =	vld.idx.msk [tilespmem:v22+s25+$0x0], $0xffff  }
0x87: {  	v9 =	vld [tilespmem:s16+$0x20]  }
0x88: {  	v21 =	vld.idx.msk [tilespmem:v21+s25+$0x0], $0xffff;
	[tilespmem:s16+$0xFFFFFFC0] =	vst v2;
	v2 =	vmul.f32 v8, v16  }
0x89: {  	v6 =	vld [tilespmem:s16+$0xFFFFFFF0]  }
0x8a: {  	v11 =	vld.idx.msk [tilespmem:v19+s25+$0x0], $0xffff;
	[tilespmem:s16+$0xFFFFFFE0] =	vst v2;
	v2 =	vmul.f32 v4, v20  }
0x8b: {  	v5 =	vld [tilespmem:s16+$0x10];
	v3 =	vmul.f32 v3, v10  }
0x8c: {  	s17 =	simm.s32 $0x0;
	[tilespmem:s16+$0x0] =	vst v2;
	v2 =	vmul.f32 v9, v13  }
0x8d: {  	v7 =	vmul.f32 v7, v17;
	v4 =	vmov s17;
	s17 =	simm.s32 $0x2;
	[tilespmem:s16+$0x30] =	vst v3  }
0x8e: {  	v3 =	vmul.f32 v6, v21;
	[tilespmem:s16+$0x20] =	vst v2;
	v2 =	vmov s17;
	s17 =	simm.s32 $0x5  }
0x8f: {  	s15 =	simm.s32 $0x3;
	[tilespmem:s16+$0xFFFFFFD0] =	vst v7;
	v7 =	vmov s17  }
0x90: {  	v2 =	vshrl.u32 v2, $0x3;
	[tilespmem:s16+$0xFFFFFFF0] =	vst v3;
	v3 =	vmul.f32 v5, v11;
	v5 =	vmov s15  }
0x91: {  	v7 =	vshrl.u32 v7, $0x3;
	v2 =	vshll.u32 v2, v1;
	v5 =	vshrl.u32 v5, $0x3  }
0x92: {  	s18 =	simm.s32 $0x1;
	v7 =	vshll.u32 v7, v1;
	v2 =	vadd.s32 $0x2, v2;
	[tilespmem:s16+$0x10] =	vst v3;
	v3 =	vshrl.u32 v4, $0x3  }
0x93: {  	v4 =	vmov s18;
	s18 =	simm.s32 $0x4;
	v5 =	vshll.u32 v5, v1;
	v9 =	vbroadcast v2, $0x0;
	_ =	swait.ge [sflag:s30], $0x320  }
0x94: {  	v7 =	vadd.s32 $0x5, v7;
	v6 =	vmov s18;
	s18 =	simm.s32 $0x6;
	v3 =	vshll.u32 v3, v1;
	[sflag:s30] =	ssyncset.done $0x0  }
0x95: {  	v4 =	vshrl.u32 v4, $0x3;
	v5 =	vadd.s32 $0x3, v5;
	v8 =	vmov s18;
	[sflag:s30] =	ssyncadd.s32 $0xFFFFFCE0  }
0x96: {  	v6 =	vshrl.u32 v6, $0x3;
	v3 =	vbroadcast v3, $0x0;
	v4 =	vshll.u32 v4, v1;
	[spmem:s3] =	stream.indirect.scatter.add.f32 [tilespmem:s22], [sflag:$0x3], $0x10, s24, s24, $0xb8;
	[tilespmem:$0x1FDC0] =	vst v63  }
0x97: {  	v5 =	vbroadcast v5, $0x0;
	v6 =	vshll.u32 v6, v1;
	v4 =	vadd.s32 $0x1, v4;
	_ =	swait.ge [sflag:s31], $0x320  }
0x98: {  	s16 =	simm.s32 $0x7;
	v8 =	vshrl.u32 v8, $0x3;
	v4 =	vbroadcast v4, $0x0;
	v2 =	vadd.s32 $0x4, v6;
	[sflag:s31] =	ssyncset.done $0x0  }
0x99: {  	v8 =	vshll.u32 v8, v1;
	v6 =	vmov s16;
	v10 =	vbroadcast v2, $0x0;
	[sflag:s31] =	ssyncadd.s32 $0xFFFFFCE0  }
0x9a: {  	v2 =	vshrl.u32 v6, $0x3;
	v6 =	vadd.s32 $0x6, v8;
	v8 =	vbroadcast v7, $0x0;
	_ =	swait.ge [sflag:s10], $0x3200  }
0x9b: {  	[sflag:s10] =	ssyncset.done $0x0  }
0x9c: {  	v7 =	vshll.u32 v2, v1;
	[sflag:s10] =	ssyncadd.s32 $0xFFFFCE00  }
0x9d: {  	v2 =	vld.idx.msk [tilespmem:v3+s29+$0x0], $0xffff;
	v3 =	vadd.s32 $0x7, v7  }
0x9e: {  	s18 =	simm.s32 $0x9;
	s16 =	simm.s32 $0xA;
	v4 =	vld.idx.msk [tilespmem:v4+s29+$0x0], $0xffff;
	v11 =	vbroadcast v3, $0x0  }
0x9f: {  	v12 =	vmov s18;
	s18 =	simm.s32 $0xC;
	v13 =	vmov s16;
	v5 =	vld.idx.msk [tilespmem:v5+s29+$0x0], $0xffff  }
0xa0: {  	s17 =	simm.s32 $0x8;
	s15 =	simm.s32 $0x4500;
	v15 =	vmov s18;
	v13 =	vshrl.u32 v13, $0x3;
	v8 =	vld.idx.msk [tilespmem:v8+s29+$0x0], $0xffff  }
0xa1: {  	s18 =	simm.s32 $0xE;
	v12 =	vshrl.u32 v12, $0x3;
	v18 =	vshll.u32 v13, v1;
	v7 =	vmov s17;
	s17 =	simm.s32 $0xB;
	v13 =	vld [tilespmem:s15+$0xFFFFFFC0]  }
0xa2: {  	v16 =	vmov s18;
	v15 =	vshrl.u32 v15, $0x3;
	v3 =	vld.idx.msk [tilespmem:v9+s29+$0x0], $0xffff;
	v14 =	vmov s17;
	s17 =	simm.s32 $0xD  }
0xa3: {  	v6 =	vbroadcast v6, $0x0;
	v9 =	vshrl.u32 v7, $0x3;
	v7 =	vld.idx.msk [tilespmem:v10+s29+$0x0], $0xffff;
	v10 =	vmov s17  }
0xa4: {  	v12 =	vshll.u32 v12, v1;
	v16 =	vshrl.u32 v16, $0x3;
	v17 =	vshrl.u32 v10, $0x3;
	v10 =	vld.idx.msk [tilespmem:v11+s29+$0x0], $0xffff  }
0xa5: {  	v15 =	vshll.u32 v15, v1;
	v12 =	vadd.s32 $0x1, v12;
	v23 =	vshll.u32 v16, v1;
	v11 =	vld [tilespmem:s15+$0x30]  }
0xa6: {  	v20 =	vadd.s32 $0x4, v15;
	v15 =	vld [tilespmem:s15+$0xFFFFFFF0];
	v9 =	vshll.u32 v9, v1;
	v14 =	vshrl.u32 v14, $0x3  }
0xa7: {  	v18 =	vadd.s32 $0x2, v18;
	v9 =	vbroadcast v9, $0x0;
	v19 =	vshll.u32 v14, v1;
	v14 =	vld [tilespmem:s15+$0xFFFFFFD0]  }
0xa8: {  	v16 =	vbroadcast v18, $0x0;
	v22 =	vshll.u32 v17, v1;
	v17 =	vbroadcast v12, $0x0;
	v12 =	vld [tilespmem:s15+$0xFFFFFFE0]  }
0xa9: {  	s16 =	simm.s32 $0x10;
	v18 =	vadd.s32 $0x6, v23;
	v6 =	vld.idx.msk [tilespmem:v6+s29+$0x0], $0xffff;
	s17 =	simm.s32 $0xF;
	v21 =	vadd.s32 $0x3, v19;
	v19 =	vadd.s32 $0x5, v22  }
.LBB2_7:
0xaa: {  	p0 =	slt.u32 s16, $0x318;
	v21 =	vbroadcast v21, $0x0;
	v22 =	vmov s17;
	v23 =	vld [tilespmem:s15+$0x0];
	v10 =	vmul.f32 v11, v10  }
0xab: {  	v11 =	vbroadcast v20, $0x0;
	v20 =	vshrl.u32 v22, $0x3;
	v13 =	vmul.f32 v13, v2;
	v22 =	vld [tilespmem:s15+$0x10]  }
0xac: {  	v19 =	vbroadcast v19, $0x0;
	v20 =	vshll.u32 v20, v1;
	v14 =	vmul.f32 v14, v4;
	v24 =	vld [tilespmem:s15+$0x20];
	[tilespmem:s15+$0x30] =	vst v10  }
0xad: {  	v2 =	vld.idx.msk [tilespmem:v9+s29+$0x0], $0xffff;
	v9 =	vbroadcast v18, $0x0;
	v10 =	vadd.s32 $0x7, v20;
	[tilespmem:s15+$0xFFFFFFC0] =	vst v13;
	v12 =	vmul.f32 v12, v3  }
0xae: {  	v3 =	vmov s16;
	v4 =	vld.idx.msk [tilespmem:v17+s29+$0x0], $0xffff;
	v10 =	vbroadcast v10, $0x0;
	[tilespmem:s15+$0xFFFFFFD0] =	vst v14;
	v13 =	vmul.f32 v15, v5  }
0xaf: {  	s17 =	sadd.s32 $0x1, s16;
	s18 =	sadd.s32 $0x2, s16;
	v14 =	vshrl.u32 v3, $0x3;
	v3 =	vld.idx.msk [tilespmem:v16+s29+$0x0], $0xffff;
	[tilespmem:s15+$0xFFFFFFE0] =	vst v12;
	v12 =	vmul.f32 v23, v7  }
0xb0: {  	v15 =	vmov s17;
	s17 =	sadd.s32 $0x3, s16;
	v16 =	vmov s18;
	s18 =	sadd.s32 $0x4, s16;
	v5 =	vld.idx.msk [tilespmem:v21+s29+$0x0], $0xffff;
	[tilespmem:s15+$0xFFFFFFF0] =	vst v13;
	v13 =	vmul.f32 v22, v8  }
0xb1: {  	v17 =	vmov s17;
	s17 =	sadd.s32 $0x5, s16;
	v18 =	vmov s18;
	s18 =	sadd.s32 $0x6, s16;
	v7 =	vld.idx.msk [tilespmem:v11+s29+$0x0], $0xffff;
	[tilespmem:s15+$0x0] =	vst v12;
	v11 =	vmul.f32 v24, v6  }
0xb2: {  	v12 =	vshll.u32 v14, v1;
	v14 =	vmov s17;
	v20 =	vmov s18;
	v8 =	vld.idx.msk [tilespmem:v19+s29+$0x0], $0xffff;
	[tilespmem:s15+$0x10] =	vst v13  }
0xb3: {  	v13 =	vshrl.u32 v15, $0x3;
	v15 =	vshrl.u32 v16, $0x3;
	v16 =	vshrl.u32 v17, $0x3;
	v6 =	vld.idx.msk [tilespmem:v9+s29+$0x0], $0xffff;
	[tilespmem:s15+$0x20] =	vst v11  }
0xb4: {  	v17 =	vshrl.u32 v18, $0x3;
	v14 =	vshrl.u32 v14, $0x3;
	v18 =	vshrl.u32 v20, $0x3;
	s15 =	sadd.s32 $0x80, s15;
	v10 =	vld.idx.msk [tilespmem:v10+s29+$0x0], $0xffff  }
.Ltmp2:
0xb5: {  	v9 =	vbroadcast v12, $0x0;
	v12 =	vshll.u32 v13, v1;
	v15 =	vshll.u32 v15, v1;
	v11 =	vld [tilespmem:s15+$0x30];
	(pc) =	sbr.rel @p0 .LBB2_7-.Ltmp2, $4  }
0xb6: {  	v16 =	vshll.u32 v16, v1;
	v19 =	vshll.u32 v17, v1;
	v22 =	vshll.u32 v14, v1;
	v13 =	vld [tilespmem:s15+$0xFFFFFFC0]  }
0xb7: {  	v18 =	vshll.u32 v18, v1;
	v12 =	vadd.s32 $0x1, v12;
	v15 =	vadd.s32 $0x2, v15;
	v14 =	vld [tilespmem:s15+$0xFFFFFFD0]  }
0xb8: {  	v21 =	vadd.s32 $0x3, v16;
	v20 =	vadd.s32 $0x4, v19;
	v17 =	vbroadcast v12, $0x0;
	v12 =	vld [tilespmem:s15+$0xFFFFFFE0]  }
0xb9: {  	s17 =	sadd.s32 $0x7, s16;
	s16 =	sadd.s32 $0x8, s16;
	v19 =	vadd.s32 $0x5, v22;
	v18 =	vadd.s32 $0x6, v18;
	v16 =	vbroadcast v15, $0x0;
	v15 =	vld [tilespmem:s15+$0xFFFFFFF0]  }
0xba: {  	_ = 	snop  }
0xbb: {  	v23 =	vld [tilespmem:s15+$0x0]  }
0xbc: {  	v24 =	vld [tilespmem:s15+$0x10]  }
0xbd: {  	v25 =	vld [tilespmem:s15+$0x20]  }
0xbe: {  	v9 =	vld.idx.msk [tilespmem:v9+s29+$0x0], $0xffff  }
0xbf: {  	v22 =	vmov s17;
	v17 =	vld.idx.msk [tilespmem:v17+s29+$0x0], $0xffff  }
0xc0: {  	s16 =	sadd.s32 $0x80, s15;
	v22 =	vshrl.u32 v22, $0x3;
	v16 =	vld.idx.msk [tilespmem:v16+s29+$0x0], $0xffff  }
0xc1: {  	v56 =	vld [tilespmem:s16+$0xFFFFFFC0];
	v22 =	vshll.u32 v22, v1  }
0xc2: {  	v57 =	vld [tilespmem:s16+$0xFFFFFFD0];
	v22 =	vadd.s32 $0x7, v22  }
0xc3: {  	v2 =	vmul.f32 v13, v2;
	v59 =	vld [tilespmem:s16+$0xFFFFFFE0];
	v22 =	vbroadcast v22, $0x0  }
0xc4: {  	v20 =	vbroadcast v20, $0x0;
	v10 =	vmul.f32 v11, v10;
	v60 =	vld [tilespmem:s16+$0xFFFFFFF0]  }
0xc5: {  	v21 =	vbroadcast v21, $0x0;
	v61 =	vld [tilespmem:s16+$0x0];
	[tilespmem:s15+$0xFFFFFFC0] =	vst v2;
	v2 =	vmul.f32 v12, v3  }
0xc6: {  	v18 =	vbroadcast v18, $0x0;
	v62 =	vld [tilespmem:s16+$0x10];
	v4 =	vmul.f32 v14, v4;
	[tilespmem:s15+$0x30] =	vst v10  }
0xc7: {  	v19 =	vbroadcast v19, $0x0;
	v63 =	vld [tilespmem:s16+$0x20];
	[tilespmem:s15+$0xFFFFFFE0] =	vst v2;
	v2 =	vmul.f32 v23, v7  }
0xc8: {  	v3 =	vld [tilespmem:s16+$0x30];
	[tilespmem:s15+$0xFFFFFFD0] =	vst v4;
	v55 =	vmul.f32 v15, v5  }
0xc9: {  	[tilespmem:s15+$0x0] =	vst v2;
	v2 =	vmul.f32 v25, v6;
	v54 =	vld.idx.msk [tilespmem:v22+s29+$0x0], $0xffff  }
0xca: {  	v58 =	vmul.f32 v24, v8;
	v20 =	vld.idx.msk [tilespmem:v20+s29+$0x0], $0xffff;
	[tilespmem:s15+$0xFFFFFFF0] =	vst v55  }
0xcb: {  	v21 =	vld.idx.msk [tilespmem:v21+s29+$0x0], $0xffff;
	[tilespmem:s15+$0x20] =	vst v2;
	v2 =	vmul.f32 v56, v9  }
0xcc: {  	v53 =	vld.idx.msk [tilespmem:v18+s29+$0x0], $0xffff;
	v7 =	vmul.f32 v57, v17;
	[tilespmem:s15+$0x10] =	vst v58  }
0xcd: {  	v52 =	vld.idx.msk [tilespmem:v19+s29+$0x0], $0xffff;
	[tilespmem:s16+$0xFFFFFFC0] =	vst v2;
	v2 =	vmul.f32 v59, v16  }
0xce: {  	[tilespmem:s16+$0xFFFFFFD0] =	vst v7;
	v3 =	vmul.f32 v3, v54  }
0xcf: {  	[tilespmem:s16+$0xFFFFFFE0] =	vst v2;
	v2 =	vmul.f32 v61, v20  }
0xd0: {  	[tilespmem:s16+$0x30] =	vst v3;
	v3 =	vmul.f32 v60, v21  }
0xd1: {  	[tilespmem:s16+$0x0] =	vst v2;
	v2 =	vmul.f32 v63, v53  }
0xd2: {  	[tilespmem:s16+$0xFFFFFFF0] =	vst v3;
	v3 =	vmul.f32 v62, v52  }
0xd3: {  	[tilespmem:s16+$0x20] =	vst v2  }
0xd4: {  	[tilespmem:s16+$0x10] =	vst v3  }
0xd5: {  	_ =	swait.ge [sflag:s31], $0x320  }
0xd6: {  	[sflag:s31] =	ssyncset.done $0x0  }
0xd7: {  	s14 =	sadd.s32 $0x1, s14;
	[sflag:s31] =	ssyncadd.s32 $0xFFFFFCE0  }
0xd8: {  	[spmem:s3] =	stream.indirect.scatter.add.f32 [tilespmem:s0], [sflag:$0x6], $0x10, s28, s24, $0xb8;
	[tilespmem:$0x1FDC0] =	vst v63  }
0xd9: {  	p0 =	sne.s32 s14, $0x3E;
	_ =	swait.ge [sflag:s11], $0x3200  }
.Ltmp3:
0xda: {  	[sflag:s11] =	ssyncset.done $0x0;
	(pc) =	sbr.rel @p0 .LBB2_4-.Ltmp3, $4  }
0xdb: {  	[sflag:s11] =	ssyncadd.s32 $0xFFFFCE00  }
0xdc: {  	_ =	swait.ge [sflag:s12], $0x3200  }
0xdd: {  	[sflag:s12] =	ssyncset.done $0x0  }
0xde: {  	[sflag:s12] =	ssyncadd.s32 $0xFFFFCE00  }
0xdf: {  	s13 =	simm.s32 $0x0;
	s14 =	rddreg [dreg:$0xb]  }
0xe0: {  	[tilespmem:s13], [sflag:$0x7] =	stream.linear.gather [hbm4b:s14+s13], $0x320, $0x38;
	[tilespmem:$0x1FDC0] =	vst v63  }
0xe1: {  	s18 =	simm.s32 $0x1;
	_ =	swait.ge [sflag:s23], $0x320  }
0xe2: {  	s15 =	simm.s32 $0x2;
	s16 =	simm.s32 $0x4;
	[sflag:s23] =	ssyncset.done $0x0  }
0xe3: {  	v4 =	vmov s15;
	s15 =	simm.s32 $0x3;
	s17 =	rddreg [dreg:$0xc];
	[sflag:s23] =	ssyncadd.s32 $0xFFFFFCE0  }
0xe4: {  	v2 =	vmov s13;
	v3 =	vmov s18;
	[tilespmem:s24], [sflag:$0x7] =	stream.linear.gather [hbm4b:s17+s13], $0x320, $0x38;
	[tilespmem:$0x1FDC0] =	vst v63  }
0xe5: {  	v6 =	vmov s16;
	s18 =	simm.s32 $0x6;
	v2 =	vshrl.u32 v2, $0x3;
	v5 =	vmov s15;
	_ =	swait.ge [sflag:s23], $0x320  }
0xe6: {  	v8 =	vmov s18;
	v3 =	vshrl.u32 v3, $0x3;
	v4 =	vshrl.u32 v4, $0x3;
	[sflag:s23] =	ssyncset.done $0x0  }
0xe7: {  	v6 =	vshrl.u32 v6, $0x3;
	v2 =	vshll.u32 v2, v1;
	v5 =	vshrl.u32 v5, $0x3;
	[sflag:s23] =	ssyncadd.s32 $0xFFFFFCE0  }
0xe8: {  	v8 =	vshrl.u32 v8, $0x3;
	v3 =	vshll.u32 v3, v1;
	v4 =	vshll.u32 v4, v1;
	[tilespmem:s25], [sflag:$0x7] =	stream.linear.gather [hbm4b:s19+s13], $0x320, $0x38;
	[tilespmem:$0x1FDC0] =	vst v63  }
0xe9: {  	v6 =	vshll.u32 v6, v1;
	v2 =	vbroadcast v2, $0x0;
	v5 =	vshll.u32 v5, v1;
	_ =	swait.ge [sflag:s23], $0x320  }
0xea: {  	v3 =	vadd.s32 $0x1, v3;
	v4 =	vadd.s32 $0x2, v4;
	v8 =	vshll.u32 v8, v1;
	s17 =	simm.s32 $0x5;
	[sflag:s23] =	ssyncset.done $0x0  }
0xeb: {  	s15 =	simm.s32 $0x7;
	v3 =	vbroadcast v3, $0x0;
	v5 =	vadd.s32 $0x3, v5;
	v7 =	vmov s17;
	[sflag:s23] =	ssyncadd.s32 $0xFFFFFCE0  }
0xec: {  	v9 =	vbroadcast v4, $0x0;
	v4 =	vadd.s32 $0x4, v6;
	v7 =	vshrl.u32 v7, $0x3;
	[tilespmem:s22], [sflag:$0x2] =	stream.indirect.gather [hbm4b:s5+s24], $0x10, s13, s24, $0xb8;
	[tilespmem:$0x1FDC0] =	vst v63  }
0xed: {  	v6 =	vmov s15;
	v5 =	vbroadcast v5, $0x0;
	v7 =	vshll.u32 v7, v1;
	_ =	swait.ge [sflag:s2], $0x3200  }
0xee: {  	v10 =	vbroadcast v4, $0x0;
	v4 =	vshrl.u32 v6, $0x3;
	v7 =	vadd.s32 $0x5, v7;
	[sflag:s2] =	ssyncset.done $0x0  }
0xef: {  	v6 =	vadd.s32 $0x6, v8;
	v4 =	vshll.u32 v4, v1;
	v8 =	vbroadcast v7, $0x0;
	[sflag:s2] =	ssyncadd.s32 $0xFFFFCE00  }
0xf0: {  	v6 =	vbroadcast v6, $0x0;
	v7 =	vadd.s32 $0x7, v4;
	v2 =	vld.idx.msk [tilespmem:v2+s25+$0x0], $0xffff  }
0xf1: {  	s18 =	simm.s32 $0xA;
	v11 =	vbroadcast v7, $0x0;
	v4 =	vld.idx.msk [tilespmem:v3+s25+$0x0], $0xffff  }
0xf2: {  	s16 =	simm.s32 $0x8;
	v13 =	vmov s18;
	s18 =	simm.s32 $0xE;
	v3 =	vld.idx.msk [tilespmem:v9+s25+$0x0], $0xffff  }
0xf3: {  	v16 =	vmov s18;
	v7 =	vmov s16;
	v5 =	vld.idx.msk [tilespmem:v5+s25+$0x0], $0xffff  }
0xf4: {  	v13 =	vshrl.u32 v13, $0x3;
	s15 =	simm.s32 $0xB;
	v16 =	vshrl.u32 v16, $0x3;
	s17 =	simm.s32 $0x9;
	v9 =	vshrl.u32 v7, $0x3;
	v7 =	vld.idx.msk [tilespmem:v10+s25+$0x0], $0xffff  }
0xf5: {  	v18 =	vshll.u32 v13, v1;
	v14 =	vmov s15;
	v12 =	vmov s17;
	s17 =	simm.s32 $0xD;
	v8 =	vld.idx.msk [tilespmem:v8+s25+$0x0], $0xffff  }
0xf6: {  	v18 =	vadd.s32 $0x2, v18;
	v23 =	vshll.u32 v16, v1;
	v10 =	vmov s17;
	v6 =	vld.idx.msk [tilespmem:v6+s25+$0x0], $0xffff  }
0xf7: {  	v14 =	vshrl.u32 v14, $0x3;
	v16 =	vbroadcast v18, $0x0;
	s13 =	simm.s32 $0x9A0;
	v17 =	vshrl.u32 v10, $0x3;
	v10 =	vld.idx.msk [tilespmem:v11+s25+$0x0], $0xffff  }
0xf8: {  	v18 =	vadd.s32 $0x6, v23;
	v12 =	vshrl.u32 v12, $0x3;
	v19 =	vshll.u32 v14, v1;
	s16 =	simm.s32 $0xC;
	v11 =	vld [tilespmem:s13+$0x30]  }
0xf9: {  	v12 =	vshll.u32 v12, v1;
	v15 =	vmov s16;
	v13 =	vld [tilespmem:s13+$0xFFFFFFC0];
	v9 =	vshll.u32 v9, v1  }
0xfa: {  	v12 =	vadd.s32 $0x1, v12;
	v15 =	vshrl.u32 v15, $0x3;
	v14 =	vld [tilespmem:s13+$0xFFFFFFD0];
	v9 =	vbroadcast v9, $0x0  }
0xfb: {  	v15 =	vshll.u32 v15, v1;
	v22 =	vshll.u32 v17, v1;
	v17 =	vbroadcast v12, $0x0;
	v12 =	vld [tilespmem:s13+$0xFFFFFFE0]  }
0xfc: {  	s14 =	simm.s32 $0x10;
	s15 =	simm.s32 $0xF;
	v21 =	vadd.s32 $0x3, v19;
	v20 =	vadd.s32 $0x4, v15;
	v15 =	vld [tilespmem:s13+$0xFFFFFFF0];
	v19 =	vadd.s32 $0x5, v22  }
.LBB2_10:
0xfd: {  	p0 =	slt.u32 s14, $0x318;
	v21 =	vbroadcast v21, $0x0;
	v22 =	vmov s15;
	v23 =	vld [tilespmem:s13+$0x0];
	v10 =	vmul.f32 v11, v10  }
0xfe: {  	v11 =	vbroadcast v20, $0x0;
	v20 =	vshrl.u32 v22, $0x3;
	v13 =	vmul.f32 v13, v2;
	v22 =	vld [tilespmem:s13+$0x10]  }
0xff: {  	v19 =	vbroadcast v19, $0x0;
	v20 =	vshll.u32 v20, v1;
	v14 =	vmul.f32 v14, v4;
	v24 =	vld [tilespmem:s13+$0x20];
	[tilespmem:s13+$0x30] =	vst v10  }
0x100: {  	v2 =	vld.idx.msk [tilespmem:v9+s25+$0x0], $0xffff;
	v9 =	vbroadcast v18, $0x0;
	v10 =	vadd.s32 $0x7, v20;
	[tilespmem:s13+$0xFFFFFFC0] =	vst v13;
	v12 =	vmul.f32 v12, v3  }
0x101: {  	v3 =	vmov s14;
	v4 =	vld.idx.msk [tilespmem:v17+s25+$0x0], $0xffff;
	v10 =	vbroadcast v10, $0x0;
	[tilespmem:s13+$0xFFFFFFD0] =	vst v14;
	v13 =	vmul.f32 v15, v5  }
0x102: {  	s15 =	sadd.s32 $0x1, s14;
	s16 =	sadd.s32 $0x2, s14;
	v14 =	vshrl.u32 v3, $0x3;
	v3 =	vld.idx.msk [tilespmem:v16+s25+$0x0], $0xffff;
	[tilespmem:s13+$0xFFFFFFE0] =	vst v12;
	v12 =	vmul.f32 v23, v7  }
0x103: {  	v15 =	vmov s15;
	s15 =	sadd.s32 $0x3, s14;
	v16 =	vmov s16;
	s16 =	sadd.s32 $0x4, s14;
	v5 =	vld.idx.msk [tilespmem:v21+s25+$0x0], $0xffff;
	[tilespmem:s13+$0xFFFFFFF0] =	vst v13;
	v13 =	vmul.f32 v22, v8  }
0x104: {  	v17 =	vmov s15;
	s15 =	sadd.s32 $0x5, s14;
	v18 =	vmov s16;
	s16 =	sadd.s32 $0x6, s14;
	v7 =	vld.idx.msk [tilespmem:v11+s25+$0x0], $0xffff;
	[tilespmem:s13+$0x0] =	vst v12;
	v11 =	vmul.f32 v24, v6  }
0x105: {  	v12 =	vshll.u32 v14, v1;
	v14 =	vmov s15;
	v20 =	vmov s16;
	v8 =	vld.idx.msk [tilespmem:v19+s25+$0x0], $0xffff;
	[tilespmem:s13+$0x10] =	vst v13  }
0x106: {  	v13 =	vshrl.u32 v15, $0x3;
	v15 =	vshrl.u32 v16, $0x3;
	v16 =	vshrl.u32 v17, $0x3;
	v6 =	vld.idx.msk [tilespmem:v9+s25+$0x0], $0xffff;
	[tilespmem:s13+$0x20] =	vst v11  }
0x107: {  	v17 =	vshrl.u32 v18, $0x3;
	v14 =	vshrl.u32 v14, $0x3;
	v18 =	vshrl.u32 v20, $0x3;
	s13 =	sadd.s32 $0x80, s13;
	v10 =	vld.idx.msk [tilespmem:v10+s25+$0x0], $0xffff  }
.Ltmp4:
0x108: {  	v9 =	vbroadcast v12, $0x0;
	v12 =	vshll.u32 v13, v1;
	v15 =	vshll.u32 v15, v1;
	v11 =	vld [tilespmem:s13+$0x30];
	(pc) =	sbr.rel @p0 .LBB2_10-.Ltmp4, $4  }
0x109: {  	v16 =	vshll.u32 v16, v1;
	v19 =	vshll.u32 v17, v1;
	v22 =	vshll.u32 v14, v1;
	v13 =	vld [tilespmem:s13+$0xFFFFFFC0]  }
0x10a: {  	v18 =	vshll.u32 v18, v1;
	v12 =	vadd.s32 $0x1, v12;
	v15 =	vadd.s32 $0x2, v15;
	v14 =	vld [tilespmem:s13+$0xFFFFFFD0]  }
0x10b: {  	v21 =	vadd.s32 $0x3, v16;
	v20 =	vadd.s32 $0x4, v19;
	v17 =	vbroadcast v12, $0x0;
	v12 =	vld [tilespmem:s13+$0xFFFFFFE0]  }
0x10c: {  	s15 =	sadd.s32 $0x7, s14;
	s14 =	sadd.s32 $0x8, s14;
	v19 =	vadd.s32 $0x5, v22;
	v18 =	vadd.s32 $0x6, v18;
	v16 =	vbroadcast v15, $0x0;
	v15 =	vld [tilespmem:s13+$0xFFFFFFF0]  }
0x10d: {  	_ = 	snop  }
0x10e: {  	v23 =	vld [tilespmem:s13+$0x0]  }
0x10f: {  	v24 =	vld [tilespmem:s13+$0x10]  }
0x110: {  	v25 =	vld [tilespmem:s13+$0x20]  }
0x111: {  	v9 =	vld.idx.msk [tilespmem:v9+s25+$0x0], $0xffff  }
0x112: {  	v22 =	vmov s15;
	v17 =	vld.idx.msk [tilespmem:v17+s25+$0x0], $0xffff  }
0x113: {  	s14 =	sadd.s32 $0x80, s13;
	v22 =	vshrl.u32 v22, $0x3;
	v16 =	vld.idx.msk [tilespmem:v16+s25+$0x0], $0xffff  }
0x114: {  	v56 =	vld [tilespmem:s14+$0xFFFFFFC0];
	v22 =	vshll.u32 v22, v1  }
0x115: {  	v57 =	vld [tilespmem:s14+$0xFFFFFFD0];
	v22 =	vadd.s32 $0x7, v22  }
0x116: {  	v2 =	vmul.f32 v13, v2;
	v59 =	vld [tilespmem:s14+$0xFFFFFFE0];
	v22 =	vbroadcast v22, $0x0  }
0x117: {  	v20 =	vbroadcast v20, $0x0;
	v10 =	vmul.f32 v11, v10;
	v60 =	vld [tilespmem:s14+$0xFFFFFFF0]  }
0x118: {  	v21 =	vbroadcast v21, $0x0;
	v61 =	vld [tilespmem:s14+$0x0];
	[tilespmem:s13+$0xFFFFFFC0] =	vst v2;
	v2 =	vmul.f32 v12, v3  }
0x119: {  	v18 =	vbroadcast v18, $0x0;
	v62 =	vld [tilespmem:s14+$0x10];
	v4 =	vmul.f32 v14, v4;
	[tilespmem:s13+$0x30] =	vst v10  }
0x11a: {  	v19 =	vbroadcast v19, $0x0;
	v63 =	vld [tilespmem:s14+$0x20];
	[tilespmem:s13+$0xFFFFFFE0] =	vst v2;
	v2 =	vmul.f32 v23, v7  }
0x11b: {  	v3 =	vld [tilespmem:s14+$0x30];
	[tilespmem:s13+$0xFFFFFFD0] =	vst v4;
	v55 =	vmul.f32 v15, v5  }
0x11c: {  	[tilespmem:s13+$0x0] =	vst v2;
	v2 =	vmul.f32 v25, v6;
	v54 =	vld.idx.msk [tilespmem:v22+s25+$0x0], $0xffff  }
0x11d: {  	v58 =	vmul.f32 v24, v8;
	v20 =	vld.idx.msk [tilespmem:v20+s25+$0x0], $0xffff;
	[tilespmem:s13+$0xFFFFFFF0] =	vst v55  }
0x11e: {  	v21 =	vld.idx.msk [tilespmem:v21+s25+$0x0], $0xffff;
	[tilespmem:s13+$0x20] =	vst v2;
	v2 =	vmul.f32 v56, v9  }
0x11f: {  	v53 =	vld.idx.msk [tilespmem:v18+s25+$0x0], $0xffff;
	v7 =	vmul.f32 v57, v17;
	[tilespmem:s13+$0x10] =	vst v58  }
0x120: {  	v52 =	vld.idx.msk [tilespmem:v19+s25+$0x0], $0xffff;
	[tilespmem:s14+$0xFFFFFFC0] =	vst v2;
	v2 =	vmul.f32 v59, v16  }
0x121: {  	[tilespmem:s14+$0xFFFFFFD0] =	vst v7;
	v3 =	vmul.f32 v3, v54  }
0x122: {  	[tilespmem:s14+$0xFFFFFFE0] =	vst v2;
	v2 =	vmul.f32 v61, v20  }
0x123: {  	[tilespmem:s14+$0x30] =	vst v3;
	v3 =	vmul.f32 v60, v21  }
0x124: {  	[tilespmem:s14+$0x0] =	vst v2;
	v2 =	vmul.f32 v63, v53  }
0x125: {  	[tilespmem:s14+$0xFFFFFFF0] =	vst v3;
	v3 =	vmul.f32 v62, v52  }
0x126: {  	[tilespmem:s14+$0x20] =	vst v2  }
0x127: {  	[tilespmem:s14+$0x10] =	vst v3  }
0x128: {  	[spmem:s3] =	stream.indirect.scatter.add.f32 [tilespmem:s22], [sflag:$0x7], $0x10, s24, s24, $0xb8;
	[tilespmem:$0x1FDC0] =	vst v63  }
0x129: {  	s17 =	stileid.u32;
	_ =	swait.ge [sflag:s23], $0x3200  }
0x12a: {  	s18 =	sshrl.u32 s8, $0x3;
	s4 =	sadd.s32 $0x1, s4;
	[sflag:s23] =	ssyncset.done $0x0  }
0x12b: {  	p0 =	sne.s32 s4, s21;
	s13 =	sshll.u32 s17, $0x6;
	[sflag:s23] =	ssyncadd.s32 $0xFFFFCE00  }
.Ltmp5:
0x12c: {  	s13 =	sor.u32 $0x1C07, s13;
	[bflag:$0x0] =	sbarrier.arrive $0xFFFF;
	(pc) =	sbr.rel @p0 .LBB2_1-.Ltmp5, $4  }
0x12d: {  	[hbm:s20], [sflag:s13] =	dma.local [spmem:s18], $0x30E0  }
0x12e: {  	_ =	swait.ge [sflag:s23], $0x30E0  }
0x12f: {  	[sflag:s23] =	ssyncset.done $0x0  }
0x130: {  	[sflag:s23] =	ssyncadd.s32 $0xFFFFCF20  }
0x131: {  	_ =	sfence.sel $0x180000  }
0x132: {  	[bflag:$0x0] =	sbarrier.arrive $0xFFFF  }
0x133: {  	_ =	strace $0x90000053  }
0x134: {  	s0 =	stileid.u32;
	[bflag:$0x2] =	sbarrier.arrive $0xFFFF  }
0x135: {  	p0 =	sne.s32 s0, $0x0;
	s0 =	rddreg [dreg:$0x3]  }
0x136: {  	s0 =	sadd.s32 @!p0 $0x100000, s0  }
0x137: {  	[sflag:s0] =	ssyncadd.tile.s32 @!p0 $0x1;
	_ =	shalt  }
.Lfunc_end2:
_tile_overlayer_lowered:
.L_overlay_start_2:
0x138: {  	(tag) =	ssettag $0x2  }
0x139: {  	s0 =	rddreg [dreg:$0x0];
	s2 =	stileid.u32  }
0x13a: {  	s1 =	rddreg [dreg:$0x1];
	p0 =	sne.s32 s2, $0x0  }
0x13b: {  	s3 =	rddreg [dreg:$0x2];
	[bflag:$0x3] =	sbarrier.arrive $0xFFFF;
	s2 =	simm.s32 @!p0 $0x1C07  }
0x13c: {  	[timem:s3], [sflag:s2] =	dma.local @!p0 [hbm:s0], s1  }
0x13d: {  	s0 =	simm.s32 @!p0 $0x7  }
0x13e: {  	_ =	swait.ge @!p0 [sflag:s0], s1  }
0x13f: {  	s1 =	ssub.s32 @!p0 $0x0, s1;
	[sflag:s0] =	ssyncset.done @!p0 $0x0  }
0x140: {  	[sflag:s0] =	ssyncadd.s32 @!p0 s1  }
0x141: {  	[bflag:$0x3] =	sbarrier.arrive $0xFFFF  }
0x142: {  	_ =	shalt  }

</sc_bundles>
